<compile_context>
chip_gen: v7x
topology: tpu7x:2x2x1
jax: 0.10.2.dev20260603
libtpu: 0.0.44.dev20260713+nightly
codegen_flags: <defaults>
</compile_context>

<pallas_src>
import functools

import jax
import jax.numpy as jnp
from jax import lax
from jax.experimental import pallas as pl
from jax.experimental.pallas import tpu as pltpu
from jax.experimental.pallas import tpu_sc as plsc

_NUM_WORKERS = 32
_CHUNK_ROWS = 4
_LANES = 16
_UNROLL = 4
_DEPTH = 4


def kernel(x, emb_weight):
    batch, seq_len, d = x.shape
    total_rows = batch * seq_len
    seq_per_w = seq_len // _NUM_WORKERS
    C = _CHUNK_ROWS
    n_chunks = seq_per_w // C
    chunk = C * d
    groups = chunk // (_LANES * _UNROLL)

    x2 = x.reshape(total_rows, d)
    dummy = jnp.zeros((chunk,), jnp.float32)

    mesh = plsc.VectorSubcoreMesh(core_axis_name="c", subcore_axis_name="s")

    vmem_types = [pltpu.VMEM((chunk,), jnp.float32)
                  for _ in range(_DEPTH * (batch + 1))]
    sem_types = [pltpu.SemaphoreType.DMA for _ in range(3 * _DEPTH)]

    @functools.partial(
        pl.kernel,
        mesh=mesh,
        out_type=jax.ShapeDtypeStruct((total_rows, d), jnp.float32),
        scratch_types=vmem_types + sem_types,
    )
    def sc_add(x_hbm, emb_hbm, dummy_hbm, out_hbm, *scr):
        bufs = scr[:_DEPTH * (batch + 1)]
        sems = scr[_DEPTH * (batch + 1):]
        xg = tuple(tuple(bufs[p * batch + j] for j in range(batch))
                   for p in range(_DEPTH))
        eb = tuple(bufs[_DEPTH * batch + p] for p in range(_DEPTH))
        sx = sems[:_DEPTH]
        so = sems[_DEPTH:2 * _DEPTH]
        se = sems[2 * _DEPTH:]

        cid = lax.axis_index("c")
        sid = lax.axis_index("s")
        wid = sid * 2 + cid
        seq_base = wid * seq_per_w

        def issue_in(k, p):
            erow = seq_base + k * C

            def cp_body(r, _):
                dst = pl.ds(r * d, d)
                pltpu.async_copy(emb_hbm.at[erow + r], eb[p].at[dst], se[p])
                for j in range(batch):
                    pltpu.async_copy(x_hbm.at[j * seq_len + erow + r],
                                     xg[p][j].at[dst], sx[p])
                return 0

            lax.fori_loop(0, C, cp_body, 0)

        def wait_in(p):
            pltpu.make_async_copy(dummy_hbm, eb[p], se[p]).wait()
            for j in range(batch):
                pltpu.make_async_copy(dummy_hbm, xg[p][j], sx[p]).wait()

        def wait_out(p):
            for j in range(batch):
                pltpu.make_async_copy(xg[p][j], dummy_hbm, so[p]).wait()

        def compute(p):
            def add_body(i, _):
                base = i * (_LANES * _UNROLL)
                for u in range(_UNROLL):
                    sl = pl.ds(base + u * _LANES, _LANES)
                    ve = eb[p][sl]
                    for j in range(batch):
                        plsc.addupdate(xg[p][j].at[sl], ve)
                return 0

            lax.fori_loop(0, groups, add_body, 0)

        def issue_out(k, p):
            erow = seq_base + k * C

            def cp_body(r, _):
                src = pl.ds(r * d, d)
                for j in range(batch):
                    pltpu.async_copy(xg[p][j].at[src],
                                     out_hbm.at[j * seq_len + erow + r], so[p])
                return 0

            lax.fori_loop(0, C, cp_body, 0)

        def step(k, p, first, last):
            wait_in(p)
            if not last:
                p_next = (p + 2) % _DEPTH
                if not first:
                    wait_out(p_next)
                issue_in(k + 2, p_next)
            compute(p)
            issue_out(k, p)

        issue_in(0, 0)
        issue_in(1, 1)
        step(0, 0, True, False)
        step(1, 1, True, False)

        def ring_body(i, _):
            k0 = 2 + _DEPTH * i
            for jj in range(_DEPTH):
                step(k0 + jj, (2 + jj) % _DEPTH, False, False)
            return 0

        lax.fori_loop(0, (n_chunks - 4) // _DEPTH, ring_body, 0)

        step(n_chunks - 2, (n_chunks - 2) % _DEPTH, False, True)
        step(n_chunks - 1, (n_chunks - 1) % _DEPTH, False, True)
        for t in range(_DEPTH):
            wait_out((n_chunks - _DEPTH + t) % _DEPTH)

    out2 = sc_add(x2, emb_weight, dummy)
    return out2.reshape(batch, seq_len, d)

# --- scband reference (transcript-rebuilt; emitter-appended) ---
"""Pipeline reference for scband-absolute-positional-embedding-9792525435039 (READ-ONLY COPY).

The authoritative reference and input builder live on the scoring server;
editing this copy changes nothing except your own understanding.
"""

import jax, jax.numpy as jnp
import numpy as np

D_MODEL = 1024
MAX_SEQ_LEN = 8192
BATCH = 4
SEQ_LEN = 4096

def setup_inputs(seed: int = 0) -> dict:
    key = jax.random.key(seed)
    k1, k2 = jax.random.split(key)
    x = jax.random.normal(k1, (BATCH, SEQ_LEN, D_MODEL), dtype=jnp.float32)
    emb_weight = jax.random.normal(k2, (MAX_SEQ_LEN, D_MODEL), dtype=jnp.float32) * 0.02
    return {"x": x, "emb_weight": emb_weight}

def reference(x, emb_weight):
    batch_size, seq_len, _ = x.shape
    positions = jnp.arange(seq_len)
    positions = jnp.broadcast_to(positions[None, :], (batch_size, seq_len))
    pos_emb = jnp.take(emb_weight, positions, axis=0)
    return x + pos_emb

if __name__ == "__main__":
    import jax
    _d = setup_inputs()
    print(jax.jit(kernel)(*tuple(_d.values())))

</pallas_src>

<mosaic_0001>
#map = affine_map<(d0, d1) -> (0, 0)>
#map1 = affine_map<(d0, d1) -> (0)>
module attributes {stable_mosaic.version = 14 : i64} {
  func.func @sc_add(%arg0: i32, %arg1: i32, %arg2: memref<16384x1024xf32, #tpu.memory_space<hbm>>, %arg3: memref<8192x1024xf32, #tpu.memory_space<hbm>>, %arg4: memref<4096xf32, #tpu.memory_space<hbm>>, %arg5: memref<16384x1024xf32, #tpu.memory_space<hbm>>, %arg6: memref<4096xf32, #tpu.memory_space<vmem>>, %arg7: memref<4096xf32, #tpu.memory_space<vmem>>, %arg8: memref<4096xf32, #tpu.memory_space<vmem>>, %arg9: memref<4096xf32, #tpu.memory_space<vmem>>, %arg10: memref<4096xf32, #tpu.memory_space<vmem>>, %arg11: memref<4096xf32, #tpu.memory_space<vmem>>, %arg12: memref<4096xf32, #tpu.memory_space<vmem>>, %arg13: memref<4096xf32, #tpu.memory_space<vmem>>, %arg14: memref<4096xf32, #tpu.memory_space<vmem>>, %arg15: memref<4096xf32, #tpu.memory_space<vmem>>, %arg16: memref<4096xf32, #tpu.memory_space<vmem>>, %arg17: memref<4096xf32, #tpu.memory_space<vmem>>, %arg18: memref<4096xf32, #tpu.memory_space<vmem>>, %arg19: memref<4096xf32, #tpu.memory_space<vmem>>, %arg20: memref<4096xf32, #tpu.memory_space<vmem>>, %arg21: memref<4096xf32, #tpu.memory_space<vmem>>, %arg22: memref<4096xf32, #tpu.memory_space<vmem>>, %arg23: memref<4096xf32, #tpu.memory_space<vmem>>, %arg24: memref<4096xf32, #tpu.memory_space<vmem>>, %arg25: memref<4096xf32, #tpu.memory_space<vmem>>, %arg26: memref<!tpu.dma_semaphore, #tpu.memory_space<semaphore_mem>>, %arg27: memref<!tpu.dma_semaphore, #tpu.memory_space<semaphore_mem>>, %arg28: memref<!tpu.dma_semaphore, #tpu.memory_space<semaphore_mem>>, %arg29: memref<!tpu.dma_semaphore, #tpu.memory_space<semaphore_mem>>, %arg30: memref<!tpu.dma_semaphore, #tpu.memory_space<semaphore_mem>>, %arg31: memref<!tpu.dma_semaphore, #tpu.memory_space<semaphore_mem>>, %arg32: memref<!tpu.dma_semaphore, #tpu.memory_space<semaphore_mem>>, %arg33: memref<!tpu.dma_semaphore, #tpu.memory_space<semaphore_mem>>, %arg34: memref<!tpu.dma_semaphore, #tpu.memory_space<semaphore_mem>>, %arg35: memref<!tpu.dma_semaphore, #tpu.memory_space<semaphore_mem>>, %arg36: memref<!tpu.dma_semaphore, #tpu.memory_space<semaphore_mem>>, %arg37: memref<!tpu.dma_semaphore, #tpu.memory_space<semaphore_mem>>) attributes {dimension_semantics = [#tpu.dimension_semantics<core_parallel>, #tpu.dimension_semantics<subcore_parallel>], iteration_bounds = array<i64: 2, 16>, scalar_prefetch = 0 : i64, scratch_operands = 32 : i64, tpu.core_type = #tpu.core_type<sc_vector_subcore>, window_params = [{transform_indices = #map}, {transform_indices = #map}, {transform_indices = #map1}, {transform_indices = #map}]} {
    %mul3A = arith.constant 2 : i32
    %mul3A_0 = arith.muli %arg1, %mul3A : i32
    %add3A = arith.addi %mul3A_0, %arg0 : i32
    %mul3A_1 = arith.constant 128 : i32
    %mul3A_2 = arith.muli %add3A, %mul3A_1 : i32
    %add3A_3 = arith.constant 0 : i32
    %add3A_4 = arith.addi %mul3A_2, %add3A_3 : i32
    %scan3A = arith.constant 0 : i32
    %scan3A_5 = arith.constant 0 : i32
    %scan3A_6 = arith.constant 4 : i32
    %scan3A_7 = arith.addi %scan3A_5, %scan3A_6 : i32
    %scan3A_8 = arith.constant 1 : i32
    %scan3A_9 = scf.for %scan3A_109 = %scan3A_5 to %scan3A_7 step %scan3A_8 iter_args(%scan3A_110 = %scan3A) -> (i32)  : i32 {
      %mul3A_111 = arith.constant 1024 : i32
      %mul3A_112 = arith.muli %scan3A_109, %mul3A_111 : i32
      %add3A_113 = arith.addi %add3A_4, %scan3A_109 : i32
      %dma_start3A = tpu.memref_slice %arg22[%mul3A_112] : memref<4096xf32, #tpu.memory_space<vmem>> -> memref<1024xf32, #tpu.memory_space<vmem>>
      %dma_start3A_114 = arith.constant 0 : i32
      %dma_start3A_115 = tpu.memref_slice %arg3[%add3A_113, %dma_start3A_114] : memref<8192x1024xf32, #tpu.memory_space<hbm>> -> memref<1x1024xf32, #tpu.memory_space<hbm>>
      %dma_start3A_116 = tpu.memref_squeeze %dma_start3A_115 : memref<1x1024xf32, #tpu.memory_space<hbm>> -> memref<1024xf32, #tpu.memory_space<hbm>>
      %dma_start3A_117 = tpu.memref_slice %arg22[%mul3A_112] : memref<4096xf32, #tpu.memory_space<vmem>> -> memref<1024xf32, #tpu.memory_space<vmem>>
      %dma_start3A_118 = arith.constant 0 : i32
      %dma_start3A_119 = tpu.memref_slice %arg3[%add3A_113, %dma_start3A_118] : memref<8192x1024xf32, #tpu.memory_space<hbm>> -> memref<1x1024xf32, #tpu.memory_space<hbm>>
      %dma_start3A_120 = tpu.memref_squeeze %dma_start3A_119 : memref<1x1024xf32, #tpu.memory_space<hbm>> -> memref<1024xf32, #tpu.memory_space<hbm>>
      tpu.enqueue_dma source(%dma_start3A_120 : memref<1024xf32, #tpu.memory_space<hbm>>) target(%dma_start3A_117 : memref<1024xf32, #tpu.memory_space<vmem>>) target_semaphore(%arg34 : memref<!tpu.dma_semaphore, #tpu.memory_space<semaphore_mem>>)
      %add3A_121 = arith.constant 0 : i32
      %add3A_122 = arith.addi %add3A_121, %add3A_4 : i32
      %add3A_123 = arith.addi %add3A_122, %scan3A_109 : i32
      %dma_start3A_124 = tpu.memref_slice %arg6[%mul3A_112] : memref<4096xf32, #tpu.memory_space<vmem>> -> memref<1024xf32, #tpu.memory_space<vmem>>
      %dma_start3A_125 = arith.constant 0 : i32
      %dma_start3A_126 = tpu.memref_slice %arg2[%add3A_123, %dma_start3A_125] : memref<16384x1024xf32, #tpu.memory_space<hbm>> -> memref<1x1024xf32, #tpu.memory_space<hbm>>
      %dma_start3A_127 = tpu.memref_squeeze %dma_start3A_126 : memref<1x1024xf32, #tpu.memory_space<hbm>> -> memref<1024xf32, #tpu.memory_space<hbm>>
      %dma_start3A_128 = tpu.memref_slice %arg6[%mul3A_112] : memref<4096xf32, #tpu.memory_space<vmem>> -> memref<1024xf32, #tpu.memory_space<vmem>>
      %dma_start3A_129 = arith.constant 0 : i32
      %dma_start3A_130 = tpu.memref_slice %arg2[%add3A_123, %dma_start3A_129] : memref<16384x1024xf32, #tpu.memory_space<hbm>> -> memref<1x1024xf32, #tpu.memory_space<hbm>>
      %dma_start3A_131 = tpu.memref_squeeze %dma_start3A_130 : memref<1x1024xf32, #tpu.memory_space<hbm>> -> memref<1024xf32, #tpu.memory_space<hbm>>
      tpu.enqueue_dma source(%dma_start3A_131 : memref<1024xf32, #tpu.memory_space<hbm>>) target(%dma_start3A_128 : memref<1024xf32, #tpu.memory_space<vmem>>) target_semaphore(%arg26 : memref<!tpu.dma_semaphore, #tpu.memory_space<semaphore_mem>>)
      %add3A_132 = arith.constant 4096 : i32
      %add3A_133 = arith.addi %add3A_132, %add3A_4 : i32
      %add3A_134 = arith.addi %add3A_133, %scan3A_109 : i32
      %dma_start3A_135 = tpu.memref_slice %arg7[%mul3A_112] : memref<4096xf32, #tpu.memory_space<vmem>> -> memref<1024xf32, #tpu.memory_space<vmem>>
      %dma_start3A_136 = arith.constant 0 : i32
      %dma_start3A_137 = tpu.memref_slice %arg2[%add3A_134, %dma_start3A_136] : memref<16384x1024xf32, #tpu.memory_space<hbm>> -> memref<1x1024xf32, #tpu.memory_space<hbm>>
      %dma_start3A_138 = tpu.memref_squeeze %dma_start3A_137 : memref<1x1024xf32, #tpu.memory_space<hbm>> -> memref<1024xf32, #tpu.memory_space<hbm>>
      %dma_start3A_139 = tpu.memref_slice %arg7[%mul3A_112] : memref<4096xf32, #tpu.memory_space<vmem>> -> memref<1024xf32, #tpu.memory_space<vmem>>
      %dma_start3A_140 = arith.constant 0 : i32
      %dma_start3A_141 = tpu.memref_slice %arg2[%add3A_134, %dma_start3A_140] : memref<16384x1024xf32, #tpu.memory_space<hbm>> -> memref<1x1024xf32, #tpu.memory_space<hbm>>
      %dma_start3A_142 = tpu.memref_squeeze %dma_start3A_141 : memref<1x1024xf32, #tpu.memory_space<hbm>> -> memref<1024xf32, #tpu.memory_space<hbm>>
      tpu.enqueue_dma source(%dma_start3A_142 : memref<1024xf32, #tpu.memory_space<hbm>>) target(%dma_start3A_139 : memref<1024xf32, #tpu.memory_space<vmem>>) target_semaphore(%arg26 : memref<!tpu.dma_semaphore, #tpu.memory_space<semaphore_mem>>)
      %add3A_143 = arith.constant 8192 : i32
      %add3A_144 = arith.addi %add3A_143, %add3A_4 : i32
      %add3A_145 = arith.addi %add3A_144, %scan3A_109 : i32
      %dma_start3A_146 = tpu.memref_slice %arg8[%mul3A_112] : memref<4096xf32, #tpu.memory_space<vmem>> -> memref<1024xf32, #tpu.memory_space<vmem>>
      %dma_start3A_147 = arith.constant 0 : i32
      %dma_start3A_148 = tpu.memref_slice %arg2[%add3A_145, %dma_start3A_147] : memref<16384x1024xf32, #tpu.memory_space<hbm>> -> memref<1x1024xf32, #tpu.memory_space<hbm>>
      %dma_start3A_149 = tpu.memref_squeeze %dma_start3A_148 : memref<1x1024xf32, #tpu.memory_space<hbm>> -> memref<1024xf32, #tpu.memory_space<hbm>>
      %dma_start3A_150 = tpu.memref_slice %arg8[%mul3A_112] : memref<4096xf32, #tpu.memory_space<vmem>> -> memref<1024xf32, #tpu.memory_space<vmem>>
      %dma_start3A_151 = arith.constant 0 : i32
      %dma_start3A_152 = tpu.memref_slice %arg2[%add3A_145, %dma_start3A_151] : memref<16384x1024xf32, #tpu.memory_space<hbm>> -> memref<1x1024xf32, #tpu.memory_space<hbm>>
      %dma_start3A_153 = tpu.memref_squeeze %dma_start3A_152 : memref<1x1024xf32, #tpu.memory_space<hbm>> -> memref<1024xf32, #tpu.memory_space<hbm>>
      tpu.enqueue_dma source(%dma_start3A_153 : memref<1024xf32, #tpu.memory_space<hbm>>) target(%dma_start3A_150 : memref<1024xf32, #tpu.memory_space<vmem>>) target_semaphore(%arg26 : memref<!tpu.dma_semaphore, #tpu.memory_space<semaphore_mem>>)
      %add3A_154 = arith.constant 12288 : i32
      %add3A_155 = arith.addi %add3A_154, %add3A_4 : i32
      %add3A_156 = arith.addi %add3A_155, %scan3A_109 : i32
      %dma_start3A_157 = tpu.memref_slice %arg9[%mul3A_112] : memref<4096xf32, #tpu.memory_space<vmem>> -> memref<1024xf32, #tpu.memory_space<vmem>>
      %dma_start3A_158 = arith.constant 0 : i32
      %dma_start3A_159 = tpu.memref_slice %arg2[%add3A_156, %dma_start3A_158] : memref<16384x1024xf32, #tpu.memory_space<hbm>> -> memref<1x1024xf32, #tpu.memory_space<hbm>>
      %dma_start3A_160 = tpu.memref_squeeze %dma_start3A_159 : memref<1x1024xf32, #tpu.memory_space<hbm>> -> memref<1024xf32, #tpu.memory_space<hbm>>
      %dma_start3A_161 = tpu.memref_slice %arg9[%mul3A_112] : memref<4096xf32, #tpu.memory_space<vmem>> -> memref<1024xf32, #tpu.memory_space<vmem>>
      %dma_start3A_162 = arith.constant 0 : i32
      %dma_start3A_163 = tpu.memref_slice %arg2[%add3A_156, %dma_start3A_162] : memref<16384x1024xf32, #tpu.memory_space<hbm>> -> memref<1x1024xf32, #tpu.memory_space<hbm>>
      %dma_start3A_164 = tpu.memref_squeeze %dma_start3A_163 : memref<1x1024xf32, #tpu.memory_space<hbm>> -> memref<1024xf32, #tpu.memory_space<hbm>>
      tpu.enqueue_dma source(%dma_start3A_164 : memref<1024xf32, #tpu.memory_space<hbm>>) target(%dma_start3A_161 : memref<1024xf32, #tpu.memory_space<vmem>>) target_semaphore(%arg26 : memref<!tpu.dma_semaphore, #tpu.memory_space<semaphore_mem>>)
      %scan3A_165 = arith.constant 0 : i32
      scf.yield %scan3A_165 : i32
    }
    %scan3A_10 = arith.constant 4 : i32
    %add3A_11 = arith.constant 4 : i32
    %add3A_12 = arith.addi %mul3A_2, %add3A_11 : i32
    %scan3A_13 = arith.constant 0 : i32
    %scan3A_14 = arith.constant 0 : i32
    %scan3A_15 = arith.constant 4 : i32
    %scan3A_16 = arith.addi %scan3A_14, %scan3A_15 : i32
    %scan3A_17 = arith.constant 1 : i32
    %scan3A_18 = scf.for %scan3A_109 = %scan3A_14 to %scan3A_16 step %scan3A_17 iter_args(%scan3A_110 = %scan3A_13) -> (i32)  : i32 {
      %mul3A_111 = arith.constant 1024 : i32
      %mul3A_112 = arith.muli %scan3A_109, %mul3A_111 : i32
      %add3A_113 = arith.addi %add3A_12, %scan3A_109 : i32
      %dma_start3A = tpu.memref_slice %arg23[%mul3A_112] : memref<4096xf32, #tpu.memory_space<vmem>> -> memref<1024xf32, #tpu.memory_space<vmem>>
      %dma_start3A_114 = arith.constant 0 : i32
      %dma_start3A_115 = tpu.memref_slice %arg3[%add3A_113, %dma_start3A_114] : memref<8192x1024xf32, #tpu.memory_space<hbm>> -> memref<1x1024xf32, #tpu.memory_space<hbm>>
      %dma_start3A_116 = tpu.memref_squeeze %dma_start3A_115 : memref<1x1024xf32, #tpu.memory_space<hbm>> -> memref<1024xf32, #tpu.memory_space<hbm>>
      %dma_start3A_117 = tpu.memref_slice %arg23[%mul3A_112] : memref<4096xf32, #tpu.memory_space<vmem>> -> memref<1024xf32, #tpu.memory_space<vmem>>
      %dma_start3A_118 = arith.constant 0 : i32
      %dma_start3A_119 = tpu.memref_slice %arg3[%add3A_113, %dma_start3A_118] : memref<8192x1024xf32, #tpu.memory_space<hbm>> -> memref<1x1024xf32, #tpu.memory_space<hbm>>
      %dma_start3A_120 = tpu.memref_squeeze %dma_start3A_119 : memref<1x1024xf32, #tpu.memory_space<hbm>> -> memref<1024xf32, #tpu.memory_space<hbm>>
      tpu.enqueue_dma source(%dma_start3A_120 : memref<1024xf32, #tpu.memory_space<hbm>>) target(%dma_start3A_117 : memref<1024xf32, #tpu.memory_space<vmem>>) target_semaphore(%arg35 : memref<!tpu.dma_semaphore, #tpu.memory_space<semaphore_mem>>)
      %add3A_121 = arith.constant 0 : i32
      %add3A_122 = arith.addi %add3A_121, %add3A_12 : i32
      %add3A_123 = arith.addi %add3A_122, %scan3A_109 : i32
      %dma_start3A_124 = tpu.memref_slice %arg10[%mul3A_112] : memref<4096xf32, #tpu.memory_space<vmem>> -> memref<1024xf32, #tpu.memory_space<vmem>>
      %dma_start3A_125 = arith.constant 0 : i32
      %dma_start3A_126 = tpu.memref_slice %arg2[%add3A_123, %dma_start3A_125] : memref<16384x1024xf32, #tpu.memory_space<hbm>> -> memref<1x1024xf32, #tpu.memory_space<hbm>>
      %dma_start3A_127 = tpu.memref_squeeze %dma_start3A_126 : memref<1x1024xf32, #tpu.memory_space<hbm>> -> memref<1024xf32, #tpu.memory_space<hbm>>
      %dma_start3A_128 = tpu.memref_slice %arg10[%mul3A_112] : memref<4096xf32, #tpu.memory_space<vmem>> -> memref<1024xf32, #tpu.memory_space<vmem>>
      %dma_start3A_129 = arith.constant 0 : i32
      %dma_start3A_130 = tpu.memref_slice %arg2[%add3A_123, %dma_start3A_129] : memref<16384x1024xf32, #tpu.memory_space<hbm>> -> memref<1x1024xf32, #tpu.memory_space<hbm>>
      %dma_start3A_131 = tpu.memref_squeeze %dma_start3A_130 : memref<1x1024xf32, #tpu.memory_space<hbm>> -> memref<1024xf32, #tpu.memory_space<hbm>>
      tpu.enqueue_dma source(%dma_start3A_131 : memref<1024xf32, #tpu.memory_space<hbm>>) target(%dma_start3A_128 : memref<1024xf32, #tpu.memory_space<vmem>>) target_semaphore(%arg27 : memref<!tpu.dma_semaphore, #tpu.memory_space<semaphore_mem>>)
      %add3A_132 = arith.constant 4096 : i32
      %add3A_133 = arith.addi %add3A_132, %add3A_12 : i32
      %add3A_134 = arith.addi %add3A_133, %scan3A_109 : i32
      %dma_start3A_135 = tpu.memref_slice %arg11[%mul3A_112] : memref<4096xf32, #tpu.memory_space<vmem>> -> memref<1024xf32, #tpu.memory_space<vmem>>
      %dma_start3A_136 = arith.constant 0 : i32
      %dma_start3A_137 = tpu.memref_slice %arg2[%add3A_134, %dma_start3A_136] : memref<16384x1024xf32, #tpu.memory_space<hbm>> -> memref<1x1024xf32, #tpu.memory_space<hbm>>
      %dma_start3A_138 = tpu.memref_squeeze %dma_start3A_137 : memref<1x1024xf32, #tpu.memory_space<hbm>> -> memref<1024xf32, #tpu.memory_space<hbm>>
      %dma_start3A_139 = tpu.memref_slice %arg11[%mul3A_112] : memref<4096xf32, #tpu.memory_space<vmem>> -> memref<1024xf32, #tpu.memory_space<vmem>>
      %dma_start3A_140 = arith.constant 0 : i32
      %dma_start3A_141 = tpu.memref_slice %arg2[%add3A_134, %dma_start3A_140] : memref<16384x1024xf32, #tpu.memory_space<hbm>> -> memref<1x1024xf32, #tpu.memory_space<hbm>>
      %dma_start3A_142 = tpu.memref_squeeze %dma_start3A_141 : memref<1x1024xf32, #tpu.memory_space<hbm>> -> memref<1024xf32, #tpu.memory_space<hbm>>
      tpu.enqueue_dma source(%dma_start3A_142 : memref<1024xf32, #tpu.memory_space<hbm>>) target(%dma_start3A_139 : memref<1024xf32, #tpu.memory_space<vmem>>) target_semaphore(%arg27 : memref<!tpu.dma_semaphore, #tpu.memory_space<semaphore_mem>>)
      %add3A_143 = arith.constant 8192 : i32
      %add3A_144 = arith.addi %add3A_143, %add3A_12 : i32
      %add3A_145 = arith.addi %add3A_144, %scan3A_109 : i32
      %dma_start3A_146 = tpu.memref_slice %arg12[%mul3A_112] : memref<4096xf32, #tpu.memory_space<vmem>> -> memref<1024xf32, #tpu.memory_space<vmem>>
      %dma_start3A_147 = arith.constant 0 : i32
      %dma_start3A_148 = tpu.memref_slice %arg2[%add3A_145, %dma_start3A_147] : memref<16384x1024xf32, #tpu.memory_space<hbm>> -> memref<1x1024xf32, #tpu.memory_space<hbm>>
      %dma_start3A_149 = tpu.memref_squeeze %dma_start3A_148 : memref<1x1024xf32, #tpu.memory_space<hbm>> -> memref<1024xf32, #tpu.memory_space<hbm>>
      %dma_start3A_150 = tpu.memref_slice %arg12[%mul3A_112] : memref<4096xf32, #tpu.memory_space<vmem>> -> memref<1024xf32, #tpu.memory_space<vmem>>
      %dma_start3A_151 = arith.constant 0 : i32
      %dma_start3A_152 = tpu.memref_slice %arg2[%add3A_145, %dma_start3A_151] : memref<16384x1024xf32, #tpu.memory_space<hbm>> -> memref<1x1024xf32, #tpu.memory_space<hbm>>
      %dma_start3A_153 = tpu.memref_squeeze %dma_start3A_152 : memref<1x1024xf32, #tpu.memory_space<hbm>> -> memref<1024xf32, #tpu.memory_space<hbm>>
      tpu.enqueue_dma source(%dma_start3A_153 : memref<1024xf32, #tpu.memory_space<hbm>>) target(%dma_start3A_150 : memref<1024xf32, #tpu.memory_space<vmem>>) target_semaphore(%arg27 : memref<!tpu.dma_semaphore, #tpu.memory_space<semaphore_mem>>)
      %add3A_154 = arith.constant 12288 : i32
      %add3A_155 = arith.addi %add3A_154, %add3A_12 : i32
      %add3A_156 = arith.addi %add3A_155, %scan3A_109 : i32
      %dma_start3A_157 = tpu.memref_slice %arg13[%mul3A_112] : memref<4096xf32, #tpu.memory_space<vmem>> -> memref<1024xf32, #tpu.memory_space<vmem>>
      %dma_start3A_158 = arith.constant 0 : i32
      %dma_start3A_159 = tpu.memref_slice %arg2[%add3A_156, %dma_start3A_158] : memref<16384x1024xf32, #tpu.memory_space<hbm>> -> memref<1x1024xf32, #tpu.memory_space<hbm>>
      %dma_start3A_160 = tpu.memref_squeeze %dma_start3A_159 : memref<1x1024xf32, #tpu.memory_space<hbm>> -> memref<1024xf32, #tpu.memory_space<hbm>>
      %dma_start3A_161 = tpu.memref_slice %arg13[%mul3A_112] : memref<4096xf32, #tpu.memory_space<vmem>> -> memref<1024xf32, #tpu.memory_space<vmem>>
      %dma_start3A_162 = arith.constant 0 : i32
      %dma_start3A_163 = tpu.memref_slice %arg2[%add3A_156, %dma_start3A_162] : memref<16384x1024xf32, #tpu.memory_space<hbm>> -> memref<1x1024xf32, #tpu.memory_space<hbm>>
      %dma_start3A_164 = tpu.memref_squeeze %dma_start3A_163 : memref<1x1024xf32, #tpu.memory_space<hbm>> -> memref<1024xf32, #tpu.memory_space<hbm>>
      tpu.enqueue_dma source(%dma_start3A_164 : memref<1024xf32, #tpu.memory_space<hbm>>) target(%dma_start3A_161 : memref<1024xf32, #tpu.memory_space<vmem>>) target_semaphore(%arg27 : memref<!tpu.dma_semaphore, #tpu.memory_space<semaphore_mem>>)
      %scan3A_165 = arith.constant 0 : i32
      scf.yield %scan3A_165 : i32
    }
    %scan3A_19 = arith.constant 4 : i32
    tpu.wait_dma2 semaphore(%arg34 : memref<!tpu.dma_semaphore, #tpu.memory_space<semaphore_mem>>) src(%arg4 : memref<4096xf32, #tpu.memory_space<hbm>>) dst(%arg22 : memref<4096xf32, #tpu.memory_space<vmem>>)
    tpu.wait_dma2 semaphore(%arg26 : memref<!tpu.dma_semaphore, #tpu.memory_space<semaphore_mem>>) src(%arg4 : memref<4096xf32, #tpu.memory_space<hbm>>) dst(%arg6 : memref<4096xf32, #tpu.memory_space<vmem>>)
    tpu.wait_dma2 semaphore(%arg26 : memref<!tpu.dma_semaphore, #tpu.memory_space<semaphore_mem>>) src(%arg4 : memref<4096xf32, #tpu.memory_space<hbm>>) dst(%arg7 : memref<4096xf32, #tpu.memory_space<vmem>>)
    tpu.wait_dma2 semaphore(%arg26 : memref<!tpu.dma_semaphore, #tpu.memory_space<semaphore_mem>>) src(%arg4 : memref<4096xf32, #tpu.memory_space<hbm>>) dst(%arg8 : memref<4096xf32, #tpu.memory_space<vmem>>)
    tpu.wait_dma2 semaphore(%arg26 : memref<!tpu.dma_semaphore, #tpu.memory_space<semaphore_mem>>) src(%arg4 : memref<4096xf32, #tpu.memory_space<hbm>>) dst(%arg9 : memref<4096xf32, #tpu.memory_space<vmem>>)
    %add3A_20 = arith.constant 8 : i32
    %add3A_21 = arith.addi %mul3A_2, %add3A_20 : i32
    %scan3A_22 = arith.constant 0 : i32
    %scan3A_23 = arith.constant 0 : i32
    %scan3A_24 = arith.constant 4 : i32
    %scan3A_25 = arith.addi %scan3A_23, %scan3A_24 : i32
    %scan3A_26 = arith.constant 1 : i32
    %scan3A_27 = scf.for %scan3A_109 = %scan3A_23 to %scan3A_25 step %scan3A_26 iter_args(%scan3A_110 = %scan3A_22) -> (i32)  : i32 {
      %mul3A_111 = arith.constant 1024 : i32
      %mul3A_112 = arith.muli %scan3A_109, %mul3A_111 : i32
      %add3A_113 = arith.addi %add3A_21, %scan3A_109 : i32
      %dma_start3A = tpu.memref_slice %arg24[%mul3A_112] : memref<4096xf32, #tpu.memory_space<vmem>> -> memref<1024xf32, #tpu.memory_space<vmem>>
      %dma_start3A_114 = arith.constant 0 : i32
      %dma_start3A_115 = tpu.memref_slice %arg3[%add3A_113, %dma_start3A_114] : memref<8192x1024xf32, #tpu.memory_space<hbm>> -> memref<1x1024xf32, #tpu.memory_space<hbm>>
      %dma_start3A_116 = tpu.memref_squeeze %dma_start3A_115 : memref<1x1024xf32, #tpu.memory_space<hbm>> -> memref<1024xf32, #tpu.memory_space<hbm>>
      %dma_start3A_117 = tpu.memref_slice %arg24[%mul3A_112] : memref<4096xf32, #tpu.memory_space<vmem>> -> memref<1024xf32, #tpu.memory_space<vmem>>
      %dma_start3A_118 = arith.constant 0 : i32
      %dma_start3A_119 = tpu.memref_slice %arg3[%add3A_113, %dma_start3A_118] : memref<8192x1024xf32, #tpu.memory_space<hbm>> -> memref<1x1024xf32, #tpu.memory_space<hbm>>
      %dma_start3A_120 = tpu.memref_squeeze %dma_start3A_119 : memref<1x1024xf32, #tpu.memory_space<hbm>> -> memref<1024xf32, #tpu.memory_space<hbm>>
      tpu.enqueue_dma source(%dma_start3A_120 : memref<1024xf32, #tpu.memory_space<hbm>>) target(%dma_start3A_117 : memref<1024xf32, #tpu.memory_space<vmem>>) target_semaphore(%arg36 : memref<!tpu.dma_semaphore, #tpu.memory_space<semaphore_mem>>)
      %add3A_121 = arith.constant 0 : i32
      %add3A_122 = arith.addi %add3A_121, %add3A_21 : i32
      %add3A_123 = arith.addi %add3A_122, %scan3A_109 : i32
      %dma_start3A_124 = tpu.memref_slice %arg14[%mul3A_112] : memref<4096xf32, #tpu.memory_space<vmem>> -> memref<1024xf32, #tpu.memory_space<vmem>>
      %dma_start3A_125 = arith.constant 0 : i32
      %dma_start3A_126 = tpu.memref_slice %arg2[%add3A_123, %dma_start3A_125] : memref<16384x1024xf32, #tpu.memory_space<hbm>> -> memref<1x1024xf32, #tpu.memory_space<hbm>>
      %dma_start3A_127 = tpu.memref_squeeze %dma_start3A_126 : memref<1x1024xf32, #tpu.memory_space<hbm>> -> memref<1024xf32, #tpu.memory_space<hbm>>
      %dma_start3A_128 = tpu.memref_slice %arg14[%mul3A_112] : memref<4096xf32, #tpu.memory_space<vmem>> -> memref<1024xf32, #tpu.memory_space<vmem>>
      %dma_start3A_129 = arith.constant 0 : i32
      %dma_start3A_130 = tpu.memref_slice %arg2[%add3A_123, %dma_start3A_129] : memref<16384x1024xf32, #tpu.memory_space<hbm>> -> memref<1x1024xf32, #tpu.memory_space<hbm>>
      %dma_start3A_131 = tpu.memref_squeeze %dma_start3A_130 : memref<1x1024xf32, #tpu.memory_space<hbm>> -> memref<1024xf32, #tpu.memory_space<hbm>>
      tpu.enqueue_dma source(%dma_start3A_131 : memref<1024xf32, #tpu.memory_space<hbm>>) target(%dma_start3A_128 : memref<1024xf32, #tpu.memory_space<vmem>>) target_semaphore(%arg28 : memref<!tpu.dma_semaphore, #tpu.memory_space<semaphore_mem>>)
      %add3A_132 = arith.constant 4096 : i32
      %add3A_133 = arith.addi %add3A_132, %add3A_21 : i32
      %add3A_134 = arith.addi %add3A_133, %scan3A_109 : i32
      %dma_start3A_135 = tpu.memref_slice %arg15[%mul3A_112] : memref<4096xf32, #tpu.memory_space<vmem>> -> memref<1024xf32, #tpu.memory_space<vmem>>
      %dma_start3A_136 = arith.constant 0 : i32
      %dma_start3A_137 = tpu.memref_slice %arg2[%add3A_134, %dma_start3A_136] : memref<16384x1024xf32, #tpu.memory_space<hbm>> -> memref<1x1024xf32, #tpu.memory_space<hbm>>
      %dma_start3A_138 = tpu.memref_squeeze %dma_start3A_137 : memref<1x1024xf32, #tpu.memory_space<hbm>> -> memref<1024xf32, #tpu.memory_space<hbm>>
      %dma_start3A_139 = tpu.memref_slice %arg15[%mul3A_112] : memref<4096xf32, #tpu.memory_space<vmem>> -> memref<1024xf32, #tpu.memory_space<vmem>>
      %dma_start3A_140 = arith.constant 0 : i32
      %dma_start3A_141 = tpu.memref_slice %arg2[%add3A_134, %dma_start3A_140] : memref<16384x1024xf32, #tpu.memory_space<hbm>> -> memref<1x1024xf32, #tpu.memory_space<hbm>>
      %dma_start3A_142 = tpu.memref_squeeze %dma_start3A_141 : memref<1x1024xf32, #tpu.memory_space<hbm>> -> memref<1024xf32, #tpu.memory_space<hbm>>
      tpu.enqueue_dma source(%dma_start3A_142 : memref<1024xf32, #tpu.memory_space<hbm>>) target(%dma_start3A_139 : memref<1024xf32, #tpu.memory_space<vmem>>) target_semaphore(%arg28 : memref<!tpu.dma_semaphore, #tpu.memory_space<semaphore_mem>>)
      %add3A_143 = arith.constant 8192 : i32
      %add3A_144 = arith.addi %add3A_143, %add3A_21 : i32
      %add3A_145 = arith.addi %add3A_144, %scan3A_109 : i32
      %dma_start3A_146 = tpu.memref_slice %arg16[%mul3A_112] : memref<4096xf32, #tpu.memory_space<vmem>> -> memref<1024xf32, #tpu.memory_space<vmem>>
      %dma_start3A_147 = arith.constant 0 : i32
      %dma_start3A_148 = tpu.memref_slice %arg2[%add3A_145, %dma_start3A_147] : memref<16384x1024xf32, #tpu.memory_space<hbm>> -> memref<1x1024xf32, #tpu.memory_space<hbm>>
      %dma_start3A_149 = tpu.memref_squeeze %dma_start3A_148 : memref<1x1024xf32, #tpu.memory_space<hbm>> -> memref<1024xf32, #tpu.memory_space<hbm>>
      %dma_start3A_150 = tpu.memref_slice %arg16[%mul3A_112] : memref<4096xf32, #tpu.memory_space<vmem>> -> memref<1024xf32, #tpu.memory_space<vmem>>
      %dma_start3A_151 = arith.constant 0 : i32
      %dma_start3A_152 = tpu.memref_slice %arg2[%add3A_145, %dma_start3A_151] : memref<16384x1024xf32, #tpu.memory_space<hbm>> -> memref<1x1024xf32, #tpu.memory_space<hbm>>
      %dma_start3A_153 = tpu.memref_squeeze %dma_start3A_152 : memref<1x1024xf32, #tpu.memory_space<hbm>> -> memref<1024xf32, #tpu.memory_space<hbm>>
      tpu.enqueue_dma source(%dma_start3A_153 : memref<1024xf32, #tpu.memory_space<hbm>>) target(%dma_start3A_150 : memref<1024xf32, #tpu.memory_space<vmem>>) target_semaphore(%arg28 : memref<!tpu.dma_semaphore, #tpu.memory_space<semaphore_mem>>)
      %add3A_154 = arith.constant 12288 : i32
      %add3A_155 = arith.addi %add3A_154, %add3A_21 : i32
      %add3A_156 = arith.addi %add3A_155, %scan3A_109 : i32
      %dma_start3A_157 = tpu.memref_slice %arg17[%mul3A_112] : memref<4096xf32, #tpu.memory_space<vmem>> -> memref<1024xf32, #tpu.memory_space<vmem>>
      %dma_start3A_158 = arith.constant 0 : i32
      %dma_start3A_159 = tpu.memref_slice %arg2[%add3A_156, %dma_start3A_158] : memref<16384x1024xf32, #tpu.memory_space<hbm>> -> memref<1x1024xf32, #tpu.memory_space<hbm>>
      %dma_start3A_160 = tpu.memref_squeeze %dma_start3A_159 : memref<1x1024xf32, #tpu.memory_space<hbm>> -> memref<1024xf32, #tpu.memory_space<hbm>>
      %dma_start3A_161 = tpu.memref_slice %arg17[%mul3A_112] : memref<4096xf32, #tpu.memory_space<vmem>> -> memref<1024xf32, #tpu.memory_space<vmem>>
      %dma_start3A_162 = arith.constant 0 : i32
      %dma_start3A_163 = tpu.memref_slice %arg2[%add3A_156, %dma_start3A_162] : memref<16384x1024xf32, #tpu.memory_space<hbm>> -> memref<1x1024xf32, #tpu.memory_space<hbm>>
      %dma_start3A_164 = tpu.memref_squeeze %dma_start3A_163 : memref<1x1024xf32, #tpu.memory_space<hbm>> -> memref<1024xf32, #tpu.memory_space<hbm>>
      tpu.enqueue_dma source(%dma_start3A_164 : memref<1024xf32, #tpu.memory_space<hbm>>) target(%dma_start3A_161 : memref<1024xf32, #tpu.memory_space<vmem>>) target_semaphore(%arg28 : memref<!tpu.dma_semaphore, #tpu.memory_space<semaphore_mem>>)
      %scan3A_165 = arith.constant 0 : i32
      scf.yield %scan3A_165 : i32
    }
    %scan3A_28 = arith.constant 4 : i32
    %scan3A_29 = arith.constant 0 : i32
    %scan3A_30 = arith.constant 0 : i32
    %scan3A_31 = arith.constant 64 : i32
    %scan3A_32 = arith.addi %scan3A_30, %scan3A_31 : i32
    %scan3A_33 = arith.constant 1 : i32
    %scan3A_34 = scf.for %scan3A_109 = %scan3A_30 to %scan3A_32 step %scan3A_33 iter_args(%scan3A_110 = %scan3A_29) -> (i32)  : i32 {
      %mul3A_111 = arith.constant 64 : i32
      %mul3A_112 = arith.muli %scan3A_109, %mul3A_111 : i32
      %add3A_113 = arith.constant 0 : i32
      %add3A_114 = arith.addi %mul3A_112, %add3A_113 : i32
      %get3A = arith.index_cast %add3A_114 : i32 to index
      %get3A_115 = tpu.vector_load %arg22[%get3A] {strides = array<i32>} : memref<4096xf32, #tpu.memory_space<vmem>>, vector<16xf32>,
      %get3A_116 = vector.shape_cast %get3A_115 : vector<16xf32> to vector<16xf32>
      %swap3A = arith.index_cast %add3A_114 : i32 to index
      %swap3A_117 = tpu.vector_load %arg6[%swap3A] {strides = array<i32>} : memref<4096xf32, #tpu.memory_space<vmem>>, vector<16xf32>,
      %swap3A_118 = vector.shape_cast %swap3A_117 : vector<16xf32> to vector<16xf32>
      %swap3A_119 = vector.shape_cast %get3A_116 : vector<16xf32> to vector<16xf32>
      tpu.vector_store %arg6[%swap3A], %swap3A_119 {add = true, strides = array<i32>} : memref<4096xf32, #tpu.memory_space<vmem>>, vector<16xf32>,
      %swap3A_120 = arith.index_cast %add3A_114 : i32 to index
      %swap3A_121 = tpu.vector_load %arg7[%swap3A_120] {strides = array<i32>} : memref<4096xf32, #tpu.memory_space<vmem>>, vector<16xf32>,
      %swap3A_122 = vector.shape_cast %swap3A_121 : vector<16xf32> to vector<16xf32>
      %swap3A_123 = vector.shape_cast %get3A_116 : vector<16xf32> to vector<16xf32>
      tpu.vector_store %arg7[%swap3A_120], %swap3A_123 {add = true, strides = array<i32>} : memref<4096xf32, #tpu.memory_space<vmem>>, vector<16xf32>,
      %swap3A_124 = arith.index_cast %add3A_114 : i32 to index
      %swap3A_125 = tpu.vector_load %arg8[%swap3A_124] {strides = array<i32>} : memref<4096xf32, #tpu.memory_space<vmem>>, vector<16xf32>,
      %swap3A_126 = vector.shape_cast %swap3A_125 : vector<16xf32> to vector<16xf32>
      %swap3A_127 = vector.shape_cast %get3A_116 : vector<16xf32> to vector<16xf32>
      tpu.vector_store %arg8[%swap3A_124], %swap3A_127 {add = true, strides = array<i32>} : memref<4096xf32, #tpu.memory_space<vmem>>, vector<16xf32>,
      %swap3A_128 = arith.index_cast %add3A_114 : i32 to index
      %swap3A_129 = tpu.vector_load %arg9[%swap3A_128] {strides = array<i32>} : memref<4096xf32, #tpu.memory_space<vmem>>, vector<16xf32>,
      %swap3A_130 = vector.shape_cast %swap3A_129 : vector<16xf32> to vector<16xf32>
      %swap3A_131 = vector.shape_cast %get3A_116 : vector<16xf32> to vector<16xf32>
      tpu.vector_store %arg9[%swap3A_128], %swap3A_131 {add = true, strides = array<i32>} : memref<4096xf32, #tpu.memory_space<vmem>>, vector<16xf32>,
      %add3A_132 = arith.constant 16 : i32
      %add3A_133 = arith.addi %mul3A_112, %add3A_132 : i32
      %get3A_134 = arith.index_cast %add3A_133 : i32 to index
      %get3A_135 = tpu.vector_load %arg22[%get3A_134] {strides = array<i32>} : memref<4096xf32, #tpu.memory_space<vmem>>, vector<16xf32>,
      %get3A_136 = vector.shape_cast %get3A_135 : vector<16xf32> to vector<16xf32>
      %swap3A_137 = arith.index_cast %add3A_133 : i32 to index
      %swap3A_138 = tpu.vector_load %arg6[%swap3A_137] {strides = array<i32>} : memref<4096xf32, #tpu.memory_space<vmem>>, vector<16xf32>,
      %swap3A_139 = vector.shape_cast %swap3A_138 : vector<16xf32> to vector<16xf32>
      %swap3A_140 = vector.shape_cast %get3A_136 : vector<16xf32> to vector<16xf32>
      tpu.vector_store %arg6[%swap3A_137], %swap3A_140 {add = true, strides = array<i32>} : memref<4096xf32, #tpu.memory_space<vmem>>, vector<16xf32>,
      %swap3A_141 = arith.index_cast %add3A_133 : i32 to index
      %swap3A_142 = tpu.vector_load %arg7[%swap3A_141] {strides = array<i32>} : memref<4096xf32, #tpu.memory_space<vmem>>, vector<16xf32>,
      %swap3A_143 = vector.shape_cast %swap3A_142 : vector<16xf32> to vector<16xf32>
      %swap3A_144 = vector.shape_cast %get3A_136 : vector<16xf32> to vector<16xf32>
      tpu.vector_store %arg7[%swap3A_141], %swap3A_144 {add = true, strides = array<i32>} : memref<4096xf32, #tpu.memory_space<vmem>>, vector<16xf32>,
      %swap3A_145 = arith.index_cast %add3A_133 : i32 to index
      %swap3A_146 = tpu.vector_load %arg8[%swap3A_145] {strides = array<i32>} : memref<4096xf32, #tpu.memory_space<vmem>>, vector<16xf32>,
      %swap3A_147 = vector.shape_cast %swap3A_146 : vector<16xf32> to vector<16xf32>
      %swap3A_148 = vector.shape_cast %get3A_136 : vector<16xf32> to vector<16xf32>
      tpu.vector_store %arg8[%swap3A_145], %swap3A_148 {add = true, strides = array<i32>} : memref<4096xf32, #tpu.memory_space<vmem>>, vector<16xf32>,
      %swap3A_149 = arith.index_cast %add3A_133 : i32 to index
      %swap3A_150 = tpu.vector_load %arg9[%swap3A_149] {strides = array<i32>} : memref<4096xf32, #tpu.memory_space<vmem>>, vector<16xf32>,
      %swap3A_151 = vector.shape_cast %swap3A_150 : vector<16xf32> to vector<16xf32>
      %swap3A_152 = vector.shape_cast %get3A_136 : vector<16xf32> to vector<16xf32>
      tpu.vector_store %arg9[%swap3A_149], %swap3A_152 {add = true, strides = array<i32>} : memref<4096xf32, #tpu.memory_space<vmem>>, vector<16xf32>,
      %add3A_153 = arith.constant 32 : i32
      %add3A_154 = arith.addi %mul3A_112, %add3A_153 : i32
      %get3A_155 = arith.index_cast %add3A_154 : i32 to index
      %get3A_156 = tpu.vector_load %arg22[%get3A_155] {strides = array<i32>} : memref<4096xf32, #tpu.memory_space<vmem>>, vector<16xf32>,
      %get3A_157 = vector.shape_cast %get3A_156 : vector<16xf32> to vector<16xf32>
      %swap3A_158 = arith.index_cast %add3A_154 : i32 to index
      %swap3A_159 = tpu.vector_load %arg6[%swap3A_158] {strides = array<i32>} : memref<4096xf32, #tpu.memory_space<vmem>>, vector<16xf32>,
      %swap3A_160 = vector.shape_cast %swap3A_159 : vector<16xf32> to vector<16xf32>
      %swap3A_161 = vector.shape_cast %get3A_157 : vector<16xf32> to vector<16xf32>
      tpu.vector_store %arg6[%swap3A_158], %swap3A_161 {add = true, strides = array<i32>} : memref<4096xf32, #tpu.memory_space<vmem>>, vector<16xf32>,
      %swap3A_162 = arith.index_cast %add3A_154 : i32 to index
      %swap3A_163 = tpu.vector_load %arg7[%swap3A_162] {strides = array<i32>} : memref<4096xf32, #tpu.memory_space<vmem>>, vector<16xf32>,
      %swap3A_164 = vector.shape_cast %swap3A_163 : vector<16xf32> to vector<16xf32>
      %swap3A_165 = vector.shape_cast %get3A_157 : vector<16xf32> to vector<16xf32>
      tpu.vector_store %arg7[%swap3A_162], %swap3A_165 {add = true, strides = array<i32>} : memref<4096xf32, #tpu.memory_space<vmem>>, vector<16xf32>,
      %swap3A_166 = arith.index_cast %add3A_154 : i32 to index
      %swap3A_167 = tpu.vector_load %arg8[%swap3A_166] {strides = array<i32>} : memref<4096xf32, #tpu.memory_space<vmem>>, vector<16xf32>,
      %swap3A_168 = vector.shape_cast %swap3A_167 : vector<16xf32> to vector<16xf32>
      %swap3A_169 = vector.shape_cast %get3A_157 : vector<16xf32> to vector<16xf32>
      tpu.vector_store %arg8[%swap3A_166], %swap3A_169 {add = true, strides = array<i32>} : memref<4096xf32, #tpu.memory_space<vmem>>, vector<16xf32>,
      %swap3A_170 = arith.index_cast %add3A_154 : i32 to index
      %swap3A_171 = tpu.vector_load %arg9[%swap3A_170] {strides = array<i32>} : memref<4096xf32, #tpu.memory_space<vmem>>, vector<16xf32>,
      %swap3A_172 = vector.shape_cast %swap3A_171 : vector<16xf32> to vector<16xf32>
      %swap3A_173 = vector.shape_cast %get3A_157 : vector<16xf32> to vector<16xf32>
      tpu.vector_store %arg9[%swap3A_170], %swap3A_173 {add = true, strides = array<i32>} : memref<4096xf32, #tpu.memory_space<vmem>>, vector<16xf32>,
      %add3A_174 = arith.constant 48 : i32
      %add3A_175 = arith.addi %mul3A_112, %add3A_174 : i32
      %get3A_176 = arith.index_cast %add3A_175 : i32 to index
      %get3A_177 = tpu.vector_load %arg22[%get3A_176] {strides = array<i32>} : memref<4096xf32, #tpu.memory_space<vmem>>, vector<16xf32>,
      %get3A_178 = vector.shape_cast %get3A_177 : vector<16xf32> to vector<16xf32>
      %swap3A_179 = arith.index_cast %add3A_175 : i32 to index
      %swap3A_180 = tpu.vector_load %arg6[%swap3A_179] {strides = array<i32>} : memref<4096xf32, #tpu.memory_space<vmem>>, vector<16xf32>,
      %swap3A_181 = vector.shape_cast %swap3A_180 : vector<16xf32> to vector<16xf32>
      %swap3A_182 = vector.shape_cast %get3A_178 : vector<16xf32> to vector<16xf32>
      tpu.vector_store %arg6[%swap3A_179], %swap3A_182 {add = true, strides = array<i32>} : memref<4096xf32, #tpu.memory_space<vmem>>, vector<16xf32>,
      %swap3A_183 = arith.index_cast %add3A_175 : i32 to index
      %swap3A_184 = tpu.vector_load %arg7[%swap3A_183] {strides = array<i32>} : memref<4096xf32, #tpu.memory_space<vmem>>, vector<16xf32>,
      %swap3A_185 = vector.shape_cast %swap3A_184 : vector<16xf32> to vector<16xf32>
      %swap3A_186 = vector.shape_cast %get3A_178 : vector<16xf32> to vector<16xf32>
      tpu.vector_store %arg7[%swap3A_183], %swap3A_186 {add = true, strides = array<i32>} : memref<4096xf32, #tpu.memory_space<vmem>>, vector<16xf32>,
      %swap3A_187 = arith.index_cast %add3A_175 : i32 to index
      %swap3A_188 = tpu.vector_load %arg8[%swap3A_187] {strides = array<i32>} : memref<4096xf32, #tpu.memory_space<vmem>>, vector<16xf32>,
      %swap3A_189 = vector.shape_cast %swap3A_188 : vector<16xf32> to vector<16xf32>
      %swap3A_190 = vector.shape_cast %get3A_178 : vector<16xf32> to vector<16xf32>
      tpu.vector_store %arg8[%swap3A_187], %swap3A_190 {add = true, strides = array<i32>} : memref<4096xf32, #tpu.memory_space<vmem>>, vector<16xf32>,
      %swap3A_191 = arith.index_cast %add3A_175 : i32 to index
      %swap3A_192 = tpu.vector_load %arg9[%swap3A_191] {strides = array<i32>} : memref<4096xf32, #tpu.memory_space<vmem>>, vector<16xf32>,
      %swap3A_193 = vector.shape_cast %swap3A_192 : vector<16xf32> to vector<16xf32>
      %swap3A_194 = vector.shape_cast %get3A_178 : vector<16xf32> to vector<16xf32>
      tpu.vector_store %arg9[%swap3A_191], %swap3A_194 {add = true, strides = array<i32>} : memref<4096xf32, #tpu.memory_space<vmem>>, vector<16xf32>,
      %scan3A_195 = arith.constant 0 : i32
      scf.yield %scan3A_195 : i32
    }
    %scan3A_35 = arith.constant 64 : i32
    %add3A_36 = arith.constant 0 : i32
    %add3A_37 = arith.addi %mul3A_2, %add3A_36 : i32
    %scan3A_38 = arith.constant 0 : i32
    %scan3A_39 = arith.constant 0 : i32
    %scan3A_40 = arith.constant 4 : i32
    %scan3A_41 = arith.addi %scan3A_39, %scan3A_40 : i32
    %scan3A_42 = arith.constant 1 : i32
    %scan3A_43 = scf.for %scan3A_109 = %scan3A_39 to %scan3A_41 step %scan3A_42 iter_args(%scan3A_110 = %scan3A_38) -> (i32)  : i32 {
      %mul3A_111 = arith.constant 1024 : i32
      %mul3A_112 = arith.muli %scan3A_109, %mul3A_111 : i32
      %add3A_113 = arith.constant 0 : i32
      %add3A_114 = arith.addi %add3A_113, %add3A_37 : i32
      %add3A_115 = arith.addi %add3A_114, %scan3A_109 : i32
      %dma_start3A = tpu.memref_slice %arg6[%mul3A_112] : memref<4096xf32, #tpu.memory_space<vmem>> -> memref<1024xf32, #tpu.memory_space<vmem>>
      %dma_start3A_116 = arith.constant 0 : i32
      %dma_start3A_117 = tpu.memref_slice %arg5[%add3A_115, %dma_start3A_116] : memref<16384x1024xf32, #tpu.memory_space<hbm>> -> memref<1x1024xf32, #tpu.memory_space<hbm>>
      %dma_start3A_118 = tpu.memref_squeeze %dma_start3A_117 : memref<1x1024xf32, #tpu.memory_space<hbm>> -> memref<1024xf32, #tpu.memory_space<hbm>>
      %dma_start3A_119 = arith.constant 0 : i32
      %dma_start3A_120 = tpu.memref_slice %arg5[%add3A_115, %dma_start3A_119] : memref<16384x1024xf32, #tpu.memory_space<hbm>> -> memref<1x1024xf32, #tpu.memory_space<hbm>>
      %dma_start3A_121 = tpu.memref_squeeze %dma_start3A_120 : memref<1x1024xf32, #tpu.memory_space<hbm>> -> memref<1024xf32, #tpu.memory_space<hbm>>
      %dma_start3A_122 = tpu.memref_slice %arg6[%mul3A_112] : memref<4096xf32, #tpu.memory_space<vmem>> -> memref<1024xf32, #tpu.memory_space<vmem>>
      tpu.enqueue_dma source(%dma_start3A_122 : memref<1024xf32, #tpu.memory_space<vmem>>) target(%dma_start3A_121 : memref<1024xf32, #tpu.memory_space<hbm>>) target_semaphore(%arg30 : memref<!tpu.dma_semaphore, #tpu.memory_space<semaphore_mem>>)
      %add3A_123 = arith.constant 4096 : i32
      %add3A_124 = arith.addi %add3A_123, %add3A_37 : i32
      %add3A_125 = arith.addi %add3A_124, %scan3A_109 : i32
      %dma_start3A_126 = tpu.memref_slice %arg7[%mul3A_112] : memref<4096xf32, #tpu.memory_space<vmem>> -> memref<1024xf32, #tpu.memory_space<vmem>>
      %dma_start3A_127 = arith.constant 0 : i32
      %dma_start3A_128 = tpu.memref_slice %arg5[%add3A_125, %dma_start3A_127] : memref<16384x1024xf32, #tpu.memory_space<hbm>> -> memref<1x1024xf32, #tpu.memory_space<hbm>>
      %dma_start3A_129 = tpu.memref_squeeze %dma_start3A_128 : memref<1x1024xf32, #tpu.memory_space<hbm>> -> memref<1024xf32, #tpu.memory_space<hbm>>
      %dma_start3A_130 = arith.constant 0 : i32
      %dma_start3A_131 = tpu.memref_slice %arg5[%add3A_125, %dma_start3A_130] : memref<16384x1024xf32, #tpu.memory_space<hbm>> -> memref<1x1024xf32, #tpu.memory_space<hbm>>
      %dma_start3A_132 = tpu.memref_squeeze %dma_start3A_131 : memref<1x1024xf32, #tpu.memory_space<hbm>> -> memref<1024xf32, #tpu.memory_space<hbm>>
      %dma_start3A_133 = tpu.memref_slice %arg7[%mul3A_112] : memref<4096xf32, #tpu.memory_space<vmem>> -> memref<1024xf32, #tpu.memory_space<vmem>>
      tpu.enqueue_dma source(%dma_start3A_133 : memref<1024xf32, #tpu.memory_space<vmem>>) target(%dma_start3A_132 : memref<1024xf32, #tpu.memory_space<hbm>>) target_semaphore(%arg30 : memref<!tpu.dma_semaphore, #tpu.memory_space<semaphore_mem>>)
      %add3A_134 = arith.constant 8192 : i32
      %add3A_135 = arith.addi %add3A_134, %add3A_37 : i32
      %add3A_136 = arith.addi %add3A_135, %scan3A_109 : i32
      %dma_start3A_137 = tpu.memref_slice %arg8[%mul3A_112] : memref<4096xf32, #tpu.memory_space<vmem>> -> memref<1024xf32, #tpu.memory_space<vmem>>
      %dma_start3A_138 = arith.constant 0 : i32
      %dma_start3A_139 = tpu.memref_slice %arg5[%add3A_136, %dma_start3A_138] : memref<16384x1024xf32, #tpu.memory_space<hbm>> -> memref<1x1024xf32, #tpu.memory_space<hbm>>
      %dma_start3A_140 = tpu.memref_squeeze %dma_start3A_139 : memref<1x1024xf32, #tpu.memory_space<hbm>> -> memref<1024xf32, #tpu.memory_space<hbm>>
      %dma_start3A_141 = arith.constant 0 : i32
      %dma_start3A_142 = tpu.memref_slice %arg5[%add3A_136, %dma_start3A_141] : memref<16384x1024xf32, #tpu.memory_space<hbm>> -> memref<1x1024xf32, #tpu.memory_space<hbm>>
      %dma_start3A_143 = tpu.memref_squeeze %dma_start3A_142 : memref<1x1024xf32, #tpu.memory_space<hbm>> -> memref<1024xf32, #tpu.memory_space<hbm>>
      %dma_start3A_144 = tpu.memref_slice %arg8[%mul3A_112] : memref<4096xf32, #tpu.memory_space<vmem>> -> memref<1024xf32, #tpu.memory_space<vmem>>
      tpu.enqueue_dma source(%dma_start3A_144 : memref<1024xf32, #tpu.memory_space<vmem>>) target(%dma_start3A_143 : memref<1024xf32, #tpu.memory_space<hbm>>) target_semaphore(%arg30 : memref<!tpu.dma_semaphore, #tpu.memory_space<semaphore_mem>>)
      %add3A_145 = arith.constant 12288 : i32
      %add3A_146 = arith.addi %add3A_145, %add3A_37 : i32
      %add3A_147 = arith.addi %add3A_146, %scan3A_109 : i32
      %dma_start3A_148 = tpu.memref_slice %arg9[%mul3A_112] : memref<4096xf32, #tpu.memory_space<vmem>> -> memref<1024xf32, #tpu.memory_space<vmem>>
      %dma_start3A_149 = arith.constant 0 : i32
      %dma_start3A_150 = tpu.memref_slice %arg5[%add3A_147, %dma_start3A_149] : memref<16384x1024xf32, #tpu.memory_space<hbm>> -> memref<1x1024xf32, #tpu.memory_space<hbm>>
      %dma_start3A_151 = tpu.memref_squeeze %dma_start3A_150 : memref<1x1024xf32, #tpu.memory_space<hbm>> -> memref<1024xf32, #tpu.memory_space<hbm>>
      %dma_start3A_152 = arith.constant 0 : i32
      %dma_start3A_153 = tpu.memref_slice %arg5[%add3A_147, %dma_start3A_152] : memref<16384x1024xf32, #tpu.memory_space<hbm>> -> memref<1x1024xf32, #tpu.memory_space<hbm>>
      %dma_start3A_154 = tpu.memref_squeeze %dma_start3A_153 : memref<1x1024xf32, #tpu.memory_space<hbm>> -> memref<1024xf32, #tpu.memory_space<hbm>>
      %dma_start3A_155 = tpu.memref_slice %arg9[%mul3A_112] : memref<4096xf32, #tpu.memory_space<vmem>> -> memref<1024xf32, #tpu.memory_space<vmem>>
      tpu.enqueue_dma source(%dma_start3A_155 : memref<1024xf32, #tpu.memory_space<vmem>>) target(%dma_start3A_154 : memref<1024xf32, #tpu.memory_space<hbm>>) target_semaphore(%arg30 : memref<!tpu.dma_semaphore, #tpu.memory_space<semaphore_mem>>)
      %scan3A_156 = arith.constant 0 : i32
      scf.yield %scan3A_156 : i32
    }
    %scan3A_44 = arith.constant 4 : i32
    tpu.wait_dma2 semaphore(%arg35 : memref<!tpu.dma_semaphore, #tpu.memory_space<semaphore_mem>>) src(%arg4 : memref<4096xf32, #tpu.memory_space<hbm>>) dst(%arg23 : memref<4096xf32, #tpu.memory_space<vmem>>)
    tpu.wait_dma2 semaphore(%arg27 : memref<!tpu.dma_semaphore, #tpu.memory_space<semaphore_mem>>) src(%arg4 : memref<4096xf32, #tpu.memory_space<hbm>>) dst(%arg10 : memref<4096xf32, #tpu.memory_space<vmem>>)
    tpu.wait_dma2 semaphore(%arg27 : memref<!tpu.dma_semaphore, #tpu.memory_space<semaphore_mem>>) src(%arg4 : memref<4096xf32, #tpu.memory_space<hbm>>) dst(%arg11 : memref<4096xf32, #tpu.memory_space<vmem>>)
    tpu.wait_dma2 semaphore(%arg27 : memref<!tpu.dma_semaphore, #tpu.memory_space<semaphore_mem>>) src(%arg4 : memref<4096xf32, #tpu.memory_space<hbm>>) dst(%arg12 : memref<4096xf32, #tpu.memory_space<vmem>>)
    tpu.wait_dma2 semaphore(%arg27 : memref<!tpu.dma_semaphore, #tpu.memory_space<semaphore_mem>>) src(%arg4 : memref<4096xf32, #tpu.memory_space<hbm>>) dst(%arg13 : memref<4096xf32, #tpu.memory_space<vmem>>)
    %add3A_45 = arith.constant 12 : i32
    %add3A_46 = arith.addi %mul3A_2, %add3A_45 : i32
    %scan3A_47 = arith.constant 0 : i32
    %scan3A_48 = arith.constant 0 : i32
    %scan3A_49 = arith.constant 4 : i32
    %scan3A_50 = arith.addi %scan3A_48, %scan3A_49 : i32
    %scan3A_51 = arith.constant 1 : i32
    %scan3A_52 = scf.for %scan3A_109 = %scan3A_48 to %scan3A_50 step %scan3A_51 iter_args(%scan3A_110 = %scan3A_47) -> (i32)  : i32 {
      %mul3A_111 = arith.constant 1024 : i32
      %mul3A_112 = arith.muli %scan3A_109, %mul3A_111 : i32
      %add3A_113 = arith.addi %add3A_46, %scan3A_109 : i32
      %dma_start3A = tpu.memref_slice %arg25[%mul3A_112] : memref<4096xf32, #tpu.memory_space<vmem>> -> memref<1024xf32, #tpu.memory_space<vmem>>
      %dma_start3A_114 = arith.constant 0 : i32
      %dma_start3A_115 = tpu.memref_slice %arg3[%add3A_113, %dma_start3A_114] : memref<8192x1024xf32, #tpu.memory_space<hbm>> -> memref<1x1024xf32, #tpu.memory_space<hbm>>
      %dma_start3A_116 = tpu.memref_squeeze %dma_start3A_115 : memref<1x1024xf32, #tpu.memory_space<hbm>> -> memref<1024xf32, #tpu.memory_space<hbm>>
      %dma_start3A_117 = tpu.memref_slice %arg25[%mul3A_112] : memref<4096xf32, #tpu.memory_space<vmem>> -> memref<1024xf32, #tpu.memory_space<vmem>>
      %dma_start3A_118 = arith.constant 0 : i32
      %dma_start3A_119 = tpu.memref_slice %arg3[%add3A_113, %dma_start3A_118] : memref<8192x1024xf32, #tpu.memory_space<hbm>> -> memref<1x1024xf32, #tpu.memory_space<hbm>>
      %dma_start3A_120 = tpu.memref_squeeze %dma_start3A_119 : memref<1x1024xf32, #tpu.memory_space<hbm>> -> memref<1024xf32, #tpu.memory_space<hbm>>
      tpu.enqueue_dma source(%dma_start3A_120 : memref<1024xf32, #tpu.memory_space<hbm>>) target(%dma_start3A_117 : memref<1024xf32, #tpu.memory_space<vmem>>) target_semaphore(%arg37 : memref<!tpu.dma_semaphore, #tpu.memory_space<semaphore_mem>>)
      %add3A_121 = arith.constant 0 : i32
      %add3A_122 = arith.addi %add3A_121, %add3A_46 : i32
      %add3A_123 = arith.addi %add3A_122, %scan3A_109 : i32
      %dma_start3A_124 = tpu.memref_slice %arg18[%mul3A_112] : memref<4096xf32, #tpu.memory_space<vmem>> -> memref<1024xf32, #tpu.memory_space<vmem>>
      %dma_start3A_125 = arith.constant 0 : i32
      %dma_start3A_126 = tpu.memref_slice %arg2[%add3A_123, %dma_start3A_125] : memref<16384x1024xf32, #tpu.memory_space<hbm>> -> memref<1x1024xf32, #tpu.memory_space<hbm>>
      %dma_start3A_127 = tpu.memref_squeeze %dma_start3A_126 : memref<1x1024xf32, #tpu.memory_space<hbm>> -> memref<1024xf32, #tpu.memory_space<hbm>>
      %dma_start3A_128 = tpu.memref_slice %arg18[%mul3A_112] : memref<4096xf32, #tpu.memory_space<vmem>> -> memref<1024xf32, #tpu.memory_space<vmem>>
      %dma_start3A_129 = arith.constant 0 : i32
      %dma_start3A_130 = tpu.memref_slice %arg2[%add3A_123, %dma_start3A_129] : memref<16384x1024xf32, #tpu.memory_space<hbm>> -> memref<1x1024xf32, #tpu.memory_space<hbm>>
      %dma_start3A_131 = tpu.memref_squeeze %dma_start3A_130 : memref<1x1024xf32, #tpu.memory_space<hbm>> -> memref<1024xf32, #tpu.memory_space<hbm>>
      tpu.enqueue_dma source(%dma_start3A_131 : memref<1024xf32, #tpu.memory_space<hbm>>) target(%dma_start3A_128 : memref<1024xf32, #tpu.memory_space<vmem>>) target_semaphore(%arg29 : memref<!tpu.dma_semaphore, #tpu.memory_space<semaphore_mem>>)
      %add3A_132 = arith.constant 4096 : i32
      %add3A_133 = arith.addi %add3A_132, %add3A_46 : i32
      %add3A_134 = arith.addi %add3A_133, %scan3A_109 : i32
      %dma_start3A_135 = tpu.memref_slice %arg19[%mul3A_112] : memref<4096xf32, #tpu.memory_space<vmem>> -> memref<1024xf32, #tpu.memory_space<vmem>>
      %dma_start3A_136 = arith.constant 0 : i32
      %dma_start3A_137 = tpu.memref_slice %arg2[%add3A_134, %dma_start3A_136] : memref<16384x1024xf32, #tpu.memory_space<hbm>> -> memref<1x1024xf32, #tpu.memory_space<hbm>>
      %dma_start3A_138 = tpu.memref_squeeze %dma_start3A_137 : memref<1x1024xf32, #tpu.memory_space<hbm>> -> memref<1024xf32, #tpu.memory_space<hbm>>
      %dma_start3A_139 = tpu.memref_slice %arg19[%mul3A_112] : memref<4096xf32, #tpu.memory_space<vmem>> -> memref<1024xf32, #tpu.memory_space<vmem>>
      %dma_start3A_140 = arith.constant 0 : i32
      %dma_start3A_141 = tpu.memref_slice %arg2[%add3A_134, %dma_start3A_140] : memref<16384x1024xf32, #tpu.memory_space<hbm>> -> memref<1x1024xf32, #tpu.memory_space<hbm>>
      %dma_start3A_142 = tpu.memref_squeeze %dma_start3A_141 : memref<1x1024xf32, #tpu.memory_space<hbm>> -> memref<1024xf32, #tpu.memory_space<hbm>>
      tpu.enqueue_dma source(%dma_start3A_142 : memref<1024xf32, #tpu.memory_space<hbm>>) target(%dma_start3A_139 : memref<1024xf32, #tpu.memory_space<vmem>>) target_semaphore(%arg29 : memref<!tpu.dma_semaphore, #tpu.memory_space<semaphore_mem>>)
      %add3A_143 = arith.constant 8192 : i32
      %add3A_144 = arith.addi %add3A_143, %add3A_46 : i32
      %add3A_145 = arith.addi %add3A_144, %scan3A_109 : i32
      %dma_start3A_146 = tpu.memref_slice %arg20[%mul3A_112] : memref<4096xf32, #tpu.memory_space<vmem>> -> memref<1024xf32, #tpu.memory_space<vmem>>
      %dma_start3A_147 = arith.constant 0 : i32
      %dma_start3A_148 = tpu.memref_slice %arg2[%add3A_145, %dma_start3A_147] : memref<16384x1024xf32, #tpu.memory_space<hbm>> -> memref<1x1024xf32, #tpu.memory_space<hbm>>
      %dma_start3A_149 = tpu.memref_squeeze %dma_start3A_148 : memref<1x1024xf32, #tpu.memory_space<hbm>> -> memref<1024xf32, #tpu.memory_space<hbm>>
      %dma_start3A_150 = tpu.memref_slice %arg20[%mul3A_112] : memref<4096xf32, #tpu.memory_space<vmem>> -> memref<1024xf32, #tpu.memory_space<vmem>>
      %dma_start3A_151 = arith.constant 0 : i32
      %dma_start3A_152 = tpu.memref_slice %arg2[%add3A_145, %dma_start3A_151] : memref<16384x1024xf32, #tpu.memory_space<hbm>> -> memref<1x1024xf32, #tpu.memory_space<hbm>>
      %dma_start3A_153 = tpu.memref_squeeze %dma_start3A_152 : memref<1x1024xf32, #tpu.memory_space<hbm>> -> memref<1024xf32, #tpu.memory_space<hbm>>
      tpu.enqueue_dma source(%dma_start3A_153 : memref<1024xf32, #tpu.memory_space<hbm>>) target(%dma_start3A_150 : memref<1024xf32, #tpu.memory_space<vmem>>) target_semaphore(%arg29 : memref<!tpu.dma_semaphore, #tpu.memory_space<semaphore_mem>>)
      %add3A_154 = arith.constant 12288 : i32
      %add3A_155 = arith.addi %add3A_154, %add3A_46 : i32
      %add3A_156 = arith.addi %add3A_155, %scan3A_109 : i32
      %dma_start3A_157 = tpu.memref_slice %arg21[%mul3A_112] : memref<4096xf32, #tpu.memory_space<vmem>> -> memref<1024xf32, #tpu.memory_space<vmem>>
      %dma_start3A_158 = arith.constant 0 : i32
      %dma_start3A_159 = tpu.memref_slice %arg2[%add3A_156, %dma_start3A_158] : memref<16384x1024xf32, #tpu.memory_space<hbm>> -> memref<1x1024xf32, #tpu.memory_space<hbm>>
      %dma_start3A_160 = tpu.memref_squeeze %dma_start3A_159 : memref<1x1024xf32, #tpu.memory_space<hbm>> -> memref<1024xf32, #tpu.memory_space<hbm>>
      %dma_start3A_161 = tpu.memref_slice %arg21[%mul3A_112] : memref<4096xf32, #tpu.memory_space<vmem>> -> memref<1024xf32, #tpu.memory_space<vmem>>
      %dma_start3A_162 = arith.constant 0 : i32
      %dma_start3A_163 = tpu.memref_slice %arg2[%add3A_156, %dma_start3A_162] : memref<16384x1024xf32, #tpu.memory_space<hbm>> -> memref<1x1024xf32, #tpu.memory_space<hbm>>
      %dma_start3A_164 = tpu.memref_squeeze %dma_start3A_163 : memref<1x1024xf32, #tpu.memory_space<hbm>> -> memref<1024xf32, #tpu.memory_space<hbm>>
      tpu.enqueue_dma source(%dma_start3A_164 : memref<1024xf32, #tpu.memory_space<hbm>>) target(%dma_start3A_161 : memref<1024xf32, #tpu.memory_space<vmem>>) target_semaphore(%arg29 : memref<!tpu.dma_semaphore, #tpu.memory_space<semaphore_mem>>)
      %scan3A_165 = arith.constant 0 : i32
      scf.yield %scan3A_165 : i32
    }
    %scan3A_53 = arith.constant 4 : i32
    %scan3A_54 = arith.constant 0 : i32
    %scan3A_55 = arith.constant 0 : i32
    %scan3A_56 = arith.constant 64 : i32
    %scan3A_57 = arith.addi %scan3A_55, %scan3A_56 : i32
    %scan3A_58 = arith.constant 1 : i32
    %scan3A_59 = scf.for %scan3A_109 = %scan3A_55 to %scan3A_57 step %scan3A_58 iter_args(%scan3A_110 = %scan3A_54) -> (i32)  : i32 {
      %mul3A_111 = arith.constant 64 : i32
      %mul3A_112 = arith.muli %scan3A_109, %mul3A_111 : i32
      %add3A_113 = arith.constant 0 : i32
      %add3A_114 = arith.addi %mul3A_112, %add3A_113 : i32
      %get3A = arith.index_cast %add3A_114 : i32 to index
      %get3A_115 = tpu.vector_load %arg23[%get3A] {strides = array<i32>} : memref<4096xf32, #tpu.memory_space<vmem>>, vector<16xf32>,
      %get3A_116 = vector.shape_cast %get3A_115 : vector<16xf32> to vector<16xf32>
      %swap3A = arith.index_cast %add3A_114 : i32 to index
      %swap3A_117 = tpu.vector_load %arg10[%swap3A] {strides = array<i32>} : memref<4096xf32, #tpu.memory_space<vmem>>, vector<16xf32>,
      %swap3A_118 = vector.shape_cast %swap3A_117 : vector<16xf32> to vector<16xf32>
      %swap3A_119 = vector.shape_cast %get3A_116 : vector<16xf32> to vector<16xf32>
      tpu.vector_store %arg10[%swap3A], %swap3A_119 {add = true, strides = array<i32>} : memref<4096xf32, #tpu.memory_space<vmem>>, vector<16xf32>,
      %swap3A_120 = arith.index_cast %add3A_114 : i32 to index
      %swap3A_121 = tpu.vector_load %arg11[%swap3A_120] {strides = array<i32>} : memref<4096xf32, #tpu.memory_space<vmem>>, vector<16xf32>,
      %swap3A_122 = vector.shape_cast %swap3A_121 : vector<16xf32> to vector<16xf32>
      %swap3A_123 = vector.shape_cast %get3A_116 : vector<16xf32> to vector<16xf32>
      tpu.vector_store %arg11[%swap3A_120], %swap3A_123 {add = true, strides = array<i32>} : memref<4096xf32, #tpu.memory_space<vmem>>, vector<16xf32>,
      %swap3A_124 = arith.index_cast %add3A_114 : i32 to index
      %swap3A_125 = tpu.vector_load %arg12[%swap3A_124] {strides = array<i32>} : memref<4096xf32, #tpu.memory_space<vmem>>, vector<16xf32>,
      %swap3A_126 = vector.shape_cast %swap3A_125 : vector<16xf32> to vector<16xf32>
      %swap3A_127 = vector.shape_cast %get3A_116 : vector<16xf32> to vector<16xf32>
      tpu.vector_store %arg12[%swap3A_124], %swap3A_127 {add = true, strides = array<i32>} : memref<4096xf32, #tpu.memory_space<vmem>>, vector<16xf32>,
      %swap3A_128 = arith.index_cast %add3A_114 : i32 to index
      %swap3A_129 = tpu.vector_load %arg13[%swap3A_128] {strides = array<i32>} : memref<4096xf32, #tpu.memory_space<vmem>>, vector<16xf32>,
      %swap3A_130 = vector.shape_cast %swap3A_129 : vector<16xf32> to vector<16xf32>
      %swap3A_131 = vector.shape_cast %get3A_116 : vector<16xf32> to vector<16xf32>
      tpu.vector_store %arg13[%swap3A_128], %swap3A_131 {add = true, strides = array<i32>} : memref<4096xf32, #tpu.memory_space<vmem>>, vector<16xf32>,
      %add3A_132 = arith.constant 16 : i32
      %add3A_133 = arith.addi %mul3A_112, %add3A_132 : i32
      %get3A_134 = arith.index_cast %add3A_133 : i32 to index
      %get3A_135 = tpu.vector_load %arg23[%get3A_134] {strides = array<i32>} : memref<4096xf32, #tpu.memory_space<vmem>>, vector<16xf32>,
      %get3A_136 = vector.shape_cast %get3A_135 : vector<16xf32> to vector<16xf32>
      %swap3A_137 = arith.index_cast %add3A_133 : i32 to index
      %swap3A_138 = tpu.vector_load %arg10[%swap3A_137] {strides = array<i32>} : memref<4096xf32, #tpu.memory_space<vmem>>, vector<16xf32>,
      %swap3A_139 = vector.shape_cast %swap3A_138 : vector<16xf32> to vector<16xf32>
      %swap3A_140 = vector.shape_cast %get3A_136 : vector<16xf32> to vector<16xf32>
      tpu.vector_store %arg10[%swap3A_137], %swap3A_140 {add = true, strides = array<i32>} : memref<4096xf32, #tpu.memory_space<vmem>>, vector<16xf32>,
      %swap3A_141 = arith.index_cast %add3A_133 : i32 to index
      %swap3A_142 = tpu.vector_load %arg11[%swap3A_141] {strides = array<i32>} : memref<4096xf32, #tpu.memory_space<vmem>>, vector<16xf32>,
      %swap3A_143 = vector.shape_cast %swap3A_142 : vector<16xf32> to vector<16xf32>
      %swap3A_144 = vector.shape_cast %get3A_136 : vector<16xf32> to vector<16xf32>
      tpu.vector_store %arg11[%swap3A_141], %swap3A_144 {add = true, strides = array<i32>} : memref<4096xf32, #tpu.memory_space<vmem>>, vector<16xf32>,
      %swap3A_145 = arith.index_cast %add3A_133 : i32 to index
      %swap3A_146 = tpu.vector_load %arg12[%swap3A_145] {strides = array<i32>} : memref<4096xf32, #tpu.memory_space<vmem>>, vector<16xf32>,
      %swap3A_147 = vector.shape_cast %swap3A_146 : vector<16xf32> to vector<16xf32>
      %swap3A_148 = vector.shape_cast %get3A_136 : vector<16xf32> to vector<16xf32>
      tpu.vector_store %arg12[%swap3A_145], %swap3A_148 {add = true, strides = array<i32>} : memref<4096xf32, #tpu.memory_space<vmem>>, vector<16xf32>,
      %swap3A_149 = arith.index_cast %add3A_133 : i32 to index
      %swap3A_150 = tpu.vector_load %arg13[%swap3A_149] {strides = array<i32>} : memref<4096xf32, #tpu.memory_space<vmem>>, vector<16xf32>,
      %swap3A_151 = vector.shape_cast %swap3A_150 : vector<16xf32> to vector<16xf32>
      %swap3A_152 = vector.shape_cast %get3A_136 : vector<16xf32> to vector<16xf32>
      tpu.vector_store %arg13[%swap3A_149], %swap3A_152 {add = true, strides = array<i32>} : memref<4096xf32, #tpu.memory_space<vmem>>, vector<16xf32>,
      %add3A_153 = arith.constant 32 : i32
      %add3A_154 = arith.addi %mul3A_112, %add3A_153 : i32
      %get3A_155 = arith.index_cast %add3A_154 : i32 to index
      %get3A_156 = tpu.vector_load %arg23[%get3A_155] {strides = array<i32>} : memref<4096xf32, #tpu.memory_space<vmem>>, vector<16xf32>,
      %get3A_157 = vector.shape_cast %get3A_156 : vector<16xf32> to vector<16xf32>
      %swap3A_158 = arith.index_cast %add3A_154 : i32 to index
      %swap3A_159 = tpu.vector_load %arg10[%swap3A_158] {strides = array<i32>} : memref<4096xf32, #tpu.memory_space<vmem>>, vector<16xf32>,
      %swap3A_160 = vector.shape_cast %swap3A_159 : vector<16xf32> to vector<16xf32>
      %swap3A_161 = vector.shape_cast %get3A_157 : vector<16xf32> to vector<16xf32>
      tpu.vector_store %arg10[%swap3A_158], %swap3A_161 {add = true, strides = array<i32>} : memref<4096xf32, #tpu.memory_space<vmem>>, vector<16xf32>,
      %swap3A_162 = arith.index_cast %add3A_154 : i32 to index
      %swap3A_163 = tpu.vector_load %arg11[%swap3A_162] {strides = array<i32>} : memref<4096xf32, #tpu.memory_space<vmem>>, vector<16xf32>,
      %swap3A_164 = vector.shape_cast %swap3A_163 : vector<16xf32> to vector<16xf32>
      %swap3A_165 = vector.shape_cast %get3A_157 : vector<16xf32> to vector<16xf32>
      tpu.vector_store %arg11[%swap3A_162], %swap3A_165 {add = true, strides = array<i32>} : memref<4096xf32, #tpu.memory_space<vmem>>, vector<16xf32>,
      %swap3A_166 = arith.index_cast %add3A_154 : i32 to index
      %swap3A_167 = tpu.vector_load %arg12[%swap3A_166] {strides = array<i32>} : memref<4096xf32, #tpu.memory_space<vmem>>, vector<16xf32>,
      %swap3A_168 = vector.shape_cast %swap3A_167 : vector<16xf32> to vector<16xf32>
      %swap3A_169 = vector.shape_cast %get3A_157 : vector<16xf32> to vector<16xf32>
      tpu.vector_store %arg12[%swap3A_166], %swap3A_169 {add = true, strides = array<i32>} : memref<4096xf32, #tpu.memory_space<vmem>>, vector<16xf32>,
      %swap3A_170 = arith.index_cast %add3A_154 : i32 to index
      %swap3A_171 = tpu.vector_load %arg13[%swap3A_170] {strides = array<i32>} : memref<4096xf32, #tpu.memory_space<vmem>>, vector<16xf32>,
      %swap3A_172 = vector.shape_cast %swap3A_171 : vector<16xf32> to vector<16xf32>
      %swap3A_173 = vector.shape_cast %get3A_157 : vector<16xf32> to vector<16xf32>
      tpu.vector_store %arg13[%swap3A_170], %swap3A_173 {add = true, strides = array<i32>} : memref<4096xf32, #tpu.memory_space<vmem>>, vector<16xf32>,
      %add3A_174 = arith.constant 48 : i32
      %add3A_175 = arith.addi %mul3A_112, %add3A_174 : i32
      %get3A_176 = arith.index_cast %add3A_175 : i32 to index
      %get3A_177 = tpu.vector_load %arg23[%get3A_176] {strides = array<i32>} : memref<4096xf32, #tpu.memory_space<vmem>>, vector<16xf32>,
      %get3A_178 = vector.shape_cast %get3A_177 : vector<16xf32> to vector<16xf32>
      %swap3A_179 = arith.index_cast %add3A_175 : i32 to index
      %swap3A_180 = tpu.vector_load %arg10[%swap3A_179] {strides = array<i32>} : memref<4096xf32, #tpu.memory_space<vmem>>, vector<16xf32>,
      %swap3A_181 = vector.shape_cast %swap3A_180 : vector<16xf32> to vector<16xf32>
      %swap3A_182 = vector.shape_cast %get3A_178 : vector<16xf32> to vector<16xf32>
      tpu.vector_store %arg10[%swap3A_179], %swap3A_182 {add = true, strides = array<i32>} : memref<4096xf32, #tpu.memory_space<vmem>>, vector<16xf32>,
      %swap3A_183 = arith.index_cast %add3A_175 : i32 to index
      %swap3A_184 = tpu.vector_load %arg11[%swap3A_183] {strides = array<i32>} : memref<4096xf32, #tpu.memory_space<vmem>>, vector<16xf32>,
      %swap3A_185 = vector.shape_cast %swap3A_184 : vector<16xf32> to vector<16xf32>
      %swap3A_186 = vector.shape_cast %get3A_178 : vector<16xf32> to vector<16xf32>
      tpu.vector_store %arg11[%swap3A_183], %swap3A_186 {add = true, strides = array<i32>} : memref<4096xf32, #tpu.memory_space<vmem>>, vector<16xf32>,
      %swap3A_187 = arith.index_cast %add3A_175 : i32 to index
      %swap3A_188 = tpu.vector_load %arg12[%swap3A_187] {strides = array<i32>} : memref<4096xf32, #tpu.memory_space<vmem>>, vector<16xf32>,
      %swap3A_189 = vector.shape_cast %swap3A_188 : vector<16xf32> to vector<16xf32>
      %swap3A_190 = vector.shape_cast %get3A_178 : vector<16xf32> to vector<16xf32>
      tpu.vector_store %arg12[%swap3A_187], %swap3A_190 {add = true, strides = array<i32>} : memref<4096xf32, #tpu.memory_space<vmem>>, vector<16xf32>,
      %swap3A_191 = arith.index_cast %add3A_175 : i32 to index
      %swap3A_192 = tpu.vector_load %arg13[%swap3A_191] {strides = array<i32>} : memref<4096xf32, #tpu.memory_space<vmem>>, vector<16xf32>,
      %swap3A_193 = vector.shape_cast %swap3A_192 : vector<16xf32> to vector<16xf32>
      %swap3A_194 = vector.shape_cast %get3A_178 : vector<16xf32> to vector<16xf32>
      tpu.vector_store %arg13[%swap3A_191], %swap3A_194 {add = true, strides = array<i32>} : memref<4096xf32, #tpu.memory_space<vmem>>, vector<16xf32>,
      %scan3A_195 = arith.constant 0 : i32
      scf.yield %scan3A_195 : i32
    }
    %scan3A_60 = arith.constant 64 : i32
    %add3A_61 = arith.constant 4 : i32
    %add3A_62 = arith.addi %mul3A_2, %add3A_61 : i32
    %scan3A_63 = arith.constant 0 : i32
    %scan3A_64 = arith.constant 0 : i32
    %scan3A_65 = arith.constant 4 : i32
    %scan3A_66 = arith.addi %scan3A_64, %scan3A_65 : i32
    %scan3A_67 = arith.constant 1 : i32
    %scan3A_68 = scf.for %scan3A_109 = %scan3A_64 to %scan3A_66 step %scan3A_67 iter_args(%scan3A_110 = %scan3A_63) -> (i32)  : i32 {
      %mul3A_111 = arith.constant 1024 : i32
      %mul3A_112 = arith.muli %scan3A_109, %mul3A_111 : i32
      %add3A_113 = arith.constant 0 : i32
      %add3A_114 = arith.addi %add3A_113, %add3A_62 : i32
      %add3A_115 = arith.addi %add3A_114, %scan3A_109 : i32
      %dma_start3A = tpu.memref_slice %arg10[%mul3A_112] : memref<4096xf32, #tpu.memory_space<vmem>> -> memref<1024xf32, #tpu.memory_space<vmem>>
      %dma_start3A_116 = arith.constant 0 : i32
      %dma_start3A_117 = tpu.memref_slice %arg5[%add3A_115, %dma_start3A_116] : memref<16384x1024xf32, #tpu.memory_space<hbm>> -> memref<1x1024xf32, #tpu.memory_space<hbm>>
      %dma_start3A_118 = tpu.memref_squeeze %dma_start3A_117 : memref<1x1024xf32, #tpu.memory_space<hbm>> -> memref<1024xf32, #tpu.memory_space<hbm>>
      %dma_start3A_119 = arith.constant 0 : i32
      %dma_start3A_120 = tpu.memref_slice %arg5[%add3A_115, %dma_start3A_119] : memref<16384x1024xf32, #tpu.memory_space<hbm>> -> memref<1x1024xf32, #tpu.memory_space<hbm>>
      %dma_start3A_121 = tpu.memref_squeeze %dma_start3A_120 : memref<1x1024xf32, #tpu.memory_space<hbm>> -> memref<1024xf32, #tpu.memory_space<hbm>>
      %dma_start3A_122 = tpu.memref_slice %arg10[%mul3A_112] : memref<4096xf32, #tpu.memory_space<vmem>> -> memref<1024xf32, #tpu.memory_space<vmem>>
      tpu.enqueue_dma source(%dma_start3A_122 : memref<1024xf32, #tpu.memory_space<vmem>>) target(%dma_start3A_121 : memref<1024xf32, #tpu.memory_space<hbm>>) target_semaphore(%arg31 : memref<!tpu.dma_semaphore, #tpu.memory_space<semaphore_mem>>)
      %add3A_123 = arith.constant 4096 : i32
      %add3A_124 = arith.addi %add3A_123, %add3A_62 : i32
      %add3A_125 = arith.addi %add3A_124, %scan3A_109 : i32
      %dma_start3A_126 = tpu.memref_slice %arg11[%mul3A_112] : memref<4096xf32, #tpu.memory_space<vmem>> -> memref<1024xf32, #tpu.memory_space<vmem>>
      %dma_start3A_127 = arith.constant 0 : i32
      %dma_start3A_128 = tpu.memref_slice %arg5[%add3A_125, %dma_start3A_127] : memref<16384x1024xf32, #tpu.memory_space<hbm>> -> memref<1x1024xf32, #tpu.memory_space<hbm>>
      %dma_start3A_129 = tpu.memref_squeeze %dma_start3A_128 : memref<1x1024xf32, #tpu.memory_space<hbm>> -> memref<1024xf32, #tpu.memory_space<hbm>>
      %dma_start3A_130 = arith.constant 0 : i32
      %dma_start3A_131 = tpu.memref_slice %arg5[%add3A_125, %dma_start3A_130] : memref<16384x1024xf32, #tpu.memory_space<hbm>> -> memref<1x1024xf32, #tpu.memory_space<hbm>>
      %dma_start3A_132 = tpu.memref_squeeze %dma_start3A_131 : memref<1x1024xf32, #tpu.memory_space<hbm>> -> memref<1024xf32, #tpu.memory_space<hbm>>
      %dma_start3A_133 = tpu.memref_slice %arg11[%mul3A_112] : memref<4096xf32, #tpu.memory_space<vmem>> -> memref<1024xf32, #tpu.memory_space<vmem>>
      tpu.enqueue_dma source(%dma_start3A_133 : memref<1024xf32, #tpu.memory_space<vmem>>) target(%dma_start3A_132 : memref<1024xf32, #tpu.memory_space<hbm>>) target_semaphore(%arg31 : memref<!tpu.dma_semaphore, #tpu.memory_space<semaphore_mem>>)
      %add3A_134 = arith.constant 8192 : i32
      %add3A_135 = arith.addi %add3A_134, %add3A_62 : i32
      %add3A_136 = arith.addi %add3A_135, %scan3A_109 : i32
      %dma_start3A_137 = tpu.memref_slice %arg12[%mul3A_112] : memref<4096xf32, #tpu.memory_space<vmem>> -> memref<1024xf32, #tpu.memory_space<vmem>>
      %dma_start3A_138 = arith.constant 0 : i32
      %dma_start3A_139 = tpu.memref_slice %arg5[%add3A_136, %dma_start3A_138] : memref<16384x1024xf32, #tpu.memory_space<hbm>> -> memref<1x1024xf32, #tpu.memory_space<hbm>>
      %dma_start3A_140 = tpu.memref_squeeze %dma_start3A_139 : memref<1x1024xf32, #tpu.memory_space<hbm>> -> memref<1024xf32, #tpu.memory_space<hbm>>
      %dma_start3A_141 = arith.constant 0 : i32
      %dma_start3A_142 = tpu.memref_slice %arg5[%add3A_136, %dma_start3A_141] : memref<16384x1024xf32, #tpu.memory_space<hbm>> -> memref<1x1024xf32, #tpu.memory_space<hbm>>
      %dma_start3A_143 = tpu.memref_squeeze %dma_start3A_142 : memref<1x1024xf32, #tpu.memory_space<hbm>> -> memref<1024xf32, #tpu.memory_space<hbm>>
      %dma_start3A_144 = tpu.memref_slice %arg12[%mul3A_112] : memref<4096xf32, #tpu.memory_space<vmem>> -> memref<1024xf32, #tpu.memory_space<vmem>>
      tpu.enqueue_dma source(%dma_start3A_144 : memref<1024xf32, #tpu.memory_space<vmem>>) target(%dma_start3A_143 : memref<1024xf32, #tpu.memory_space<hbm>>) target_semaphore(%arg31 : memref<!tpu.dma_semaphore, #tpu.memory_space<semaphore_mem>>)
      %add3A_145 = arith.constant 12288 : i32
      %add3A_146 = arith.addi %add3A_145, %add3A_62 : i32
      %add3A_147 = arith.addi %add3A_146, %scan3A_109 : i32
      %dma_start3A_148 = tpu.memref_slice %arg13[%mul3A_112] : memref<4096xf32, #tpu.memory_space<vmem>> -> memref<1024xf32, #tpu.memory_space<vmem>>
      %dma_start3A_149 = arith.constant 0 : i32
      %dma_start3A_150 = tpu.memref_slice %arg5[%add3A_147, %dma_start3A_149] : memref<16384x1024xf32, #tpu.memory_space<hbm>> -> memref<1x1024xf32, #tpu.memory_space<hbm>>
      %dma_start3A_151 = tpu.memref_squeeze %dma_start3A_150 : memref<1x1024xf32, #tpu.memory_space<hbm>> -> memref<1024xf32, #tpu.memory_space<hbm>>
      %dma_start3A_152 = arith.constant 0 : i32
      %dma_start3A_153 = tpu.memref_slice %arg5[%add3A_147, %dma_start3A_152] : memref<16384x1024xf32, #tpu.memory_space<hbm>> -> memref<1x1024xf32, #tpu.memory_space<hbm>>
      %dma_start3A_154 = tpu.memref_squeeze %dma_start3A_153 : memref<1x1024xf32, #tpu.memory_space<hbm>> -> memref<1024xf32, #tpu.memory_space<hbm>>
      %dma_start3A_155 = tpu.memref_slice %arg13[%mul3A_112] : memref<4096xf32, #tpu.memory_space<vmem>> -> memref<1024xf32, #tpu.memory_space<vmem>>
      tpu.enqueue_dma source(%dma_start3A_155 : memref<1024xf32, #tpu.memory_space<vmem>>) target(%dma_start3A_154 : memref<1024xf32, #tpu.memory_space<hbm>>) target_semaphore(%arg31 : memref<!tpu.dma_semaphore, #tpu.memory_space<semaphore_mem>>)
      %scan3A_156 = arith.constant 0 : i32
      scf.yield %scan3A_156 : i32
    }
    %scan3A_69 = arith.constant 4 : i32
    %scan3A_70 = arith.constant 0 : i32
    %scan3A_71 = arith.constant 0 : i32
    %scan3A_72 = arith.constant 7 : i32
    %scan3A_73 = arith.addi %scan3A_71, %scan3A_72 : i32
    %scan3A_74 = arith.constant 1 : i32
    %scan3A_75 = scf.for %scan3A_109 = %scan3A_71 to %scan3A_73 step %scan3A_74 iter_args(%scan3A_110 = %scan3A_70) -> (i32)  : i32 {
      %mul3A_111 = arith.constant 4 : i32
      %mul3A_112 = arith.muli %mul3A_111, %scan3A_109 : i32
      %add3A_113 = arith.constant 2 : i32
      %add3A_114 = arith.addi %add3A_113, %mul3A_112 : i32
      %add3A_115 = arith.constant 0 : i32
      %add3A_116 = arith.addi %add3A_114, %add3A_115 : i32
      tpu.wait_dma2 semaphore(%arg36 : memref<!tpu.dma_semaphore, #tpu.memory_space<semaphore_mem>>) src(%arg4 : memref<4096xf32, #tpu.memory_space<hbm>>) dst(%arg24 : memref<4096xf32, #tpu.memory_space<vmem>>)
      tpu.wait_dma2 semaphore(%arg28 : memref<!tpu.dma_semaphore, #tpu.memory_space<semaphore_mem>>) src(%arg4 : memref<4096xf32, #tpu.memory_space<hbm>>) dst(%arg14 : memref<4096xf32, #tpu.memory_space<vmem>>)
      tpu.wait_dma2 semaphore(%arg28 : memref<!tpu.dma_semaphore, #tpu.memory_space<semaphore_mem>>) src(%arg4 : memref<4096xf32, #tpu.memory_space<hbm>>) dst(%arg15 : memref<4096xf32, #tpu.memory_space<vmem>>)
      tpu.wait_dma2 semaphore(%arg28 : memref<!tpu.dma_semaphore, #tpu.memory_space<semaphore_mem>>) src(%arg4 : memref<4096xf32, #tpu.memory_space<hbm>>) dst(%arg16 : memref<4096xf32, #tpu.memory_space<vmem>>)
      tpu.wait_dma2 semaphore(%arg28 : memref<!tpu.dma_semaphore, #tpu.memory_space<semaphore_mem>>) src(%arg4 : memref<4096xf32, #tpu.memory_space<hbm>>) dst(%arg17 : memref<4096xf32, #tpu.memory_space<vmem>>)
      tpu.wait_dma2 semaphore(%arg30 : memref<!tpu.dma_semaphore, #tpu.memory_space<semaphore_mem>>) src(%arg6 : memref<4096xf32, #tpu.memory_space<vmem>>) dst(%arg4 : memref<4096xf32, #tpu.memory_space<hbm>>)
      tpu.wait_dma2 semaphore(%arg30 : memref<!tpu.dma_semaphore, #tpu.memory_space<semaphore_mem>>) src(%arg7 : memref<4096xf32, #tpu.memory_space<vmem>>) dst(%arg4 : memref<4096xf32, #tpu.memory_space<hbm>>)
      tpu.wait_dma2 semaphore(%arg30 : memref<!tpu.dma_semaphore, #tpu.memory_space<semaphore_mem>>) src(%arg8 : memref<4096xf32, #tpu.memory_space<vmem>>) dst(%arg4 : memref<4096xf32, #tpu.memory_space<hbm>>)
      tpu.wait_dma2 semaphore(%arg30 : memref<!tpu.dma_semaphore, #tpu.memory_space<semaphore_mem>>) src(%arg9 : memref<4096xf32, #tpu.memory_space<vmem>>) dst(%arg4 : memref<4096xf32, #tpu.memory_space<hbm>>)
      %add3A_117 = arith.constant 2 : i32
      %add3A_118 = arith.addi %add3A_116, %add3A_117 : i32
      %mul3A_119 = arith.constant 4 : i32
      %mul3A_120 = arith.muli %add3A_118, %mul3A_119 : i32
      %add3A_121 = arith.addi %mul3A_2, %mul3A_120 : i32
      %scan3A_122 = arith.constant 0 : i32
      %scan3A_123 = arith.constant 0 : i32
      %scan3A_124 = arith.constant 4 : i32
      %scan3A_125 = arith.addi %scan3A_123, %scan3A_124 : i32
      %scan3A_126 = arith.constant 1 : i32
      %scan3A_127 = scf.for %scan3A_240 = %scan3A_123 to %scan3A_125 step %scan3A_126 iter_args(%scan3A_241 = %scan3A_122) -> (i32)  : i32 {
        %mul3A_242 = arith.constant 1024 : i32
        %mul3A_243 = arith.muli %scan3A_240, %mul3A_242 : i32
        %add3A_244 = arith.addi %add3A_121, %scan3A_240 : i32
        %dma_start3A = tpu.memref_slice %arg22[%mul3A_243] : memref<4096xf32, #tpu.memory_space<vmem>> -> memref<1024xf32, #tpu.memory_space<vmem>>
        %dma_start3A_245 = arith.constant 0 : i32
        %dma_start3A_246 = tpu.memref_slice %arg3[%add3A_244, %dma_start3A_245] : memref<8192x1024xf32, #tpu.memory_space<hbm>> -> memref<1x1024xf32, #tpu.memory_space<hbm>>
        %dma_start3A_247 = tpu.memref_squeeze %dma_start3A_246 : memref<1x1024xf32, #tpu.memory_space<hbm>> -> memref<1024xf32, #tpu.memory_space<hbm>>
        %dma_start3A_248 = tpu.memref_slice %arg22[%mul3A_243] : memref<4096xf32, #tpu.memory_space<vmem>> -> memref<1024xf32, #tpu.memory_space<vmem>>
        %dma_start3A_249 = arith.constant 0 : i32
        %dma_start3A_250 = tpu.memref_slice %arg3[%add3A_244, %dma_start3A_249] : memref<8192x1024xf32, #tpu.memory_space<hbm>> -> memref<1x1024xf32, #tpu.memory_space<hbm>>
        %dma_start3A_251 = tpu.memref_squeeze %dma_start3A_250 : memref<1x1024xf32, #tpu.memory_space<hbm>> -> memref<1024xf32, #tpu.memory_space<hbm>>
        tpu.enqueue_dma source(%dma_start3A_251 : memref<1024xf32, #tpu.memory_space<hbm>>) target(%dma_start3A_248 : memref<1024xf32, #tpu.memory_space<vmem>>) target_semaphore(%arg34 : memref<!tpu.dma_semaphore, #tpu.memory_space<semaphore_mem>>)
        %add3A_252 = arith.constant 0 : i32
        %add3A_253 = arith.addi %add3A_252, %add3A_121 : i32
        %add3A_254 = arith.addi %add3A_253, %scan3A_240 : i32
        %dma_start3A_255 = tpu.memref_slice %arg6[%mul3A_243] : memref<4096xf32, #tpu.memory_space<vmem>> -> memref<1024xf32, #tpu.memory_space<vmem>>
        %dma_start3A_256 = arith.constant 0 : i32
        %dma_start3A_257 = tpu.memref_slice %arg2[%add3A_254, %dma_start3A_256] : memref<16384x1024xf32, #tpu.memory_space<hbm>> -> memref<1x1024xf32, #tpu.memory_space<hbm>>
        %dma_start3A_258 = tpu.memref_squeeze %dma_start3A_257 : memref<1x1024xf32, #tpu.memory_space<hbm>> -> memref<1024xf32, #tpu.memory_space<hbm>>
        %dma_start3A_259 = tpu.memref_slice %arg6[%mul3A_243] : memref<4096xf32, #tpu.memory_space<vmem>> -> memref<1024xf32, #tpu.memory_space<vmem>>
        %dma_start3A_260 = arith.constant 0 : i32
        %dma_start3A_261 = tpu.memref_slice %arg2[%add3A_254, %dma_start3A_260] : memref<16384x1024xf32, #tpu.memory_space<hbm>> -> memref<1x1024xf32, #tpu.memory_space<hbm>>
        %dma_start3A_262 = tpu.memref_squeeze %dma_start3A_261 : memref<1x1024xf32, #tpu.memory_space<hbm>> -> memref<1024xf32, #tpu.memory_space<hbm>>
        tpu.enqueue_dma source(%dma_start3A_262 : memref<1024xf32, #tpu.memory_space<hbm>>) target(%dma_start3A_259 : memref<1024xf32, #tpu.memory_space<vmem>>) target_semaphore(%arg26 : memref<!tpu.dma_semaphore, #tpu.memory_space<semaphore_mem>>)
        %add3A_263 = arith.constant 4096 : i32
        %add3A_264 = arith.addi %add3A_263, %add3A_121 : i32
        %add3A_265 = arith.addi %add3A_264, %scan3A_240 : i32
        %dma_start3A_266 = tpu.memref_slice %arg7[%mul3A_243] : memref<4096xf32, #tpu.memory_space<vmem>> -> memref<1024xf32, #tpu.memory_space<vmem>>
        %dma_start3A_267 = arith.constant 0 : i32
        %dma_start3A_268 = tpu.memref_slice %arg2[%add3A_265, %dma_start3A_267] : memref<16384x1024xf32, #tpu.memory_space<hbm>> -> memref<1x1024xf32, #tpu.memory_space<hbm>>
        %dma_start3A_269 = tpu.memref_squeeze %dma_start3A_268 : memref<1x1024xf32, #tpu.memory_space<hbm>> -> memref<1024xf32, #tpu.memory_space<hbm>>
        %dma_start3A_270 = tpu.memref_slice %arg7[%mul3A_243] : memref<4096xf32, #tpu.memory_space<vmem>> -> memref<1024xf32, #tpu.memory_space<vmem>>
        %dma_start3A_271 = arith.constant 0 : i32
        %dma_start3A_272 = tpu.memref_slice %arg2[%add3A_265, %dma_start3A_271] : memref<16384x1024xf32, #tpu.memory_space<hbm>> -> memref<1x1024xf32, #tpu.memory_space<hbm>>
        %dma_start3A_273 = tpu.memref_squeeze %dma_start3A_272 : memref<1x1024xf32, #tpu.memory_space<hbm>> -> memref<1024xf32, #tpu.memory_space<hbm>>
        tpu.enqueue_dma source(%dma_start3A_273 : memref<1024xf32, #tpu.memory_space<hbm>>) target(%dma_start3A_270 : memref<1024xf32, #tpu.memory_space<vmem>>) target_semaphore(%arg26 : memref<!tpu.dma_semaphore, #tpu.memory_space<semaphore_mem>>)
        %add3A_274 = arith.constant 8192 : i32
        %add3A_275 = arith.addi %add3A_274, %add3A_121 : i32
        %add3A_276 = arith.addi %add3A_275, %scan3A_240 : i32
        %dma_start3A_277 = tpu.memref_slice %arg8[%mul3A_243] : memref<4096xf32, #tpu.memory_space<vmem>> -> memref<1024xf32, #tpu.memory_space<vmem>>
        %dma_start3A_278 = arith.constant 0 : i32
        %dma_start3A_279 = tpu.memref_slice %arg2[%add3A_276, %dma_start3A_278] : memref<16384x1024xf32, #tpu.memory_space<hbm>> -> memref<1x1024xf32, #tpu.memory_space<hbm>>
        %dma_start3A_280 = tpu.memref_squeeze %dma_start3A_279 : memref<1x1024xf32, #tpu.memory_space<hbm>> -> memref<1024xf32, #tpu.memory_space<hbm>>
        %dma_start3A_281 = tpu.memref_slice %arg8[%mul3A_243] : memref<4096xf32, #tpu.memory_space<vmem>> -> memref<1024xf32, #tpu.memory_space<vmem>>
        %dma_start3A_282 = arith.constant 0 : i32
        %dma_start3A_283 = tpu.memref_slice %arg2[%add3A_276, %dma_start3A_282] : memref<16384x1024xf32, #tpu.memory_space<hbm>> -> memref<1x1024xf32, #tpu.memory_space<hbm>>
        %dma_start3A_284 = tpu.memref_squeeze %dma_start3A_283 : memref<1x1024xf32, #tpu.memory_space<hbm>> -> memref<1024xf32, #tpu.memory_space<hbm>>
        tpu.enqueue_dma source(%dma_start3A_284 : memref<1024xf32, #tpu.memory_space<hbm>>) target(%dma_start3A_281 : memref<1024xf32, #tpu.memory_space<vmem>>) target_semaphore(%arg26 : memref<!tpu.dma_semaphore, #tpu.memory_space<semaphore_mem>>)
        %add3A_285 = arith.constant 12288 : i32
        %add3A_286 = arith.addi %add3A_285, %add3A_121 : i32
        %add3A_287 = arith.addi %add3A_286, %scan3A_240 : i32
        %dma_start3A_288 = tpu.memref_slice %arg9[%mul3A_243] : memref<4096xf32, #tpu.memory_space<vmem>> -> memref<1024xf32, #tpu.memory_space<vmem>>
        %dma_start3A_289 = arith.constant 0 : i32
        %dma_start3A_290 = tpu.memref_slice %arg2[%add3A_287, %dma_start3A_289] : memref<16384x1024xf32, #tpu.memory_space<hbm>> -> memref<1x1024xf32, #tpu.memory_space<hbm>>
        %dma_start3A_291 = tpu.memref_squeeze %dma_start3A_290 : memref<1x1024xf32, #tpu.memory_space<hbm>> -> memref<1024xf32, #tpu.memory_space<hbm>>
        %dma_start3A_292 = tpu.memref_slice %arg9[%mul3A_243] : memref<4096xf32, #tpu.memory_space<vmem>> -> memref<1024xf32, #tpu.memory_space<vmem>>
        %dma_start3A_293 = arith.constant 0 : i32
        %dma_start3A_294 = tpu.memref_slice %arg2[%add3A_287, %dma_start3A_293] : memref<16384x1024xf32, #tpu.memory_space<hbm>> -> memref<1x1024xf32, #tpu.memory_space<hbm>>
        %dma_start3A_295 = tpu.memref_squeeze %dma_start3A_294 : memref<1x1024xf32, #tpu.memory_space<hbm>> -> memref<1024xf32, #tpu.memory_space<hbm>>
        tpu.enqueue_dma source(%dma_start3A_295 : memref<1024xf32, #tpu.memory_space<hbm>>) target(%dma_start3A_292 : memref<1024xf32, #tpu.memory_space<vmem>>) target_semaphore(%arg26 : memref<!tpu.dma_semaphore, #tpu.memory_space<semaphore_mem>>)
        %scan3A_296 = arith.constant 0 : i32
        scf.yield %scan3A_296 : i32
      }
      %scan3A_128 = arith.constant 4 : i32
      %scan3A_129 = arith.constant 0 : i32
      %scan3A_130 = arith.constant 0 : i32
      %scan3A_131 = arith.constant 64 : i32
      %scan3A_132 = arith.addi %scan3A_130, %scan3A_131 : i32
      %scan3A_133 = arith.constant 1 : i32
      %scan3A_134 = scf.for %scan3A_240 = %scan3A_130 to %scan3A_132 step %scan3A_133 iter_args(%scan3A_241 = %scan3A_129) -> (i32)  : i32 {
        %mul3A_242 = arith.constant 64 : i32
        %mul3A_243 = arith.muli %scan3A_240, %mul3A_242 : i32
        %add3A_244 = arith.constant 0 : i32
        %add3A_245 = arith.addi %mul3A_243, %add3A_244 : i32
        %get3A = arith.index_cast %add3A_245 : i32 to index
        %get3A_246 = tpu.vector_load %arg24[%get3A] {strides = array<i32>} : memref<4096xf32, #tpu.memory_space<vmem>>, vector<16xf32>,
        %get3A_247 = vector.shape_cast %get3A_246 : vector<16xf32> to vector<16xf32>
        %swap3A = arith.index_cast %add3A_245 : i32 to index
        %swap3A_248 = tpu.vector_load %arg14[%swap3A] {strides = array<i32>} : memref<4096xf32, #tpu.memory_space<vmem>>, vector<16xf32>,
        %swap3A_249 = vector.shape_cast %swap3A_248 : vector<16xf32> to vector<16xf32>
        %swap3A_250 = vector.shape_cast %get3A_247 : vector<16xf32> to vector<16xf32>
        tpu.vector_store %arg14[%swap3A], %swap3A_250 {add = true, strides = array<i32>} : memref<4096xf32, #tpu.memory_space<vmem>>, vector<16xf32>,
        %swap3A_251 = arith.index_cast %add3A_245 : i32 to index
        %swap3A_252 = tpu.vector_load %arg15[%swap3A_251] {strides = array<i32>} : memref<4096xf32, #tpu.memory_space<vmem>>, vector<16xf32>,
        %swap3A_253 = vector.shape_cast %swap3A_252 : vector<16xf32> to vector<16xf32>
        %swap3A_254 = vector.shape_cast %get3A_247 : vector<16xf32> to vector<16xf32>
        tpu.vector_store %arg15[%swap3A_251], %swap3A_254 {add = true, strides = array<i32>} : memref<4096xf32, #tpu.memory_space<vmem>>, vector<16xf32>,
        %swap3A_255 = arith.index_cast %add3A_245 : i32 to index
        %swap3A_256 = tpu.vector_load %arg16[%swap3A_255] {strides = array<i32>} : memref<4096xf32, #tpu.memory_space<vmem>>, vector<16xf32>,
        %swap3A_257 = vector.shape_cast %swap3A_256 : vector<16xf32> to vector<16xf32>
        %swap3A_258 = vector.shape_cast %get3A_247 : vector<16xf32> to vector<16xf32>
        tpu.vector_store %arg16[%swap3A_255], %swap3A_258 {add = true, strides = array<i32>} : memref<4096xf32, #tpu.memory_space<vmem>>, vector<16xf32>,
        %swap3A_259 = arith.index_cast %add3A_245 : i32 to index
        %swap3A_260 = tpu.vector_load %arg17[%swap3A_259] {strides = array<i32>} : memref<4096xf32, #tpu.memory_space<vmem>>, vector<16xf32>,
        %swap3A_261 = vector.shape_cast %swap3A_260 : vector<16xf32> to vector<16xf32>
        %swap3A_262 = vector.shape_cast %get3A_247 : vector<16xf32> to vector<16xf32>
        tpu.vector_store %arg17[%swap3A_259], %swap3A_262 {add = true, strides = array<i32>} : memref<4096xf32, #tpu.memory_space<vmem>>, vector<16xf32>,
        %add3A_263 = arith.constant 16 : i32
        %add3A_264 = arith.addi %mul3A_243, %add3A_263 : i32
        %get3A_265 = arith.index_cast %add3A_264 : i32 to index
        %get3A_266 = tpu.vector_load %arg24[%get3A_265] {strides = array<i32>} : memref<4096xf32, #tpu.memory_space<vmem>>, vector<16xf32>,
        %get3A_267 = vector.shape_cast %get3A_266 : vector<16xf32> to vector<16xf32>
        %swap3A_268 = arith.index_cast %add3A_264 : i32 to index
        %swap3A_269 = tpu.vector_load %arg14[%swap3A_268] {strides = array<i32>} : memref<4096xf32, #tpu.memory_space<vmem>>, vector<16xf32>,
        %swap3A_270 = vector.shape_cast %swap3A_269 : vector<16xf32> to vector<16xf32>
        %swap3A_271 = vector.shape_cast %get3A_267 : vector<16xf32> to vector<16xf32>
        tpu.vector_store %arg14[%swap3A_268], %swap3A_271 {add = true, strides = array<i32>} : memref<4096xf32, #tpu.memory_space<vmem>>, vector<16xf32>,
        %swap3A_272 = arith.index_cast %add3A_264 : i32 to index
        %swap3A_273 = tpu.vector_load %arg15[%swap3A_272] {strides = array<i32>} : memref<4096xf32, #tpu.memory_space<vmem>>, vector<16xf32>,
        %swap3A_274 = vector.shape_cast %swap3A_273 : vector<16xf32> to vector<16xf32>
        %swap3A_275 = vector.shape_cast %get3A_267 : vector<16xf32> to vector<16xf32>
        tpu.vector_store %arg15[%swap3A_272], %swap3A_275 {add = true, strides = array<i32>} : memref<4096xf32, #tpu.memory_space<vmem>>, vector<16xf32>,
        %swap3A_276 = arith.index_cast %add3A_264 : i32 to index
        %swap3A_277 = tpu.vector_load %arg16[%swap3A_276] {strides = array<i32>} : memref<4096xf32, #tpu.memory_space<vmem>>, vector<16xf32>,
        %swap3A_278 = vector.shape_cast %swap3A_277 : vector<16xf32> to vector<16xf32>
        %swap3A_279 = vector.shape_cast %get3A_267 : vector<16xf32> to vector<16xf32>
        tpu.vector_store %arg16[%swap3A_276], %swap3A_279 {add = true, strides = array<i32>} : memref<4096xf32, #tpu.memory_space<vmem>>, vector<16xf32>,
        %swap3A_280 = arith.index_cast %add3A_264 : i32 to index
        %swap3A_281 = tpu.vector_load %arg17[%swap3A_280] {strides = array<i32>} : memref<4096xf32, #tpu.memory_space<vmem>>, vector<16xf32>,
        %swap3A_282 = vector.shape_cast %swap3A_281 : vector<16xf32> to vector<16xf32>
        %swap3A_283 = vector.shape_cast %get3A_267 : vector<16xf32> to vector<16xf32>
        tpu.vector_store %arg17[%swap3A_280], %swap3A_283 {add = true, strides = array<i32>} : memref<4096xf32, #tpu.memory_space<vmem>>, vector<16xf32>,
        %add3A_284 = arith.constant 32 : i32
        %add3A_285 = arith.addi %mul3A_243, %add3A_284 : i32
        %get3A_286 = arith.index_cast %add3A_285 : i32 to index
        %get3A_287 = tpu.vector_load %arg24[%get3A_286] {strides = array<i32>} : memref<4096xf32, #tpu.memory_space<vmem>>, vector<16xf32>,
        %get3A_288 = vector.shape_cast %get3A_287 : vector<16xf32> to vector<16xf32>
        %swap3A_289 = arith.index_cast %add3A_285 : i32 to index
        %swap3A_290 = tpu.vector_load %arg14[%swap3A_289] {strides = array<i32>} : memref<4096xf32, #tpu.memory_space<vmem>>, vector<16xf32>,
        %swap3A_291 = vector.shape_cast %swap3A_290 : vector<16xf32> to vector<16xf32>
        %swap3A_292 = vector.shape_cast %get3A_288 : vector<16xf32> to vector<16xf32>
        tpu.vector_store %arg14[%swap3A_289], %swap3A_292 {add = true, strides = array<i32>} : memref<4096xf32, #tpu.memory_space<vmem>>, vector<16xf32>,
        %swap3A_293 = arith.index_cast %add3A_285 : i32 to index
        %swap3A_294 = tpu.vector_load %arg15[%swap3A_293] {strides = array<i32>} : memref<4096xf32, #tpu.memory_space<vmem>>, vector<16xf32>,
        %swap3A_295 = vector.shape_cast %swap3A_294 : vector<16xf32> to vector<16xf32>
        %swap3A_296 = vector.shape_cast %get3A_288 : vector<16xf32> to vector<16xf32>
        tpu.vector_store %arg15[%swap3A_293], %swap3A_296 {add = true, strides = array<i32>} : memref<4096xf32, #tpu.memory_space<vmem>>, vector<16xf32>,
        %swap3A_297 = arith.index_cast %add3A_285 : i32 to index
        %swap3A_298 = tpu.vector_load %arg16[%swap3A_297] {strides = array<i32>} : memref<4096xf32, #tpu.memory_space<vmem>>, vector<16xf32>,
        %swap3A_299 = vector.shape_cast %swap3A_298 : vector<16xf32> to vector<16xf32>
        %swap3A_300 = vector.shape_cast %get3A_288 : vector<16xf32> to vector<16xf32>
        tpu.vector_store %arg16[%swap3A_297], %swap3A_300 {add = true, strides = array<i32>} : memref<4096xf32, #tpu.memory_space<vmem>>, vector<16xf32>,
        %swap3A_301 = arith.index_cast %add3A_285 : i32 to index
        %swap3A_302 = tpu.vector_load %arg17[%swap3A_301] {strides = array<i32>} : memref<4096xf32, #tpu.memory_space<vmem>>, vector<16xf32>,
        %swap3A_303 = vector.shape_cast %swap3A_302 : vector<16xf32> to vector<16xf32>
        %swap3A_304 = vector.shape_cast %get3A_288 : vector<16xf32> to vector<16xf32>
        tpu.vector_store %arg17[%swap3A_301], %swap3A_304 {add = true, strides = array<i32>} : memref<4096xf32, #tpu.memory_space<vmem>>, vector<16xf32>,
        %add3A_305 = arith.constant 48 : i32
        %add3A_306 = arith.addi %mul3A_243, %add3A_305 : i32
        %get3A_307 = arith.index_cast %add3A_306 : i32 to index
        %get3A_308 = tpu.vector_load %arg24[%get3A_307] {strides = array<i32>} : memref<4096xf32, #tpu.memory_space<vmem>>, vector<16xf32>,
        %get3A_309 = vector.shape_cast %get3A_308 : vector<16xf32> to vector<16xf32>
        %swap3A_310 = arith.index_cast %add3A_306 : i32 to index
        %swap3A_311 = tpu.vector_load %arg14[%swap3A_310] {strides = array<i32>} : memref<4096xf32, #tpu.memory_space<vmem>>, vector<16xf32>,
        %swap3A_312 = vector.shape_cast %swap3A_311 : vector<16xf32> to vector<16xf32>
        %swap3A_313 = vector.shape_cast %get3A_309 : vector<16xf32> to vector<16xf32>
        tpu.vector_store %arg14[%swap3A_310], %swap3A_313 {add = true, strides = array<i32>} : memref<4096xf32, #tpu.memory_space<vmem>>, vector<16xf32>,
        %swap3A_314 = arith.index_cast %add3A_306 : i32 to index
        %swap3A_315 = tpu.vector_load %arg15[%swap3A_314] {strides = array<i32>} : memref<4096xf32, #tpu.memory_space<vmem>>, vector<16xf32>,
        %swap3A_316 = vector.shape_cast %swap3A_315 : vector<16xf32> to vector<16xf32>
        %swap3A_317 = vector.shape_cast %get3A_309 : vector<16xf32> to vector<16xf32>
        tpu.vector_store %arg15[%swap3A_314], %swap3A_317 {add = true, strides = array<i32>} : memref<4096xf32, #tpu.memory_space<vmem>>, vector<16xf32>,
        %swap3A_318 = arith.index_cast %add3A_306 : i32 to index
        %swap3A_319 = tpu.vector_load %arg16[%swap3A_318] {strides = array<i32>} : memref<4096xf32, #tpu.memory_space<vmem>>, vector<16xf32>,
        %swap3A_320 = vector.shape_cast %swap3A_319 : vector<16xf32> to vector<16xf32>
        %swap3A_321 = vector.shape_cast %get3A_309 : vector<16xf32> to vector<16xf32>
        tpu.vector_store %arg16[%swap3A_318], %swap3A_321 {add = true, strides = array<i32>} : memref<4096xf32, #tpu.memory_space<vmem>>, vector<16xf32>,
        %swap3A_322 = arith.index_cast %add3A_306 : i32 to index
        %swap3A_323 = tpu.vector_load %arg17[%swap3A_322] {strides = array<i32>} : memref<4096xf32, #tpu.memory_space<vmem>>, vector<16xf32>,
        %swap3A_324 = vector.shape_cast %swap3A_323 : vector<16xf32> to vector<16xf32>
        %swap3A_325 = vector.shape_cast %get3A_309 : vector<16xf32> to vector<16xf32>
        tpu.vector_store %arg17[%swap3A_322], %swap3A_325 {add = true, strides = array<i32>} : memref<4096xf32, #tpu.memory_space<vmem>>, vector<16xf32>,
        %scan3A_326 = arith.constant 0 : i32
        scf.yield %scan3A_326 : i32
      }
      %scan3A_135 = arith.constant 64 : i32
      %mul3A_136 = arith.constant 4 : i32
      %mul3A_137 = arith.muli %add3A_116, %mul3A_136 : i32
      %add3A_138 = arith.addi %mul3A_2, %mul3A_137 : i32
      %scan3A_139 = arith.constant 0 : i32
      %scan3A_140 = arith.constant 0 : i32
      %scan3A_141 = arith.constant 4 : i32
      %scan3A_142 = arith.addi %scan3A_140, %scan3A_141 : i32
      %scan3A_143 = arith.constant 1 : i32
      %scan3A_144 = scf.for %scan3A_240 = %scan3A_140 to %scan3A_142 step %scan3A_143 iter_args(%scan3A_241 = %scan3A_139) -> (i32)  : i32 {
        %mul3A_242 = arith.constant 1024 : i32
        %mul3A_243 = arith.muli %scan3A_240, %mul3A_242 : i32
        %add3A_244 = arith.constant 0 : i32
        %add3A_245 = arith.addi %add3A_244, %add3A_138 : i32
        %add3A_246 = arith.addi %add3A_245, %scan3A_240 : i32
        %dma_start3A = tpu.memref_slice %arg14[%mul3A_243] : memref<4096xf32, #tpu.memory_space<vmem>> -> memref<1024xf32, #tpu.memory_space<vmem>>
        %dma_start3A_247 = arith.constant 0 : i32
        %dma_start3A_248 = tpu.memref_slice %arg5[%add3A_246, %dma_start3A_247] : memref<16384x1024xf32, #tpu.memory_space<hbm>> -> memref<1x1024xf32, #tpu.memory_space<hbm>>
        %dma_start3A_249 = tpu.memref_squeeze %dma_start3A_248 : memref<1x1024xf32, #tpu.memory_space<hbm>> -> memref<1024xf32, #tpu.memory_space<hbm>>
        %dma_start3A_250 = arith.constant 0 : i32
        %dma_start3A_251 = tpu.memref_slice %arg5[%add3A_246, %dma_start3A_250] : memref<16384x1024xf32, #tpu.memory_space<hbm>> -> memref<1x1024xf32, #tpu.memory_space<hbm>>
        %dma_start3A_252 = tpu.memref_squeeze %dma_start3A_251 : memref<1x1024xf32, #tpu.memory_space<hbm>> -> memref<1024xf32, #tpu.memory_space<hbm>>
        %dma_start3A_253 = tpu.memref_slice %arg14[%mul3A_243] : memref<4096xf32, #tpu.memory_space<vmem>> -> memref<1024xf32, #tpu.memory_space<vmem>>
        tpu.enqueue_dma source(%dma_start3A_253 : memref<1024xf32, #tpu.memory_space<vmem>>) target(%dma_start3A_252 : memref<1024xf32, #tpu.memory_space<hbm>>) target_semaphore(%arg32 : memref<!tpu.dma_semaphore, #tpu.memory_space<semaphore_mem>>)
        %add3A_254 = arith.constant 4096 : i32
        %add3A_255 = arith.addi %add3A_254, %add3A_138 : i32
        %add3A_256 = arith.addi %add3A_255, %scan3A_240 : i32
        %dma_start3A_257 = tpu.memref_slice %arg15[%mul3A_243] : memref<4096xf32, #tpu.memory_space<vmem>> -> memref<1024xf32, #tpu.memory_space<vmem>>
        %dma_start3A_258 = arith.constant 0 : i32
        %dma_start3A_259 = tpu.memref_slice %arg5[%add3A_256, %dma_start3A_258] : memref<16384x1024xf32, #tpu.memory_space<hbm>> -> memref<1x1024xf32, #tpu.memory_space<hbm>>
        %dma_start3A_260 = tpu.memref_squeeze %dma_start3A_259 : memref<1x1024xf32, #tpu.memory_space<hbm>> -> memref<1024xf32, #tpu.memory_space<hbm>>
        %dma_start3A_261 = arith.constant 0 : i32
        %dma_start3A_262 = tpu.memref_slice %arg5[%add3A_256, %dma_start3A_261] : memref<16384x1024xf32, #tpu.memory_space<hbm>> -> memref<1x1024xf32, #tpu.memory_space<hbm>>
        %dma_start3A_263 = tpu.memref_squeeze %dma_start3A_262 : memref<1x1024xf32, #tpu.memory_space<hbm>> -> memref<1024xf32, #tpu.memory_space<hbm>>
        %dma_start3A_264 = tpu.memref_slice %arg15[%mul3A_243] : memref<4096xf32, #tpu.memory_space<vmem>> -> memref<1024xf32, #tpu.memory_space<vmem>>
        tpu.enqueue_dma source(%dma_start3A_264 : memref<1024xf32, #tpu.memory_space<vmem>>) target(%dma_start3A_263 : memref<1024xf32, #tpu.memory_space<hbm>>) target_semaphore(%arg32 : memref<!tpu.dma_semaphore, #tpu.memory_space<semaphore_mem>>)
        %add3A_265 = arith.constant 8192 : i32
        %add3A_266 = arith.addi %add3A_265, %add3A_138 : i32
        %add3A_267 = arith.addi %add3A_266, %scan3A_240 : i32
        %dma_start3A_268 = tpu.memref_slice %arg16[%mul3A_243] : memref<4096xf32, #tpu.memory_space<vmem>> -> memref<1024xf32, #tpu.memory_space<vmem>>
        %dma_start3A_269 = arith.constant 0 : i32
        %dma_start3A_270 = tpu.memref_slice %arg5[%add3A_267, %dma_start3A_269] : memref<16384x1024xf32, #tpu.memory_space<hbm>> -> memref<1x1024xf32, #tpu.memory_space<hbm>>
        %dma_start3A_271 = tpu.memref_squeeze %dma_start3A_270 : memref<1x1024xf32, #tpu.memory_space<hbm>> -> memref<1024xf32, #tpu.memory_space<hbm>>
        %dma_start3A_272 = arith.constant 0 : i32
        %dma_start3A_273 = tpu.memref_slice %arg5[%add3A_267, %dma_start3A_272] : memref<16384x1024xf32, #tpu.memory_space<hbm>> -> memref<1x1024xf32, #tpu.memory_space<hbm>>
        %dma_start3A_274 = tpu.memref_squeeze %dma_start3A_273 : memref<1x1024xf32, #tpu.memory_space<hbm>> -> memref<1024xf32, #tpu.memory_space<hbm>>
        %dma_start3A_275 = tpu.memref_slice %arg16[%mul3A_243] : memref<4096xf32, #tpu.memory_space<vmem>> -> memref<1024xf32, #tpu.memory_space<vmem>>
        tpu.enqueue_dma source(%dma_start3A_275 : memref<1024xf32, #tpu.memory_space<vmem>>) target(%dma_start3A_274 : memref<1024xf32, #tpu.memory_space<hbm>>) target_semaphore(%arg32 : memref<!tpu.dma_semaphore, #tpu.memory_space<semaphore_mem>>)
        %add3A_276 = arith.constant 12288 : i32
        %add3A_277 = arith.addi %add3A_276, %add3A_138 : i32
        %add3A_278 = arith.addi %add3A_277, %scan3A_240 : i32
        %dma_start3A_279 = tpu.memref_slice %arg17[%mul3A_243] : memref<4096xf32, #tpu.memory_space<vmem>> -> memref<1024xf32, #tpu.memory_space<vmem>>
        %dma_start3A_280 = arith.constant 0 : i32
        %dma_start3A_281 = tpu.memref_slice %arg5[%add3A_278, %dma_start3A_280] : memref<16384x1024xf32, #tpu.memory_space<hbm>> -> memref<1x1024xf32, #tpu.memory_space<hbm>>
        %dma_start3A_282 = tpu.memref_squeeze %dma_start3A_281 : memref<1x1024xf32, #tpu.memory_space<hbm>> -> memref<1024xf32, #tpu.memory_space<hbm>>
        %dma_start3A_283 = arith.constant 0 : i32
        %dma_start3A_284 = tpu.memref_slice %arg5[%add3A_278, %dma_start3A_283] : memref<16384x1024xf32, #tpu.memory_space<hbm>> -> memref<1x1024xf32, #tpu.memory_space<hbm>>
        %dma_start3A_285 = tpu.memref_squeeze %dma_start3A_284 : memref<1x1024xf32, #tpu.memory_space<hbm>> -> memref<1024xf32, #tpu.memory_space<hbm>>
        %dma_start3A_286 = tpu.memref_slice %arg17[%mul3A_243] : memref<4096xf32, #tpu.memory_space<vmem>> -> memref<1024xf32, #tpu.memory_space<vmem>>
        tpu.enqueue_dma source(%dma_start3A_286 : memref<1024xf32, #tpu.memory_space<vmem>>) target(%dma_start3A_285 : memref<1024xf32, #tpu.memory_space<hbm>>) target_semaphore(%arg32 : memref<!tpu.dma_semaphore, #tpu.memory_space<semaphore_mem>>)
        %scan3A_287 = arith.constant 0 : i32
        scf.yield %scan3A_287 : i32
      }
      %scan3A_145 = arith.constant 4 : i32
      %add3A_146 = arith.constant 1 : i32
      %add3A_147 = arith.addi %add3A_114, %add3A_146 : i32
      tpu.wait_dma2 semaphore(%arg37 : memref<!tpu.dma_semaphore, #tpu.memory_space<semaphore_mem>>) src(%arg4 : memref<4096xf32, #tpu.memory_space<hbm>>) dst(%arg25 : memref<4096xf32, #tpu.memory_space<vmem>>)
      tpu.wait_dma2 semaphore(%arg29 : memref<!tpu.dma_semaphore, #tpu.memory_space<semaphore_mem>>) src(%arg4 : memref<4096xf32, #tpu.memory_space<hbm>>) dst(%arg18 : memref<4096xf32, #tpu.memory_space<vmem>>)
      tpu.wait_dma2 semaphore(%arg29 : memref<!tpu.dma_semaphore, #tpu.memory_space<semaphore_mem>>) src(%arg4 : memref<4096xf32, #tpu.memory_space<hbm>>) dst(%arg19 : memref<4096xf32, #tpu.memory_space<vmem>>)
      tpu.wait_dma2 semaphore(%arg29 : memref<!tpu.dma_semaphore, #tpu.memory_space<semaphore_mem>>) src(%arg4 : memref<4096xf32, #tpu.memory_space<hbm>>) dst(%arg20 : memref<4096xf32, #tpu.memory_space<vmem>>)
      tpu.wait_dma2 semaphore(%arg29 : memref<!tpu.dma_semaphore, #tpu.memory_space<semaphore_mem>>) src(%arg4 : memref<4096xf32, #tpu.memory_space<hbm>>) dst(%arg21 : memref<4096xf32, #tpu.memory_space<vmem>>)
      tpu.wait_dma2 semaphore(%arg31 : memref<!tpu.dma_semaphore, #tpu.memory_space<semaphore_mem>>) src(%arg10 : memref<4096xf32, #tpu.memory_space<vmem>>) dst(%arg4 : memref<4096xf32, #tpu.memory_space<hbm>>)
      tpu.wait_dma2 semaphore(%arg31 : memref<!tpu.dma_semaphore, #tpu.memory_space<semaphore_mem>>) src(%arg11 : memref<4096xf32, #tpu.memory_space<vmem>>) dst(%arg4 : memref<4096xf32, #tpu.memory_space<hbm>>)
      tpu.wait_dma2 semaphore(%arg31 : memref<!tpu.dma_semaphore, #tpu.memory_space<semaphore_mem>>) src(%arg12 : memref<4096xf32, #tpu.memory_space<vmem>>) dst(%arg4 : memref<4096xf32, #tpu.memory_space<hbm>>)
      tpu.wait_dma2 semaphore(%arg31 : memref<!tpu.dma_semaphore, #tpu.memory_space<semaphore_mem>>) src(%arg13 : memref<4096xf32, #tpu.memory_space<vmem>>) dst(%arg4 : memref<4096xf32, #tpu.memory_space<hbm>>)
      %add3A_148 = arith.constant 2 : i32
      %add3A_149 = arith.addi %add3A_147, %add3A_148 : i32
      %mul3A_150 = arith.constant 4 : i32
      %mul3A_151 = arith.muli %add3A_149, %mul3A_150 : i32
      %add3A_152 = arith.addi %mul3A_2, %mul3A_151 : i32
      %scan3A_153 = arith.constant 0 : i32
      %scan3A_154 = arith.constant 0 : i32
      %scan3A_155 = arith.constant 4 : i32
      %scan3A_156 = arith.addi %scan3A_154, %scan3A_155 : i32
      %scan3A_157 = arith.constant 1 : i32
      %scan3A_158 = scf.for %scan3A_240 = %scan3A_154 to %scan3A_156 step %scan3A_157 iter_args(%scan3A_241 = %scan3A_153) -> (i32)  : i32 {
        %mul3A_242 = arith.constant 1024 : i32
        %mul3A_243 = arith.muli %scan3A_240, %mul3A_242 : i32
        %add3A_244 = arith.addi %add3A_152, %scan3A_240 : i32
        %dma_start3A = tpu.memref_slice %arg23[%mul3A_243] : memref<4096xf32, #tpu.memory_space<vmem>> -> memref<1024xf32, #tpu.memory_space<vmem>>
        %dma_start3A_245 = arith.constant 0 : i32
        %dma_start3A_246 = tpu.memref_slice %arg3[%add3A_244, %dma_start3A_245] : memref<8192x1024xf32, #tpu.memory_space<hbm>> -> memref<1x1024xf32, #tpu.memory_space<hbm>>
        %dma_start3A_247 = tpu.memref_squeeze %dma_start3A_246 : memref<1x1024xf32, #tpu.memory_space<hbm>> -> memref<1024xf32, #tpu.memory_space<hbm>>
        %dma_start3A_248 = tpu.memref_slice %arg23[%mul3A_243] : memref<4096xf32, #tpu.memory_space<vmem>> -> memref<1024xf32, #tpu.memory_space<vmem>>
        %dma_start3A_249 = arith.constant 0 : i32
        %dma_start3A_250 = tpu.memref_slice %arg3[%add3A_244, %dma_start3A_249] : memref<8192x1024xf32, #tpu.memory_space<hbm>> -> memref<1x1024xf32, #tpu.memory_space<hbm>>
        %dma_start3A_251 = tpu.memref_squeeze %dma_start3A_250 : memref<1x1024xf32, #tpu.memory_space<hbm>> -> memref<1024xf32, #tpu.memory_space<hbm>>
        tpu.enqueue_dma source(%dma_start3A_251 : memref<1024xf32, #tpu.memory_space<hbm>>) target(%dma_start3A_248 : memref<1024xf32, #tpu.memory_space<vmem>>) target_semaphore(%arg35 : memref<!tpu.dma_semaphore, #tpu.memory_space<semaphore_mem>>)
        %add3A_252 = arith.constant 0 : i32
        %add3A_253 = arith.addi %add3A_252, %add3A_152 : i32
        %add3A_254 = arith.addi %add3A_253, %scan3A_240 : i32
        %dma_start3A_255 = tpu.memref_slice %arg10[%mul3A_243] : memref<4096xf32, #tpu.memory_space<vmem>> -> memref<1024xf32, #tpu.memory_space<vmem>>
        %dma_start3A_256 = arith.constant 0 : i32
        %dma_start3A_257 = tpu.memref_slice %arg2[%add3A_254, %dma_start3A_256] : memref<16384x1024xf32, #tpu.memory_space<hbm>> -> memref<1x1024xf32, #tpu.memory_space<hbm>>
        %dma_start3A_258 = tpu.memref_squeeze %dma_start3A_257 : memref<1x1024xf32, #tpu.memory_space<hbm>> -> memref<1024xf32, #tpu.memory_space<hbm>>
        %dma_start3A_259 = tpu.memref_slice %arg10[%mul3A_243] : memref<4096xf32, #tpu.memory_space<vmem>> -> memref<1024xf32, #tpu.memory_space<vmem>>
        %dma_start3A_260 = arith.constant 0 : i32
        %dma_start3A_261 = tpu.memref_slice %arg2[%add3A_254, %dma_start3A_260] : memref<16384x1024xf32, #tpu.memory_space<hbm>> -> memref<1x1024xf32, #tpu.memory_space<hbm>>
        %dma_start3A_262 = tpu.memref_squeeze %dma_start3A_261 : memref<1x1024xf32, #tpu.memory_space<hbm>> -> memref<1024xf32, #tpu.memory_space<hbm>>
        tpu.enqueue_dma source(%dma_start3A_262 : memref<1024xf32, #tpu.memory_space<hbm>>) target(%dma_start3A_259 : memref<1024xf32, #tpu.memory_space<vmem>>) target_semaphore(%arg27 : memref<!tpu.dma_semaphore, #tpu.memory_space<semaphore_mem>>)
        %add3A_263 = arith.constant 4096 : i32
        %add3A_264 = arith.addi %add3A_263, %add3A_152 : i32
        %add3A_265 = arith.addi %add3A_264, %scan3A_240 : i32
        %dma_start3A_266 = tpu.memref_slice %arg11[%mul3A_243] : memref<4096xf32, #tpu.memory_space<vmem>> -> memref<1024xf32, #tpu.memory_space<vmem>>
        %dma_start3A_267 = arith.constant 0 : i32
        %dma_start3A_268 = tpu.memref_slice %arg2[%add3A_265, %dma_start3A_267] : memref<16384x1024xf32, #tpu.memory_space<hbm>> -> memref<1x1024xf32, #tpu.memory_space<hbm>>
        %dma_start3A_269 = tpu.memref_squeeze %dma_start3A_268 : memref<1x1024xf32, #tpu.memory_space<hbm>> -> memref<1024xf32, #tpu.memory_space<hbm>>
        %dma_start3A_270 = tpu.memref_slice %arg11[%mul3A_243] : memref<4096xf32, #tpu.memory_space<vmem>> -> memref<1024xf32, #tpu.memory_space<vmem>>
        %dma_start3A_271 = arith.constant 0 : i32
        %dma_start3A_272 = tpu.memref_slice %arg2[%add3A_265, %dma_start3A_271] : memref<16384x1024xf32, #tpu.memory_space<hbm>> -> memref<1x1024xf32, #tpu.memory_space<hbm>>
        %dma_start3A_273 = tpu.memref_squeeze %dma_start3A_272 : memref<1x1024xf32, #tpu.memory_space<hbm>> -> memref<1024xf32, #tpu.memory_space<hbm>>
        tpu.enqueue_dma source(%dma_start3A_273 : memref<1024xf32, #tpu.memory_space<hbm>>) target(%dma_start3A_270 : memref<1024xf32, #tpu.memory_space<vmem>>) target_semaphore(%arg27 : memref<!tpu.dma_semaphore, #tpu.memory_space<semaphore_mem>>)
        %add3A_274 = arith.constant 8192 : i32
        %add3A_275 = arith.addi %add3A_274, %add3A_152 : i32
        %add3A_276 = arith.addi %add3A_275, %scan3A_240 : i32
        %dma_start3A_277 = tpu.memref_slice %arg12[%mul3A_243] : memref<4096xf32, #tpu.memory_space<vmem>> -> memref<1024xf32, #tpu.memory_space<vmem>>
        %dma_start3A_278 = arith.constant 0 : i32
        %dma_start3A_279 = tpu.memref_slice %arg2[%add3A_276, %dma_start3A_278] : memref<16384x1024xf32, #tpu.memory_space<hbm>> -> memref<1x1024xf32, #tpu.memory_space<hbm>>
        %dma_start3A_280 = tpu.memref_squeeze %dma_start3A_279 : memref<1x1024xf32, #tpu.memory_space<hbm>> -> memref<1024xf32, #tpu.memory_space<hbm>>
        %dma_start3A_281 = tpu.memref_slice %arg12[%mul3A_243] : memref<4096xf32, #tpu.memory_space<vmem>> -> memref<1024xf32, #tpu.memory_space<vmem>>
        %dma_start3A_282 = arith.constant 0 : i32
        %dma_start3A_283 = tpu.memref_slice %arg2[%add3A_276, %dma_start3A_282] : memref<16384x1024xf32, #tpu.memory_space<hbm>> -> memref<1x1024xf32, #tpu.memory_space<hbm>>
        %dma_start3A_284 = tpu.memref_squeeze %dma_start3A_283 : memref<1x1024xf32, #tpu.memory_space<hbm>> -> memref<1024xf32, #tpu.memory_space<hbm>>
        tpu.enqueue_dma source(%dma_start3A_284 : memref<1024xf32, #tpu.memory_space<hbm>>) target(%dma_start3A_281 : memref<1024xf32, #tpu.memory_space<vmem>>) target_semaphore(%arg27 : memref<!tpu.dma_semaphore, #tpu.memory_space<semaphore_mem>>)
        %add3A_285 = arith.constant 12288 : i32
        %add3A_286 = arith.addi %add3A_285, %add3A_152 : i32
        %add3A_287 = arith.addi %add3A_286, %scan3A_240 : i32
        %dma_start3A_288 = tpu.memref_slice %arg13[%mul3A_243] : memref<4096xf32, #tpu.memory_space<vmem>> -> memref<1024xf32, #tpu.memory_space<vmem>>
        %dma_start3A_289 = arith.constant 0 : i32
        %dma_start3A_290 = tpu.memref_slice %arg2[%add3A_287, %dma_start3A_289] : memref<16384x1024xf32, #tpu.memory_space<hbm>> -> memref<1x1024xf32, #tpu.memory_space<hbm>>
        %dma_start3A_291 = tpu.memref_squeeze %dma_start3A_290 : memref<1x1024xf32, #tpu.memory_space<hbm>> -> memref<1024xf32, #tpu.memory_space<hbm>>
        %dma_start3A_292 = tpu.memref_slice %arg13[%mul3A_243] : memref<4096xf32, #tpu.memory_space<vmem>> -> memref<1024xf32, #tpu.memory_space<vmem>>
        %dma_start3A_293 = arith.constant 0 : i32
        %dma_start3A_294 = tpu.memref_slice %arg2[%add3A_287, %dma_start3A_293] : memref<16384x1024xf32, #tpu.memory_space<hbm>> -> memref<1x1024xf32, #tpu.memory_space<hbm>>
        %dma_start3A_295 = tpu.memref_squeeze %dma_start3A_294 : memref<1x1024xf32, #tpu.memory_space<hbm>> -> memref<1024xf32, #tpu.memory_space<hbm>>
        tpu.enqueue_dma source(%dma_start3A_295 : memref<1024xf32, #tpu.memory_space<hbm>>) target(%dma_start3A_292 : memref<1024xf32, #tpu.memory_space<vmem>>) target_semaphore(%arg27 : memref<!tpu.dma_semaphore, #tpu.memory_space<semaphore_mem>>)
        %scan3A_296 = arith.constant 0 : i32
        scf.yield %scan3A_296 : i32
      }
      %scan3A_159 = arith.constant 4 : i32
      %scan3A_160 = arith.constant 0 : i32
      %scan3A_161 = arith.constant 0 : i32
      %scan3A_162 = arith.constant 64 : i32
      %scan3A_163 = arith.addi %scan3A_161, %scan3A_162 : i32
      %scan3A_164 = arith.constant 1 : i32
      %scan3A_165 = scf.for %scan3A_240 = %scan3A_161 to %scan3A_163 step %scan3A_164 iter_args(%scan3A_241 = %scan3A_160) -> (i32)  : i32 {
        %mul3A_242 = arith.constant 64 : i32
        %mul3A_243 = arith.muli %scan3A_240, %mul3A_242 : i32
        %add3A_244 = arith.constant 0 : i32
        %add3A_245 = arith.addi %mul3A_243, %add3A_244 : i32
        %get3A = arith.index_cast %add3A_245 : i32 to index
        %get3A_246 = tpu.vector_load %arg25[%get3A] {strides = array<i32>} : memref<4096xf32, #tpu.memory_space<vmem>>, vector<16xf32>,
        %get3A_247 = vector.shape_cast %get3A_246 : vector<16xf32> to vector<16xf32>
        %swap3A = arith.index_cast %add3A_245 : i32 to index
        %swap3A_248 = tpu.vector_load %arg18[%swap3A] {strides = array<i32>} : memref<4096xf32, #tpu.memory_space<vmem>>, vector<16xf32>,
        %swap3A_249 = vector.shape_cast %swap3A_248 : vector<16xf32> to vector<16xf32>
        %swap3A_250 = vector.shape_cast %get3A_247 : vector<16xf32> to vector<16xf32>
        tpu.vector_store %arg18[%swap3A], %swap3A_250 {add = true, strides = array<i32>} : memref<4096xf32, #tpu.memory_space<vmem>>, vector<16xf32>,
        %swap3A_251 = arith.index_cast %add3A_245 : i32 to index
        %swap3A_252 = tpu.vector_load %arg19[%swap3A_251] {strides = array<i32>} : memref<4096xf32, #tpu.memory_space<vmem>>, vector<16xf32>,
        %swap3A_253 = vector.shape_cast %swap3A_252 : vector<16xf32> to vector<16xf32>
        %swap3A_254 = vector.shape_cast %get3A_247 : vector<16xf32> to vector<16xf32>
        tpu.vector_store %arg19[%swap3A_251], %swap3A_254 {add = true, strides = array<i32>} : memref<4096xf32, #tpu.memory_space<vmem>>, vector<16xf32>,
        %swap3A_255 = arith.index_cast %add3A_245 : i32 to index
        %swap3A_256 = tpu.vector_load %arg20[%swap3A_255] {strides = array<i32>} : memref<4096xf32, #tpu.memory_space<vmem>>, vector<16xf32>,
        %swap3A_257 = vector.shape_cast %swap3A_256 : vector<16xf32> to vector<16xf32>
        %swap3A_258 = vector.shape_cast %get3A_247 : vector<16xf32> to vector<16xf32>
        tpu.vector_store %arg20[%swap3A_255], %swap3A_258 {add = true, strides = array<i32>} : memref<4096xf32, #tpu.memory_space<vmem>>, vector<16xf32>,
        %swap3A_259 = arith.index_cast %add3A_245 : i32 to index
        %swap3A_260 = tpu.vector_load %arg21[%swap3A_259] {strides = array<i32>} : memref<4096xf32, #tpu.memory_space<vmem>>, vector<16xf32>,
        %swap3A_261 = vector.shape_cast %swap3A_260 : vector<16xf32> to vector<16xf32>
        %swap3A_262 = vector.shape_cast %get3A_247 : vector<16xf32> to vector<16xf32>
        tpu.vector_store %arg21[%swap3A_259], %swap3A_262 {add = true, strides = array<i32>} : memref<4096xf32, #tpu.memory_space<vmem>>, vector<16xf32>,
        %add3A_263 = arith.constant 16 : i32
        %add3A_264 = arith.addi %mul3A_243, %add3A_263 : i32
        %get3A_265 = arith.index_cast %add3A_264 : i32 to index
        %get3A_266 = tpu.vector_load %arg25[%get3A_265] {strides = array<i32>} : memref<4096xf32, #tpu.memory_space<vmem>>, vector<16xf32>,
        %get3A_267 = vector.shape_cast %get3A_266 : vector<16xf32> to vector<16xf32>
        %swap3A_268 = arith.index_cast %add3A_264 : i32 to index
        %swap3A_269 = tpu.vector_load %arg18[%swap3A_268] {strides = array<i32>} : memref<4096xf32, #tpu.memory_space<vmem>>, vector<16xf32>,
        %swap3A_270 = vector.shape_cast %swap3A_269 : vector<16xf32> to vector<16xf32>
        %swap3A_271 = vector.shape_cast %get3A_267 : vector<16xf32> to vector<16xf32>
        tpu.vector_store %arg18[%swap3A_268], %swap3A_271 {add = true, strides = array<i32>} : memref<4096xf32, #tpu.memory_space<vmem>>, vector<16xf32>,
        %swap3A_272 = arith.index_cast %add3A_264 : i32 to index
        %swap3A_273 = tpu.vector_load %arg19[%swap3A_272] {strides = array<i32>} : memref<4096xf32, #tpu.memory_space<vmem>>, vector<16xf32>,
        %swap3A_274 = vector.shape_cast %swap3A_273 : vector<16xf32> to vector<16xf32>
        %swap3A_275 = vector.shape_cast %get3A_267 : vector<16xf32> to vector<16xf32>
        tpu.vector_store %arg19[%swap3A_272], %swap3A_275 {add = true, strides = array<i32>} : memref<4096xf32, #tpu.memory_space<vmem>>, vector<16xf32>,
        %swap3A_276 = arith.index_cast %add3A_264 : i32 to index
        %swap3A_277 = tpu.vector_load %arg20[%swap3A_276] {strides = array<i32>} : memref<4096xf32, #tpu.memory_space<vmem>>, vector<16xf32>,
        %swap3A_278 = vector.shape_cast %swap3A_277 : vector<16xf32> to vector<16xf32>
        %swap3A_279 = vector.shape_cast %get3A_267 : vector<16xf32> to vector<16xf32>
        tpu.vector_store %arg20[%swap3A_276], %swap3A_279 {add = true, strides = array<i32>} : memref<4096xf32, #tpu.memory_space<vmem>>, vector<16xf32>,
        %swap3A_280 = arith.index_cast %add3A_264 : i32 to index
        %swap3A_281 = tpu.vector_load %arg21[%swap3A_280] {strides = array<i32>} : memref<4096xf32, #tpu.memory_space<vmem>>, vector<16xf32>,
        %swap3A_282 = vector.shape_cast %swap3A_281 : vector<16xf32> to vector<16xf32>
        %swap3A_283 = vector.shape_cast %get3A_267 : vector<16xf32> to vector<16xf32>
        tpu.vector_store %arg21[%swap3A_280], %swap3A_283 {add = true, strides = array<i32>} : memref<4096xf32, #tpu.memory_space<vmem>>, vector<16xf32>,
        %add3A_284 = arith.constant 32 : i32
        %add3A_285 = arith.addi %mul3A_243, %add3A_284 : i32
        %get3A_286 = arith.index_cast %add3A_285 : i32 to index
        %get3A_287 = tpu.vector_load %arg25[%get3A_286] {strides = array<i32>} : memref<4096xf32, #tpu.memory_space<vmem>>, vector<16xf32>,
        %get3A_288 = vector.shape_cast %get3A_287 : vector<16xf32> to vector<16xf32>
        %swap3A_289 = arith.index_cast %add3A_285 : i32 to index
        %swap3A_290 = tpu.vector_load %arg18[%swap3A_289] {strides = array<i32>} : memref<4096xf32, #tpu.memory_space<vmem>>, vector<16xf32>,
        %swap3A_291 = vector.shape_cast %swap3A_290 : vector<16xf32> to vector<16xf32>
        %swap3A_292 = vector.shape_cast %get3A_288 : vector<16xf32> to vector<16xf32>
        tpu.vector_store %arg18[%swap3A_289], %swap3A_292 {add = true, strides = array<i32>} : memref<4096xf32, #tpu.memory_space<vmem>>, vector<16xf32>,
        %swap3A_293 = arith.index_cast %add3A_285 : i32 to index
        %swap3A_294 = tpu.vector_load %arg19[%swap3A_293] {strides = array<i32>} : memref<4096xf32, #tpu.memory_space<vmem>>, vector<16xf32>,
        %swap3A_295 = vector.shape_cast %swap3A_294 : vector<16xf32> to vector<16xf32>
        %swap3A_296 = vector.shape_cast %get3A_288 : vector<16xf32> to vector<16xf32>
        tpu.vector_store %arg19[%swap3A_293], %swap3A_296 {add = true, strides = array<i32>} : memref<4096xf32, #tpu.memory_space<vmem>>, vector<16xf32>,
        %swap3A_297 = arith.index_cast %add3A_285 : i32 to index
        %swap3A_298 = tpu.vector_load %arg20[%swap3A_297] {strides = array<i32>} : memref<4096xf32, #tpu.memory_space<vmem>>, vector<16xf32>,
        %swap3A_299 = vector.shape_cast %swap3A_298 : vector<16xf32> to vector<16xf32>
        %swap3A_300 = vector.shape_cast %get3A_288 : vector<16xf32> to vector<16xf32>
        tpu.vector_store %arg20[%swap3A_297], %swap3A_300 {add = true, strides = array<i32>} : memref<4096xf32, #tpu.memory_space<vmem>>, vector<16xf32>,
        %swap3A_301 = arith.index_cast %add3A_285 : i32 to index
        %swap3A_302 = tpu.vector_load %arg21[%swap3A_301] {strides = array<i32>} : memref<4096xf32, #tpu.memory_space<vmem>>, vector<16xf32>,
        %swap3A_303 = vector.shape_cast %swap3A_302 : vector<16xf32> to vector<16xf32>
        %swap3A_304 = vector.shape_cast %get3A_288 : vector<16xf32> to vector<16xf32>
        tpu.vector_store %arg21[%swap3A_301], %swap3A_304 {add = true, strides = array<i32>} : memref<4096xf32, #tpu.memory_space<vmem>>, vector<16xf32>,
        %add3A_305 = arith.constant 48 : i32
        %add3A_306 = arith.addi %mul3A_243, %add3A_305 : i32
        %get3A_307 = arith.index_cast %add3A_306 : i32 to index
        %get3A_308 = tpu.vector_load %arg25[%get3A_307] {strides = array<i32>} : memref<4096xf32, #tpu.memory_space<vmem>>, vector<16xf32>,
        %get3A_309 = vector.shape_cast %get3A_308 : vector<16xf32> to vector<16xf32>
        %swap3A_310 = arith.index_cast %add3A_306 : i32 to index
        %swap3A_311 = tpu.vector_load %arg18[%swap3A_310] {strides = array<i32>} : memref<4096xf32, #tpu.memory_space<vmem>>, vector<16xf32>,
        %swap3A_312 = vector.shape_cast %swap3A_311 : vector<16xf32> to vector<16xf32>
        %swap3A_313 = vector.shape_cast %get3A_309 : vector<16xf32> to vector<16xf32>
        tpu.vector_store %arg18[%swap3A_310], %swap3A_313 {add = true, strides = array<i32>} : memref<4096xf32, #tpu.memory_space<vmem>>, vector<16xf32>,
        %swap3A_314 = arith.index_cast %add3A_306 : i32 to index
        %swap3A_315 = tpu.vector_load %arg19[%swap3A_314] {strides = array<i32>} : memref<4096xf32, #tpu.memory_space<vmem>>, vector<16xf32>,
        %swap3A_316 = vector.shape_cast %swap3A_315 : vector<16xf32> to vector<16xf32>
        %swap3A_317 = vector.shape_cast %get3A_309 : vector<16xf32> to vector<16xf32>
        tpu.vector_store %arg19[%swap3A_314], %swap3A_317 {add = true, strides = array<i32>} : memref<4096xf32, #tpu.memory_space<vmem>>, vector<16xf32>,
        %swap3A_318 = arith.index_cast %add3A_306 : i32 to index
        %swap3A_319 = tpu.vector_load %arg20[%swap3A_318] {strides = array<i32>} : memref<4096xf32, #tpu.memory_space<vmem>>, vector<16xf32>,
        %swap3A_320 = vector.shape_cast %swap3A_319 : vector<16xf32> to vector<16xf32>
        %swap3A_321 = vector.shape_cast %get3A_309 : vector<16xf32> to vector<16xf32>
        tpu.vector_store %arg20[%swap3A_318], %swap3A_321 {add = true, strides = array<i32>} : memref<4096xf32, #tpu.memory_space<vmem>>, vector<16xf32>,
        %swap3A_322 = arith.index_cast %add3A_306 : i32 to index
        %swap3A_323 = tpu.vector_load %arg21[%swap3A_322] {strides = array<i32>} : memref<4096xf32, #tpu.memory_space<vmem>>, vector<16xf32>,
        %swap3A_324 = vector.shape_cast %swap3A_323 : vector<16xf32> to vector<16xf32>
        %swap3A_325 = vector.shape_cast %get3A_309 : vector<16xf32> to vector<16xf32>
        tpu.vector_store %arg21[%swap3A_322], %swap3A_325 {add = true, strides = array<i32>} : memref<4096xf32, #tpu.memory_space<vmem>>, vector<16xf32>,
        %scan3A_326 = arith.constant 0 : i32
        scf.yield %scan3A_326 : i32
      }
      %scan3A_166 = arith.constant 64 : i32
      %mul3A_167 = arith.constant 4 : i32
      %mul3A_168 = arith.muli %add3A_147, %mul3A_167 : i32
      %add3A_169 = arith.addi %mul3A_2, %mul3A_168 : i32
      %scan3A_170 = arith.constant 0 : i32
      %scan3A_171 = arith.constant 0 : i32
      %scan3A_172 = arith.constant 4 : i32
      %scan3A_173 = arith.addi %scan3A_171, %scan3A_172 : i32
      %scan3A_174 = arith.constant 1 : i32
      %scan3A_175 = scf.for %scan3A_240 = %scan3A_171 to %scan3A_173 step %scan3A_174 iter_args(%scan3A_241 = %scan3A_170) -> (i32)  : i32 {
        %mul3A_242 = arith.constant 1024 : i32
        %mul3A_243 = arith.muli %scan3A_240, %mul3A_242 : i32
        %add3A_244 = arith.constant 0 : i32
        %add3A_245 = arith.addi %add3A_244, %add3A_169 : i32
        %add3A_246 = arith.addi %add3A_245, %scan3A_240 : i32
        %dma_start3A = tpu.memref_slice %arg18[%mul3A_243] : memref<4096xf32, #tpu.memory_space<vmem>> -> memref<1024xf32, #tpu.memory_space<vmem>>
        %dma_start3A_247 = arith.constant 0 : i32
        %dma_start3A_248 = tpu.memref_slice %arg5[%add3A_246, %dma_start3A_247] : memref<16384x1024xf32, #tpu.memory_space<hbm>> -> memref<1x1024xf32, #tpu.memory_space<hbm>>
        %dma_start3A_249 = tpu.memref_squeeze %dma_start3A_248 : memref<1x1024xf32, #tpu.memory_space<hbm>> -> memref<1024xf32, #tpu.memory_space<hbm>>
        %dma_start3A_250 = arith.constant 0 : i32
        %dma_start3A_251 = tpu.memref_slice %arg5[%add3A_246, %dma_start3A_250] : memref<16384x1024xf32, #tpu.memory_space<hbm>> -> memref<1x1024xf32, #tpu.memory_space<hbm>>
        %dma_start3A_252 = tpu.memref_squeeze %dma_start3A_251 : memref<1x1024xf32, #tpu.memory_space<hbm>> -> memref<1024xf32, #tpu.memory_space<hbm>>
        %dma_start3A_253 = tpu.memref_slice %arg18[%mul3A_243] : memref<4096xf32, #tpu.memory_space<vmem>> -> memref<1024xf32, #tpu.memory_space<vmem>>
        tpu.enqueue_dma source(%dma_start3A_253 : memref<1024xf32, #tpu.memory_space<vmem>>) target(%dma_start3A_252 : memref<1024xf32, #tpu.memory_space<hbm>>) target_semaphore(%arg33 : memref<!tpu.dma_semaphore, #tpu.memory_space<semaphore_mem>>)
        %add3A_254 = arith.constant 4096 : i32
        %add3A_255 = arith.addi %add3A_254, %add3A_169 : i32
        %add3A_256 = arith.addi %add3A_255, %scan3A_240 : i32
        %dma_start3A_257 = tpu.memref_slice %arg19[%mul3A_243] : memref<4096xf32, #tpu.memory_space<vmem>> -> memref<1024xf32, #tpu.memory_space<vmem>>
        %dma_start3A_258 = arith.constant 0 : i32
        %dma_start3A_259 = tpu.memref_slice %arg5[%add3A_256, %dma_start3A_258] : memref<16384x1024xf32, #tpu.memory_space<hbm>> -> memref<1x1024xf32, #tpu.memory_space<hbm>>
        %dma_start3A_260 = tpu.memref_squeeze %dma_start3A_259 : memref<1x1024xf32, #tpu.memory_space<hbm>> -> memref<1024xf32, #tpu.memory_space<hbm>>
        %dma_start3A_261 = arith.constant 0 : i32
        %dma_start3A_262 = tpu.memref_slice %arg5[%add3A_256, %dma_start3A_261] : memref<16384x1024xf32, #tpu.memory_space<hbm>> -> memref<1x1024xf32, #tpu.memory_space<hbm>>
        %dma_start3A_263 = tpu.memref_squeeze %dma_start3A_262 : memref<1x1024xf32, #tpu.memory_space<hbm>> -> memref<1024xf32, #tpu.memory_space<hbm>>
        %dma_start3A_264 = tpu.memref_slice %arg19[%mul3A_243] : memref<4096xf32, #tpu.memory_space<vmem>> -> memref<1024xf32, #tpu.memory_space<vmem>>
        tpu.enqueue_dma source(%dma_start3A_264 : memref<1024xf32, #tpu.memory_space<vmem>>) target(%dma_start3A_263 : memref<1024xf32, #tpu.memory_space<hbm>>) target_semaphore(%arg33 : memref<!tpu.dma_semaphore, #tpu.memory_space<semaphore_mem>>)
        %add3A_265 = arith.constant 8192 : i32
        %add3A_266 = arith.addi %add3A_265, %add3A_169 : i32
        %add3A_267 = arith.addi %add3A_266, %scan3A_240 : i32
        %dma_start3A_268 = tpu.memref_slice %arg20[%mul3A_243] : memref<4096xf32, #tpu.memory_space<vmem>> -> memref<1024xf32, #tpu.memory_space<vmem>>
        %dma_start3A_269 = arith.constant 0 : i32
        %dma_start3A_270 = tpu.memref_slice %arg5[%add3A_267, %dma_start3A_269] : memref<16384x1024xf32, #tpu.memory_space<hbm>> -> memref<1x1024xf32, #tpu.memory_space<hbm>>
        %dma_start3A_271 = tpu.memref_squeeze %dma_start3A_270 : memref<1x1024xf32, #tpu.memory_space<hbm>> -> memref<1024xf32, #tpu.memory_space<hbm>>
        %dma_start3A_272 = arith.constant 0 : i32
        %dma_start3A_273 = tpu.memref_slice %arg5[%add3A_267, %dma_start3A_272] : memref<16384x1024xf32, #tpu.memory_space<hbm>> -> memref<1x1024xf32, #tpu.memory_space<hbm>>
        %dma_start3A_274 = tpu.memref_squeeze %dma_start3A_273 : memref<1x1024xf32, #tpu.memory_space<hbm>> -> memref<1024xf32, #tpu.memory_space<hbm>>
        %dma_start3A_275 = tpu.memref_slice %arg20[%mul3A_243] : memref<4096xf32, #tpu.memory_space<vmem>> -> memref<1024xf32, #tpu.memory_space<vmem>>
        tpu.enqueue_dma source(%dma_start3A_275 : memref<1024xf32, #tpu.memory_space<vmem>>) target(%dma_start3A_274 : memref<1024xf32, #tpu.memory_space<hbm>>) target_semaphore(%arg33 : memref<!tpu.dma_semaphore, #tpu.memory_space<semaphore_mem>>)
        %add3A_276 = arith.constant 12288 : i32
        %add3A_277 = arith.addi %add3A_276, %add3A_169 : i32
        %add3A_278 = arith.addi %add3A_277, %scan3A_240 : i32
        %dma_start3A_279 = tpu.memref_slice %arg21[%mul3A_243] : memref<4096xf32, #tpu.memory_space<vmem>> -> memref<1024xf32, #tpu.memory_space<vmem>>
        %dma_start3A_280 = arith.constant 0 : i32
        %dma_start3A_281 = tpu.memref_slice %arg5[%add3A_278, %dma_start3A_280] : memref<16384x1024xf32, #tpu.memory_space<hbm>> -> memref<1x1024xf32, #tpu.memory_space<hbm>>
        %dma_start3A_282 = tpu.memref_squeeze %dma_start3A_281 : memref<1x1024xf32, #tpu.memory_space<hbm>> -> memref<1024xf32, #tpu.memory_space<hbm>>
        %dma_start3A_283 = arith.constant 0 : i32
        %dma_start3A_284 = tpu.memref_slice %arg5[%add3A_278, %dma_start3A_283] : memref<16384x1024xf32, #tpu.memory_space<hbm>> -> memref<1x1024xf32, #tpu.memory_space<hbm>>
        %dma_start3A_285 = tpu.memref_squeeze %dma_start3A_284 : memref<1x1024xf32, #tpu.memory_space<hbm>> -> memref<1024xf32, #tpu.memory_space<hbm>>
        %dma_start3A_286 = tpu.memref_slice %arg21[%mul3A_243] : memref<4096xf32, #tpu.memory_space<vmem>> -> memref<1024xf32, #tpu.memory_space<vmem>>
        tpu.enqueue_dma source(%dma_start3A_286 : memref<1024xf32, #tpu.memory_space<vmem>>) target(%dma_start3A_285 : memref<1024xf32, #tpu.memory_space<hbm>>) target_semaphore(%arg33 : memref<!tpu.dma_semaphore, #tpu.memory_space<semaphore_mem>>)
        %scan3A_287 = arith.constant 0 : i32
        scf.yield %scan3A_287 : i32
      }
      %scan3A_176 = arith.constant 4 : i32
      %add3A_177 = arith.constant 2 : i32
      %add3A_178 = arith.addi %add3A_114, %add3A_177 : i32
      tpu.wait_dma2 semaphore(%arg34 : memref<!tpu.dma_semaphore, #tpu.memory_space<semaphore_mem>>) src(%arg4 : memref<4096xf32, #tpu.memory_space<hbm>>) dst(%arg22 : memref<4096xf32, #tpu.memory_space<vmem>>)
      tpu.wait_dma2 semaphore(%arg26 : memref<!tpu.dma_semaphore, #tpu.memory_space<semaphore_mem>>) src(%arg4 : memref<4096xf32, #tpu.memory_space<hbm>>) dst(%arg6 : memref<4096xf32, #tpu.memory_space<vmem>>)
      tpu.wait_dma2 semaphore(%arg26 : memref<!tpu.dma_semaphore, #tpu.memory_space<semaphore_mem>>) src(%arg4 : memref<4096xf32, #tpu.memory_space<hbm>>) dst(%arg7 : memref<4096xf32, #tpu.memory_space<vmem>>)
      tpu.wait_dma2 semaphore(%arg26 : memref<!tpu.dma_semaphore, #tpu.memory_space<semaphore_mem>>) src(%arg4 : memref<4096xf32, #tpu.memory_space<hbm>>) dst(%arg8 : memref<4096xf32, #tpu.memory_space<vmem>>)
      tpu.wait_dma2 semaphore(%arg26 : memref<!tpu.dma_semaphore, #tpu.memory_space<semaphore_mem>>) src(%arg4 : memref<4096xf32, #tpu.memory_space<hbm>>) dst(%arg9 : memref<4096xf32, #tpu.memory_space<vmem>>)
      tpu.wait_dma2 semaphore(%arg32 : memref<!tpu.dma_semaphore, #tpu.memory_space<semaphore_mem>>) src(%arg14 : memref<4096xf32, #tpu.memory_space<vmem>>) dst(%arg4 : memref<4096xf32, #tpu.memory_space<hbm>>)
      tpu.wait_dma2 semaphore(%arg32 : memref<!tpu.dma_semaphore, #tpu.memory_space<semaphore_mem>>) src(%arg15 : memref<4096xf32, #tpu.memory_space<vmem>>) dst(%arg4 : memref<4096xf32, #tpu.memory_space<hbm>>)
      tpu.wait_dma2 semaphore(%arg32 : memref<!tpu.dma_semaphore, #tpu.memory_space<semaphore_mem>>) src(%arg16 : memref<4096xf32, #tpu.memory_space<vmem>>) dst(%arg4 : memref<4096xf32, #tpu.memory_space<hbm>>)
      tpu.wait_dma2 semaphore(%arg32 : memref<!tpu.dma_semaphore, #tpu.memory_space<semaphore_mem>>) src(%arg17 : memref<4096xf32, #tpu.memory_space<vmem>>) dst(%arg4 : memref<4096xf32, #tpu.memory_space<hbm>>)
      %add3A_179 = arith.constant 2 : i32
      %add3A_180 = arith.addi %add3A_178, %add3A_179 : i32
      %mul3A_181 = arith.constant 4 : i32
      %mul3A_182 = arith.muli %add3A_180, %mul3A_181 : i32
      %add3A_183 = arith.addi %mul3A_2, %mul3A_182 : i32
      %scan3A_184 = arith.constant 0 : i32
      %scan3A_185 = arith.constant 0 : i32
      %scan3A_186 = arith.constant 4 : i32
      %scan3A_187 = arith.addi %scan3A_185, %scan3A_186 : i32
      %scan3A_188 = arith.constant 1 : i32
      %scan3A_189 = scf.for %scan3A_240 = %scan3A_185 to %scan3A_187 step %scan3A_188 iter_args(%scan3A_241 = %scan3A_184) -> (i32)  : i32 {
        %mul3A_242 = arith.constant 1024 : i32
        %mul3A_243 = arith.muli %scan3A_240, %mul3A_242 : i32
        %add3A_244 = arith.addi %add3A_183, %scan3A_240 : i32
        %dma_start3A = tpu.memref_slice %arg24[%mul3A_243] : memref<4096xf32, #tpu.memory_space<vmem>> -> memref<1024xf32, #tpu.memory_space<vmem>>
        %dma_start3A_245 = arith.constant 0 : i32
        %dma_start3A_246 = tpu.memref_slice %arg3[%add3A_244, %dma_start3A_245] : memref<8192x1024xf32, #tpu.memory_space<hbm>> -> memref<1x1024xf32, #tpu.memory_space<hbm>>
        %dma_start3A_247 = tpu.memref_squeeze %dma_start3A_246 : memref<1x1024xf32, #tpu.memory_space<hbm>> -> memref<1024xf32, #tpu.memory_space<hbm>>
        %dma_start3A_248 = tpu.memref_slice %arg24[%mul3A_243] : memref<4096xf32, #tpu.memory_space<vmem>> -> memref<1024xf32, #tpu.memory_space<vmem>>
        %dma_start3A_249 = arith.constant 0 : i32
        %dma_start3A_250 = tpu.memref_slice %arg3[%add3A_244, %dma_start3A_249] : memref<8192x1024xf32, #tpu.memory_space<hbm>> -> memref<1x1024xf32, #tpu.memory_space<hbm>>
        %dma_start3A_251 = tpu.memref_squeeze %dma_start3A_250 : memref<1x1024xf32, #tpu.memory_space<hbm>> -> memref<1024xf32, #tpu.memory_space<hbm>>
        tpu.enqueue_dma source(%dma_start3A_251 : memref<1024xf32, #tpu.memory_space<hbm>>) target(%dma_start3A_248 : memref<1024xf32, #tpu.memory_space<vmem>>) target_semaphore(%arg36 : memref<!tpu.dma_semaphore, #tpu.memory_space<semaphore_mem>>)
        %add3A_252 = arith.constant 0 : i32
        %add3A_253 = arith.addi %add3A_252, %add3A_183 : i32
        %add3A_254 = arith.addi %add3A_253, %scan3A_240 : i32
        %dma_start3A_255 = tpu.memref_slice %arg14[%mul3A_243] : memref<4096xf32, #tpu.memory_space<vmem>> -> memref<1024xf32, #tpu.memory_space<vmem>>
        %dma_start3A_256 = arith.constant 0 : i32
        %dma_start3A_257 = tpu.memref_slice %arg2[%add3A_254, %dma_start3A_256] : memref<16384x1024xf32, #tpu.memory_space<hbm>> -> memref<1x1024xf32, #tpu.memory_space<hbm>>
        %dma_start3A_258 = tpu.memref_squeeze %dma_start3A_257 : memref<1x1024xf32, #tpu.memory_space<hbm>> -> memref<1024xf32, #tpu.memory_space<hbm>>
        %dma_start3A_259 = tpu.memref_slice %arg14[%mul3A_243] : memref<4096xf32, #tpu.memory_space<vmem>> -> memref<1024xf32, #tpu.memory_space<vmem>>
        %dma_start3A_260 = arith.constant 0 : i32
        %dma_start3A_261 = tpu.memref_slice %arg2[%add3A_254, %dma_start3A_260] : memref<16384x1024xf32, #tpu.memory_space<hbm>> -> memref<1x1024xf32, #tpu.memory_space<hbm>>
        %dma_start3A_262 = tpu.memref_squeeze %dma_start3A_261 : memref<1x1024xf32, #tpu.memory_space<hbm>> -> memref<1024xf32, #tpu.memory_space<hbm>>
        tpu.enqueue_dma source(%dma_start3A_262 : memref<1024xf32, #tpu.memory_space<hbm>>) target(%dma_start3A_259 : memref<1024xf32, #tpu.memory_space<vmem>>) target_semaphore(%arg28 : memref<!tpu.dma_semaphore, #tpu.memory_space<semaphore_mem>>)
        %add3A_263 = arith.constant 4096 : i32
        %add3A_264 = arith.addi %add3A_263, %add3A_183 : i32
        %add3A_265 = arith.addi %add3A_264, %scan3A_240 : i32
        %dma_start3A_266 = tpu.memref_slice %arg15[%mul3A_243] : memref<4096xf32, #tpu.memory_space<vmem>> -> memref<1024xf32, #tpu.memory_space<vmem>>
        %dma_start3A_267 = arith.constant 0 : i32
        %dma_start3A_268 = tpu.memref_slice %arg2[%add3A_265, %dma_start3A_267] : memref<16384x1024xf32, #tpu.memory_space<hbm>> -> memref<1x1024xf32, #tpu.memory_space<hbm>>
        %dma_start3A_269 = tpu.memref_squeeze %dma_start3A_268 : memref<1x1024xf32, #tpu.memory_space<hbm>> -> memref<1024xf32, #tpu.memory_space<hbm>>
        %dma_start3A_270 = tpu.memref_slice %arg15[%mul3A_243] : memref<4096xf32, #tpu.memory_space<vmem>> -> memref<1024xf32, #tpu.memory_space<vmem>>
        %dma_start3A_271 = arith.constant 0 : i32
        %dma_start3A_272 = tpu.memref_slice %arg2[%add3A_265, %dma_start3A_271] : memref<16384x1024xf32, #tpu.memory_space<hbm>> -> memref<1x1024xf32, #tpu.memory_space<hbm>>
        %dma_start3A_273 = tpu.memref_squeeze %dma_start3A_272 : memref<1x1024xf32, #tpu.memory_space<hbm>> -> memref<1024xf32, #tpu.memory_space<hbm>>
        tpu.enqueue_dma source(%dma_start3A_273 : memref<1024xf32, #tpu.memory_space<hbm>>) target(%dma_start3A_270 : memref<1024xf32, #tpu.memory_space<vmem>>) target_semaphore(%arg28 : memref<!tpu.dma_semaphore, #tpu.memory_space<semaphore_mem>>)
        %add3A_274 = arith.constant 8192 : i32
        %add3A_275 = arith.addi %add3A_274, %add3A_183 : i32
        %add3A_276 = arith.addi %add3A_275, %scan3A_240 : i32
        %dma_start3A_277 = tpu.memref_slice %arg16[%mul3A_243] : memref<4096xf32, #tpu.memory_space<vmem>> -> memref<1024xf32, #tpu.memory_space<vmem>>
        %dma_start3A_278 = arith.constant 0 : i32
        %dma_start3A_279 = tpu.memref_slice %arg2[%add3A_276, %dma_start3A_278] : memref<16384x1024xf32, #tpu.memory_space<hbm>> -> memref<1x1024xf32, #tpu.memory_space<hbm>>
        %dma_start3A_280 = tpu.memref_squeeze %dma_start3A_279 : memref<1x1024xf32, #tpu.memory_space<hbm>> -> memref<1024xf32, #tpu.memory_space<hbm>>
        %dma_start3A_281 = tpu.memref_slice %arg16[%mul3A_243] : memref<4096xf32, #tpu.memory_space<vmem>> -> memref<1024xf32, #tpu.memory_space<vmem>>
        %dma_start3A_282 = arith.constant 0 : i32
        %dma_start3A_283 = tpu.memref_slice %arg2[%add3A_276, %dma_start3A_282] : memref<16384x1024xf32, #tpu.memory_space<hbm>> -> memref<1x1024xf32, #tpu.memory_space<hbm>>
        %dma_start3A_284 = tpu.memref_squeeze %dma_start3A_283 : memref<1x1024xf32, #tpu.memory_space<hbm>> -> memref<1024xf32, #tpu.memory_space<hbm>>
        tpu.enqueue_dma source(%dma_start3A_284 : memref<1024xf32, #tpu.memory_space<hbm>>) target(%dma_start3A_281 : memref<1024xf32, #tpu.memory_space<vmem>>) target_semaphore(%arg28 : memref<!tpu.dma_semaphore, #tpu.memory_space<semaphore_mem>>)
        %add3A_285 = arith.constant 12288 : i32
        %add3A_286 = arith.addi %add3A_285, %add3A_183 : i32
        %add3A_287 = arith.addi %add3A_286, %scan3A_240 : i32
        %dma_start3A_288 = tpu.memref_slice %arg17[%mul3A_243] : memref<4096xf32, #tpu.memory_space<vmem>> -> memref<1024xf32, #tpu.memory_space<vmem>>
        %dma_start3A_289 = arith.constant 0 : i32
        %dma_start3A_290 = tpu.memref_slice %arg2[%add3A_287, %dma_start3A_289] : memref<16384x1024xf32, #tpu.memory_space<hbm>> -> memref<1x1024xf32, #tpu.memory_space<hbm>>
        %dma_start3A_291 = tpu.memref_squeeze %dma_start3A_290 : memref<1x1024xf32, #tpu.memory_space<hbm>> -> memref<1024xf32, #tpu.memory_space<hbm>>
        %dma_start3A_292 = tpu.memref_slice %arg17[%mul3A_243] : memref<4096xf32, #tpu.memory_space<vmem>> -> memref<1024xf32, #tpu.memory_space<vmem>>
        %dma_start3A_293 = arith.constant 0 : i32
        %dma_start3A_294 = tpu.memref_slice %arg2[%add3A_287, %dma_start3A_293] : memref<16384x1024xf32, #tpu.memory_space<hbm>> -> memref<1x1024xf32, #tpu.memory_space<hbm>>
        %dma_start3A_295 = tpu.memref_squeeze %dma_start3A_294 : memref<1x1024xf32, #tpu.memory_space<hbm>> -> memref<1024xf32, #tpu.memory_space<hbm>>
        tpu.enqueue_dma source(%dma_start3A_295 : memref<1024xf32, #tpu.memory_space<hbm>>) target(%dma_start3A_292 : memref<1024xf32, #tpu.memory_space<vmem>>) target_semaphore(%arg28 : memref<!tpu.dma_semaphore, #tpu.memory_space<semaphore_mem>>)
        %scan3A_296 = arith.constant 0 : i32
        scf.yield %scan3A_296 : i32
      }
      %scan3A_190 = arith.constant 4 : i32
      %scan3A_191 = arith.constant 0 : i32
      %scan3A_192 = arith.constant 0 : i32
      %scan3A_193 = arith.constant 64 : i32
      %scan3A_194 = arith.addi %scan3A_192, %scan3A_193 : i32
      %scan3A_195 = arith.constant 1 : i32
      %scan3A_196 = scf.for %scan3A_240 = %scan3A_192 to %scan3A_194 step %scan3A_195 iter_args(%scan3A_241 = %scan3A_191) -> (i32)  : i32 {
        %mul3A_242 = arith.constant 64 : i32
        %mul3A_243 = arith.muli %scan3A_240, %mul3A_242 : i32
        %add3A_244 = arith.constant 0 : i32
        %add3A_245 = arith.addi %mul3A_243, %add3A_244 : i32
        %get3A = arith.index_cast %add3A_245 : i32 to index
        %get3A_246 = tpu.vector_load %arg22[%get3A] {strides = array<i32>} : memref<4096xf32, #tpu.memory_space<vmem>>, vector<16xf32>,
        %get3A_247 = vector.shape_cast %get3A_246 : vector<16xf32> to vector<16xf32>
        %swap3A = arith.index_cast %add3A_245 : i32 to index
        %swap3A_248 = tpu.vector_load %arg6[%swap3A] {strides = array<i32>} : memref<4096xf32, #tpu.memory_space<vmem>>, vector<16xf32>,
        %swap3A_249 = vector.shape_cast %swap3A_248 : vector<16xf32> to vector<16xf32>
        %swap3A_250 = vector.shape_cast %get3A_247 : vector<16xf32> to vector<16xf32>
        tpu.vector_store %arg6[%swap3A], %swap3A_250 {add = true, strides = array<i32>} : memref<4096xf32, #tpu.memory_space<vmem>>, vector<16xf32>,
        %swap3A_251 = arith.index_cast %add3A_245 : i32 to index
        %swap3A_252 = tpu.vector_load %arg7[%swap3A_251] {strides = array<i32>} : memref<4096xf32, #tpu.memory_space<vmem>>, vector<16xf32>,
        %swap3A_253 = vector.shape_cast %swap3A_252 : vector<16xf32> to vector<16xf32>
        %swap3A_254 = vector.shape_cast %get3A_247 : vector<16xf32> to vector<16xf32>
        tpu.vector_store %arg7[%swap3A_251], %swap3A_254 {add = true, strides = array<i32>} : memref<4096xf32, #tpu.memory_space<vmem>>, vector<16xf32>,
        %swap3A_255 = arith.index_cast %add3A_245 : i32 to index
        %swap3A_256 = tpu.vector_load %arg8[%swap3A_255] {strides = array<i32>} : memref<4096xf32, #tpu.memory_space<vmem>>, vector<16xf32>,
        %swap3A_257 = vector.shape_cast %swap3A_256 : vector<16xf32> to vector<16xf32>
        %swap3A_258 = vector.shape_cast %get3A_247 : vector<16xf32> to vector<16xf32>
        tpu.vector_store %arg8[%swap3A_255], %swap3A_258 {add = true, strides = array<i32>} : memref<4096xf32, #tpu.memory_space<vmem>>, vector<16xf32>,
        %swap3A_259 = arith.index_cast %add3A_245 : i32 to index
        %swap3A_260 = tpu.vector_load %arg9[%swap3A_259] {strides = array<i32>} : memref<4096xf32, #tpu.memory_space<vmem>>, vector<16xf32>,
        %swap3A_261 = vector.shape_cast %swap3A_260 : vector<16xf32> to vector<16xf32>
        %swap3A_262 = vector.shape_cast %get3A_247 : vector<16xf32> to vector<16xf32>
        tpu.vector_store %arg9[%swap3A_259], %swap3A_262 {add = true, strides = array<i32>} : memref<4096xf32, #tpu.memory_space<vmem>>, vector<16xf32>,
        %add3A_263 = arith.constant 16 : i32
        %add3A_264 = arith.addi %mul3A_243, %add3A_263 : i32
        %get3A_265 = arith.index_cast %add3A_264 : i32 to index
        %get3A_266 = tpu.vector_load %arg22[%get3A_265] {strides = array<i32>} : memref<4096xf32, #tpu.memory_space<vmem>>, vector<16xf32>,
        %get3A_267 = vector.shape_cast %get3A_266 : vector<16xf32> to vector<16xf32>
        %swap3A_268 = arith.index_cast %add3A_264 : i32 to index
        %swap3A_269 = tpu.vector_load %arg6[%swap3A_268] {strides = array<i32>} : memref<4096xf32, #tpu.memory_space<vmem>>, vector<16xf32>,
        %swap3A_270 = vector.shape_cast %swap3A_269 : vector<16xf32> to vector<16xf32>
        %swap3A_271 = vector.shape_cast %get3A_267 : vector<16xf32> to vector<16xf32>
        tpu.vector_store %arg6[%swap3A_268], %swap3A_271 {add = true, strides = array<i32>} : memref<4096xf32, #tpu.memory_space<vmem>>, vector<16xf32>,
        %swap3A_272 = arith.index_cast %add3A_264 : i32 to index
        %swap3A_273 = tpu.vector_load %arg7[%swap3A_272] {strides = array<i32>} : memref<4096xf32, #tpu.memory_space<vmem>>, vector<16xf32>,
        %swap3A_274 = vector.shape_cast %swap3A_273 : vector<16xf32> to vector<16xf32>
        %swap3A_275 = vector.shape_cast %get3A_267 : vector<16xf32> to vector<16xf32>
        tpu.vector_store %arg7[%swap3A_272], %swap3A_275 {add = true, strides = array<i32>} : memref<4096xf32, #tpu.memory_space<vmem>>, vector<16xf32>,
        %swap3A_276 = arith.index_cast %add3A_264 : i32 to index
        %swap3A_277 = tpu.vector_load %arg8[%swap3A_276] {strides = array<i32>} : memref<4096xf32, #tpu.memory_space<vmem>>, vector<16xf32>,
        %swap3A_278 = vector.shape_cast %swap3A_277 : vector<16xf32> to vector<16xf32>
        %swap3A_279 = vector.shape_cast %get3A_267 : vector<16xf32> to vector<16xf32>
        tpu.vector_store %arg8[%swap3A_276], %swap3A_279 {add = true, strides = array<i32>} : memref<4096xf32, #tpu.memory_space<vmem>>, vector<16xf32>,
        %swap3A_280 = arith.index_cast %add3A_264 : i32 to index
        %swap3A_281 = tpu.vector_load %arg9[%swap3A_280] {strides = array<i32>} : memref<4096xf32, #tpu.memory_space<vmem>>, vector<16xf32>,
        %swap3A_282 = vector.shape_cast %swap3A_281 : vector<16xf32> to vector<16xf32>
        %swap3A_283 = vector.shape_cast %get3A_267 : vector<16xf32> to vector<16xf32>
        tpu.vector_store %arg9[%swap3A_280], %swap3A_283 {add = true, strides = array<i32>} : memref<4096xf32, #tpu.memory_space<vmem>>, vector<16xf32>,
        %add3A_284 = arith.constant 32 : i32
        %add3A_285 = arith.addi %mul3A_243, %add3A_284 : i32
        %get3A_286 = arith.index_cast %add3A_285 : i32 to index
        %get3A_287 = tpu.vector_load %arg22[%get3A_286] {strides = array<i32>} : memref<4096xf32, #tpu.memory_space<vmem>>, vector<16xf32>,
        %get3A_288 = vector.shape_cast %get3A_287 : vector<16xf32> to vector<16xf32>
        %swap3A_289 = arith.index_cast %add3A_285 : i32 to index
        %swap3A_290 = tpu.vector_load %arg6[%swap3A_289] {strides = array<i32>} : memref<4096xf32, #tpu.memory_space<vmem>>, vector<16xf32>,
        %swap3A_291 = vector.shape_cast %swap3A_290 : vector<16xf32> to vector<16xf32>
        %swap3A_292 = vector.shape_cast %get3A_288 : vector<16xf32> to vector<16xf32>
        tpu.vector_store %arg6[%swap3A_289], %swap3A_292 {add = true, strides = array<i32>} : memref<4096xf32, #tpu.memory_space<vmem>>, vector<16xf32>,
        %swap3A_293 = arith.index_cast %add3A_285 : i32 to index
        %swap3A_294 = tpu.vector_load %arg7[%swap3A_293] {strides = array<i32>} : memref<4096xf32, #tpu.memory_space<vmem>>, vector<16xf32>,
        %swap3A_295 = vector.shape_cast %swap3A_294 : vector<16xf32> to vector<16xf32>
        %swap3A_296 = vector.shape_cast %get3A_288 : vector<16xf32> to vector<16xf32>
        tpu.vector_store %arg7[%swap3A_293], %swap3A_296 {add = true, strides = array<i32>} : memref<4096xf32, #tpu.memory_space<vmem>>, vector<16xf32>,
        %swap3A_297 = arith.index_cast %add3A_285 : i32 to index
        %swap3A_298 = tpu.vector_load %arg8[%swap3A_297] {strides = array<i32>} : memref<4096xf32, #tpu.memory_space<vmem>>, vector<16xf32>,
        %swap3A_299 = vector.shape_cast %swap3A_298 : vector<16xf32> to vector<16xf32>
        %swap3A_300 = vector.shape_cast %get3A_288 : vector<16xf32> to vector<16xf32>
        tpu.vector_store %arg8[%swap3A_297], %swap3A_300 {add = true, strides = array<i32>} : memref<4096xf32, #tpu.memory_space<vmem>>, vector<16xf32>,
        %swap3A_301 = arith.index_cast %add3A_285 : i32 to index
        %swap3A_302 = tpu.vector_load %arg9[%swap3A_301] {strides = array<i32>} : memref<4096xf32, #tpu.memory_space<vmem>>, vector<16xf32>,
        %swap3A_303 = vector.shape_cast %swap3A_302 : vector<16xf32> to vector<16xf32>
        %swap3A_304 = vector.shape_cast %get3A_288 : vector<16xf32> to vector<16xf32>
        tpu.vector_store %arg9[%swap3A_301], %swap3A_304 {add = true, strides = array<i32>} : memref<4096xf32, #tpu.memory_space<vmem>>, vector<16xf32>,
        %add3A_305 = arith.constant 48 : i32
        %add3A_306 = arith.addi %mul3A_243, %add3A_305 : i32
        %get3A_307 = arith.index_cast %add3A_306 : i32 to index
        %get3A_308 = tpu.vector_load %arg22[%get3A_307] {strides = array<i32>} : memref<4096xf32, #tpu.memory_space<vmem>>, vector<16xf32>,
        %get3A_309 = vector.shape_cast %get3A_308 : vector<16xf32> to vector<16xf32>
        %swap3A_310 = arith.index_cast %add3A_306 : i32 to index
        %swap3A_311 = tpu.vector_load %arg6[%swap3A_310] {strides = array<i32>} : memref<4096xf32, #tpu.memory_space<vmem>>, vector<16xf32>,
        %swap3A_312 = vector.shape_cast %swap3A_311 : vector<16xf32> to vector<16xf32>
        %swap3A_313 = vector.shape_cast %get3A_309 : vector<16xf32> to vector<16xf32>
        tpu.vector_store %arg6[%swap3A_310], %swap3A_313 {add = true, strides = array<i32>} : memref<4096xf32, #tpu.memory_space<vmem>>, vector<16xf32>,
        %swap3A_314 = arith.index_cast %add3A_306 : i32 to index
        %swap3A_315 = tpu.vector_load %arg7[%swap3A_314] {strides = array<i32>} : memref<4096xf32, #tpu.memory_space<vmem>>, vector<16xf32>,
        %swap3A_316 = vector.shape_cast %swap3A_315 : vector<16xf32> to vector<16xf32>
        %swap3A_317 = vector.shape_cast %get3A_309 : vector<16xf32> to vector<16xf32>
        tpu.vector_store %arg7[%swap3A_314], %swap3A_317 {add = true, strides = array<i32>} : memref<4096xf32, #tpu.memory_space<vmem>>, vector<16xf32>,
        %swap3A_318 = arith.index_cast %add3A_306 : i32 to index
        %swap3A_319 = tpu.vector_load %arg8[%swap3A_318] {strides = array<i32>} : memref<4096xf32, #tpu.memory_space<vmem>>, vector<16xf32>,
        %swap3A_320 = vector.shape_cast %swap3A_319 : vector<16xf32> to vector<16xf32>
        %swap3A_321 = vector.shape_cast %get3A_309 : vector<16xf32> to vector<16xf32>
        tpu.vector_store %arg8[%swap3A_318], %swap3A_321 {add = true, strides = array<i32>} : memref<4096xf32, #tpu.memory_space<vmem>>, vector<16xf32>,
        %swap3A_322 = arith.index_cast %add3A_306 : i32 to index
        %swap3A_323 = tpu.vector_load %arg9[%swap3A_322] {strides = array<i32>} : memref<4096xf32, #tpu.memory_space<vmem>>, vector<16xf32>,
        %swap3A_324 = vector.shape_cast %swap3A_323 : vector<16xf32> to vector<16xf32>
        %swap3A_325 = vector.shape_cast %get3A_309 : vector<16xf32> to vector<16xf32>
        tpu.vector_store %arg9[%swap3A_322], %swap3A_325 {add = true, strides = array<i32>} : memref<4096xf32, #tpu.memory_space<vmem>>, vector<16xf32>,
        %scan3A_326 = arith.constant 0 : i32
        scf.yield %scan3A_326 : i32
      }
      %scan3A_197 = arith.constant 64 : i32
      %mul3A_198 = arith.constant 4 : i32
      %mul3A_199 = arith.muli %add3A_178, %mul3A_198 : i32
      %add3A_200 = arith.addi %mul3A_2, %mul3A_199 : i32
      %scan3A_201 = arith.constant 0 : i32
      %scan3A_202 = arith.constant 0 : i32
      %scan3A_203 = arith.constant 4 : i32
      %scan3A_204 = arith.addi %scan3A_202, %scan3A_203 : i32
      %scan3A_205 = arith.constant 1 : i32
      %scan3A_206 = scf.for %scan3A_240 = %scan3A_202 to %scan3A_204 step %scan3A_205 iter_args(%scan3A_241 = %scan3A_201) -> (i32)  : i32 {
        %mul3A_242 = arith.constant 1024 : i32
        %mul3A_243 = arith.muli %scan3A_240, %mul3A_242 : i32
        %add3A_244 = arith.constant 0 : i32
        %add3A_245 = arith.addi %add3A_244, %add3A_200 : i32
        %add3A_246 = arith.addi %add3A_245, %scan3A_240 : i32
        %dma_start3A = tpu.memref_slice %arg6[%mul3A_243] : memref<4096xf32, #tpu.memory_space<vmem>> -> memref<1024xf32, #tpu.memory_space<vmem>>
        %dma_start3A_247 = arith.constant 0 : i32
        %dma_start3A_248 = tpu.memref_slice %arg5[%add3A_246, %dma_start3A_247] : memref<16384x1024xf32, #tpu.memory_space<hbm>> -> memref<1x1024xf32, #tpu.memory_space<hbm>>
        %dma_start3A_249 = tpu.memref_squeeze %dma_start3A_248 : memref<1x1024xf32, #tpu.memory_space<hbm>> -> memref<1024xf32, #tpu.memory_space<hbm>>
        %dma_start3A_250 = arith.constant 0 : i32
        %dma_start3A_251 = tpu.memref_slice %arg5[%add3A_246, %dma_start3A_250] : memref<16384x1024xf32, #tpu.memory_space<hbm>> -> memref<1x1024xf32, #tpu.memory_space<hbm>>
        %dma_start3A_252 = tpu.memref_squeeze %dma_start3A_251 : memref<1x1024xf32, #tpu.memory_space<hbm>> -> memref<1024xf32, #tpu.memory_space<hbm>>
        %dma_start3A_253 = tpu.memref_slice %arg6[%mul3A_243] : memref<4096xf32, #tpu.memory_space<vmem>> -> memref<1024xf32, #tpu.memory_space<vmem>>
        tpu.enqueue_dma source(%dma_start3A_253 : memref<1024xf32, #tpu.memory_space<vmem>>) target(%dma_start3A_252 : memref<1024xf32, #tpu.memory_space<hbm>>) target_semaphore(%arg30 : memref<!tpu.dma_semaphore, #tpu.memory_space<semaphore_mem>>)
        %add3A_254 = arith.constant 4096 : i32
        %add3A_255 = arith.addi %add3A_254, %add3A_200 : i32
        %add3A_256 = arith.addi %add3A_255, %scan3A_240 : i32
        %dma_start3A_257 = tpu.memref_slice %arg7[%mul3A_243] : memref<4096xf32, #tpu.memory_space<vmem>> -> memref<1024xf32, #tpu.memory_space<vmem>>
        %dma_start3A_258 = arith.constant 0 : i32
        %dma_start3A_259 = tpu.memref_slice %arg5[%add3A_256, %dma_start3A_258] : memref<16384x1024xf32, #tpu.memory_space<hbm>> -> memref<1x1024xf32, #tpu.memory_space<hbm>>
        %dma_start3A_260 = tpu.memref_squeeze %dma_start3A_259 : memref<1x1024xf32, #tpu.memory_space<hbm>> -> memref<1024xf32, #tpu.memory_space<hbm>>
        %dma_start3A_261 = arith.constant 0 : i32
        %dma_start3A_262 = tpu.memref_slice %arg5[%add3A_256, %dma_start3A_261] : memref<16384x1024xf32, #tpu.memory_space<hbm>> -> memref<1x1024xf32, #tpu.memory_space<hbm>>
        %dma_start3A_263 = tpu.memref_squeeze %dma_start3A_262 : memref<1x1024xf32, #tpu.memory_space<hbm>> -> memref<1024xf32, #tpu.memory_space<hbm>>
        %dma_start3A_264 = tpu.memref_slice %arg7[%mul3A_243] : memref<4096xf32, #tpu.memory_space<vmem>> -> memref<1024xf32, #tpu.memory_space<vmem>>
        tpu.enqueue_dma source(%dma_start3A_264 : memref<1024xf32, #tpu.memory_space<vmem>>) target(%dma_start3A_263 : memref<1024xf32, #tpu.memory_space<hbm>>) target_semaphore(%arg30 : memref<!tpu.dma_semaphore, #tpu.memory_space<semaphore_mem>>)
        %add3A_265 = arith.constant 8192 : i32
        %add3A_266 = arith.addi %add3A_265, %add3A_200 : i32
        %add3A_267 = arith.addi %add3A_266, %scan3A_240 : i32
        %dma_start3A_268 = tpu.memref_slice %arg8[%mul3A_243] : memref<4096xf32, #tpu.memory_space<vmem>> -> memref<1024xf32, #tpu.memory_space<vmem>>
        %dma_start3A_269 = arith.constant 0 : i32
        %dma_start3A_270 = tpu.memref_slice %arg5[%add3A_267, %dma_start3A_269] : memref<16384x1024xf32, #tpu.memory_space<hbm>> -> memref<1x1024xf32, #tpu.memory_space<hbm>>
        %dma_start3A_271 = tpu.memref_squeeze %dma_start3A_270 : memref<1x1024xf32, #tpu.memory_space<hbm>> -> memref<1024xf32, #tpu.memory_space<hbm>>
        %dma_start3A_272 = arith.constant 0 : i32
        %dma_start3A_273 = tpu.memref_slice %arg5[%add3A_267, %dma_start3A_272] : memref<16384x1024xf32, #tpu.memory_space<hbm>> -> memref<1x1024xf32, #tpu.memory_space<hbm>>
        %dma_start3A_274 = tpu.memref_squeeze %dma_start3A_273 : memref<1x1024xf32, #tpu.memory_space<hbm>> -> memref<1024xf32, #tpu.memory_space<hbm>>
        %dma_start3A_275 = tpu.memref_slice %arg8[%mul3A_243] : memref<4096xf32, #tpu.memory_space<vmem>> -> memref<1024xf32, #tpu.memory_space<vmem>>
        tpu.enqueue_dma source(%dma_start3A_275 : memref<1024xf32, #tpu.memory_space<vmem>>) target(%dma_start3A_274 : memref<1024xf32, #tpu.memory_space<hbm>>) target_semaphore(%arg30 : memref<!tpu.dma_semaphore, #tpu.memory_space<semaphore_mem>>)
        %add3A_276 = arith.constant 12288 : i32
        %add3A_277 = arith.addi %add3A_276, %add3A_200 : i32
        %add3A_278 = arith.addi %add3A_277, %scan3A_240 : i32
        %dma_start3A_279 = tpu.memref_slice %arg9[%mul3A_243] : memref<4096xf32, #tpu.memory_space<vmem>> -> memref<1024xf32, #tpu.memory_space<vmem>>
        %dma_start3A_280 = arith.constant 0 : i32
        %dma_start3A_281 = tpu.memref_slice %arg5[%add3A_278, %dma_start3A_280] : memref<16384x1024xf32, #tpu.memory_space<hbm>> -> memref<1x1024xf32, #tpu.memory_space<hbm>>
        %dma_start3A_282 = tpu.memref_squeeze %dma_start3A_281 : memref<1x1024xf32, #tpu.memory_space<hbm>> -> memref<1024xf32, #tpu.memory_space<hbm>>
        %dma_start3A_283 = arith.constant 0 : i32
        %dma_start3A_284 = tpu.memref_slice %arg5[%add3A_278, %dma_start3A_283] : memref<16384x1024xf32, #tpu.memory_space<hbm>> -> memref<1x1024xf32, #tpu.memory_space<hbm>>
        %dma_start3A_285 = tpu.memref_squeeze %dma_start3A_284 : memref<1x1024xf32, #tpu.memory_space<hbm>> -> memref<1024xf32, #tpu.memory_space<hbm>>
        %dma_start3A_286 = tpu.memref_slice %arg9[%mul3A_243] : memref<4096xf32, #tpu.memory_space<vmem>> -> memref<1024xf32, #tpu.memory_space<vmem>>
        tpu.enqueue_dma source(%dma_start3A_286 : memref<1024xf32, #tpu.memory_space<vmem>>) target(%dma_start3A_285 : memref<1024xf32, #tpu.memory_space<hbm>>) target_semaphore(%arg30 : memref<!tpu.dma_semaphore, #tpu.memory_space<semaphore_mem>>)
        %scan3A_287 = arith.constant 0 : i32
        scf.yield %scan3A_287 : i32
      }
      %scan3A_207 = arith.constant 4 : i32
      %add3A_208 = arith.constant 3 : i32
      %add3A_209 = arith.addi %add3A_114, %add3A_208 : i32
      tpu.wait_dma2 semaphore(%arg35 : memref<!tpu.dma_semaphore, #tpu.memory_space<semaphore_mem>>) src(%arg4 : memref<4096xf32, #tpu.memory_space<hbm>>) dst(%arg23 : memref<4096xf32, #tpu.memory_space<vmem>>)
      tpu.wait_dma2 semaphore(%arg27 : memref<!tpu.dma_semaphore, #tpu.memory_space<semaphore_mem>>) src(%arg4 : memref<4096xf32, #tpu.memory_space<hbm>>) dst(%arg10 : memref<4096xf32, #tpu.memory_space<vmem>>)
      tpu.wait_dma2 semaphore(%arg27 : memref<!tpu.dma_semaphore, #tpu.memory_space<semaphore_mem>>) src(%arg4 : memref<4096xf32, #tpu.memory_space<hbm>>) dst(%arg11 : memref<4096xf32, #tpu.memory_space<vmem>>)
      tpu.wait_dma2 semaphore(%arg27 : memref<!tpu.dma_semaphore, #tpu.memory_space<semaphore_mem>>) src(%arg4 : memref<4096xf32, #tpu.memory_space<hbm>>) dst(%arg12 : memref<4096xf32, #tpu.memory_space<vmem>>)
      tpu.wait_dma2 semaphore(%arg27 : memref<!tpu.dma_semaphore, #tpu.memory_space<semaphore_mem>>) src(%arg4 : memref<4096xf32, #tpu.memory_space<hbm>>) dst(%arg13 : memref<4096xf32, #tpu.memory_space<vmem>>)
      tpu.wait_dma2 semaphore(%arg33 : memref<!tpu.dma_semaphore, #tpu.memory_space<semaphore_mem>>) src(%arg18 : memref<4096xf32, #tpu.memory_space<vmem>>) dst(%arg4 : memref<4096xf32, #tpu.memory_space<hbm>>)
      tpu.wait_dma2 semaphore(%arg33 : memref<!tpu.dma_semaphore, #tpu.memory_space<semaphore_mem>>) src(%arg19 : memref<4096xf32, #tpu.memory_space<vmem>>) dst(%arg4 : memref<4096xf32, #tpu.memory_space<hbm>>)
      tpu.wait_dma2 semaphore(%arg33 : memref<!tpu.dma_semaphore, #tpu.memory_space<semaphore_mem>>) src(%arg20 : memref<4096xf32, #tpu.memory_space<vmem>>) dst(%arg4 : memref<4096xf32, #tpu.memory_space<hbm>>)
      tpu.wait_dma2 semaphore(%arg33 : memref<!tpu.dma_semaphore, #tpu.memory_space<semaphore_mem>>) src(%arg21 : memref<4096xf32, #tpu.memory_space<vmem>>) dst(%arg4 : memref<4096xf32, #tpu.memory_space<hbm>>)
      %add3A_210 = arith.constant 2 : i32
      %add3A_211 = arith.addi %add3A_209, %add3A_210 : i32
      %mul3A_212 = arith.constant 4 : i32
      %mul3A_213 = arith.muli %add3A_211, %mul3A_212 : i32
      %add3A_214 = arith.addi %mul3A_2, %mul3A_213 : i32
      %scan3A_215 = arith.constant 0 : i32
      %scan3A_216 = arith.constant 0 : i32
      %scan3A_217 = arith.constant 4 : i32
      %scan3A_218 = arith.addi %scan3A_216, %scan3A_217 : i32
      %scan3A_219 = arith.constant 1 : i32
      %scan3A_220 = scf.for %scan3A_240 = %scan3A_216 to %scan3A_218 step %scan3A_219 iter_args(%scan3A_241 = %scan3A_215) -> (i32)  : i32 {
        %mul3A_242 = arith.constant 1024 : i32
        %mul3A_243 = arith.muli %scan3A_240, %mul3A_242 : i32
        %add3A_244 = arith.addi %add3A_214, %scan3A_240 : i32
        %dma_start3A = tpu.memref_slice %arg25[%mul3A_243] : memref<4096xf32, #tpu.memory_space<vmem>> -> memref<1024xf32, #tpu.memory_space<vmem>>
        %dma_start3A_245 = arith.constant 0 : i32
        %dma_start3A_246 = tpu.memref_slice %arg3[%add3A_244, %dma_start3A_245] : memref<8192x1024xf32, #tpu.memory_space<hbm>> -> memref<1x1024xf32, #tpu.memory_space<hbm>>
        %dma_start3A_247 = tpu.memref_squeeze %dma_start3A_246 : memref<1x1024xf32, #tpu.memory_space<hbm>> -> memref<1024xf32, #tpu.memory_space<hbm>>
        %dma_start3A_248 = tpu.memref_slice %arg25[%mul3A_243] : memref<4096xf32, #tpu.memory_space<vmem>> -> memref<1024xf32, #tpu.memory_space<vmem>>
        %dma_start3A_249 = arith.constant 0 : i32
        %dma_start3A_250 = tpu.memref_slice %arg3[%add3A_244, %dma_start3A_249] : memref<8192x1024xf32, #tpu.memory_space<hbm>> -> memref<1x1024xf32, #tpu.memory_space<hbm>>
        %dma_start3A_251 = tpu.memref_squeeze %dma_start3A_250 : memref<1x1024xf32, #tpu.memory_space<hbm>> -> memref<1024xf32, #tpu.memory_space<hbm>>
        tpu.enqueue_dma source(%dma_start3A_251 : memref<1024xf32, #tpu.memory_space<hbm>>) target(%dma_start3A_248 : memref<1024xf32, #tpu.memory_space<vmem>>) target_semaphore(%arg37 : memref<!tpu.dma_semaphore, #tpu.memory_space<semaphore_mem>>)
        %add3A_252 = arith.constant 0 : i32
        %add3A_253 = arith.addi %add3A_252, %add3A_214 : i32
        %add3A_254 = arith.addi %add3A_253, %scan3A_240 : i32
        %dma_start3A_255 = tpu.memref_slice %arg18[%mul3A_243] : memref<4096xf32, #tpu.memory_space<vmem>> -> memref<1024xf32, #tpu.memory_space<vmem>>
        %dma_start3A_256 = arith.constant 0 : i32
        %dma_start3A_257 = tpu.memref_slice %arg2[%add3A_254, %dma_start3A_256] : memref<16384x1024xf32, #tpu.memory_space<hbm>> -> memref<1x1024xf32, #tpu.memory_space<hbm>>
        %dma_start3A_258 = tpu.memref_squeeze %dma_start3A_257 : memref<1x1024xf32, #tpu.memory_space<hbm>> -> memref<1024xf32, #tpu.memory_space<hbm>>
        %dma_start3A_259 = tpu.memref_slice %arg18[%mul3A_243] : memref<4096xf32, #tpu.memory_space<vmem>> -> memref<1024xf32, #tpu.memory_space<vmem>>
        %dma_start3A_260 = arith.constant 0 : i32
        %dma_start3A_261 = tpu.memref_slice %arg2[%add3A_254, %dma_start3A_260] : memref<16384x1024xf32, #tpu.memory_space<hbm>> -> memref<1x1024xf32, #tpu.memory_space<hbm>>
        %dma_start3A_262 = tpu.memref_squeeze %dma_start3A_261 : memref<1x1024xf32, #tpu.memory_space<hbm>> -> memref<1024xf32, #tpu.memory_space<hbm>>
        tpu.enqueue_dma source(%dma_start3A_262 : memref<1024xf32, #tpu.memory_space<hbm>>) target(%dma_start3A_259 : memref<1024xf32, #tpu.memory_space<vmem>>) target_semaphore(%arg29 : memref<!tpu.dma_semaphore, #tpu.memory_space<semaphore_mem>>)
        %add3A_263 = arith.constant 4096 : i32
        %add3A_264 = arith.addi %add3A_263, %add3A_214 : i32
        %add3A_265 = arith.addi %add3A_264, %scan3A_240 : i32
        %dma_start3A_266 = tpu.memref_slice %arg19[%mul3A_243] : memref<4096xf32, #tpu.memory_space<vmem>> -> memref<1024xf32, #tpu.memory_space<vmem>>
        %dma_start3A_267 = arith.constant 0 : i32
        %dma_start3A_268 = tpu.memref_slice %arg2[%add3A_265, %dma_start3A_267] : memref<16384x1024xf32, #tpu.memory_space<hbm>> -> memref<1x1024xf32, #tpu.memory_space<hbm>>
        %dma_start3A_269 = tpu.memref_squeeze %dma_start3A_268 : memref<1x1024xf32, #tpu.memory_space<hbm>> -> memref<1024xf32, #tpu.memory_space<hbm>>
        %dma_start3A_270 = tpu.memref_slice %arg19[%mul3A_243] : memref<4096xf32, #tpu.memory_space<vmem>> -> memref<1024xf32, #tpu.memory_space<vmem>>
        %dma_start3A_271 = arith.constant 0 : i32
        %dma_start3A_272 = tpu.memref_slice %arg2[%add3A_265, %dma_start3A_271] : memref<16384x1024xf32, #tpu.memory_space<hbm>> -> memref<1x1024xf32, #tpu.memory_space<hbm>>
        %dma_start3A_273 = tpu.memref_squeeze %dma_start3A_272 : memref<1x1024xf32, #tpu.memory_space<hbm>> -> memref<1024xf32, #tpu.memory_space<hbm>>
        tpu.enqueue_dma source(%dma_start3A_273 : memref<1024xf32, #tpu.memory_space<hbm>>) target(%dma_start3A_270 : memref<1024xf32, #tpu.memory_space<vmem>>) target_semaphore(%arg29 : memref<!tpu.dma_semaphore, #tpu.memory_space<semaphore_mem>>)
        %add3A_274 = arith.constant 8192 : i32
        %add3A_275 = arith.addi %add3A_274, %add3A_214 : i32
        %add3A_276 = arith.addi %add3A_275, %scan3A_240 : i32
        %dma_start3A_277 = tpu.memref_slice %arg20[%mul3A_243] : memref<4096xf32, #tpu.memory_space<vmem>> -> memref<1024xf32, #tpu.memory_space<vmem>>
        %dma_start3A_278 = arith.constant 0 : i32
        %dma_start3A_279 = tpu.memref_slice %arg2[%add3A_276, %dma_start3A_278] : memref<16384x1024xf32, #tpu.memory_space<hbm>> -> memref<1x1024xf32, #tpu.memory_space<hbm>>
        %dma_start3A_280 = tpu.memref_squeeze %dma_start3A_279 : memref<1x1024xf32, #tpu.memory_space<hbm>> -> memref<1024xf32, #tpu.memory_space<hbm>>
        %dma_start3A_281 = tpu.memref_slice %arg20[%mul3A_243] : memref<4096xf32, #tpu.memory_space<vmem>> -> memref<1024xf32, #tpu.memory_space<vmem>>
        %dma_start3A_282 = arith.constant 0 : i32
        %dma_start3A_283 = tpu.memref_slice %arg2[%add3A_276, %dma_start3A_282] : memref<16384x1024xf32, #tpu.memory_space<hbm>> -> memref<1x1024xf32, #tpu.memory_space<hbm>>
        %dma_start3A_284 = tpu.memref_squeeze %dma_start3A_283 : memref<1x1024xf32, #tpu.memory_space<hbm>> -> memref<1024xf32, #tpu.memory_space<hbm>>
        tpu.enqueue_dma source(%dma_start3A_284 : memref<1024xf32, #tpu.memory_space<hbm>>) target(%dma_start3A_281 : memref<1024xf32, #tpu.memory_space<vmem>>) target_semaphore(%arg29 : memref<!tpu.dma_semaphore, #tpu.memory_space<semaphore_mem>>)
        %add3A_285 = arith.constant 12288 : i32
        %add3A_286 = arith.addi %add3A_285, %add3A_214 : i32
        %add3A_287 = arith.addi %add3A_286, %scan3A_240 : i32
        %dma_start3A_288 = tpu.memref_slice %arg21[%mul3A_243] : memref<4096xf32, #tpu.memory_space<vmem>> -> memref<1024xf32, #tpu.memory_space<vmem>>
        %dma_start3A_289 = arith.constant 0 : i32
        %dma_start3A_290 = tpu.memref_slice %arg2[%add3A_287, %dma_start3A_289] : memref<16384x1024xf32, #tpu.memory_space<hbm>> -> memref<1x1024xf32, #tpu.memory_space<hbm>>
        %dma_start3A_291 = tpu.memref_squeeze %dma_start3A_290 : memref<1x1024xf32, #tpu.memory_space<hbm>> -> memref<1024xf32, #tpu.memory_space<hbm>>
        %dma_start3A_292 = tpu.memref_slice %arg21[%mul3A_243] : memref<4096xf32, #tpu.memory_space<vmem>> -> memref<1024xf32, #tpu.memory_space<vmem>>
        %dma_start3A_293 = arith.constant 0 : i32
        %dma_start3A_294 = tpu.memref_slice %arg2[%add3A_287, %dma_start3A_293] : memref<16384x1024xf32, #tpu.memory_space<hbm>> -> memref<1x1024xf32, #tpu.memory_space<hbm>>
        %dma_start3A_295 = tpu.memref_squeeze %dma_start3A_294 : memref<1x1024xf32, #tpu.memory_space<hbm>> -> memref<1024xf32, #tpu.memory_space<hbm>>
        tpu.enqueue_dma source(%dma_start3A_295 : memref<1024xf32, #tpu.memory_space<hbm>>) target(%dma_start3A_292 : memref<1024xf32, #tpu.memory_space<vmem>>) target_semaphore(%arg29 : memref<!tpu.dma_semaphore, #tpu.memory_space<semaphore_mem>>)
        %scan3A_296 = arith.constant 0 : i32
        scf.yield %scan3A_296 : i32
      }
      %scan3A_221 = arith.constant 4 : i32
      %scan3A_222 = arith.constant 0 : i32
      %scan3A_223 = arith.constant 0 : i32
      %scan3A_224 = arith.constant 64 : i32
      %scan3A_225 = arith.addi %scan3A_223, %scan3A_224 : i32
      %scan3A_226 = arith.constant 1 : i32
      %scan3A_227 = scf.for %scan3A_240 = %scan3A_223 to %scan3A_225 step %scan3A_226 iter_args(%scan3A_241 = %scan3A_222) -> (i32)  : i32 {
        %mul3A_242 = arith.constant 64 : i32
        %mul3A_243 = arith.muli %scan3A_240, %mul3A_242 : i32
        %add3A_244 = arith.constant 0 : i32
        %add3A_245 = arith.addi %mul3A_243, %add3A_244 : i32
        %get3A = arith.index_cast %add3A_245 : i32 to index
        %get3A_246 = tpu.vector_load %arg23[%get3A] {strides = array<i32>} : memref<4096xf32, #tpu.memory_space<vmem>>, vector<16xf32>,
        %get3A_247 = vector.shape_cast %get3A_246 : vector<16xf32> to vector<16xf32>
        %swap3A = arith.index_cast %add3A_245 : i32 to index
        %swap3A_248 = tpu.vector_load %arg10[%swap3A] {strides = array<i32>} : memref<4096xf32, #tpu.memory_space<vmem>>, vector<16xf32>,
        %swap3A_249 = vector.shape_cast %swap3A_248 : vector<16xf32> to vector<16xf32>
        %swap3A_250 = vector.shape_cast %get3A_247 : vector<16xf32> to vector<16xf32>
        tpu.vector_store %arg10[%swap3A], %swap3A_250 {add = true, strides = array<i32>} : memref<4096xf32, #tpu.memory_space<vmem>>, vector<16xf32>,
        %swap3A_251 = arith.index_cast %add3A_245 : i32 to index
        %swap3A_252 = tpu.vector_load %arg11[%swap3A_251] {strides = array<i32>} : memref<4096xf32, #tpu.memory_space<vmem>>, vector<16xf32>,
        %swap3A_253 = vector.shape_cast %swap3A_252 : vector<16xf32> to vector<16xf32>
        %swap3A_254 = vector.shape_cast %get3A_247 : vector<16xf32> to vector<16xf32>
        tpu.vector_store %arg11[%swap3A_251], %swap3A_254 {add = true, strides = array<i32>} : memref<4096xf32, #tpu.memory_space<vmem>>, vector<16xf32>,
        %swap3A_255 = arith.index_cast %add3A_245 : i32 to index
        %swap3A_256 = tpu.vector_load %arg12[%swap3A_255] {strides = array<i32>} : memref<4096xf32, #tpu.memory_space<vmem>>, vector<16xf32>,
        %swap3A_257 = vector.shape_cast %swap3A_256 : vector<16xf32> to vector<16xf32>
        %swap3A_258 = vector.shape_cast %get3A_247 : vector<16xf32> to vector<16xf32>
        tpu.vector_store %arg12[%swap3A_255], %swap3A_258 {add = true, strides = array<i32>} : memref<4096xf32, #tpu.memory_space<vmem>>, vector<16xf32>,
        %swap3A_259 = arith.index_cast %add3A_245 : i32 to index
        %swap3A_260 = tpu.vector_load %arg13[%swap3A_259] {strides = array<i32>} : memref<4096xf32, #tpu.memory_space<vmem>>, vector<16xf32>,
        %swap3A_261 = vector.shape_cast %swap3A_260 : vector<16xf32> to vector<16xf32>
        %swap3A_262 = vector.shape_cast %get3A_247 : vector<16xf32> to vector<16xf32>
        tpu.vector_store %arg13[%swap3A_259], %swap3A_262 {add = true, strides = array<i32>} : memref<4096xf32, #tpu.memory_space<vmem>>, vector<16xf32>,
        %add3A_263 = arith.constant 16 : i32
        %add3A_264 = arith.addi %mul3A_243, %add3A_263 : i32
        %get3A_265 = arith.index_cast %add3A_264 : i32 to index
        %get3A_266 = tpu.vector_load %arg23[%get3A_265] {strides = array<i32>} : memref<4096xf32, #tpu.memory_space<vmem>>, vector<16xf32>,
        %get3A_267 = vector.shape_cast %get3A_266 : vector<16xf32> to vector<16xf32>
        %swap3A_268 = arith.index_cast %add3A_264 : i32 to index
        %swap3A_269 = tpu.vector_load %arg10[%swap3A_268] {strides = array<i32>} : memref<4096xf32, #tpu.memory_space<vmem>>, vector<16xf32>,
        %swap3A_270 = vector.shape_cast %swap3A_269 : vector<16xf32> to vector<16xf32>
        %swap3A_271 = vector.shape_cast %get3A_267 : vector<16xf32> to vector<16xf32>
        tpu.vector_store %arg10[%swap3A_268], %swap3A_271 {add = true, strides = array<i32>} : memref<4096xf32, #tpu.memory_space<vmem>>, vector<16xf32>,
        %swap3A_272 = arith.index_cast %add3A_264 : i32 to index
        %swap3A_273 = tpu.vector_load %arg11[%swap3A_272] {strides = array<i32>} : memref<4096xf32, #tpu.memory_space<vmem>>, vector<16xf32>,
        %swap3A_274 = vector.shape_cast %swap3A_273 : vector<16xf32> to vector<16xf32>
        %swap3A_275 = vector.shape_cast %get3A_267 : vector<16xf32> to vector<16xf32>
        tpu.vector_store %arg11[%swap3A_272], %swap3A_275 {add = true, strides = array<i32>} : memref<4096xf32, #tpu.memory_space<vmem>>, vector<16xf32>,
        %swap3A_276 = arith.index_cast %add3A_264 : i32 to index
        %swap3A_277 = tpu.vector_load %arg12[%swap3A_276] {strides = array<i32>} : memref<4096xf32, #tpu.memory_space<vmem>>, vector<16xf32>,
        %swap3A_278 = vector.shape_cast %swap3A_277 : vector<16xf32> to vector<16xf32>
        %swap3A_279 = vector.shape_cast %get3A_267 : vector<16xf32> to vector<16xf32>
        tpu.vector_store %arg12[%swap3A_276], %swap3A_279 {add = true, strides = array<i32>} : memref<4096xf32, #tpu.memory_space<vmem>>, vector<16xf32>,
        %swap3A_280 = arith.index_cast %add3A_264 : i32 to index
        %swap3A_281 = tpu.vector_load %arg13[%swap3A_280] {strides = array<i32>} : memref<4096xf32, #tpu.memory_space<vmem>>, vector<16xf32>,
        %swap3A_282 = vector.shape_cast %swap3A_281 : vector<16xf32> to vector<16xf32>
        %swap3A_283 = vector.shape_cast %get3A_267 : vector<16xf32> to vector<16xf32>
        tpu.vector_store %arg13[%swap3A_280], %swap3A_283 {add = true, strides = array<i32>} : memref<4096xf32, #tpu.memory_space<vmem>>, vector<16xf32>,
        %add3A_284 = arith.constant 32 : i32
        %add3A_285 = arith.addi %mul3A_243, %add3A_284 : i32
        %get3A_286 = arith.index_cast %add3A_285 : i32 to index
        %get3A_287 = tpu.vector_load %arg23[%get3A_286] {strides = array<i32>} : memref<4096xf32, #tpu.memory_space<vmem>>, vector<16xf32>,
        %get3A_288 = vector.shape_cast %get3A_287 : vector<16xf32> to vector<16xf32>
        %swap3A_289 = arith.index_cast %add3A_285 : i32 to index
        %swap3A_290 = tpu.vector_load %arg10[%swap3A_289] {strides = array<i32>} : memref<4096xf32, #tpu.memory_space<vmem>>, vector<16xf32>,
        %swap3A_291 = vector.shape_cast %swap3A_290 : vector<16xf32> to vector<16xf32>
        %swap3A_292 = vector.shape_cast %get3A_288 : vector<16xf32> to vector<16xf32>
        tpu.vector_store %arg10[%swap3A_289], %swap3A_292 {add = true, strides = array<i32>} : memref<4096xf32, #tpu.memory_space<vmem>>, vector<16xf32>,
        %swap3A_293 = arith.index_cast %add3A_285 : i32 to index
        %swap3A_294 = tpu.vector_load %arg11[%swap3A_293] {strides = array<i32>} : memref<4096xf32, #tpu.memory_space<vmem>>, vector<16xf32>,
        %swap3A_295 = vector.shape_cast %swap3A_294 : vector<16xf32> to vector<16xf32>
        %swap3A_296 = vector.shape_cast %get3A_288 : vector<16xf32> to vector<16xf32>
        tpu.vector_store %arg11[%swap3A_293], %swap3A_296 {add = true, strides = array<i32>} : memref<4096xf32, #tpu.memory_space<vmem>>, vector<16xf32>,
        %swap3A_297 = arith.index_cast %add3A_285 : i32 to index
        %swap3A_298 = tpu.vector_load %arg12[%swap3A_297] {strides = array<i32>} : memref<4096xf32, #tpu.memory_space<vmem>>, vector<16xf32>,
        %swap3A_299 = vector.shape_cast %swap3A_298 : vector<16xf32> to vector<16xf32>
        %swap3A_300 = vector.shape_cast %get3A_288 : vector<16xf32> to vector<16xf32>
        tpu.vector_store %arg12[%swap3A_297], %swap3A_300 {add = true, strides = array<i32>} : memref<4096xf32, #tpu.memory_space<vmem>>, vector<16xf32>,
        %swap3A_301 = arith.index_cast %add3A_285 : i32 to index
        %swap3A_302 = tpu.vector_load %arg13[%swap3A_301] {strides = array<i32>} : memref<4096xf32, #tpu.memory_space<vmem>>, vector<16xf32>,
        %swap3A_303 = vector.shape_cast %swap3A_302 : vector<16xf32> to vector<16xf32>
        %swap3A_304 = vector.shape_cast %get3A_288 : vector<16xf32> to vector<16xf32>
        tpu.vector_store %arg13[%swap3A_301], %swap3A_304 {add = true, strides = array<i32>} : memref<4096xf32, #tpu.memory_space<vmem>>, vector<16xf32>,
        %add3A_305 = arith.constant 48 : i32
        %add3A_306 = arith.addi %mul3A_243, %add3A_305 : i32
        %get3A_307 = arith.index_cast %add3A_306 : i32 to index
        %get3A_308 = tpu.vector_load %arg23[%get3A_307] {strides = array<i32>} : memref<4096xf32, #tpu.memory_space<vmem>>, vector<16xf32>,
        %get3A_309 = vector.shape_cast %get3A_308 : vector<16xf32> to vector<16xf32>
        %swap3A_310 = arith.index_cast %add3A_306 : i32 to index
        %swap3A_311 = tpu.vector_load %arg10[%swap3A_310] {strides = array<i32>} : memref<4096xf32, #tpu.memory_space<vmem>>, vector<16xf32>,
        %swap3A_312 = vector.shape_cast %swap3A_311 : vector<16xf32> to vector<16xf32>
        %swap3A_313 = vector.shape_cast %get3A_309 : vector<16xf32> to vector<16xf32>
        tpu.vector_store %arg10[%swap3A_310], %swap3A_313 {add = true, strides = array<i32>} : memref<4096xf32, #tpu.memory_space<vmem>>, vector<16xf32>,
        %swap3A_314 = arith.index_cast %add3A_306 : i32 to index
        %swap3A_315 = tpu.vector_load %arg11[%swap3A_314] {strides = array<i32>} : memref<4096xf32, #tpu.memory_space<vmem>>, vector<16xf32>,
        %swap3A_316 = vector.shape_cast %swap3A_315 : vector<16xf32> to vector<16xf32>
        %swap3A_317 = vector.shape_cast %get3A_309 : vector<16xf32> to vector<16xf32>
        tpu.vector_store %arg11[%swap3A_314], %swap3A_317 {add = true, strides = array<i32>} : memref<4096xf32, #tpu.memory_space<vmem>>, vector<16xf32>,
        %swap3A_318 = arith.index_cast %add3A_306 : i32 to index
        %swap3A_319 = tpu.vector_load %arg12[%swap3A_318] {strides = array<i32>} : memref<4096xf32, #tpu.memory_space<vmem>>, vector<16xf32>,
        %swap3A_320 = vector.shape_cast %swap3A_319 : vector<16xf32> to vector<16xf32>
        %swap3A_321 = vector.shape_cast %get3A_309 : vector<16xf32> to vector<16xf32>
        tpu.vector_store %arg12[%swap3A_318], %swap3A_321 {add = true, strides = array<i32>} : memref<4096xf32, #tpu.memory_space<vmem>>, vector<16xf32>,
        %swap3A_322 = arith.index_cast %add3A_306 : i32 to index
        %swap3A_323 = tpu.vector_load %arg13[%swap3A_322] {strides = array<i32>} : memref<4096xf32, #tpu.memory_space<vmem>>, vector<16xf32>,
        %swap3A_324 = vector.shape_cast %swap3A_323 : vector<16xf32> to vector<16xf32>
        %swap3A_325 = vector.shape_cast %get3A_309 : vector<16xf32> to vector<16xf32>
        tpu.vector_store %arg13[%swap3A_322], %swap3A_325 {add = true, strides = array<i32>} : memref<4096xf32, #tpu.memory_space<vmem>>, vector<16xf32>,
        %scan3A_326 = arith.constant 0 : i32
        scf.yield %scan3A_326 : i32
      }
      %scan3A_228 = arith.constant 64 : i32
      %mul3A_229 = arith.constant 4 : i32
      %mul3A_230 = arith.muli %add3A_209, %mul3A_229 : i32
      %add3A_231 = arith.addi %mul3A_2, %mul3A_230 : i32
      %scan3A_232 = arith.constant 0 : i32
      %scan3A_233 = arith.constant 0 : i32
      %scan3A_234 = arith.constant 4 : i32
      %scan3A_235 = arith.addi %scan3A_233, %scan3A_234 : i32
      %scan3A_236 = arith.constant 1 : i32
      %scan3A_237 = scf.for %scan3A_240 = %scan3A_233 to %scan3A_235 step %scan3A_236 iter_args(%scan3A_241 = %scan3A_232) -> (i32)  : i32 {
        %mul3A_242 = arith.constant 1024 : i32
        %mul3A_243 = arith.muli %scan3A_240, %mul3A_242 : i32
        %add3A_244 = arith.constant 0 : i32
        %add3A_245 = arith.addi %add3A_244, %add3A_231 : i32
        %add3A_246 = arith.addi %add3A_245, %scan3A_240 : i32
        %dma_start3A = tpu.memref_slice %arg10[%mul3A_243] : memref<4096xf32, #tpu.memory_space<vmem>> -> memref<1024xf32, #tpu.memory_space<vmem>>
        %dma_start3A_247 = arith.constant 0 : i32
        %dma_start3A_248 = tpu.memref_slice %arg5[%add3A_246, %dma_start3A_247] : memref<16384x1024xf32, #tpu.memory_space<hbm>> -> memref<1x1024xf32, #tpu.memory_space<hbm>>
        %dma_start3A_249 = tpu.memref_squeeze %dma_start3A_248 : memref<1x1024xf32, #tpu.memory_space<hbm>> -> memref<1024xf32, #tpu.memory_space<hbm>>
        %dma_start3A_250 = arith.constant 0 : i32
        %dma_start3A_251 = tpu.memref_slice %arg5[%add3A_246, %dma_start3A_250] : memref<16384x1024xf32, #tpu.memory_space<hbm>> -> memref<1x1024xf32, #tpu.memory_space<hbm>>
        %dma_start3A_252 = tpu.memref_squeeze %dma_start3A_251 : memref<1x1024xf32, #tpu.memory_space<hbm>> -> memref<1024xf32, #tpu.memory_space<hbm>>
        %dma_start3A_253 = tpu.memref_slice %arg10[%mul3A_243] : memref<4096xf32, #tpu.memory_space<vmem>> -> memref<1024xf32, #tpu.memory_space<vmem>>
        tpu.enqueue_dma source(%dma_start3A_253 : memref<1024xf32, #tpu.memory_space<vmem>>) target(%dma_start3A_252 : memref<1024xf32, #tpu.memory_space<hbm>>) target_semaphore(%arg31 : memref<!tpu.dma_semaphore, #tpu.memory_space<semaphore_mem>>)
        %add3A_254 = arith.constant 4096 : i32
        %add3A_255 = arith.addi %add3A_254, %add3A_231 : i32
        %add3A_256 = arith.addi %add3A_255, %scan3A_240 : i32
        %dma_start3A_257 = tpu.memref_slice %arg11[%mul3A_243] : memref<4096xf32, #tpu.memory_space<vmem>> -> memref<1024xf32, #tpu.memory_space<vmem>>
        %dma_start3A_258 = arith.constant 0 : i32
        %dma_start3A_259 = tpu.memref_slice %arg5[%add3A_256, %dma_start3A_258] : memref<16384x1024xf32, #tpu.memory_space<hbm>> -> memref<1x1024xf32, #tpu.memory_space<hbm>>
        %dma_start3A_260 = tpu.memref_squeeze %dma_start3A_259 : memref<1x1024xf32, #tpu.memory_space<hbm>> -> memref<1024xf32, #tpu.memory_space<hbm>>
        %dma_start3A_261 = arith.constant 0 : i32
        %dma_start3A_262 = tpu.memref_slice %arg5[%add3A_256, %dma_start3A_261] : memref<16384x1024xf32, #tpu.memory_space<hbm>> -> memref<1x1024xf32, #tpu.memory_space<hbm>>
        %dma_start3A_263 = tpu.memref_squeeze %dma_start3A_262 : memref<1x1024xf32, #tpu.memory_space<hbm>> -> memref<1024xf32, #tpu.memory_space<hbm>>
        %dma_start3A_264 = tpu.memref_slice %arg11[%mul3A_243] : memref<4096xf32, #tpu.memory_space<vmem>> -> memref<1024xf32, #tpu.memory_space<vmem>>
        tpu.enqueue_dma source(%dma_start3A_264 : memref<1024xf32, #tpu.memory_space<vmem>>) target(%dma_start3A_263 : memref<1024xf32, #tpu.memory_space<hbm>>) target_semaphore(%arg31 : memref<!tpu.dma_semaphore, #tpu.memory_space<semaphore_mem>>)
        %add3A_265 = arith.constant 8192 : i32
        %add3A_266 = arith.addi %add3A_265, %add3A_231 : i32
        %add3A_267 = arith.addi %add3A_266, %scan3A_240 : i32
        %dma_start3A_268 = tpu.memref_slice %arg12[%mul3A_243] : memref<4096xf32, #tpu.memory_space<vmem>> -> memref<1024xf32, #tpu.memory_space<vmem>>
        %dma_start3A_269 = arith.constant 0 : i32
        %dma_start3A_270 = tpu.memref_slice %arg5[%add3A_267, %dma_start3A_269] : memref<16384x1024xf32, #tpu.memory_space<hbm>> -> memref<1x1024xf32, #tpu.memory_space<hbm>>
        %dma_start3A_271 = tpu.memref_squeeze %dma_start3A_270 : memref<1x1024xf32, #tpu.memory_space<hbm>> -> memref<1024xf32, #tpu.memory_space<hbm>>
        %dma_start3A_272 = arith.constant 0 : i32
        %dma_start3A_273 = tpu.memref_slice %arg5[%add3A_267, %dma_start3A_272] : memref<16384x1024xf32, #tpu.memory_space<hbm>> -> memref<1x1024xf32, #tpu.memory_space<hbm>>
        %dma_start3A_274 = tpu.memref_squeeze %dma_start3A_273 : memref<1x1024xf32, #tpu.memory_space<hbm>> -> memref<1024xf32, #tpu.memory_space<hbm>>
        %dma_start3A_275 = tpu.memref_slice %arg12[%mul3A_243] : memref<4096xf32, #tpu.memory_space<vmem>> -> memref<1024xf32, #tpu.memory_space<vmem>>
        tpu.enqueue_dma source(%dma_start3A_275 : memref<1024xf32, #tpu.memory_space<vmem>>) target(%dma_start3A_274 : memref<1024xf32, #tpu.memory_space<hbm>>) target_semaphore(%arg31 : memref<!tpu.dma_semaphore, #tpu.memory_space<semaphore_mem>>)
        %add3A_276 = arith.constant 12288 : i32
        %add3A_277 = arith.addi %add3A_276, %add3A_231 : i32
        %add3A_278 = arith.addi %add3A_277, %scan3A_240 : i32
        %dma_start3A_279 = tpu.memref_slice %arg13[%mul3A_243] : memref<4096xf32, #tpu.memory_space<vmem>> -> memref<1024xf32, #tpu.memory_space<vmem>>
        %dma_start3A_280 = arith.constant 0 : i32
        %dma_start3A_281 = tpu.memref_slice %arg5[%add3A_278, %dma_start3A_280] : memref<16384x1024xf32, #tpu.memory_space<hbm>> -> memref<1x1024xf32, #tpu.memory_space<hbm>>
        %dma_start3A_282 = tpu.memref_squeeze %dma_start3A_281 : memref<1x1024xf32, #tpu.memory_space<hbm>> -> memref<1024xf32, #tpu.memory_space<hbm>>
        %dma_start3A_283 = arith.constant 0 : i32
        %dma_start3A_284 = tpu.memref_slice %arg5[%add3A_278, %dma_start3A_283] : memref<16384x1024xf32, #tpu.memory_space<hbm>> -> memref<1x1024xf32, #tpu.memory_space<hbm>>
        %dma_start3A_285 = tpu.memref_squeeze %dma_start3A_284 : memref<1x1024xf32, #tpu.memory_space<hbm>> -> memref<1024xf32, #tpu.memory_space<hbm>>
        %dma_start3A_286 = tpu.memref_slice %arg13[%mul3A_243] : memref<4096xf32, #tpu.memory_space<vmem>> -> memref<1024xf32, #tpu.memory_space<vmem>>
        tpu.enqueue_dma source(%dma_start3A_286 : memref<1024xf32, #tpu.memory_space<vmem>>) target(%dma_start3A_285 : memref<1024xf32, #tpu.memory_space<hbm>>) target_semaphore(%arg31 : memref<!tpu.dma_semaphore, #tpu.memory_space<semaphore_mem>>)
        %scan3A_287 = arith.constant 0 : i32
        scf.yield %scan3A_287 : i32
      }
      %scan3A_238 = arith.constant 4 : i32
      %scan3A_239 = arith.constant 0 : i32
      scf.yield %scan3A_239 : i32
    }
    %scan3A_76 = arith.constant 7 : i32
    tpu.wait_dma2 semaphore(%arg36 : memref<!tpu.dma_semaphore, #tpu.memory_space<semaphore_mem>>) src(%arg4 : memref<4096xf32, #tpu.memory_space<hbm>>) dst(%arg24 : memref<4096xf32, #tpu.memory_space<vmem>>)
    tpu.wait_dma2 semaphore(%arg28 : memref<!tpu.dma_semaphore, #tpu.memory_space<semaphore_mem>>) src(%arg4 : memref<4096xf32, #tpu.memory_space<hbm>>) dst(%arg14 : memref<4096xf32, #tpu.memory_space<vmem>>)
    tpu.wait_dma2 semaphore(%arg28 : memref<!tpu.dma_semaphore, #tpu.memory_space<semaphore_mem>>) src(%arg4 : memref<4096xf32, #tpu.memory_space<hbm>>) dst(%arg15 : memref<4096xf32, #tpu.memory_space<vmem>>)
    tpu.wait_dma2 semaphore(%arg28 : memref<!tpu.dma_semaphore, #tpu.memory_space<semaphore_mem>>) src(%arg4 : memref<4096xf32, #tpu.memory_space<hbm>>) dst(%arg16 : memref<4096xf32, #tpu.memory_space<vmem>>)
    tpu.wait_dma2 semaphore(%arg28 : memref<!tpu.dma_semaphore, #tpu.memory_space<semaphore_mem>>) src(%arg4 : memref<4096xf32, #tpu.memory_space<hbm>>) dst(%arg17 : memref<4096xf32, #tpu.memory_space<vmem>>)
    %scan3A_77 = arith.constant 0 : i32
    %scan3A_78 = arith.constant 0 : i32
    %scan3A_79 = arith.constant 64 : i32
    %scan3A_80 = arith.addi %scan3A_78, %scan3A_79 : i32
    %scan3A_81 = arith.constant 1 : i32
    %scan3A_82 = scf.for %scan3A_109 = %scan3A_78 to %scan3A_80 step %scan3A_81 iter_args(%scan3A_110 = %scan3A_77) -> (i32)  : i32 {
      %mul3A_111 = arith.constant 64 : i32
      %mul3A_112 = arith.muli %scan3A_109, %mul3A_111 : i32
      %add3A_113 = arith.constant 0 : i32
      %add3A_114 = arith.addi %mul3A_112, %add3A_113 : i32
      %get3A = arith.index_cast %add3A_114 : i32 to index
      %get3A_115 = tpu.vector_load %arg24[%get3A] {strides = array<i32>} : memref<4096xf32, #tpu.memory_space<vmem>>, vector<16xf32>,
      %get3A_116 = vector.shape_cast %get3A_115 : vector<16xf32> to vector<16xf32>
      %swap3A = arith.index_cast %add3A_114 : i32 to index
      %swap3A_117 = tpu.vector_load %arg14[%swap3A] {strides = array<i32>} : memref<4096xf32, #tpu.memory_space<vmem>>, vector<16xf32>,
      %swap3A_118 = vector.shape_cast %swap3A_117 : vector<16xf32> to vector<16xf32>
      %swap3A_119 = vector.shape_cast %get3A_116 : vector<16xf32> to vector<16xf32>
      tpu.vector_store %arg14[%swap3A], %swap3A_119 {add = true, strides = array<i32>} : memref<4096xf32, #tpu.memory_space<vmem>>, vector<16xf32>,
      %swap3A_120 = arith.index_cast %add3A_114 : i32 to index
      %swap3A_121 = tpu.vector_load %arg15[%swap3A_120] {strides = array<i32>} : memref<4096xf32, #tpu.memory_space<vmem>>, vector<16xf32>,
      %swap3A_122 = vector.shape_cast %swap3A_121 : vector<16xf32> to vector<16xf32>
      %swap3A_123 = vector.shape_cast %get3A_116 : vector<16xf32> to vector<16xf32>
      tpu.vector_store %arg15[%swap3A_120], %swap3A_123 {add = true, strides = array<i32>} : memref<4096xf32, #tpu.memory_space<vmem>>, vector<16xf32>,
      %swap3A_124 = arith.index_cast %add3A_114 : i32 to index
      %swap3A_125 = tpu.vector_load %arg16[%swap3A_124] {strides = array<i32>} : memref<4096xf32, #tpu.memory_space<vmem>>, vector<16xf32>,
      %swap3A_126 = vector.shape_cast %swap3A_125 : vector<16xf32> to vector<16xf32>
      %swap3A_127 = vector.shape_cast %get3A_116 : vector<16xf32> to vector<16xf32>
      tpu.vector_store %arg16[%swap3A_124], %swap3A_127 {add = true, strides = array<i32>} : memref<4096xf32, #tpu.memory_space<vmem>>, vector<16xf32>,
      %swap3A_128 = arith.index_cast %add3A_114 : i32 to index
      %swap3A_129 = tpu.vector_load %arg17[%swap3A_128] {strides = array<i32>} : memref<4096xf32, #tpu.memory_space<vmem>>, vector<16xf32>,
      %swap3A_130 = vector.shape_cast %swap3A_129 : vector<16xf32> to vector<16xf32>
      %swap3A_131 = vector.shape_cast %get3A_116 : vector<16xf32> to vector<16xf32>
      tpu.vector_store %arg17[%swap3A_128], %swap3A_131 {add = true, strides = array<i32>} : memref<4096xf32, #tpu.memory_space<vmem>>, vector<16xf32>,
      %add3A_132 = arith.constant 16 : i32
      %add3A_133 = arith.addi %mul3A_112, %add3A_132 : i32
      %get3A_134 = arith.index_cast %add3A_133 : i32 to index
      %get3A_135 = tpu.vector_load %arg24[%get3A_134] {strides = array<i32>} : memref<4096xf32, #tpu.memory_space<vmem>>, vector<16xf32>,
      %get3A_136 = vector.shape_cast %get3A_135 : vector<16xf32> to vector<16xf32>
      %swap3A_137 = arith.index_cast %add3A_133 : i32 to index
      %swap3A_138 = tpu.vector_load %arg14[%swap3A_137] {strides = array<i32>} : memref<4096xf32, #tpu.memory_space<vmem>>, vector<16xf32>,
      %swap3A_139 = vector.shape_cast %swap3A_138 : vector<16xf32> to vector<16xf32>
      %swap3A_140 = vector.shape_cast %get3A_136 : vector<16xf32> to vector<16xf32>
      tpu.vector_store %arg14[%swap3A_137], %swap3A_140 {add = true, strides = array<i32>} : memref<4096xf32, #tpu.memory_space<vmem>>, vector<16xf32>,
      %swap3A_141 = arith.index_cast %add3A_133 : i32 to index
      %swap3A_142 = tpu.vector_load %arg15[%swap3A_141] {strides = array<i32>} : memref<4096xf32, #tpu.memory_space<vmem>>, vector<16xf32>,
      %swap3A_143 = vector.shape_cast %swap3A_142 : vector<16xf32> to vector<16xf32>
      %swap3A_144 = vector.shape_cast %get3A_136 : vector<16xf32> to vector<16xf32>
      tpu.vector_store %arg15[%swap3A_141], %swap3A_144 {add = true, strides = array<i32>} : memref<4096xf32, #tpu.memory_space<vmem>>, vector<16xf32>,
      %swap3A_145 = arith.index_cast %add3A_133 : i32 to index
      %swap3A_146 = tpu.vector_load %arg16[%swap3A_145] {strides = array<i32>} : memref<4096xf32, #tpu.memory_space<vmem>>, vector<16xf32>,
      %swap3A_147 = vector.shape_cast %swap3A_146 : vector<16xf32> to vector<16xf32>
      %swap3A_148 = vector.shape_cast %get3A_136 : vector<16xf32> to vector<16xf32>
      tpu.vector_store %arg16[%swap3A_145], %swap3A_148 {add = true, strides = array<i32>} : memref<4096xf32, #tpu.memory_space<vmem>>, vector<16xf32>,
      %swap3A_149 = arith.index_cast %add3A_133 : i32 to index
      %swap3A_150 = tpu.vector_load %arg17[%swap3A_149] {strides = array<i32>} : memref<4096xf32, #tpu.memory_space<vmem>>, vector<16xf32>,
      %swap3A_151 = vector.shape_cast %swap3A_150 : vector<16xf32> to vector<16xf32>
      %swap3A_152 = vector.shape_cast %get3A_136 : vector<16xf32> to vector<16xf32>
      tpu.vector_store %arg17[%swap3A_149], %swap3A_152 {add = true, strides = array<i32>} : memref<4096xf32, #tpu.memory_space<vmem>>, vector<16xf32>,
      %add3A_153 = arith.constant 32 : i32
      %add3A_154 = arith.addi %mul3A_112, %add3A_153 : i32
      %get3A_155 = arith.index_cast %add3A_154 : i32 to index
      %get3A_156 = tpu.vector_load %arg24[%get3A_155] {strides = array<i32>} : memref<4096xf32, #tpu.memory_space<vmem>>, vector<16xf32>,
      %get3A_157 = vector.shape_cast %get3A_156 : vector<16xf32> to vector<16xf32>
      %swap3A_158 = arith.index_cast %add3A_154 : i32 to index
      %swap3A_159 = tpu.vector_load %arg14[%swap3A_158] {strides = array<i32>} : memref<4096xf32, #tpu.memory_space<vmem>>, vector<16xf32>,
      %swap3A_160 = vector.shape_cast %swap3A_159 : vector<16xf32> to vector<16xf32>
      %swap3A_161 = vector.shape_cast %get3A_157 : vector<16xf32> to vector<16xf32>
      tpu.vector_store %arg14[%swap3A_158], %swap3A_161 {add = true, strides = array<i32>} : memref<4096xf32, #tpu.memory_space<vmem>>, vector<16xf32>,
      %swap3A_162 = arith.index_cast %add3A_154 : i32 to index
      %swap3A_163 = tpu.vector_load %arg15[%swap3A_162] {strides = array<i32>} : memref<4096xf32, #tpu.memory_space<vmem>>, vector<16xf32>,
      %swap3A_164 = vector.shape_cast %swap3A_163 : vector<16xf32> to vector<16xf32>
      %swap3A_165 = vector.shape_cast %get3A_157 : vector<16xf32> to vector<16xf32>
      tpu.vector_store %arg15[%swap3A_162], %swap3A_165 {add = true, strides = array<i32>} : memref<4096xf32, #tpu.memory_space<vmem>>, vector<16xf32>,
      %swap3A_166 = arith.index_cast %add3A_154 : i32 to index
      %swap3A_167 = tpu.vector_load %arg16[%swap3A_166] {strides = array<i32>} : memref<4096xf32, #tpu.memory_space<vmem>>, vector<16xf32>,
      %swap3A_168 = vector.shape_cast %swap3A_167 : vector<16xf32> to vector<16xf32>
      %swap3A_169 = vector.shape_cast %get3A_157 : vector<16xf32> to vector<16xf32>
      tpu.vector_store %arg16[%swap3A_166], %swap3A_169 {add = true, strides = array<i32>} : memref<4096xf32, #tpu.memory_space<vmem>>, vector<16xf32>,
      %swap3A_170 = arith.index_cast %add3A_154 : i32 to index
      %swap3A_171 = tpu.vector_load %arg17[%swap3A_170] {strides = array<i32>} : memref<4096xf32, #tpu.memory_space<vmem>>, vector<16xf32>,
      %swap3A_172 = vector.shape_cast %swap3A_171 : vector<16xf32> to vector<16xf32>
      %swap3A_173 = vector.shape_cast %get3A_157 : vector<16xf32> to vector<16xf32>
      tpu.vector_store %arg17[%swap3A_170], %swap3A_173 {add = true, strides = array<i32>} : memref<4096xf32, #tpu.memory_space<vmem>>, vector<16xf32>,
      %add3A_174 = arith.constant 48 : i32
      %add3A_175 = arith.addi %mul3A_112, %add3A_174 : i32
      %get3A_176 = arith.index_cast %add3A_175 : i32 to index
      %get3A_177 = tpu.vector_load %arg24[%get3A_176] {strides = array<i32>} : memref<4096xf32, #tpu.memory_space<vmem>>, vector<16xf32>,
      %get3A_178 = vector.shape_cast %get3A_177 : vector<16xf32> to vector<16xf32>
      %swap3A_179 = arith.index_cast %add3A_175 : i32 to index
      %swap3A_180 = tpu.vector_load %arg14[%swap3A_179] {strides = array<i32>} : memref<4096xf32, #tpu.memory_space<vmem>>, vector<16xf32>,
      %swap3A_181 = vector.shape_cast %swap3A_180 : vector<16xf32> to vector<16xf32>
      %swap3A_182 = vector.shape_cast %get3A_178 : vector<16xf32> to vector<16xf32>
      tpu.vector_store %arg14[%swap3A_179], %swap3A_182 {add = true, strides = array<i32>} : memref<4096xf32, #tpu.memory_space<vmem>>, vector<16xf32>,
      %swap3A_183 = arith.index_cast %add3A_175 : i32 to index
      %swap3A_184 = tpu.vector_load %arg15[%swap3A_183] {strides = array<i32>} : memref<4096xf32, #tpu.memory_space<vmem>>, vector<16xf32>,
      %swap3A_185 = vector.shape_cast %swap3A_184 : vector<16xf32> to vector<16xf32>
      %swap3A_186 = vector.shape_cast %get3A_178 : vector<16xf32> to vector<16xf32>
      tpu.vector_store %arg15[%swap3A_183], %swap3A_186 {add = true, strides = array<i32>} : memref<4096xf32, #tpu.memory_space<vmem>>, vector<16xf32>,
      %swap3A_187 = arith.index_cast %add3A_175 : i32 to index
      %swap3A_188 = tpu.vector_load %arg16[%swap3A_187] {strides = array<i32>} : memref<4096xf32, #tpu.memory_space<vmem>>, vector<16xf32>,
      %swap3A_189 = vector.shape_cast %swap3A_188 : vector<16xf32> to vector<16xf32>
      %swap3A_190 = vector.shape_cast %get3A_178 : vector<16xf32> to vector<16xf32>
      tpu.vector_store %arg16[%swap3A_187], %swap3A_190 {add = true, strides = array<i32>} : memref<4096xf32, #tpu.memory_space<vmem>>, vector<16xf32>,
      %swap3A_191 = arith.index_cast %add3A_175 : i32 to index
      %swap3A_192 = tpu.vector_load %arg17[%swap3A_191] {strides = array<i32>} : memref<4096xf32, #tpu.memory_space<vmem>>, vector<16xf32>,
      %swap3A_193 = vector.shape_cast %swap3A_192 : vector<16xf32> to vector<16xf32>
      %swap3A_194 = vector.shape_cast %get3A_178 : vector<16xf32> to vector<16xf32>
      tpu.vector_store %arg17[%swap3A_191], %swap3A_194 {add = true, strides = array<i32>} : memref<4096xf32, #tpu.memory_space<vmem>>, vector<16xf32>,
      %scan3A_195 = arith.constant 0 : i32
      scf.yield %scan3A_195 : i32
    }
    %scan3A_83 = arith.constant 64 : i32
    %add3A_84 = arith.constant 120 : i32
    %add3A_85 = arith.addi %mul3A_2, %add3A_84 : i32
    %scan3A_86 = arith.constant 0 : i32
    %scan3A_87 = arith.constant 0 : i32
    %scan3A_88 = arith.constant 4 : i32
    %scan3A_89 = arith.addi %scan3A_87, %scan3A_88 : i32
    %scan3A_90 = arith.constant 1 : i32
    %scan3A_91 = scf.for %scan3A_109 = %scan3A_87 to %scan3A_89 step %scan3A_90 iter_args(%scan3A_110 = %scan3A_86) -> (i32)  : i32 {
      %mul3A_111 = arith.constant 1024 : i32
      %mul3A_112 = arith.muli %scan3A_109, %mul3A_111 : i32
      %add3A_113 = arith.constant 0 : i32
      %add3A_114 = arith.addi %add3A_113, %add3A_85 : i32
      %add3A_115 = arith.addi %add3A_114, %scan3A_109 : i32
      %dma_start3A = tpu.memref_slice %arg14[%mul3A_112] : memref<4096xf32, #tpu.memory_space<vmem>> -> memref<1024xf32, #tpu.memory_space<vmem>>
      %dma_start3A_116 = arith.constant 0 : i32
      %dma_start3A_117 = tpu.memref_slice %arg5[%add3A_115, %dma_start3A_116] : memref<16384x1024xf32, #tpu.memory_space<hbm>> -> memref<1x1024xf32, #tpu.memory_space<hbm>>
      %dma_start3A_118 = tpu.memref_squeeze %dma_start3A_117 : memref<1x1024xf32, #tpu.memory_space<hbm>> -> memref<1024xf32, #tpu.memory_space<hbm>>
      %dma_start3A_119 = arith.constant 0 : i32
      %dma_start3A_120 = tpu.memref_slice %arg5[%add3A_115, %dma_start3A_119] : memref<16384x1024xf32, #tpu.memory_space<hbm>> -> memref<1x1024xf32, #tpu.memory_space<hbm>>
      %dma_start3A_121 = tpu.memref_squeeze %dma_start3A_120 : memref<1x1024xf32, #tpu.memory_space<hbm>> -> memref<1024xf32, #tpu.memory_space<hbm>>
      %dma_start3A_122 = tpu.memref_slice %arg14[%mul3A_112] : memref<4096xf32, #tpu.memory_space<vmem>> -> memref<1024xf32, #tpu.memory_space<vmem>>
      tpu.enqueue_dma source(%dma_start3A_122 : memref<1024xf32, #tpu.memory_space<vmem>>) target(%dma_start3A_121 : memref<1024xf32, #tpu.memory_space<hbm>>) target_semaphore(%arg32 : memref<!tpu.dma_semaphore, #tpu.memory_space<semaphore_mem>>)
      %add3A_123 = arith.constant 4096 : i32
      %add3A_124 = arith.addi %add3A_123, %add3A_85 : i32
      %add3A_125 = arith.addi %add3A_124, %scan3A_109 : i32
      %dma_start3A_126 = tpu.memref_slice %arg15[%mul3A_112] : memref<4096xf32, #tpu.memory_space<vmem>> -> memref<1024xf32, #tpu.memory_space<vmem>>
      %dma_start3A_127 = arith.constant 0 : i32
      %dma_start3A_128 = tpu.memref_slice %arg5[%add3A_125, %dma_start3A_127] : memref<16384x1024xf32, #tpu.memory_space<hbm>> -> memref<1x1024xf32, #tpu.memory_space<hbm>>
      %dma_start3A_129 = tpu.memref_squeeze %dma_start3A_128 : memref<1x1024xf32, #tpu.memory_space<hbm>> -> memref<1024xf32, #tpu.memory_space<hbm>>
      %dma_start3A_130 = arith.constant 0 : i32
      %dma_start3A_131 = tpu.memref_slice %arg5[%add3A_125, %dma_start3A_130] : memref<16384x1024xf32, #tpu.memory_space<hbm>> -> memref<1x1024xf32, #tpu.memory_space<hbm>>
      %dma_start3A_132 = tpu.memref_squeeze %dma_start3A_131 : memref<1x1024xf32, #tpu.memory_space<hbm>> -> memref<1024xf32, #tpu.memory_space<hbm>>
      %dma_start3A_133 = tpu.memref_slice %arg15[%mul3A_112] : memref<4096xf32, #tpu.memory_space<vmem>> -> memref<1024xf32, #tpu.memory_space<vmem>>
      tpu.enqueue_dma source(%dma_start3A_133 : memref<1024xf32, #tpu.memory_space<vmem>>) target(%dma_start3A_132 : memref<1024xf32, #tpu.memory_space<hbm>>) target_semaphore(%arg32 : memref<!tpu.dma_semaphore, #tpu.memory_space<semaphore_mem>>)
      %add3A_134 = arith.constant 8192 : i32
      %add3A_135 = arith.addi %add3A_134, %add3A_85 : i32
      %add3A_136 = arith.addi %add3A_135, %scan3A_109 : i32
      %dma_start3A_137 = tpu.memref_slice %arg16[%mul3A_112] : memref<4096xf32, #tpu.memory_space<vmem>> -> memref<1024xf32, #tpu.memory_space<vmem>>
      %dma_start3A_138 = arith.constant 0 : i32
      %dma_start3A_139 = tpu.memref_slice %arg5[%add3A_136, %dma_start3A_138] : memref<16384x1024xf32, #tpu.memory_space<hbm>> -> memref<1x1024xf32, #tpu.memory_space<hbm>>
      %dma_start3A_140 = tpu.memref_squeeze %dma_start3A_139 : memref<1x1024xf32, #tpu.memory_space<hbm>> -> memref<1024xf32, #tpu.memory_space<hbm>>
      %dma_start3A_141 = arith.constant 0 : i32
      %dma_start3A_142 = tpu.memref_slice %arg5[%add3A_136, %dma_start3A_141] : memref<16384x1024xf32, #tpu.memory_space<hbm>> -> memref<1x1024xf32, #tpu.memory_space<hbm>>
      %dma_start3A_143 = tpu.memref_squeeze %dma_start3A_142 : memref<1x1024xf32, #tpu.memory_space<hbm>> -> memref<1024xf32, #tpu.memory_space<hbm>>
      %dma_start3A_144 = tpu.memref_slice %arg16[%mul3A_112] : memref<4096xf32, #tpu.memory_space<vmem>> -> memref<1024xf32, #tpu.memory_space<vmem>>
      tpu.enqueue_dma source(%dma_start3A_144 : memref<1024xf32, #tpu.memory_space<vmem>>) target(%dma_start3A_143 : memref<1024xf32, #tpu.memory_space<hbm>>) target_semaphore(%arg32 : memref<!tpu.dma_semaphore, #tpu.memory_space<semaphore_mem>>)
      %add3A_145 = arith.constant 12288 : i32
      %add3A_146 = arith.addi %add3A_145, %add3A_85 : i32
      %add3A_147 = arith.addi %add3A_146, %scan3A_109 : i32
      %dma_start3A_148 = tpu.memref_slice %arg17[%mul3A_112] : memref<4096xf32, #tpu.memory_space<vmem>> -> memref<1024xf32, #tpu.memory_space<vmem>>
      %dma_start3A_149 = arith.constant 0 : i32
      %dma_start3A_150 = tpu.memref_slice %arg5[%add3A_147, %dma_start3A_149] : memref<16384x1024xf32, #tpu.memory_space<hbm>> -> memref<1x1024xf32, #tpu.memory_space<hbm>>
      %dma_start3A_151 = tpu.memref_squeeze %dma_start3A_150 : memref<1x1024xf32, #tpu.memory_space<hbm>> -> memref<1024xf32, #tpu.memory_space<hbm>>
      %dma_start3A_152 = arith.constant 0 : i32
      %dma_start3A_153 = tpu.memref_slice %arg5[%add3A_147, %dma_start3A_152] : memref<16384x1024xf32, #tpu.memory_space<hbm>> -> memref<1x1024xf32, #tpu.memory_space<hbm>>
      %dma_start3A_154 = tpu.memref_squeeze %dma_start3A_153 : memref<1x1024xf32, #tpu.memory_space<hbm>> -> memref<1024xf32, #tpu.memory_space<hbm>>
      %dma_start3A_155 = tpu.memref_slice %arg17[%mul3A_112] : memref<4096xf32, #tpu.memory_space<vmem>> -> memref<1024xf32, #tpu.memory_space<vmem>>
      tpu.enqueue_dma source(%dma_start3A_155 : memref<1024xf32, #tpu.memory_space<vmem>>) target(%dma_start3A_154 : memref<1024xf32, #tpu.memory_space<hbm>>) target_semaphore(%arg32 : memref<!tpu.dma_semaphore, #tpu.memory_space<semaphore_mem>>)
      %scan3A_156 = arith.constant 0 : i32
      scf.yield %scan3A_156 : i32
    }
    %scan3A_92 = arith.constant 4 : i32
    tpu.wait_dma2 semaphore(%arg37 : memref<!tpu.dma_semaphore, #tpu.memory_space<semaphore_mem>>) src(%arg4 : memref<4096xf32, #tpu.memory_space<hbm>>) dst(%arg25 : memref<4096xf32, #tpu.memory_space<vmem>>)
    tpu.wait_dma2 semaphore(%arg29 : memref<!tpu.dma_semaphore, #tpu.memory_space<semaphore_mem>>) src(%arg4 : memref<4096xf32, #tpu.memory_space<hbm>>) dst(%arg18 : memref<4096xf32, #tpu.memory_space<vmem>>)
    tpu.wait_dma2 semaphore(%arg29 : memref<!tpu.dma_semaphore, #tpu.memory_space<semaphore_mem>>) src(%arg4 : memref<4096xf32, #tpu.memory_space<hbm>>) dst(%arg19 : memref<4096xf32, #tpu.memory_space<vmem>>)
    tpu.wait_dma2 semaphore(%arg29 : memref<!tpu.dma_semaphore, #tpu.memory_space<semaphore_mem>>) src(%arg4 : memref<4096xf32, #tpu.memory_space<hbm>>) dst(%arg20 : memref<4096xf32, #tpu.memory_space<vmem>>)
    tpu.wait_dma2 semaphore(%arg29 : memref<!tpu.dma_semaphore, #tpu.memory_space<semaphore_mem>>) src(%arg4 : memref<4096xf32, #tpu.memory_space<hbm>>) dst(%arg21 : memref<4096xf32, #tpu.memory_space<vmem>>)
    %scan3A_93 = arith.constant 0 : i32
    %scan3A_94 = arith.constant 0 : i32
    %scan3A_95 = arith.constant 64 : i32
    %scan3A_96 = arith.addi %scan3A_94, %scan3A_95 : i32
    %scan3A_97 = arith.constant 1 : i32
    %scan3A_98 = scf.for %scan3A_109 = %scan3A_94 to %scan3A_96 step %scan3A_97 iter_args(%scan3A_110 = %scan3A_93) -> (i32)  : i32 {
      %mul3A_111 = arith.constant 64 : i32
      %mul3A_112 = arith.muli %scan3A_109, %mul3A_111 : i32
      %add3A_113 = arith.constant 0 : i32
      %add3A_114 = arith.addi %mul3A_112, %add3A_113 : i32
      %get3A = arith.index_cast %add3A_114 : i32 to index
      %get3A_115 = tpu.vector_load %arg25[%get3A] {strides = array<i32>} : memref<4096xf32, #tpu.memory_space<vmem>>, vector<16xf32>,
      %get3A_116 = vector.shape_cast %get3A_115 : vector<16xf32> to vector<16xf32>
      %swap3A = arith.index_cast %add3A_114 : i32 to index
      %swap3A_117 = tpu.vector_load %arg18[%swap3A] {strides = array<i32>} : memref<4096xf32, #tpu.memory_space<vmem>>, vector<16xf32>,
      %swap3A_118 = vector.shape_cast %swap3A_117 : vector<16xf32> to vector<16xf32>
      %swap3A_119 = vector.shape_cast %get3A_116 : vector<16xf32> to vector<16xf32>
      tpu.vector_store %arg18[%swap3A], %swap3A_119 {add = true, strides = array<i32>} : memref<4096xf32, #tpu.memory_space<vmem>>, vector<16xf32>,
      %swap3A_120 = arith.index_cast %add3A_114 : i32 to index
      %swap3A_121 = tpu.vector_load %arg19[%swap3A_120] {strides = array<i32>} : memref<4096xf32, #tpu.memory_space<vmem>>, vector<16xf32>,
      %swap3A_122 = vector.shape_cast %swap3A_121 : vector<16xf32> to vector<16xf32>
      %swap3A_123 = vector.shape_cast %get3A_116 : vector<16xf32> to vector<16xf32>
      tpu.vector_store %arg19[%swap3A_120], %swap3A_123 {add = true, strides = array<i32>} : memref<4096xf32, #tpu.memory_space<vmem>>, vector<16xf32>,
      %swap3A_124 = arith.index_cast %add3A_114 : i32 to index
      %swap3A_125 = tpu.vector_load %arg20[%swap3A_124] {strides = array<i32>} : memref<4096xf32, #tpu.memory_space<vmem>>, vector<16xf32>,
      %swap3A_126 = vector.shape_cast %swap3A_125 : vector<16xf32> to vector<16xf32>
      %swap3A_127 = vector.shape_cast %get3A_116 : vector<16xf32> to vector<16xf32>
      tpu.vector_store %arg20[%swap3A_124], %swap3A_127 {add = true, strides = array<i32>} : memref<4096xf32, #tpu.memory_space<vmem>>, vector<16xf32>,
      %swap3A_128 = arith.index_cast %add3A_114 : i32 to index
      %swap3A_129 = tpu.vector_load %arg21[%swap3A_128] {strides = array<i32>} : memref<4096xf32, #tpu.memory_space<vmem>>, vector<16xf32>,
      %swap3A_130 = vector.shape_cast %swap3A_129 : vector<16xf32> to vector<16xf32>
      %swap3A_131 = vector.shape_cast %get3A_116 : vector<16xf32> to vector<16xf32>
      tpu.vector_store %arg21[%swap3A_128], %swap3A_131 {add = true, strides = array<i32>} : memref<4096xf32, #tpu.memory_space<vmem>>, vector<16xf32>,
      %add3A_132 = arith.constant 16 : i32
      %add3A_133 = arith.addi %mul3A_112, %add3A_132 : i32
      %get3A_134 = arith.index_cast %add3A_133 : i32 to index
      %get3A_135 = tpu.vector_load %arg25[%get3A_134] {strides = array<i32>} : memref<4096xf32, #tpu.memory_space<vmem>>, vector<16xf32>,
      %get3A_136 = vector.shape_cast %get3A_135 : vector<16xf32> to vector<16xf32>
      %swap3A_137 = arith.index_cast %add3A_133 : i32 to index
      %swap3A_138 = tpu.vector_load %arg18[%swap3A_137] {strides = array<i32>} : memref<4096xf32, #tpu.memory_space<vmem>>, vector<16xf32>,
      %swap3A_139 = vector.shape_cast %swap3A_138 : vector<16xf32> to vector<16xf32>
      %swap3A_140 = vector.shape_cast %get3A_136 : vector<16xf32> to vector<16xf32>
      tpu.vector_store %arg18[%swap3A_137], %swap3A_140 {add = true, strides = array<i32>} : memref<4096xf32, #tpu.memory_space<vmem>>, vector<16xf32>,
      %swap3A_141 = arith.index_cast %add3A_133 : i32 to index
      %swap3A_142 = tpu.vector_load %arg19[%swap3A_141] {strides = array<i32>} : memref<4096xf32, #tpu.memory_space<vmem>>, vector<16xf32>,
      %swap3A_143 = vector.shape_cast %swap3A_142 : vector<16xf32> to vector<16xf32>
      %swap3A_144 = vector.shape_cast %get3A_136 : vector<16xf32> to vector<16xf32>
      tpu.vector_store %arg19[%swap3A_141], %swap3A_144 {add = true, strides = array<i32>} : memref<4096xf32, #tpu.memory_space<vmem>>, vector<16xf32>,
      %swap3A_145 = arith.index_cast %add3A_133 : i32 to index
      %swap3A_146 = tpu.vector_load %arg20[%swap3A_145] {strides = array<i32>} : memref<4096xf32, #tpu.memory_space<vmem>>, vector<16xf32>,
      %swap3A_147 = vector.shape_cast %swap3A_146 : vector<16xf32> to vector<16xf32>
      %swap3A_148 = vector.shape_cast %get3A_136 : vector<16xf32> to vector<16xf32>
      tpu.vector_store %arg20[%swap3A_145], %swap3A_148 {add = true, strides = array<i32>} : memref<4096xf32, #tpu.memory_space<vmem>>, vector<16xf32>,
      %swap3A_149 = arith.index_cast %add3A_133 : i32 to index
      %swap3A_150 = tpu.vector_load %arg21[%swap3A_149] {strides = array<i32>} : memref<4096xf32, #tpu.memory_space<vmem>>, vector<16xf32>,
      %swap3A_151 = vector.shape_cast %swap3A_150 : vector<16xf32> to vector<16xf32>
      %swap3A_152 = vector.shape_cast %get3A_136 : vector<16xf32> to vector<16xf32>
      tpu.vector_store %arg21[%swap3A_149], %swap3A_152 {add = true, strides = array<i32>} : memref<4096xf32, #tpu.memory_space<vmem>>, vector<16xf32>,
      %add3A_153 = arith.constant 32 : i32
      %add3A_154 = arith.addi %mul3A_112, %add3A_153 : i32
      %get3A_155 = arith.index_cast %add3A_154 : i32 to index
      %get3A_156 = tpu.vector_load %arg25[%get3A_155] {strides = array<i32>} : memref<4096xf32, #tpu.memory_space<vmem>>, vector<16xf32>,
      %get3A_157 = vector.shape_cast %get3A_156 : vector<16xf32> to vector<16xf32>
      %swap3A_158 = arith.index_cast %add3A_154 : i32 to index
      %swap3A_159 = tpu.vector_load %arg18[%swap3A_158] {strides = array<i32>} : memref<4096xf32, #tpu.memory_space<vmem>>, vector<16xf32>,
      %swap3A_160 = vector.shape_cast %swap3A_159 : vector<16xf32> to vector<16xf32>
      %swap3A_161 = vector.shape_cast %get3A_157 : vector<16xf32> to vector<16xf32>
      tpu.vector_store %arg18[%swap3A_158], %swap3A_161 {add = true, strides = array<i32>} : memref<4096xf32, #tpu.memory_space<vmem>>, vector<16xf32>,
      %swap3A_162 = arith.index_cast %add3A_154 : i32 to index
      %swap3A_163 = tpu.vector_load %arg19[%swap3A_162] {strides = array<i32>} : memref<4096xf32, #tpu.memory_space<vmem>>, vector<16xf32>,
      %swap3A_164 = vector.shape_cast %swap3A_163 : vector<16xf32> to vector<16xf32>
      %swap3A_165 = vector.shape_cast %get3A_157 : vector<16xf32> to vector<16xf32>
      tpu.vector_store %arg19[%swap3A_162], %swap3A_165 {add = true, strides = array<i32>} : memref<4096xf32, #tpu.memory_space<vmem>>, vector<16xf32>,
      %swap3A_166 = arith.index_cast %add3A_154 : i32 to index
      %swap3A_167 = tpu.vector_load %arg20[%swap3A_166] {strides = array<i32>} : memref<4096xf32, #tpu.memory_space<vmem>>, vector<16xf32>,
      %swap3A_168 = vector.shape_cast %swap3A_167 : vector<16xf32> to vector<16xf32>
      %swap3A_169 = vector.shape_cast %get3A_157 : vector<16xf32> to vector<16xf32>
      tpu.vector_store %arg20[%swap3A_166], %swap3A_169 {add = true, strides = array<i32>} : memref<4096xf32, #tpu.memory_space<vmem>>, vector<16xf32>,
      %swap3A_170 = arith.index_cast %add3A_154 : i32 to index
      %swap3A_171 = tpu.vector_load %arg21[%swap3A_170] {strides = array<i32>} : memref<4096xf32, #tpu.memory_space<vmem>>, vector<16xf32>,
      %swap3A_172 = vector.shape_cast %swap3A_171 : vector<16xf32> to vector<16xf32>
      %swap3A_173 = vector.shape_cast %get3A_157 : vector<16xf32> to vector<16xf32>
      tpu.vector_store %arg21[%swap3A_170], %swap3A_173 {add = true, strides = array<i32>} : memref<4096xf32, #tpu.memory_space<vmem>>, vector<16xf32>,
      %add3A_174 = arith.constant 48 : i32
      %add3A_175 = arith.addi %mul3A_112, %add3A_174 : i32
      %get3A_176 = arith.index_cast %add3A_175 : i32 to index
      %get3A_177 = tpu.vector_load %arg25[%get3A_176] {strides = array<i32>} : memref<4096xf32, #tpu.memory_space<vmem>>, vector<16xf32>,
      %get3A_178 = vector.shape_cast %get3A_177 : vector<16xf32> to vector<16xf32>
      %swap3A_179 = arith.index_cast %add3A_175 : i32 to index
      %swap3A_180 = tpu.vector_load %arg18[%swap3A_179] {strides = array<i32>} : memref<4096xf32, #tpu.memory_space<vmem>>, vector<16xf32>,
      %swap3A_181 = vector.shape_cast %swap3A_180 : vector<16xf32> to vector<16xf32>
      %swap3A_182 = vector.shape_cast %get3A_178 : vector<16xf32> to vector<16xf32>
      tpu.vector_store %arg18[%swap3A_179], %swap3A_182 {add = true, strides = array<i32>} : memref<4096xf32, #tpu.memory_space<vmem>>, vector<16xf32>,
      %swap3A_183 = arith.index_cast %add3A_175 : i32 to index
      %swap3A_184 = tpu.vector_load %arg19[%swap3A_183] {strides = array<i32>} : memref<4096xf32, #tpu.memory_space<vmem>>, vector<16xf32>,
      %swap3A_185 = vector.shape_cast %swap3A_184 : vector<16xf32> to vector<16xf32>
      %swap3A_186 = vector.shape_cast %get3A_178 : vector<16xf32> to vector<16xf32>
      tpu.vector_store %arg19[%swap3A_183], %swap3A_186 {add = true, strides = array<i32>} : memref<4096xf32, #tpu.memory_space<vmem>>, vector<16xf32>,
      %swap3A_187 = arith.index_cast %add3A_175 : i32 to index
      %swap3A_188 = tpu.vector_load %arg20[%swap3A_187] {strides = array<i32>} : memref<4096xf32, #tpu.memory_space<vmem>>, vector<16xf32>,
      %swap3A_189 = vector.shape_cast %swap3A_188 : vector<16xf32> to vector<16xf32>
      %swap3A_190 = vector.shape_cast %get3A_178 : vector<16xf32> to vector<16xf32>
      tpu.vector_store %arg20[%swap3A_187], %swap3A_190 {add = true, strides = array<i32>} : memref<4096xf32, #tpu.memory_space<vmem>>, vector<16xf32>,
      %swap3A_191 = arith.index_cast %add3A_175 : i32 to index
      %swap3A_192 = tpu.vector_load %arg21[%swap3A_191] {strides = array<i32>} : memref<4096xf32, #tpu.memory_space<vmem>>, vector<16xf32>,
      %swap3A_193 = vector.shape_cast %swap3A_192 : vector<16xf32> to vector<16xf32>
      %swap3A_194 = vector.shape_cast %get3A_178 : vector<16xf32> to vector<16xf32>
      tpu.vector_store %arg21[%swap3A_191], %swap3A_194 {add = true, strides = array<i32>} : memref<4096xf32, #tpu.memory_space<vmem>>, vector<16xf32>,
      %scan3A_195 = arith.constant 0 : i32
      scf.yield %scan3A_195 : i32
    }
    %scan3A_99 = arith.constant 64 : i32
    %add3A_100 = arith.constant 124 : i32
    %add3A_101 = arith.addi %mul3A_2, %add3A_100 : i32
    %scan3A_102 = arith.constant 0 : i32
    %scan3A_103 = arith.constant 0 : i32
    %scan3A_104 = arith.constant 4 : i32
    %scan3A_105 = arith.addi %scan3A_103, %scan3A_104 : i32
    %scan3A_106 = arith.constant 1 : i32
    %scan3A_107 = scf.for %scan3A_109 = %scan3A_103 to %scan3A_105 step %scan3A_106 iter_args(%scan3A_110 = %scan3A_102) -> (i32)  : i32 {
      %mul3A_111 = arith.constant 1024 : i32
      %mul3A_112 = arith.muli %scan3A_109, %mul3A_111 : i32
      %add3A_113 = arith.constant 0 : i32
      %add3A_114 = arith.addi %add3A_113, %add3A_101 : i32
      %add3A_115 = arith.addi %add3A_114, %scan3A_109 : i32
      %dma_start3A = tpu.memref_slice %arg18[%mul3A_112] : memref<4096xf32, #tpu.memory_space<vmem>> -> memref<1024xf32, #tpu.memory_space<vmem>>
      %dma_start3A_116 = arith.constant 0 : i32
      %dma_start3A_117 = tpu.memref_slice %arg5[%add3A_115, %dma_start3A_116] : memref<16384x1024xf32, #tpu.memory_space<hbm>> -> memref<1x1024xf32, #tpu.memory_space<hbm>>
      %dma_start3A_118 = tpu.memref_squeeze %dma_start3A_117 : memref<1x1024xf32, #tpu.memory_space<hbm>> -> memref<1024xf32, #tpu.memory_space<hbm>>
      %dma_start3A_119 = arith.constant 0 : i32
      %dma_start3A_120 = tpu.memref_slice %arg5[%add3A_115, %dma_start3A_119] : memref<16384x1024xf32, #tpu.memory_space<hbm>> -> memref<1x1024xf32, #tpu.memory_space<hbm>>
      %dma_start3A_121 = tpu.memref_squeeze %dma_start3A_120 : memref<1x1024xf32, #tpu.memory_space<hbm>> -> memref<1024xf32, #tpu.memory_space<hbm>>
      %dma_start3A_122 = tpu.memref_slice %arg18[%mul3A_112] : memref<4096xf32, #tpu.memory_space<vmem>> -> memref<1024xf32, #tpu.memory_space<vmem>>
      tpu.enqueue_dma source(%dma_start3A_122 : memref<1024xf32, #tpu.memory_space<vmem>>) target(%dma_start3A_121 : memref<1024xf32, #tpu.memory_space<hbm>>) target_semaphore(%arg33 : memref<!tpu.dma_semaphore, #tpu.memory_space<semaphore_mem>>)
      %add3A_123 = arith.constant 4096 : i32
      %add3A_124 = arith.addi %add3A_123, %add3A_101 : i32
      %add3A_125 = arith.addi %add3A_124, %scan3A_109 : i32
      %dma_start3A_126 = tpu.memref_slice %arg19[%mul3A_112] : memref<4096xf32, #tpu.memory_space<vmem>> -> memref<1024xf32, #tpu.memory_space<vmem>>
      %dma_start3A_127 = arith.constant 0 : i32
      %dma_start3A_128 = tpu.memref_slice %arg5[%add3A_125, %dma_start3A_127] : memref<16384x1024xf32, #tpu.memory_space<hbm>> -> memref<1x1024xf32, #tpu.memory_space<hbm>>
      %dma_start3A_129 = tpu.memref_squeeze %dma_start3A_128 : memref<1x1024xf32, #tpu.memory_space<hbm>> -> memref<1024xf32, #tpu.memory_space<hbm>>
      %dma_start3A_130 = arith.constant 0 : i32
      %dma_start3A_131 = tpu.memref_slice %arg5[%add3A_125, %dma_start3A_130] : memref<16384x1024xf32, #tpu.memory_space<hbm>> -> memref<1x1024xf32, #tpu.memory_space<hbm>>
      %dma_start3A_132 = tpu.memref_squeeze %dma_start3A_131 : memref<1x1024xf32, #tpu.memory_space<hbm>> -> memref<1024xf32, #tpu.memory_space<hbm>>
      %dma_start3A_133 = tpu.memref_slice %arg19[%mul3A_112] : memref<4096xf32, #tpu.memory_space<vmem>> -> memref<1024xf32, #tpu.memory_space<vmem>>
      tpu.enqueue_dma source(%dma_start3A_133 : memref<1024xf32, #tpu.memory_space<vmem>>) target(%dma_start3A_132 : memref<1024xf32, #tpu.memory_space<hbm>>) target_semaphore(%arg33 : memref<!tpu.dma_semaphore, #tpu.memory_space<semaphore_mem>>)
      %add3A_134 = arith.constant 8192 : i32
      %add3A_135 = arith.addi %add3A_134, %add3A_101 : i32
      %add3A_136 = arith.addi %add3A_135, %scan3A_109 : i32
      %dma_start3A_137 = tpu.memref_slice %arg20[%mul3A_112] : memref<4096xf32, #tpu.memory_space<vmem>> -> memref<1024xf32, #tpu.memory_space<vmem>>
      %dma_start3A_138 = arith.constant 0 : i32
      %dma_start3A_139 = tpu.memref_slice %arg5[%add3A_136, %dma_start3A_138] : memref<16384x1024xf32, #tpu.memory_space<hbm>> -> memref<1x1024xf32, #tpu.memory_space<hbm>>
      %dma_start3A_140 = tpu.memref_squeeze %dma_start3A_139 : memref<1x1024xf32, #tpu.memory_space<hbm>> -> memref<1024xf32, #tpu.memory_space<hbm>>
      %dma_start3A_141 = arith.constant 0 : i32
      %dma_start3A_142 = tpu.memref_slice %arg5[%add3A_136, %dma_start3A_141] : memref<16384x1024xf32, #tpu.memory_space<hbm>> -> memref<1x1024xf32, #tpu.memory_space<hbm>>
      %dma_start3A_143 = tpu.memref_squeeze %dma_start3A_142 : memref<1x1024xf32, #tpu.memory_space<hbm>> -> memref<1024xf32, #tpu.memory_space<hbm>>
      %dma_start3A_144 = tpu.memref_slice %arg20[%mul3A_112] : memref<4096xf32, #tpu.memory_space<vmem>> -> memref<1024xf32, #tpu.memory_space<vmem>>
      tpu.enqueue_dma source(%dma_start3A_144 : memref<1024xf32, #tpu.memory_space<vmem>>) target(%dma_start3A_143 : memref<1024xf32, #tpu.memory_space<hbm>>) target_semaphore(%arg33 : memref<!tpu.dma_semaphore, #tpu.memory_space<semaphore_mem>>)
      %add3A_145 = arith.constant 12288 : i32
      %add3A_146 = arith.addi %add3A_145, %add3A_101 : i32
      %add3A_147 = arith.addi %add3A_146, %scan3A_109 : i32
      %dma_start3A_148 = tpu.memref_slice %arg21[%mul3A_112] : memref<4096xf32, #tpu.memory_space<vmem>> -> memref<1024xf32, #tpu.memory_space<vmem>>
      %dma_start3A_149 = arith.constant 0 : i32
      %dma_start3A_150 = tpu.memref_slice %arg5[%add3A_147, %dma_start3A_149] : memref<16384x1024xf32, #tpu.memory_space<hbm>> -> memref<1x1024xf32, #tpu.memory_space<hbm>>
      %dma_start3A_151 = tpu.memref_squeeze %dma_start3A_150 : memref<1x1024xf32, #tpu.memory_space<hbm>> -> memref<1024xf32, #tpu.memory_space<hbm>>
      %dma_start3A_152 = arith.constant 0 : i32
      %dma_start3A_153 = tpu.memref_slice %arg5[%add3A_147, %dma_start3A_152] : memref<16384x1024xf32, #tpu.memory_space<hbm>> -> memref<1x1024xf32, #tpu.memory_space<hbm>>
      %dma_start3A_154 = tpu.memref_squeeze %dma_start3A_153 : memref<1x1024xf32, #tpu.memory_space<hbm>> -> memref<1024xf32, #tpu.memory_space<hbm>>
      %dma_start3A_155 = tpu.memref_slice %arg21[%mul3A_112] : memref<4096xf32, #tpu.memory_space<vmem>> -> memref<1024xf32, #tpu.memory_space<vmem>>
      tpu.enqueue_dma source(%dma_start3A_155 : memref<1024xf32, #tpu.memory_space<vmem>>) target(%dma_start3A_154 : memref<1024xf32, #tpu.memory_space<hbm>>) target_semaphore(%arg33 : memref<!tpu.dma_semaphore, #tpu.memory_space<semaphore_mem>>)
      %scan3A_156 = arith.constant 0 : i32
      scf.yield %scan3A_156 : i32
    }
    %scan3A_108 = arith.constant 4 : i32
    tpu.wait_dma2 semaphore(%arg30 : memref<!tpu.dma_semaphore, #tpu.memory_space<semaphore_mem>>) src(%arg6 : memref<4096xf32, #tpu.memory_space<vmem>>) dst(%arg4 : memref<4096xf32, #tpu.memory_space<hbm>>)
    tpu.wait_dma2 semaphore(%arg30 : memref<!tpu.dma_semaphore, #tpu.memory_space<semaphore_mem>>) src(%arg7 : memref<4096xf32, #tpu.memory_space<vmem>>) dst(%arg4 : memref<4096xf32, #tpu.memory_space<hbm>>)
    tpu.wait_dma2 semaphore(%arg30 : memref<!tpu.dma_semaphore, #tpu.memory_space<semaphore_mem>>) src(%arg8 : memref<4096xf32, #tpu.memory_space<vmem>>) dst(%arg4 : memref<4096xf32, #tpu.memory_space<hbm>>)
    tpu.wait_dma2 semaphore(%arg30 : memref<!tpu.dma_semaphore, #tpu.memory_space<semaphore_mem>>) src(%arg9 : memref<4096xf32, #tpu.memory_space<vmem>>) dst(%arg4 : memref<4096xf32, #tpu.memory_space<hbm>>)
    tpu.wait_dma2 semaphore(%arg31 : memref<!tpu.dma_semaphore, #tpu.memory_space<semaphore_mem>>) src(%arg10 : memref<4096xf32, #tpu.memory_space<vmem>>) dst(%arg4 : memref<4096xf32, #tpu.memory_space<hbm>>)
    tpu.wait_dma2 semaphore(%arg31 : memref<!tpu.dma_semaphore, #tpu.memory_space<semaphore_mem>>) src(%arg11 : memref<4096xf32, #tpu.memory_space<vmem>>) dst(%arg4 : memref<4096xf32, #tpu.memory_space<hbm>>)
    tpu.wait_dma2 semaphore(%arg31 : memref<!tpu.dma_semaphore, #tpu.memory_space<semaphore_mem>>) src(%arg12 : memref<4096xf32, #tpu.memory_space<vmem>>) dst(%arg4 : memref<4096xf32, #tpu.memory_space<hbm>>)
    tpu.wait_dma2 semaphore(%arg31 : memref<!tpu.dma_semaphore, #tpu.memory_space<semaphore_mem>>) src(%arg13 : memref<4096xf32, #tpu.memory_space<vmem>>) dst(%arg4 : memref<4096xf32, #tpu.memory_space<hbm>>)
    tpu.wait_dma2 semaphore(%arg32 : memref<!tpu.dma_semaphore, #tpu.memory_space<semaphore_mem>>) src(%arg14 : memref<4096xf32, #tpu.memory_space<vmem>>) dst(%arg4 : memref<4096xf32, #tpu.memory_space<hbm>>)
    tpu.wait_dma2 semaphore(%arg32 : memref<!tpu.dma_semaphore, #tpu.memory_space<semaphore_mem>>) src(%arg15 : memref<4096xf32, #tpu.memory_space<vmem>>) dst(%arg4 : memref<4096xf32, #tpu.memory_space<hbm>>)
    tpu.wait_dma2 semaphore(%arg32 : memref<!tpu.dma_semaphore, #tpu.memory_space<semaphore_mem>>) src(%arg16 : memref<4096xf32, #tpu.memory_space<vmem>>) dst(%arg4 : memref<4096xf32, #tpu.memory_space<hbm>>)
    tpu.wait_dma2 semaphore(%arg32 : memref<!tpu.dma_semaphore, #tpu.memory_space<semaphore_mem>>) src(%arg17 : memref<4096xf32, #tpu.memory_space<vmem>>) dst(%arg4 : memref<4096xf32, #tpu.memory_space<hbm>>)
    tpu.wait_dma2 semaphore(%arg33 : memref<!tpu.dma_semaphore, #tpu.memory_space<semaphore_mem>>) src(%arg18 : memref<4096xf32, #tpu.memory_space<vmem>>) dst(%arg4 : memref<4096xf32, #tpu.memory_space<hbm>>)
    tpu.wait_dma2 semaphore(%arg33 : memref<!tpu.dma_semaphore, #tpu.memory_space<semaphore_mem>>) src(%arg19 : memref<4096xf32, #tpu.memory_space<vmem>>) dst(%arg4 : memref<4096xf32, #tpu.memory_space<hbm>>)
    tpu.wait_dma2 semaphore(%arg33 : memref<!tpu.dma_semaphore, #tpu.memory_space<semaphore_mem>>) src(%arg20 : memref<4096xf32, #tpu.memory_space<vmem>>) dst(%arg4 : memref<4096xf32, #tpu.memory_space<hbm>>)
    tpu.wait_dma2 semaphore(%arg33 : memref<!tpu.dma_semaphore, #tpu.memory_space<semaphore_mem>>) src(%arg21 : memref<4096xf32, #tpu.memory_space<vmem>>) dst(%arg4 : memref<4096xf32, #tpu.memory_space<hbm>>)
    return
  }
}

</mosaic_0001>

<sc_bundles>
// kernel: kernel.3.cloned.1.call-start
scs
__scs_entry_jumppad:
0x0: {  	(pc) =	sbr.rel $0x88, $3  }
0x1: {  	(tag) =	ssettag $0x0;
	lr =	simm.s32 $0x1  }
0x2: {  	[smem:$0x3F9F] =	sst lr;
	_ =	strace $0xD0000000  }
0x3: {  	_ = 	snop  }
0x4: {  	_ = 	snop  }
0x5: {  	_ = 	snop  }
0x6: {  	_ = 	snop  }
0x7: {  	_ = 	snop  }
__scs_overlays_trampoline_lowered:
0x8: {  	[smem:$0x3FAE] =	sst s0  }
0x9: {  	[smem:$0x3FAF] =	sst s1  }
0xa: {  	[smem:$0x3FB0] =	sst s2  }
0xb: {  	[smem:$0x3FB1] =	sst s3  }
0xc: {  	[smem:$0x3FB2] =	sst s4  }
0xd: {  	[smem:$0x3FB3] =	sst s5  }
0xe: {  	[smem:$0x3FB4] =	sst s6  }
0xf: {  	[smem:$0x3FB5] =	sst s7  }
0x10: {  	[smem:$0x3FB6] =	sst s8  }
0x11: {  	[smem:$0x3FB7] =	sst s9;
	s0 =	simm.s32 @!p0 $0x0  }
0x12: {  	s1 =	sld [smem:$0x3F9D];
	s0 =	simm.s32 @p0 $0x1  }
0x13: {  	[smem:$0x3FB8] =	sst s0;
	s0 =	simm.s32 @!p1 $0x0  }
0x14: {  	s2 =	sld [smem:$0x3F9C];
	s0 =	simm.s32 @p1 $0x1  }
0x15: {  	[smem:$0x3FB9] =	sst s0;
	s0 =	simm.s32 @!p2 $0x0  }
0x16: {  	s3 =	sld [smem:$0x3FDB];
	s0 =	simm.s32 @p2 $0x1  }
0x17: {  	s4 =	simm.s32 $0x1BF5;
	[smem:$0x3FBB] =	sst s0  }
0x18: {  	s0 =	sld [smem:$0x3F9E];
	_ =	swait.ge [sflag:s4], $0x0  }
0x19: {  	s7 =	sld [smem:$0x3F9F]  }
0x1a: {  	s8 =	sadd.s32 $0xFFFFE003, lr  }
0x1b: {  	s9 =	sadd.s32 $0xFFFFFEF7, lr;
	s5 =	simm.s32 $0xFFFFFFFF;
	p2 =	slt.u32 s8, $0xFFFFF086  }
0x1c: {  	p1 =	slt.u32 s9, $0xF7A;
	s5 =	simm.s32 @!p2 $0x0  }
0x1d: {  	s5 =	simm.s32 @p1 $0x1;
	p0 =	seq.s32 s7, s2  }
0x1e: {  	s7 =	smul.u32 @!p0 $0xF7A, s2;
	p2 =	seq.s32 @!p0 s5, $0x0  }
0x1f: {  	s9 =	smul.u32 $0xF7A, s1;
	s8 =	simm.s32 @!p0 $0x1BF5;
	p2 =	por !p2, p0  }
0x20: {  	[sflag:s8] =	ssyncset.s32 @!p0 $0xFFFFF086;
	s6 =	sadd.s32 @!p0 s3, s7;
	s7 =	simm.s32 @!p0 $0x108  }
0x21: {  	s3 =	sadd.s32 s3, s9;
	s6 =	sadd.s32 @!p0 $0x88, s6;
	s7 =	simm.s32 @p2 $0x1082  }
0x22: {  	[simem:s7], [sflag:s8] =	dma.local @!p0 [hbm:s6], $0xF7A  }
0x23: {  	s9 =	sor.u32 $0xD0000000, s2;
	s6 =	simm.s32 $0x108;
	_ =	swait.ge @!p0 [sflag:s8], $0x0  }
0x24: {  	s3 =	sadd.s32 $0x88, s3;
	s6 =	simm.s32 @!p1 $0x1082;
	[sflag:s4] =	ssyncset.s32 $0xFFFFF086  }
0x25: {  	[simem:s6], [sflag:s4] =	dma.local [hbm:s3], $0xF7A  }
0x26: {  	[smem:$0x3F9F] =	sst s1;
	(tag) =	ssettag s2;
	_ =	strace s9  }
0x27: {  	s1 =	sld [smem:$0x3FAF]  }
0x28: {  	s2 =	sld [smem:$0x3FB0]  }
0x29: {  	s4 =	sld [smem:$0x3FB2]  }
0x2a: {  	p0 =	seq.s32 s5, $0x0;
	s5 =	sld [smem:$0x3FB3]  }
0x2b: {  	s6 =	sld [smem:$0x3FB4]  }
0x2c: {  	s7 =	sld [smem:$0x3FB5]  }
0x2d: {  	s3 =	simm.s32 $0x108;
	s8 =	sld [smem:$0x3FB6]  }
0x2e: {  	s3 =	simm.s32 @!p0 $0x1082;
	s9 =	sld [smem:$0x3FB7]  }
0x2f: {  	lr =	sadd.s32 s0, s3;
	s0 =	sld [smem:$0x3FAE]  }
0x30: {  	s3 =	sld [smem:$0x3FB1]  }
0x31: {  	[smem:$0x3FBA] =	sst s10  }
0x32: {  	s10 =	sld [smem:$0x3FB8];
	_ =	sdelay $0x3  }
0x33: {  	p0 =	seq.s32 s10, $0x1;
	s10 =	sld [smem:$0x3FBA];
	_ =	sdelay $0x3  }
0x34: {  	[smem:$0x3FBA] =	sst s10  }
0x35: {  	s10 =	sld [smem:$0x3FB9];
	_ =	sdelay $0x3  }
0x36: {  	p1 =	seq.s32 s10, $0x1;
	s10 =	sld [smem:$0x3FBA];
	_ =	sdelay $0x3  }
0x37: {  	[smem:$0x3FBA] =	sst s10  }
0x38: {  	s10 =	sld [smem:$0x3FBB]  }
0x39: {  	_ = 	snop;
	(pc) =	sbr.ind lr, $3  }
0x3a: {  	_ = 	snop  }
0x3b: {  	_ = 	snop  }
0x3c: {  	p2 =	seq.s32 s10, $0x1;
	s10 =	sld [smem:$0x3FBA]  }
0x3d: {  	_ =	shalt  }
0x3e: {  	_ =	shalt  }
0x3f: {  	_ =	shalt  }
0x40: {  	_ =	shalt  }
0x41: {  	_ =	shalt  }
0x42: {  	_ =	shalt  }
0x43: {  	_ =	shalt  }
0x44: {  	_ =	shalt  }
0x45: {  	_ =	shalt  }
0x46: {  	_ =	shalt  }
0x47: {  	_ =	shalt  }
0x48: {  	_ =	shalt  }
0x49: {  	_ =	shalt  }
0x4a: {  	_ =	shalt  }
0x4b: {  	_ =	shalt  }
0x4c: {  	_ =	shalt  }
0x4d: {  	_ =	shalt  }
0x4e: {  	_ =	shalt  }
0x4f: {  	_ =	shalt  }
0x50: {  	_ =	shalt  }
0x51: {  	_ =	shalt  }
0x52: {  	_ =	shalt  }
0x53: {  	_ =	shalt  }
0x54: {  	_ =	shalt  }
0x55: {  	_ =	shalt  }
0x56: {  	_ =	shalt  }
0x57: {  	_ =	shalt  }
0x58: {  	_ =	shalt  }
0x59: {  	_ =	shalt  }
0x5a: {  	_ =	shalt  }
0x5b: {  	_ =	shalt  }
0x5c: {  	_ =	shalt  }
0x5d: {  	_ =	shalt  }
0x5e: {  	_ =	shalt  }
0x5f: {  	_ =	shalt  }
0x60: {  	_ =	shalt  }
0x61: {  	_ =	shalt  }
0x62: {  	_ =	shalt  }
0x63: {  	_ =	shalt  }
0x64: {  	_ =	shalt  }
0x65: {  	_ =	shalt  }
0x66: {  	_ =	shalt  }
0x67: {  	_ =	shalt  }
0x68: {  	_ =	shalt  }
0x69: {  	_ =	shalt  }
0x6a: {  	_ =	shalt  }
0x6b: {  	_ =	shalt  }
0x6c: {  	_ =	shalt  }
0x6d: {  	_ =	shalt  }
0x6e: {  	_ =	shalt  }
0x6f: {  	_ =	shalt  }
0x70: {  	_ =	shalt  }
0x71: {  	_ =	shalt  }
0x72: {  	_ =	shalt  }
0x73: {  	_ =	shalt  }
0x74: {  	_ =	shalt  }
0x75: {  	_ =	shalt  }
0x76: {  	_ =	shalt  }
0x77: {  	_ =	shalt  }
0x78: {  	_ =	shalt  }
0x79: {  	_ =	shalt  }
0x7a: {  	_ =	shalt  }
0x7b: {  	_ =	shalt  }
0x7c: {  	_ =	shalt  }
0x7d: {  	_ =	shalt  }
0x7e: {  	_ =	shalt  }
0x7f: {  	_ =	shalt  }
0x80: {  	_ =	shalt  }
0x81: {  	_ =	shalt  }
0x82: {  	_ =	shalt  }
0x83: {  	_ =	shalt  }
0x84: {  	_ =	shalt  }
0x85: {  	_ =	shalt  }
0x86: {  	_ =	shalt  }
0x87: {  	_ =	shalt  }
.Lfunc_end0:
.L_simem_size_0:
called_computation_lowered:
.L_overlay_start_0:
0x88: {  	s2 =	sld [smem:$0x3FD9]  }
0x89: {  	s3 =	sld [smem:$0x3FFE];
	_ =	sdelay $0x1  }
0x8a: {  	s1 =	srdreg.scid  }
0x8b: {  	s0 =	sand.u32 $0x1, s1  }
0x8c: {  	s18 =	sshll.u32 s0, $0xA;
	s2 =	sadd.s32 s3, s2  }
0x8d: {  	s2 =	sadd.s32 s2, s18  }
0x8e: {  	[smem:$0x3FC6] =	sst s2  }
0x8f: {  	_ = 	snop  }
0x90: {  	s2 =	sld [smem:$0x3FC9]  }
0x91: {  	s19 =	sld [smem:$0x3FC8]  }
0x92: {  	s4 =	sld [smem:$0x3FD0];
	(tm) =	ssettm $0x1  }
0x93: {  	s5 =	sld [smem:$0x3FFB];
	_ =	sdelay $0x3  }
0x94: {  	_ =	strace s5  }
0x95: {  	s5 =	sld [smem:$0x3FFC];
	_ =	sdelay $0x3  }
0x96: {  	_ =	strace s5  }
0x97: {  	s5 =	sld [smem:$0x3FFD];
	_ =	sdelay $0x3  }
0x98: {  	_ =	strace s5  }
0x99: {  	_ =	strace $0x8FFFFFFF  }
0x9a: {  	s20 =	sld [smem:$0x3FDB];
	_ =	sdelay $0x1  }
0x9b: {  	s6 =	simm.s32 $_scs_section_size  }
0x9c: {  	s7 =	simm.s32 $_size__tile_overlayer_lowered;
	s8 =	simm.s32 $_tile_overlayer_lowered  }
0x9d: {  	s23 =	simm.s32 $0x1BFF;
	s22 =	sshll.u32 s8, $0x1;
	s5 =	sadd.s32 s6, s20  }
0x9e: {  	s9 =	simm.s32 $0x0;
	s21 =	sshll.u32 s7, $0x1;
	s7 =	sadd.s32 s22, s5  }
0x9f: {  	[timem:s9], [sflag:s23] =	dma.local [hbm:s7], s21  }
0xa0: {  	_ =	swait.ge [sflag:s23], s21  }
0xa1: {  	s6 =	ssub.s32 $0x0, s21;
	[sflag:s23] =	ssyncset.done $0x0  }
0xa2: {  	[sflag:s23] =	ssyncadd.s32 s6;
	_ =	sdelay $0x1  }
0xa3: {  	s24 =	simm.s32 $0x1B8B  }
0xa4: {  	_ =	swait.ge [sflag:s24], $0x1  }
0xa5: {  	[sflag:s24] =	ssyncset.done $0x0  }
0xa6: {  	s25 =	simm.s32 $0x1B8E;
	[sflag:s24] =	ssyncadd.s32 $0xFFFFFFFF  }
0xa7: {  	s26 =	simm.s32 $execute0_lowered;
	[smem:$0x3FD2] =	sst s25  }
0xa8: {  	s6 =	sshll.u32 s26, $0x1;
	_ =	strace $0x80000046;
	[dreg:$0x1] =	wrdreg $0xFFFFFFFF  }
0xa9: {  	s28 =	simm.s32 $_size_execute0_lowered;
	s5 =	sadd.s32 s5, s6;
	[dreg:$0x0] =	wrdreg $0x0  }
0xaa: {  	s6 =	sshll.u32 s28, $0x1;
	[dreg:$0x2] =	wrdreg s5  }
0xab: {  	[dreg:$0x3] =	wrdreg s6  }
0xac: {  	[dreg:$0x4] =	wrdreg $0xC0  }
0xad: {  	_ =	task [dreg:s9], $0x5FFFF  }
0xae: {  	[dreg:$0x1] =	wrdreg $0xFFFFFFFF  }
0xaf: {  	[dreg:$0x0] =	wrdreg $0x60  }
0xb0: {  	[dreg:$0x2] =	wrdreg s2  }
0xb1: {  	[dreg:$0x3] =	wrdreg s19  }
0xb2: {  	[dreg:$0x4] =	wrdreg s4  }
0xb3: {  	[dreg:$0x5] =	wrdreg $0x9  }
0xb4: {  	_ =	task.clear_ibuf [dreg:s9], $0x6FFFF;
	_ =	strace $0x90000046  }
0xb5: {  	s29 =	simm.s32 $0x9;
	_ =	strace $0x80000048  }
0xb6: {  	_ =	swait.ge [sflag:s29], $0x1  }
0xb7: {  	[sflag:s29] =	ssyncadd.s32 $0xFFFFFFFF  }
0xb8: {  	_ =	strace $0x90000048  }
0xb9: {  	_ =	sfence  }
0xba: {  	s30 =	sld [smem:$0x0];
	_ =	sdelay $0x2  }
0xbb: {  	s31 =	sshll.u32 s1, $0xD;
	s1 =	sshrl.u32 s1, $0x2  }
0xbc: {  	s3 =	sand.u32 $0x4000, s31;
	s1 =	sadd.s32 s1, s30  }
0xbd: {  	s0 =	sor.u32 s3, s0;
	s1 =	sshll.u32 s1, $0x11  }
0xbe: {  	s0 =	sor.u32 s1, s0  }
0xbf: {  	s0 =	sadd.s32 $0x8F2B, s0  }
0xc0: {  	[sflag:s0] =	ssyncadd.remote.s32 $0x1  }
0xc1: {  	_ =	sfence.sel $0xFFFF  }
0xc2: {  	[dreg:$0x0] =	wrdreg $0xFFFFFFFF;
	(pc) =	sbr.abs _section_cstart, $3  }
0xc3: {  	[dreg:$0x1] =	wrdreg $0xFFFFFFFF  }
0xc4: {  	_ =	task.clear_ibuf [dreg:s9], $0x2FFFF;
	_ =	strace $0x9FFFFFFF  }
0xc5: {  	(tm) =	ssettm $0x7FFFFFFF  }
tec
execute0_lowered:
.L_overlay_start_1:
0x0: {  	(tag) =	ssettag $0x1  }
0x1: {  	s0 =	srdreg.scid  }
0x2: {  	s1 =	stileid.u32;
	s0 =	sand.u32 $0x1, s0  }
0x3: {  	s2 =	sshll.u32 s1, $0x8;
	s3 =	sshll.u32 s0, $0x7  }
0x4: {  	s4 =	simm.s32 $0x0;
	s28 =	rddreg [dreg:$0x1];
	s26 =	sor.u32 s3, s2  }
0x5: {  	s1 =	rddreg [dreg:$0x0];
	s10 =	ssub.s32 $0x2, s0;
	s0 =	sshll.u32 s26, $0x7  }
0x6: {  	[smem:$0x7FF] =	sst s4;
	s5 =	sadd.s32 $0x40, s1;
	s4 =	sor.u32 $0x80000, s0  }
0x7: {  	s7 =	sadd.s32 $0x50, s1;
	s3 =	sor.u32 $0x100000, s0;
	s12 =	sadd.s32 s4, s5  }
0x8: {  	s16 =	sadd.s32 $0x60, s1;
	s6 =	sadd.s32 s3, s5;
	[dreg:$0x4] =	wrdreg s12  }
0x9: {  	s11 =	sshrl.u32 s10, $0x1;
	s13 =	sadd.s32 s4, s7;
	[dreg:$0x5] =	wrdreg s6  }
0xa: {  	s2 =	ssub.s32 s10, s11;
	s14 =	sadd.s32 s3, s7;
	[dreg:$0x7] =	wrdreg s13  }
0xb: {  	s17 =	sor.u32 $0x100400, s0;
	s10 =	sadd.s32 s4, s16;
	[dreg:$0x8] =	wrdreg s14  }
0xc: {  	s9 =	sor.u32 $0x80400, s0;
	s18 =	sadd.s32 s17, s5;
	[dreg:$0xa] =	wrdreg s10  }
0xd: {  	s19 =	sadd.s32 s9, s7;
	[dreg:$0xc] =	wrdreg s18  }
0xe: {  	s11 =	sor.u32 $0x180400, s0;
	s20 =	sadd.s32 s17, s7;
	[dreg:$0xe] =	wrdreg s19  }
0xf: {  	s21 =	sadd.s32 s11, s7;
	[dreg:$0xf] =	wrdreg s20  }
0x10: {  	s22 =	sadd.s32 s3, s16;
	[dreg:$0x10] =	wrdreg s21  }
0x11: {  	s24 =	sadd.s32 s9, s16;
	[dreg:$0x11] =	wrdreg s22  }
0x12: {  	s25 =	sadd.s32 s17, s16;
	[dreg:$0x13] =	wrdreg s24  }
0x13: {  	s29 =	sadd.s32 s11, s16;
	[dreg:$0x14] =	wrdreg s25  }
0x14: {  	[dreg:$0x15] =	wrdreg s29  }
0x15: {  	s30 =	sadd.s32 $0x70, s1;
	s12 =	sadd.s32 s9, s5;
	s24 =	rddreg [dreg:$0x2]  }
0x16: {  	s9 =	sadd.s32 s9, s30;
	[dreg:$0xb] =	wrdreg s12  }
0x17: {  	s10 =	sadd.s32 s17, s30;
	[dreg:$0x16] =	wrdreg s9  }
0x18: {  	s13 =	sadd.s32 s4, s30;
	[dreg:$0x17] =	wrdreg s10  }
0x19: {  	s6 =	sor.u32 $0x180000, s0;
	s14 =	sadd.s32 s3, s30;
	[dreg:$0x19] =	wrdreg s13  }
0x1a: {  	s8 =	sadd.s32 s6, s5;
	[dreg:$0x1a] =	wrdreg s14  }
0x1b: {  	s15 =	sadd.s32 s6, s7;
	[dreg:$0x6] =	wrdreg s8  }
0x1c: {  	s5 =	sadd.s32 s11, s5;
	[dreg:$0x9] =	wrdreg s15  }
0x1d: {  	s23 =	sadd.s32 s6, s16;
	[dreg:$0xd] =	wrdreg s5  }
0x1e: {  	s12 =	sadd.s32 s11, s30;
	[dreg:$0x12] =	wrdreg s23  }
0x1f: {  	s7 =	sadd.s32 $0x40, s24;
	[dreg:$0x18] =	wrdreg s12;
	s5 =	sadd.s32 s6, s30  }
0x20: {  	s15 =	sadd.s32 s4, s7;
	[dreg:$0x1b] =	wrdreg s5  }
0x21: {  	s18 =	sadd.s32 s3, s7;
	[dreg:$0x1c] =	wrdreg s15  }
0x22: {  	s9 =	sadd.s32 $0x70, s24;
	s21 =	sadd.s32 s6, s7;
	[smem:$0x784] =	sst s18  }
0x23: {  	s29 =	sor.u32 $0x3C00, s0;
	s25 =	sadd.s32 s6, s9;
	[smem:$0x788] =	sst s21  }
0x24: {  	s11 =	sor.u32 $0x103C00, s0;
	s30 =	sadd.s32 s29, s7;
	[smem:$0x78B] =	sst s25  }
0x25: {  	s8 =	sadd.s32 $0x60, s24;
	s13 =	sadd.s32 s11, s7;
	[smem:$0x78C] =	sst s30  }
0x26: {  	s17 =	sadd.s32 s4, s8;
	[smem:$0x78E] =	sst s13  }
0x27: {  	s20 =	sadd.s32 s3, s8;
	[dreg:$0x1e] =	wrdreg s17  }
0x28: {  	s23 =	sadd.s32 s6, s8;
	[smem:$0x786] =	sst s20  }
0x29: {  	s14 =	sor.u32 $0x183C00, s0;
	s18 =	sadd.s32 s29, s8;
	[smem:$0x78A] =	sst s23  }
0x2a: {  	s21 =	sadd.s32 s14, s8;
	[smem:$0x794] =	sst s18  }
0x2b: {  	s5 =	sadd.s32 $0x50, s24;
	s25 =	sadd.s32 s14, s9;
	[smem:$0x797] =	sst s21  }
0x2c: {  	s16 =	sadd.s32 s4, s5;
	[smem:$0x79B] =	sst s25  }
0x2d: {  	s4 =	sadd.s32 s4, s9;
	[dreg:$0x1d] =	wrdreg s16  }
0x2e: {  	s19 =	sadd.s32 s3, s5;
	[dreg:$0x1f] =	wrdreg s4  }
0x2f: {  	s3 =	sadd.s32 s3, s9;
	[smem:$0x785] =	sst s19  }
0x30: {  	s22 =	sadd.s32 s6, s5;
	[smem:$0x787] =	sst s3  }
0x31: {  	s15 =	sadd.s32 s29, s5;
	[smem:$0x789] =	sst s22  }
0x32: {  	s17 =	sadd.s32 s11, s5;
	[smem:$0x790] =	sst s15  }
0x33: {  	s20 =	sadd.s32 s11, s8;
	[smem:$0x792] =	sst s17  }
0x34: {  	s6 =	sor.u32 $0x83C00, s0;
	s23 =	sadd.s32 s11, s9;
	[smem:$0x796] =	sst s20  }
0x35: {  	s12 =	sadd.s32 s6, s7;
	[smem:$0x79A] =	sst s23  }
0x36: {  	s7 =	sadd.s32 s14, s7;
	[smem:$0x78D] =	sst s12  }
0x37: {  	s16 =	sadd.s32 s6, s5;
	[smem:$0x78F] =	sst s7  }
0x38: {  	s5 =	sadd.s32 s14, s5;
	[smem:$0x791] =	sst s16  }
0x39: {  	s19 =	sadd.s32 s6, s8;
	[smem:$0x793] =	sst s5  }
0x3a: {  	s3 =	sadd.s32 s29, s9;
	[smem:$0x795] =	sst s19  }
0x3b: {  	s2 =	smax.u32 s2, $0x1;
	s22 =	sadd.s32 s6, s9;
	[smem:$0x798] =	sst s3  }
0x3c: {  	s29 =	sor.u32 $0x40, s0;
	s4 =	sor.u32 $0x50, s0;
	[smem:$0x799] =	sst s22  }
0x3d: {  	s30 =	sadd.s32 s28, s29;
	_ =	strace $0x80000047;
	[smem:$0x79C] =	sst s2  }
0x3e: {  	s6 =	sor.u32 $0x60, s0;
	s5 =	sadd.s32 s28, s4;
	[smem:$0x79D] =	sst s30  }
0x3f: {  	s8 =	sor.u32 $0x70, s0;
	s7 =	sadd.s32 s28, s6;
	[smem:$0x79F] =	sst s5  }
0x40: {  	s10 =	sor.u32 $0x400, s0;
	s9 =	sadd.s32 s28, s8;
	[smem:$0x7A1] =	sst s7  }
0x41: {  	s11 =	sadd.s32 s28, s10;
	s14 =	sor.u32 $0x420, s0;
	[smem:$0x7A3] =	sst s9  }
0x42: {  	s18 =	sadd.s32 $0x80400, s1;
	s15 =	sadd.s32 s28, s14;
	[smem:$0x7A5] =	sst s11  }
0x43: {  	s19 =	sadd.s32 s0, s18;
	[smem:$0x7A9] =	sst s15  }
0x44: {  	s12 =	sor.u32 $0x410, s0;
	s2 =	sadd.s32 s1, s29;
	[smem:$0x7AD] =	sst s19  }
0x45: {  	s16 =	sor.u32 $0x430, s0;
	s13 =	sadd.s32 s28, s12;
	[smem:$0x79E] =	sst s2  }
0x46: {  	s22 =	sadd.s32 $0x100400, s1;
	s17 =	sadd.s32 s28, s16;
	[smem:$0x7A7] =	sst s13  }
0x47: {  	s23 =	sadd.s32 $0x180400, s1;
	s25 =	sadd.s32 s0, s22;
	[smem:$0x7AB] =	sst s17  }
0x48: {  	s7 =	sadd.s32 s0, s23;
	[smem:$0x7B1] =	sst s25  }
0x49: {  	s5 =	sor.u32 $0x20, s0;
	s2 =	sadd.s32 s1, s4;
	[smem:$0x7B5] =	sst s7  }
0x4a: {  	s21 =	sadd.s32 s5, s18;
	[smem:$0x7A0] =	sst s2  }
0x4b: {  	s30 =	sadd.s32 s5, s22;
	[smem:$0x7AF] =	sst s21  }
0x4c: {  	s9 =	sadd.s32 s5, s23;
	[smem:$0x7B3] =	sst s30  }
0x4d: {  	s4 =	sor.u32 $0x10, s0;
	s2 =	sadd.s32 s1, s6;
	[smem:$0x7B7] =	sst s9  }
0x4e: {  	s20 =	sadd.s32 s4, s18;
	[smem:$0x7A2] =	sst s2  }
0x4f: {  	s29 =	sadd.s32 s4, s22;
	[smem:$0x7AE] =	sst s20  }
0x50: {  	s15 =	sadd.s32 s1, s4;
	[smem:$0x7B2] =	sst s29  }
0x51: {  	s19 =	sadd.s32 s24, s4;
	[smem:$0x7BE] =	sst s15  }
0x52: {  	s30 =	sadd.s32 s28, s5;
	[smem:$0x7C2] =	sst s19  }
0x53: {  	s2 =	sadd.s32 s1, s8;
	[smem:$0x7CA] =	sst s30  }
0x54: {  	s7 =	sadd.s32 $0x103C00, s24;
	s8 =	sadd.s32 s4, s23;
	[smem:$0x7A4] =	sst s2  }
0x55: {  	s31 =	sadd.s32 $0x80000, s1;
	s29 =	sadd.s32 s4, s7;
	[smem:$0x7B6] =	sst s8  }
0x56: {  	s6 =	sadd.s32 $0x3C00, s24;
	s15 =	sadd.s32 s5, s31;
	[smem:$0x7C8] =	sst s29  }
0x57: {  	s30 =	sadd.s32 s0, s6;
	[smem:$0x7CC] =	sst s15  }
0x58: {  	s9 =	sadd.s32 $0x183C00, s24;
	s2 =	sadd.s32 s1, s10;
	[smem:$0x7D7] =	sst s30  }
0x59: {  	s29 =	sadd.s32 s5, s9;
	[smem:$0x7A6] =	sst s2  }
0x5a: {  	s30 =	sadd.s32 s24, s0;
	[smem:$0x7D6] =	sst s29  }
0x5b: {  	s11 =	sor.u32 $0x440, s0;
	s2 =	sadd.s32 s1, s12;
	[smem:$0x7FC] =	sst s30  }
0x5c: {  	s8 =	sadd.s32 $0x100000, s1;
	s12 =	sadd.s32 s28, s11;
	[smem:$0x7A8] =	sst s2  }
0x5d: {  	s17 =	sadd.s32 s4, s8;
	[smem:$0x7B9] =	sst s12  }
0x5e: {  	s29 =	sadd.s32 s0, s9;
	[smem:$0x7C0] =	sst s17  }
0x5f: {  	s13 =	sor.u32 $0x450, s0;
	s2 =	sadd.s32 s1, s14;
	[smem:$0x7E7] =	sst s29  }
0x60: {  	s14 =	sadd.s32 s28, s13;
	[smem:$0x7AA] =	sst s2  }
0x61: {  	s29 =	sadd.s32 $0x60, s30;
	[smem:$0x7BB] =	sst s14  }
0x62: {  	s2 =	sadd.s32 s1, s16;
	[smem:$0x7FB] =	sst s29  }
0x63: {  	s14 =	sadd.s32 s28, s4;
	[smem:$0x7AC] =	sst s2  }
0x64: {  	s16 =	sadd.s32 s4, s31;
	[smem:$0x7BD] =	sst s14  }
0x65: {  	[smem:$0x7BF] =	sst s16;
	s14 =	sadd.s32 s1, s5  }
0x66: {  	s2 =	sor.u32 $0x30, s0;
	s16 =	sadd.s32 s5, s8;
	[smem:$0x7CB] =	sst s14  }
0x67: {  	s3 =	sadd.s32 s2, s18;
	[smem:$0x7CD] =	sst s16  }
0x68: {  	s10 =	sadd.s32 s2, s23;
	[smem:$0x7B0] =	sst s3  }
0x69: {  	s23 =	sadd.s32 s4, s6;
	[smem:$0x7B8] =	sst s10  }
0x6a: {  	s14 =	sadd.s32 s0, s7;
	[smem:$0x7C6] =	sst s23  }
0x6b: {  	s15 =	sadd.s32 s2, s7;
	[smem:$0x7DB] =	sst s14  }
0x6c: {  	s16 =	sadd.s32 s28, s2;
	[smem:$0x7DC] =	sst s15  }
0x6d: {  	s12 =	sadd.s32 $0x180000, s24;
	s3 =	sadd.s32 s2, s22;
	[smem:$0x7DD] =	sst s16  }
0x6e: {  	s22 =	sadd.s32 s4, s12;
	[smem:$0x7B4] =	sst s3  }
0x6f: {  	s15 =	sadd.s32 s0, s12;
	[smem:$0x7C5] =	sst s22  }
0x70: {  	s10 =	sadd.s32 $0x80000, s24;
	s3 =	sadd.s32 s1, s11;
	[smem:$0x7F0] =	sst s15  }
0x71: {  	s20 =	sadd.s32 s4, s10;
	[smem:$0x7BA] =	sst s3  }
0x72: {  	s19 =	sadd.s32 s5, s10;
	[smem:$0x7C3] =	sst s20  }
0x73: {  	s22 =	sadd.s32 s5, s6;
	[smem:$0x7D0] =	sst s19  }
0x74: {  	s11 =	sadd.s32 $0x100000, s24;
	s3 =	sadd.s32 s1, s13;
	[smem:$0x7D3] =	sst s22  }
0x75: {  	s21 =	sadd.s32 s4, s11;
	[smem:$0x7BC] =	sst s3  }
0x76: {  	s20 =	sadd.s32 s5, s11;
	[smem:$0x7C4] =	sst s21  }
0x77: {  	s19 =	sadd.s32 s2, s8;
	[smem:$0x7D1] =	sst s20  }
0x78: {  	s22 =	sadd.s32 s2, s10;
	[smem:$0x7E0] =	sst s19  }
0x79: {  	s13 =	sadd.s32 $0x180000, s1;
	[smem:$0x7E3] =	sst s22  }
0x7a: {  	s14 =	sadd.s32 s0, s11;
	[smem:$0x7EC] =	sst s13  }
0x7b: {  	s18 =	sadd.s32 s4, s13;
	[smem:$0x7EF] =	sst s14  }
0x7c: {  	s17 =	sadd.s32 s5, s13;
	[smem:$0x7C1] =	sst s18  }
0x7d: {  	s21 =	sadd.s32 s5, s12;
	[smem:$0x7CE] =	sst s17  }
0x7e: {  	s20 =	sadd.s32 s2, s13;
	[smem:$0x7D2] =	sst s21  }
0x7f: {  	s19 =	sor.u32 $0x10, s26;
	[smem:$0x7E1] =	sst s20  }
0x80: {  	s3 =	sadd.s32 $0x83C00, s24;
	s22 =	sor.u32 $0x1C, s26;
	[smem:$0x7F5] =	sst s19  }
0x81: {  	s25 =	sadd.s32 s4, s3;
	[smem:$0x7F8] =	sst s22  }
0x82: {  	s4 =	sadd.s32 s4, s9;
	[smem:$0x7C7] =	sst s25  }
0x83: {  	s18 =	sadd.s32 s24, s5;
	[smem:$0x7C9] =	sst s4  }
0x84: {  	s23 =	sadd.s32 s5, s3;
	[smem:$0x7CF] =	sst s18  }
0x85: {  	s17 =	sadd.s32 s1, s2;
	[smem:$0x7D4] =	sst s23  }
0x86: {  	s21 =	sadd.s32 s24, s2;
	[smem:$0x7DE] =	sst s17  }
0x87: {  	s20 =	sor.u32 $0x14, s26;
	[smem:$0x7E2] =	sst s21  }
0x88: {  	s25 =	sadd.s32 s5, s7;
	[smem:$0x7F6] =	sst s20  }
0x89: {  	s5 =	sadd.s32 s2, s6;
	[smem:$0x7D5] =	sst s25  }
0x8a: {  	s6 =	sadd.s32 s0, s3;
	[smem:$0x7D8] =	sst s5  }
0x8b: {  	s3 =	sadd.s32 s2, s3;
	[smem:$0x7D9] =	sst s6  }
0x8c: {  	s18 =	sadd.s32 s2, s31;
	[smem:$0x7DA] =	sst s3  }
0x8d: {  	s23 =	sadd.s32 s2, s11;
	[smem:$0x7DF] =	sst s18  }
0x8e: {  	s4 =	sadd.s32 s28, s0;
	[smem:$0x7E4] =	sst s23  }
0x8f: {  	s16 =	sor.u32 $0x460, s0;
	s7 =	sadd.s32 s0, s8;
	[smem:$0x7E8] =	sst s4  }
0x90: {  	s17 =	sadd.s32 s28, s16;
	[smem:$0x7EB] =	sst s7  }
0x91: {  	s21 =	sor.u32 $0x18, s26;
	[smem:$0x7F1] =	sst s17  }
0x92: {  	s25 =	sadd.s32 s2, s12;
	[smem:$0x7F7] =	sst s21  }
0x93: {  	s2 =	sadd.s32 s2, s9;
	[smem:$0x7E5] =	sst s25  }
0x94: {  	s15 =	simm.s32 $0x80;
	s5 =	sadd.s32 s1, s0;
	[smem:$0x7E6] =	sst s2  }
0x95: {  	s19 =	simm.s32 $0xA800;
	s6 =	sadd.s32 s0, s31;
	[smem:$0x7E9] =	sst s5  }
0x96: {  	s22 =	simm.s32 $0x8;
	s9 =	sadd.s32 s0, s13;
	[smem:$0x7EA] =	sst s6  }
0x97: {  	s20 =	simm.s32 $0x7;
	s13 =	sadd.s32 s0, s10;
	[smem:$0x7ED] =	sst s9  }
0x98: {  	s0 =	sor.u32 $0x470, s0;
	s23 =	sadd.s32 $0x40, s30;
	[smem:$0x7EE] =	sst s13  }
0x99: {  	s21 =	simm.s32 $0x2000;
	s2 =	sadd.s32 s1, s16;
	[smem:$0x7F9] =	sst s23  }
0x9a: {  	s17 =	simm.s32 $0x8800;
	s18 =	sadd.s32 s28, s0;
	[smem:$0x7F2] =	sst s2  }
0x9b: {  	s0 =	sadd.s32 s1, s0;
	s25 =	sadd.s32 $0x50, s30;
	[smem:$0x7F3] =	sst s18  }
0x9c: {  	s30 =	sadd.s32 $0x70, s30;
	s16 =	simm.s32 $0x400;
	[smem:$0x7F4] =	sst s0  }
0x9d: {  	s9 =	simm.s32 $0x8400;
	s13 =	simm.s32 $0xA400;
	[smem:$0x7FA] =	sst s25  }
0x9e: {  	[smem:$0x7FD] =	sst s30;
	s18 =	simm.s32 $0x1000;
	s2 =	simm.s32 $0x0  }
.LBB2_1:
0x9f: {  	s0 =	sld [smem:$0x7E8];
	_ =	sdelay $0x1  }
0xa0: {  	s30 =	simm.s32 $0x10000;
	s3 =	sld [smem:$0x7E9]  }
0xa1: {  	[tilespmem:s30], [sflag:$0x9] =	stream.strided.gather [hbm4b:s0+s15], $0x400, s16, s15, $0x38;
	[tilespmem:$0x14000] =	vst v63  }
0xa2: {  	s4 =	sld [smem:$0x7EA];
	s0 =	simm.s32 $0x0  }
0xa3: {  	[tilespmem:s0], [sflag:$0x1] =	stream.strided.gather [hbm4b:s3+s15], $0x400, s16, s15, $0x38;
	[tilespmem:$0x14000] =	vst v63  }
0xa4: {  	s5 =	sld [smem:$0x7EB]  }
0xa5: {  	[tilespmem:s18], [sflag:$0x1] =	stream.strided.gather [hbm4b:s4+s15], $0x400, s16, s15, $0x38;
	[tilespmem:$0x14000] =	vst v63  }
0xa6: {  	s6 =	sld [smem:$0x7ED]  }
0xa7: {  	[tilespmem:s21], [sflag:$0x1] =	stream.strided.gather [hbm4b:s5+s15], $0x400, s16, s15, $0x38;
	[tilespmem:$0x14000] =	vst v63  }
0xa8: {  	s7 =	simm.s32 $0x3000;
	s14 =	sld [smem:$0x7BD]  }
0xa9: {  	[tilespmem:s7], [sflag:$0x1] =	stream.strided.gather [hbm4b:s6+s15], $0x400, s16, s15, $0x38;
	[tilespmem:$0x14000] =	vst v63  }
0xaa: {  	s23 =	simm.s32 $0x10400;
	s25 =	sld [smem:$0x7BE]  }
0xab: {  	[tilespmem:s23], [sflag:$0x9] =	stream.strided.gather [hbm4b:s14+s15], $0x400, s16, s15, $0x38;
	[tilespmem:$0x14000] =	vst v63  }
0xac: {  	s29 =	sld [smem:$0x7BF]  }
0xad: {  	[tilespmem:s16], [sflag:$0x1] =	stream.strided.gather [hbm4b:s25+s15], $0x400, s16, s15, $0x38;
	[tilespmem:$0x14000] =	vst v63  }
0xae: {  	s30 =	simm.s32 $0x1400;
	s3 =	sld [smem:$0x7C0]  }
0xaf: {  	[tilespmem:s30], [sflag:$0x1] =	stream.strided.gather [hbm4b:s29+s15], $0x400, s16, s15, $0x38;
	[tilespmem:$0x14000] =	vst v63  }
0xb0: {  	s4 =	simm.s32 $0x2400;
	s5 =	sld [smem:$0x7C1]  }
0xb1: {  	[tilespmem:s4], [sflag:$0x1] =	stream.strided.gather [hbm4b:s3+s15], $0x400, s16, s15, $0x38;
	[tilespmem:$0x14000] =	vst v63  }
0xb2: {  	s6 =	simm.s32 $0x3400;
	s7 =	sld [smem:$0x7CA]  }
0xb3: {  	[tilespmem:s6], [sflag:$0x1] =	stream.strided.gather [hbm4b:s5+s15], $0x400, s16, s15, $0x38;
	[tilespmem:$0x14000] =	vst v63  }
0xb4: {  	s14 =	simm.s32 $0x10800;
	s23 =	sld [smem:$0x7CB]  }
0xb5: {  	[tilespmem:s14], [sflag:$0x9] =	stream.strided.gather [hbm4b:s7+s15], $0x400, s16, s15, $0x38;
	[tilespmem:$0x14000] =	vst v63  }
0xb6: {  	s25 =	simm.s32 $0x800;
	s29 =	sld [smem:$0x7CC]  }
0xb7: {  	[tilespmem:s25], [sflag:$0x1] =	stream.strided.gather [hbm4b:s23+s15], $0x400, s16, s15, $0x38;
	[tilespmem:$0x14000] =	vst v63  }
0xb8: {  	s30 =	simm.s32 $0x1800;
	s3 =	sld [smem:$0x7CD]  }
0xb9: {  	[tilespmem:s30], [sflag:$0x1] =	stream.strided.gather [hbm4b:s29+s15], $0x400, s16, s15, $0x38;
	[tilespmem:$0x14000] =	vst v63  }
0xba: {  	s4 =	simm.s32 $0x2800;
	s5 =	sld [smem:$0x7CE]  }
0xbb: {  	[tilespmem:s4], [sflag:$0x1] =	stream.strided.gather [hbm4b:s3+s15], $0x400, s16, s15, $0x38;
	[tilespmem:$0x14000] =	vst v63  }
0xbc: {  	s6 =	simm.s32 $0x3800;
	s7 =	sld [smem:$0x7DD]  }
0xbd: {  	[tilespmem:s6], [sflag:$0x1] =	stream.strided.gather [hbm4b:s5+s15], $0x400, s16, s15, $0x38;
	[tilespmem:$0x14000] =	vst v63  }
0xbe: {  	s14 =	simm.s32 $0x10C00;
	s23 =	sld [smem:$0x7DE]  }
0xbf: {  	[tilespmem:s14], [sflag:$0x9] =	stream.strided.gather [hbm4b:s7+s15], $0x400, s16, s15, $0x38;
	[tilespmem:$0x14000] =	vst v63  }
0xc0: {  	s25 =	simm.s32 $0xC00;
	s29 =	sld [smem:$0x7DF]  }
0xc1: {  	[tilespmem:s25], [sflag:$0x1] =	stream.strided.gather [hbm4b:s23+s15], $0x400, s16, s15, $0x38;
	[tilespmem:$0x14000] =	vst v63  }
0xc2: {  	s30 =	simm.s32 $0x1C00;
	s3 =	sld [smem:$0x7E0]  }
0xc3: {  	[tilespmem:s30], [sflag:$0x1] =	stream.strided.gather [hbm4b:s29+s15], $0x400, s16, s15, $0x38;
	[tilespmem:$0x14000] =	vst v63  }
0xc4: {  	s4 =	simm.s32 $0x2C00;
	s5 =	sld [smem:$0x7E1]  }
0xc5: {  	[tilespmem:s4], [sflag:$0x1] =	stream.strided.gather [hbm4b:s3+s15], $0x400, s16, s15, $0x38;
	[tilespmem:$0x14000] =	vst v63  }
0xc6: {  	s6 =	simm.s32 $0x3C00;
	s7 =	sld [smem:$0x79D]  }
0xc7: {  	[tilespmem:s6], [sflag:$0x1] =	stream.strided.gather [hbm4b:s5+s15], $0x400, s16, s15, $0x38;
	[tilespmem:$0x14000] =	vst v63  }
0xc8: {  	s14 =	simm.s32 $0x11000;
	s23 =	sld [smem:$0x79E]  }
0xc9: {  	[tilespmem:s14], [sflag:$0xA] =	stream.strided.gather [hbm4b:s7+s15], $0x400, s16, s15, $0x38;
	[tilespmem:$0x14000] =	vst v63  }
0xca: {  	s25 =	simm.s32 $0x4000;
	s29 =	rddreg [dreg:$0x4]  }
0xcb: {  	[tilespmem:s25], [sflag:$0x2] =	stream.strided.gather [hbm4b:s23+s15], $0x400, s16, s15, $0x38;
	[tilespmem:$0x14000] =	vst v63  }
0xcc: {  	s30 =	simm.s32 $0x5000;
	s3 =	rddreg [dreg:$0x5]  }
0xcd: {  	[tilespmem:s30], [sflag:$0x2] =	stream.strided.gather [hbm4b:s29+s15], $0x400, s16, s15, $0x38;
	[tilespmem:$0x14000] =	vst v63  }
0xce: {  	s4 =	simm.s32 $0x6000;
	s5 =	rddreg [dreg:$0x6]  }
0xcf: {  	[tilespmem:s4], [sflag:$0x2] =	stream.strided.gather [hbm4b:s3+s15], $0x400, s16, s15, $0x38;
	[tilespmem:$0x14000] =	vst v63  }
0xd0: {  	s6 =	simm.s32 $0x7000;
	s7 =	sld [smem:$0x79F]  }
0xd1: {  	[tilespmem:s6], [sflag:$0x2] =	stream.strided.gather [hbm4b:s5+s15], $0x400, s16, s15, $0x38;
	[tilespmem:$0x14000] =	vst v63  }
0xd2: {  	s14 =	simm.s32 $0x11400;
	s23 =	sld [smem:$0x7A0]  }
0xd3: {  	[tilespmem:s14], [sflag:$0xA] =	stream.strided.gather [hbm4b:s7+s15], $0x400, s16, s15, $0x38;
	[tilespmem:$0x14000] =	vst v63  }
0xd4: {  	s25 =	simm.s32 $0x4400;
	s29 =	rddreg [dreg:$0x7]  }
0xd5: {  	[tilespmem:s25], [sflag:$0x2] =	stream.strided.gather [hbm4b:s23+s15], $0x400, s16, s15, $0x38;
	[tilespmem:$0x14000] =	vst v63  }
0xd6: {  	s30 =	simm.s32 $0x5400;
	s3 =	rddreg [dreg:$0x8]  }
0xd7: {  	[tilespmem:s30], [sflag:$0x2] =	stream.strided.gather [hbm4b:s29+s15], $0x400, s16, s15, $0x38;
	[tilespmem:$0x14000] =	vst v63  }
0xd8: {  	s4 =	simm.s32 $0x6400;
	s5 =	rddreg [dreg:$0x9]  }
0xd9: {  	[tilespmem:s4], [sflag:$0x2] =	stream.strided.gather [hbm4b:s3+s15], $0x400, s16, s15, $0x38;
	[tilespmem:$0x14000] =	vst v63  }
0xda: {  	s6 =	simm.s32 $0x7400;
	s7 =	sld [smem:$0x7A1]  }
0xdb: {  	[tilespmem:s6], [sflag:$0x2] =	stream.strided.gather [hbm4b:s5+s15], $0x400, s16, s15, $0x38;
	[tilespmem:$0x14000] =	vst v63  }
0xdc: {  	s14 =	simm.s32 $0x11800;
	s23 =	sld [smem:$0x7A2]  }
0xdd: {  	[tilespmem:s14], [sflag:$0xA] =	stream.strided.gather [hbm4b:s7+s15], $0x400, s16, s15, $0x38;
	[tilespmem:$0x14000] =	vst v63  }
0xde: {  	s25 =	simm.s32 $0x4800;
	s29 =	rddreg [dreg:$0xa]  }
0xdf: {  	[tilespmem:s25], [sflag:$0x2] =	stream.strided.gather [hbm4b:s23+s15], $0x400, s16, s15, $0x38;
	[tilespmem:$0x14000] =	vst v63  }
0xe0: {  	s30 =	simm.s32 $0x5800;
	s3 =	rddreg [dreg:$0x11]  }
0xe1: {  	[tilespmem:s30], [sflag:$0x2] =	stream.strided.gather [hbm4b:s29+s15], $0x400, s16, s15, $0x38;
	[tilespmem:$0x14000] =	vst v63  }
0xe2: {  	s4 =	simm.s32 $0x6800;
	s5 =	rddreg [dreg:$0x12]  }
0xe3: {  	[tilespmem:s4], [sflag:$0x2] =	stream.strided.gather [hbm4b:s3+s15], $0x400, s16, s15, $0x38;
	[tilespmem:$0x14000] =	vst v63  }
0xe4: {  	s6 =	simm.s32 $0x7800;
	s7 =	sld [smem:$0x7A3]  }
0xe5: {  	[tilespmem:s6], [sflag:$0x2] =	stream.strided.gather [hbm4b:s5+s15], $0x400, s16, s15, $0x38;
	[tilespmem:$0x14000] =	vst v63  }
0xe6: {  	s14 =	simm.s32 $0x11C00;
	s23 =	sld [smem:$0x7A4]  }
0xe7: {  	[tilespmem:s14], [sflag:$0xA] =	stream.strided.gather [hbm4b:s7+s15], $0x400, s16, s15, $0x38;
	[tilespmem:$0x14000] =	vst v63  }
0xe8: {  	[smem:$0x783] =	sst s2;
	s25 =	simm.s32 $0x4C00  }
0xe9: {  	[tilespmem:s25], [sflag:$0x2] =	stream.strided.gather [hbm4b:s23+s15], $0x400, s16, s15, $0x38;
	[tilespmem:$0x14000] =	vst v63  }
0xea: {  	s29 =	rddreg [dreg:$0x19];
	s30 =	simm.s32 $0x5C00  }
0xeb: {  	[tilespmem:s30], [sflag:$0x2] =	stream.strided.gather [hbm4b:s29+s15], $0x400, s16, s15, $0x38;
	[tilespmem:$0x14000] =	vst v63  }
0xec: {  	s3 =	rddreg [dreg:$0x1a];
	s4 =	simm.s32 $0x6C00  }
0xed: {  	[tilespmem:s4], [sflag:$0x2] =	stream.strided.gather [hbm4b:s3+s15], $0x400, s16, s15, $0x38;
	[tilespmem:$0x14000] =	vst v63  }
0xee: {  	s5 =	rddreg [dreg:$0x1b];
	s6 =	simm.s32 $0x7C00;
	s7 =	simm.s32 $0x9  }
0xef: {  	[tilespmem:s6], [sflag:$0x2] =	stream.strided.gather [hbm4b:s5+s15], $0x400, s16, s15, $0x38;
	[tilespmem:$0x14000] =	vst v63  }
0xf0: {  	_ =	swait.ge [sflag:s7], $0x1000  }
0xf1: {  	[sflag:s7] =	ssyncset.done $0x0  }
0xf2: {  	s14 =	simm.s32 $0x1;
	[sflag:s7] =	ssyncadd.s32 $0xFFFFF000  }
0xf3: {  	_ =	swait.ge [sflag:s14], $0x1000  }
0xf4: {  	[sflag:s14] =	ssyncset.done $0x0  }
0xf5: {  	[sflag:s14] =	ssyncadd.s32 $0xFFFFF000  }
0xf6: {  	_ =	swait.ge [sflag:s14], $0x1000  }
0xf7: {  	[sflag:s14] =	ssyncset.done $0x0  }
0xf8: {  	[sflag:s14] =	ssyncadd.s32 $0xFFFFF000  }
0xf9: {  	_ =	swait.ge [sflag:s14], $0x1000  }
0xfa: {  	[sflag:s14] =	ssyncset.done $0x0  }
0xfb: {  	[sflag:s14] =	ssyncadd.s32 $0xFFFFF000  }
0xfc: {  	_ =	swait.ge [sflag:s14], $0x1000  }
0xfd: {  	s23 =	sld [smem:$0x7A5]  }
0xfe: {  	[sflag:s14] =	ssyncset.done $0x0  }
0xff: {  	s25 =	simm.s32 $0x12000;
	s29 =	sld [smem:$0x7A6];
	[sflag:s14] =	ssyncadd.s32 $0xFFFFF000  }
0x100: {  	[tilespmem:s25], [sflag:$0xB] =	stream.strided.gather [hbm4b:s23+s15], $0x400, s16, s15, $0x38;
	[tilespmem:$0x14000] =	vst v63  }
0x101: {  	s30 =	simm.s32 $0x8000;
	s2 =	sld [smem:$0x7AD]  }
0x102: {  	[tilespmem:s30], [sflag:$0x3] =	stream.strided.gather [hbm4b:s29+s15], $0x400, s16, s15, $0x38;
	[tilespmem:$0x14000] =	vst v63  }
0x103: {  	s3 =	simm.s32 $0x9000;
	s4 =	sld [smem:$0x7B1]  }
0x104: {  	[tilespmem:s3], [sflag:$0x3] =	stream.strided.gather [hbm4b:s2+s15], $0x400, s16, s15, $0x38;
	[tilespmem:$0x14000] =	vst v63  }
0x105: {  	s5 =	simm.s32 $0xA000;
	s6 =	sld [smem:$0x7B5]  }
0x106: {  	[tilespmem:s5], [sflag:$0x3] =	stream.strided.gather [hbm4b:s4+s15], $0x400, s16, s15, $0x38;
	[tilespmem:$0x14000] =	vst v63  }
0x107: {  	s7 =	simm.s32 $0xB000;
	s14 =	sld [smem:$0x7A7]  }
0x108: {  	[tilespmem:s7], [sflag:$0x3] =	stream.strided.gather [hbm4b:s6+s15], $0x400, s16, s15, $0x38;
	[tilespmem:$0x14000] =	vst v63  }
0x109: {  	s23 =	simm.s32 $0x12400;
	s25 =	sld [smem:$0x7A8]  }
0x10a: {  	[tilespmem:s23], [sflag:$0xB] =	stream.strided.gather [hbm4b:s14+s15], $0x400, s16, s15, $0x38;
	[tilespmem:$0x14000] =	vst v63  }
0x10b: {  	s29 =	sld [smem:$0x7AE]  }
0x10c: {  	[tilespmem:s9], [sflag:$0x3] =	stream.strided.gather [hbm4b:s25+s15], $0x400, s16, s15, $0x38;
	[tilespmem:$0x14000] =	vst v63  }
0x10d: {  	s30 =	simm.s32 $0x9400;
	s2 =	sld [smem:$0x7B2]  }
0x10e: {  	[tilespmem:s30], [sflag:$0x3] =	stream.strided.gather [hbm4b:s29+s15], $0x400, s16, s15, $0x38;
	[tilespmem:$0x14000] =	vst v63  }
0x10f: {  	s3 =	sld [smem:$0x7B6]  }
0x110: {  	[tilespmem:s13], [sflag:$0x3] =	stream.strided.gather [hbm4b:s2+s15], $0x400, s16, s15, $0x38;
	[tilespmem:$0x14000] =	vst v63  }
0x111: {  	s4 =	simm.s32 $0xB400;
	s5 =	sld [smem:$0x7A9]  }
0x112: {  	[tilespmem:s4], [sflag:$0x3] =	stream.strided.gather [hbm4b:s3+s15], $0x400, s16, s15, $0x38;
	[tilespmem:$0x14000] =	vst v63  }
0x113: {  	s6 =	simm.s32 $0x12800;
	s7 =	sld [smem:$0x7AA]  }
0x114: {  	[tilespmem:s6], [sflag:$0xB] =	stream.strided.gather [hbm4b:s5+s15], $0x400, s16, s15, $0x38;
	[tilespmem:$0x14000] =	vst v63  }
0x115: {  	s14 =	sld [smem:$0x7AF]  }
0x116: {  	[tilespmem:s17], [sflag:$0x3] =	stream.strided.gather [hbm4b:s7+s15], $0x400, s16, s15, $0x38;
	[tilespmem:$0x14000] =	vst v63  }
0x117: {  	s23 =	simm.s32 $0x9800;
	s25 =	sld [smem:$0x7B3]  }
0x118: {  	[tilespmem:s23], [sflag:$0x3] =	stream.strided.gather [hbm4b:s14+s15], $0x400, s16, s15, $0x38;
	[tilespmem:$0x14000] =	vst v63  }
0x119: {  	s29 =	sld [smem:$0x7B7]  }
0x11a: {  	[tilespmem:s19], [sflag:$0x3] =	stream.strided.gather [hbm4b:s25+s15], $0x400, s16, s15, $0x38;
	[tilespmem:$0x14000] =	vst v63  }
0x11b: {  	s30 =	simm.s32 $0xB800;
	s3 =	sld [smem:$0x7AB]  }
0x11c: {  	[tilespmem:s30], [sflag:$0x3] =	stream.strided.gather [hbm4b:s29+s15], $0x400, s16, s15, $0x38;
	[tilespmem:$0x14000] =	vst v63  }
0x11d: {  	s4 =	simm.s32 $0x12C00;
	s5 =	sld [smem:$0x7AC]  }
0x11e: {  	[tilespmem:s4], [sflag:$0xB] =	stream.strided.gather [hbm4b:s3+s15], $0x400, s16, s15, $0x38;
	[tilespmem:$0x14000] =	vst v63  }
0x11f: {  	s6 =	simm.s32 $0x8C00;
	s7 =	sld [smem:$0x7B0]  }
0x120: {  	[tilespmem:s6], [sflag:$0x3] =	stream.strided.gather [hbm4b:s5+s15], $0x400, s16, s15, $0x38;
	[tilespmem:$0x14000] =	vst v63  }
0x121: {  	s14 =	simm.s32 $0x9C00;
	s23 =	sld [smem:$0x7B4]  }
0x122: {  	[tilespmem:s14], [sflag:$0x3] =	stream.strided.gather [hbm4b:s7+s15], $0x400, s16, s15, $0x38;
	[tilespmem:$0x14000] =	vst v63  }
0x123: {  	s25 =	simm.s32 $0xAC00;
	s29 =	sld [smem:$0x7B8]  }
0x124: {  	[tilespmem:s25], [sflag:$0x3] =	stream.strided.gather [hbm4b:s23+s15], $0x400, s16, s15, $0x38;
	[tilespmem:$0x14000] =	vst v63  }
0x125: {  	s2 =	simm.s32 $0x0;
	s30 =	simm.s32 $0xBC00  }
0x126: {  	[tilespmem:s30], [sflag:$0x3] =	stream.strided.gather [hbm4b:s29+s15], $0x400, s16, s15, $0x38;
	[tilespmem:$0x14000] =	vst v63  }
0x127: {  	v0 =	vld [tilespmem:s2+$0x10030]  }
0x128: {  	v1 =	vld [tilespmem:s2+$0x10000];
	_ =	sdelay $0x1  }
0x129: {  	v2 =	vld [tilespmem:s2+$0x10010]  }
0x12a: {  	v3 =	vld [tilespmem:s2+$0x10020]  }
0x12b: {  	[tilespmem:s2+$0x3030] =	vst.add.f32.msk $0xffff, v0  }
0x12c: {  	[tilespmem:s2+$0x0] =	vst.add.f32.msk $0xffff, v1  }
0x12d: {  	[tilespmem:s2+$0x1000] =	vst.add.f32.msk $0xffff, v1  }
0x12e: {  	[tilespmem:s2+$0x2000] =	vst.add.f32.msk $0xffff, v1  }
0x12f: {  	[tilespmem:s2+$0x3000] =	vst.add.f32.msk $0xffff, v1  }
0x130: {  	[tilespmem:s2+$0x10] =	vst.add.f32.msk $0xffff, v2  }
0x131: {  	[tilespmem:s2+$0x1010] =	vst.add.f32.msk $0xffff, v2  }
0x132: {  	[tilespmem:s2+$0x2010] =	vst.add.f32.msk $0xffff, v2  }
0x133: {  	[tilespmem:s2+$0x3010] =	vst.add.f32.msk $0xffff, v2  }
0x134: {  	[tilespmem:s2+$0x20] =	vst.add.f32.msk $0xffff, v3  }
0x135: {  	[tilespmem:s2+$0x1020] =	vst.add.f32.msk $0xffff, v3  }
0x136: {  	[tilespmem:s2+$0x2020] =	vst.add.f32.msk $0xffff, v3  }
0x137: {  	[tilespmem:s2+$0x3020] =	vst.add.f32.msk $0xffff, v3  }
0x138: {  	[tilespmem:s2+$0x30] =	vst.add.f32.msk $0xffff, v0  }
0x139: {  	s4 =	simm.s32 $0x40;
	s3 =	simm.s32 $0x200;
	[tilespmem:s2+$0x1030] =	vst.add.f32.msk $0xffff, v0  }
.LBB2_2:
0x13a: {  	p0 =	sne.s32 s3, $0x3F00;
	v1 =	vld [tilespmem:s4+$0x10030]  }
0x13b: {  	v2 =	vld [tilespmem:s4+$0x10000]  }
0x13c: {  	v3 =	vld [tilespmem:s4+$0x10010]  }
0x13d: {  	v4 =	vld [tilespmem:s4+$0x10020]  }
0x13e: {  	[tilespmem:s2+$0x2030] =	vst.add.f32.msk $0xffff, v0;
	s2 =	smov.u32 s4  }
0x13f: {  	[tilespmem:s2+$0x3030] =	vst.add.f32.msk $0xffff, v1;
	v0 =	vmov v1  }
0x140: {  	[tilespmem:s2+$0x0] =	vst.add.f32.msk $0xffff, v2  }
0x141: {  	[tilespmem:s2+$0x1000] =	vst.add.f32.msk $0xffff, v2  }
0x142: {  	[tilespmem:s2+$0x2000] =	vst.add.f32.msk $0xffff, v2  }
0x143: {  	[tilespmem:s2+$0x3000] =	vst.add.f32.msk $0xffff, v2  }
0x144: {  	[tilespmem:s2+$0x10] =	vst.add.f32.msk $0xffff, v3  }
0x145: {  	[tilespmem:s2+$0x1010] =	vst.add.f32.msk $0xffff, v3  }
0x146: {  	[tilespmem:s2+$0x2010] =	vst.add.f32.msk $0xffff, v3  }
0x147: {  	[tilespmem:s2+$0x3010] =	vst.add.f32.msk $0xffff, v3  }
0x148: {  	[tilespmem:s2+$0x20] =	vst.add.f32.msk $0xffff, v4  }
.Ltmp0:
0x149: {  	[tilespmem:s2+$0x1020] =	vst.add.f32.msk $0xffff, v4;
	(pc) =	sbr.rel @p0 .LBB2_2-.Ltmp0, $4  }
0x14a: {  	[tilespmem:s2+$0x2020] =	vst.add.f32.msk $0xffff, v4  }
0x14b: {  	[tilespmem:s2+$0x3020] =	vst.add.f32.msk $0xffff, v4  }
0x14c: {  	[tilespmem:s2+$0x30] =	vst.add.f32.msk $0xffff, v0  }
0x14d: {  	s4 =	sshra.s32 s3, $0x2;
	s3 =	sadd.s32 $0x100, s3;
	[tilespmem:s2+$0x1030] =	vst.add.f32.msk $0xffff, v0  }
0x14e: {  	v1 =	vld [tilespmem:s4+$0x10030]  }
0x14f: {  	v2 =	vld [tilespmem:s4+$0x10000]  }
0x150: {  	v3 =	vld [tilespmem:s4+$0x10010]  }
0x151: {  	v4 =	vld [tilespmem:s4+$0x10020]  }
0x152: {  	[tilespmem:s2+$0x2030] =	vst.add.f32.msk $0xffff, v0  }
0x153: {  	[tilespmem:s4+$0x3030] =	vst.add.f32.msk $0xffff, v1  }
0x154: {  	[tilespmem:s4+$0x0] =	vst.add.f32.msk $0xffff, v2  }
0x155: {  	[tilespmem:s4+$0x1000] =	vst.add.f32.msk $0xffff, v2  }
0x156: {  	[tilespmem:s4+$0x2000] =	vst.add.f32.msk $0xffff, v2  }
0x157: {  	[tilespmem:s4+$0x3000] =	vst.add.f32.msk $0xffff, v2  }
0x158: {  	[tilespmem:s4+$0x10] =	vst.add.f32.msk $0xffff, v3  }
0x159: {  	[tilespmem:s4+$0x1010] =	vst.add.f32.msk $0xffff, v3  }
0x15a: {  	[tilespmem:s4+$0x2010] =	vst.add.f32.msk $0xffff, v3  }
0x15b: {  	[tilespmem:s4+$0x3010] =	vst.add.f32.msk $0xffff, v3  }
0x15c: {  	[tilespmem:s4+$0x20] =	vst.add.f32.msk $0xffff, v4  }
0x15d: {  	[tilespmem:s4+$0x1020] =	vst.add.f32.msk $0xffff, v4  }
0x15e: {  	[tilespmem:s4+$0x2020] =	vst.add.f32.msk $0xffff, v4  }
0x15f: {  	[tilespmem:s4+$0x3020] =	vst.add.f32.msk $0xffff, v4  }
0x160: {  	s0 =	sld [smem:$0x7FC];
	[tilespmem:s4+$0x30] =	vst.add.f32.msk $0xffff, v1  }
0x161: {  	[tilespmem:s4+$0x1030] =	vst.add.f32.msk $0xffff, v1  }
0x162: {  	s5 =	simm.s32 $0x0;
	s6 =	sld [smem:$0x7EE];
	[tilespmem:s4+$0x2030] =	vst.add.f32.msk $0xffff, v1  }
0x163: {  	[hbm4b:s0+s15] =	stream.strided.scatter [tilespmem:s5], [sflag:$0x5], $0x400, s16, s15, $0x38;
	[tilespmem:$0x14000] =	vst v63  }
0x164: {  	s7 =	sld [smem:$0x7EF]  }
0x165: {  	[hbm4b:s6+s15] =	stream.strided.scatter [tilespmem:s18], [sflag:$0x5], $0x400, s16, s15, $0x38;
	[tilespmem:$0x14000] =	vst v63  }
0x166: {  	s14 =	sld [smem:$0x7F0]  }
0x167: {  	[hbm4b:s7+s15] =	stream.strided.scatter [tilespmem:s21], [sflag:$0x5], $0x400, s16, s15, $0x38;
	[tilespmem:$0x14000] =	vst v63  }
0x168: {  	s23 =	simm.s32 $0x3000;
	s25 =	sld [smem:$0x7C2]  }
0x169: {  	[hbm4b:s14+s15] =	stream.strided.scatter [tilespmem:s23], [sflag:$0x5], $0x400, s16, s15, $0x38;
	[tilespmem:$0x14000] =	vst v63  }
0x16a: {  	s29 =	sld [smem:$0x7C3]  }
0x16b: {  	[hbm4b:s25+s15] =	stream.strided.scatter [tilespmem:s16], [sflag:$0x5], $0x400, s16, s15, $0x38;
	[tilespmem:$0x14000] =	vst v63  }
0x16c: {  	s30 =	simm.s32 $0x1400;
	s3 =	sld [smem:$0x7C4]  }
0x16d: {  	[hbm4b:s29+s15] =	stream.strided.scatter [tilespmem:s30], [sflag:$0x5], $0x400, s16, s15, $0x38;
	[tilespmem:$0x14000] =	vst v63  }
0x16e: {  	s4 =	simm.s32 $0x2400;
	s5 =	sld [smem:$0x7C5]  }
0x16f: {  	[hbm4b:s3+s15] =	stream.strided.scatter [tilespmem:s4], [sflag:$0x5], $0x400, s16, s15, $0x38;
	[tilespmem:$0x14000] =	vst v63  }
0x170: {  	s6 =	simm.s32 $0x3400;
	s7 =	sld [smem:$0x7CF]  }
0x171: {  	[hbm4b:s5+s15] =	stream.strided.scatter [tilespmem:s6], [sflag:$0x5], $0x400, s16, s15, $0x38;
	[tilespmem:$0x14000] =	vst v63  }
0x172: {  	s14 =	simm.s32 $0x800;
	s23 =	sld [smem:$0x7D0]  }
0x173: {  	[hbm4b:s7+s15] =	stream.strided.scatter [tilespmem:s14], [sflag:$0x5], $0x400, s16, s15, $0x38;
	[tilespmem:$0x14000] =	vst v63  }
0x174: {  	s25 =	simm.s32 $0x1800;
	s29 =	sld [smem:$0x7D1]  }
0x175: {  	[hbm4b:s23+s15] =	stream.strided.scatter [tilespmem:s25], [sflag:$0x5], $0x400, s16, s15, $0x38;
	[tilespmem:$0x14000] =	vst v63  }
0x176: {  	s2 =	sld [smem:$0x7D2];
	s30 =	simm.s32 $0x2800  }
0x177: {  	[hbm4b:s29+s15] =	stream.strided.scatter [tilespmem:s30], [sflag:$0x5], $0x400, s16, s15, $0x38;
	[tilespmem:$0x14000] =	vst v63  }
0x178: {  	s3 =	simm.s32 $0x3800;
	s4 =	sld [smem:$0x7E2]  }
0x179: {  	[hbm4b:s2+s15] =	stream.strided.scatter [tilespmem:s3], [sflag:$0x5], $0x400, s16, s15, $0x38;
	[tilespmem:$0x14000] =	vst v63  }
0x17a: {  	s5 =	simm.s32 $0xC00;
	s6 =	sld [smem:$0x7E3]  }
0x17b: {  	[hbm4b:s4+s15] =	stream.strided.scatter [tilespmem:s5], [sflag:$0x5], $0x400, s16, s15, $0x38;
	[tilespmem:$0x14000] =	vst v63  }
0x17c: {  	s7 =	simm.s32 $0x1C00;
	s14 =	sld [smem:$0x7E4]  }
0x17d: {  	[hbm4b:s6+s15] =	stream.strided.scatter [tilespmem:s7], [sflag:$0x5], $0x400, s16, s15, $0x38;
	[tilespmem:$0x14000] =	vst v63  }
0x17e: {  	s23 =	simm.s32 $0x2C00;
	s25 =	sld [smem:$0x7E5]  }
0x17f: {  	[hbm4b:s14+s15] =	stream.strided.scatter [tilespmem:s23], [sflag:$0x5], $0x400, s16, s15, $0x38;
	[tilespmem:$0x14000] =	vst v63  }
0x180: {  	s29 =	simm.s32 $0x3C00;
	s30 =	simm.s32 $0xA  }
0x181: {  	[hbm4b:s25+s15] =	stream.strided.scatter [tilespmem:s29], [sflag:$0x5], $0x400, s16, s15, $0x38;
	[tilespmem:$0x14000] =	vst v63  }
0x182: {  	_ =	swait.ge [sflag:s30], $0x1000  }
0x183: {  	[sflag:s30] =	ssyncset.done $0x0  }
0x184: {  	s2 =	simm.s32 $0x2;
	[sflag:s30] =	ssyncadd.s32 $0xFFFFF000  }
0x185: {  	_ =	swait.ge [sflag:s2], $0x1000  }
0x186: {  	[sflag:s2] =	ssyncset.done $0x0  }
0x187: {  	[sflag:s2] =	ssyncadd.s32 $0xFFFFF000  }
0x188: {  	_ =	swait.ge [sflag:s2], $0x1000  }
0x189: {  	[sflag:s2] =	ssyncset.done $0x0  }
0x18a: {  	[sflag:s2] =	ssyncadd.s32 $0xFFFFF000  }
0x18b: {  	_ =	swait.ge [sflag:s2], $0x1000  }
0x18c: {  	[sflag:s2] =	ssyncset.done $0x0  }
0x18d: {  	[sflag:s2] =	ssyncadd.s32 $0xFFFFF000  }
0x18e: {  	_ =	swait.ge [sflag:s2], $0x1000  }
0x18f: {  	s3 =	sld [smem:$0x7B9]  }
0x190: {  	[sflag:s2] =	ssyncset.done $0x0  }
0x191: {  	s4 =	simm.s32 $0x13000;
	s5 =	sld [smem:$0x7BA];
	[sflag:s2] =	ssyncadd.s32 $0xFFFFF000  }
0x192: {  	[tilespmem:s4], [sflag:$0xC] =	stream.strided.gather [hbm4b:s3+s15], $0x400, s16, s15, $0x38;
	[tilespmem:$0x14000] =	vst v63  }
0x193: {  	s6 =	simm.s32 $0xC000;
	s7 =	rddreg [dreg:$0xb]  }
0x194: {  	[tilespmem:s6], [sflag:$0x4] =	stream.strided.gather [hbm4b:s5+s15], $0x400, s16, s15, $0x38;
	[tilespmem:$0x14000] =	vst v63  }
0x195: {  	s14 =	simm.s32 $0xD000;
	s23 =	rddreg [dreg:$0xc]  }
0x196: {  	[tilespmem:s14], [sflag:$0x4] =	stream.strided.gather [hbm4b:s7+s15], $0x400, s16, s15, $0x38;
	[tilespmem:$0x14000] =	vst v63  }
0x197: {  	s25 =	simm.s32 $0xE000;
	s29 =	rddreg [dreg:$0xd]  }
0x198: {  	[tilespmem:s25], [sflag:$0x4] =	stream.strided.gather [hbm4b:s23+s15], $0x400, s16, s15, $0x38;
	[tilespmem:$0x14000] =	vst v63  }
0x199: {  	s30 =	simm.s32 $0xF000;
	s3 =	sld [smem:$0x7BB]  }
0x19a: {  	[tilespmem:s30], [sflag:$0x4] =	stream.strided.gather [hbm4b:s29+s15], $0x400, s16, s15, $0x38;
	[tilespmem:$0x14000] =	vst v63  }
0x19b: {  	s4 =	simm.s32 $0x13400;
	s5 =	sld [smem:$0x7BC]  }
0x19c: {  	[tilespmem:s4], [sflag:$0xC] =	stream.strided.gather [hbm4b:s3+s15], $0x400, s16, s15, $0x38;
	[tilespmem:$0x14000] =	vst v63  }
0x19d: {  	s6 =	simm.s32 $0xC400;
	s7 =	rddreg [dreg:$0xe]  }
0x19e: {  	[tilespmem:s6], [sflag:$0x4] =	stream.strided.gather [hbm4b:s5+s15], $0x400, s16, s15, $0x38;
	[tilespmem:$0x14000] =	vst v63  }
0x19f: {  	s14 =	simm.s32 $0xD400;
	s23 =	rddreg [dreg:$0xf]  }
0x1a0: {  	[tilespmem:s14], [sflag:$0x4] =	stream.strided.gather [hbm4b:s7+s15], $0x400, s16, s15, $0x38;
	[tilespmem:$0x14000] =	vst v63  }
0x1a1: {  	s25 =	simm.s32 $0xE400;
	s29 =	rddreg [dreg:$0x10]  }
0x1a2: {  	[tilespmem:s25], [sflag:$0x4] =	stream.strided.gather [hbm4b:s23+s15], $0x400, s16, s15, $0x38;
	[tilespmem:$0x14000] =	vst v63  }
0x1a3: {  	s30 =	simm.s32 $0xF400;
	s3 =	sld [smem:$0x7F1]  }
0x1a4: {  	[tilespmem:s30], [sflag:$0x4] =	stream.strided.gather [hbm4b:s29+s15], $0x400, s16, s15, $0x38;
	[tilespmem:$0x14000] =	vst v63  }
0x1a5: {  	s4 =	simm.s32 $0x13800;
	s5 =	sld [smem:$0x7F2]  }
0x1a6: {  	[tilespmem:s4], [sflag:$0xC] =	stream.strided.gather [hbm4b:s3+s15], $0x400, s16, s15, $0x38;
	[tilespmem:$0x14000] =	vst v63  }
0x1a7: {  	s6 =	simm.s32 $0xC800;
	s7 =	rddreg [dreg:$0x13]  }
0x1a8: {  	[tilespmem:s6], [sflag:$0x4] =	stream.strided.gather [hbm4b:s5+s15], $0x400, s16, s15, $0x38;
	[tilespmem:$0x14000] =	vst v63  }
0x1a9: {  	s14 =	simm.s32 $0xD800;
	s23 =	rddreg [dreg:$0x14]  }
0x1aa: {  	[tilespmem:s14], [sflag:$0x4] =	stream.strided.gather [hbm4b:s7+s15], $0x400, s16, s15, $0x38;
	[tilespmem:$0x14000] =	vst v63  }
0x1ab: {  	s25 =	simm.s32 $0xE800;
	s29 =	rddreg [dreg:$0x15]  }
0x1ac: {  	[tilespmem:s25], [sflag:$0x4] =	stream.strided.gather [hbm4b:s23+s15], $0x400, s16, s15, $0x38;
	[tilespmem:$0x14000] =	vst v63  }
0x1ad: {  	s30 =	simm.s32 $0xF800;
	s3 =	sld [smem:$0x7F3]  }
0x1ae: {  	[tilespmem:s30], [sflag:$0x4] =	stream.strided.gather [hbm4b:s29+s15], $0x400, s16, s15, $0x38;
	[tilespmem:$0x14000] =	vst v63  }
0x1af: {  	s4 =	simm.s32 $0x13C00;
	s5 =	sld [smem:$0x7F4]  }
0x1b0: {  	[tilespmem:s4], [sflag:$0xC] =	stream.strided.gather [hbm4b:s3+s15], $0x400, s16, s15, $0x38;
	[tilespmem:$0x14000] =	vst v63  }
0x1b1: {  	s6 =	simm.s32 $0xCC00  }
0x1b2: {  	[tilespmem:s6], [sflag:$0x4] =	stream.strided.gather [hbm4b:s5+s15], $0x400, s16, s15, $0x38;
	[tilespmem:$0x14000] =	vst v63  }
0x1b3: {  	s7 =	rddreg [dreg:$0x16];
	s14 =	simm.s32 $0xDC00  }
0x1b4: {  	[tilespmem:s14], [sflag:$0x4] =	stream.strided.gather [hbm4b:s7+s15], $0x400, s16, s15, $0x38;
	[tilespmem:$0x14000] =	vst v63  }
0x1b5: {  	s23 =	rddreg [dreg:$0x17];
	s25 =	simm.s32 $0xEC00  }
0x1b6: {  	[tilespmem:s25], [sflag:$0x4] =	stream.strided.gather [hbm4b:s23+s15], $0x400, s16, s15, $0x38;
	[tilespmem:$0x14000] =	vst v63  }
0x1b7: {  	s2 =	simm.s32 $0x0;
	s29 =	rddreg [dreg:$0x18];
	s30 =	simm.s32 $0xFC00  }
0x1b8: {  	[tilespmem:s30], [sflag:$0x4] =	stream.strided.gather [hbm4b:s29+s15], $0x400, s16, s15, $0x38;
	[tilespmem:$0x14000] =	vst v63  }
0x1b9: {  	v0 =	vld [tilespmem:s2+$0x11030]  }
0x1ba: {  	v1 =	vld [tilespmem:s2+$0x11000];
	_ =	sdelay $0x1  }
0x1bb: {  	v2 =	vld [tilespmem:s2+$0x11010]  }
0x1bc: {  	v3 =	vld [tilespmem:s2+$0x11020]  }
0x1bd: {  	[tilespmem:s2+$0x7030] =	vst.add.f32.msk $0xffff, v0  }
0x1be: {  	[tilespmem:s2+$0x4000] =	vst.add.f32.msk $0xffff, v1  }
0x1bf: {  	[tilespmem:s2+$0x5000] =	vst.add.f32.msk $0xffff, v1  }
0x1c0: {  	[tilespmem:s2+$0x6000] =	vst.add.f32.msk $0xffff, v1  }
0x1c1: {  	[tilespmem:s2+$0x7000] =	vst.add.f32.msk $0xffff, v1  }
0x1c2: {  	[tilespmem:s2+$0x4010] =	vst.add.f32.msk $0xffff, v2  }
0x1c3: {  	[tilespmem:s2+$0x5010] =	vst.add.f32.msk $0xffff, v2  }
0x1c4: {  	[tilespmem:s2+$0x6010] =	vst.add.f32.msk $0xffff, v2  }
0x1c5: {  	[tilespmem:s2+$0x7010] =	vst.add.f32.msk $0xffff, v2  }
0x1c6: {  	[tilespmem:s2+$0x4020] =	vst.add.f32.msk $0xffff, v3  }
0x1c7: {  	[tilespmem:s2+$0x5020] =	vst.add.f32.msk $0xffff, v3  }
0x1c8: {  	[tilespmem:s2+$0x6020] =	vst.add.f32.msk $0xffff, v3  }
0x1c9: {  	[tilespmem:s2+$0x7020] =	vst.add.f32.msk $0xffff, v3  }
0x1ca: {  	[tilespmem:s2+$0x4030] =	vst.add.f32.msk $0xffff, v0  }
0x1cb: {  	s4 =	simm.s32 $0x40;
	s3 =	simm.s32 $0x200;
	[tilespmem:s2+$0x5030] =	vst.add.f32.msk $0xffff, v0  }
.LBB2_4:
0x1cc: {  	p0 =	sne.s32 s3, $0x3F00;
	v1 =	vld [tilespmem:s4+$0x11030]  }
0x1cd: {  	v2 =	vld [tilespmem:s4+$0x11000]  }
0x1ce: {  	v3 =	vld [tilespmem:s4+$0x11010]  }
0x1cf: {  	v4 =	vld [tilespmem:s4+$0x11020]  }
0x1d0: {  	[tilespmem:s2+$0x6030] =	vst.add.f32.msk $0xffff, v0;
	s2 =	smov.u32 s4  }
0x1d1: {  	[tilespmem:s2+$0x7030] =	vst.add.f32.msk $0xffff, v1;
	v0 =	vmov v1  }
0x1d2: {  	[tilespmem:s2+$0x4000] =	vst.add.f32.msk $0xffff, v2  }
0x1d3: {  	[tilespmem:s2+$0x5000] =	vst.add.f32.msk $0xffff, v2  }
0x1d4: {  	[tilespmem:s2+$0x6000] =	vst.add.f32.msk $0xffff, v2  }
0x1d5: {  	[tilespmem:s2+$0x7000] =	vst.add.f32.msk $0xffff, v2  }
0x1d6: {  	[tilespmem:s2+$0x4010] =	vst.add.f32.msk $0xffff, v3  }
0x1d7: {  	[tilespmem:s2+$0x5010] =	vst.add.f32.msk $0xffff, v3  }
0x1d8: {  	[tilespmem:s2+$0x6010] =	vst.add.f32.msk $0xffff, v3  }
0x1d9: {  	[tilespmem:s2+$0x7010] =	vst.add.f32.msk $0xffff, v3  }
0x1da: {  	[tilespmem:s2+$0x4020] =	vst.add.f32.msk $0xffff, v4  }
.Ltmp1:
0x1db: {  	[tilespmem:s2+$0x5020] =	vst.add.f32.msk $0xffff, v4;
	(pc) =	sbr.rel @p0 .LBB2_4-.Ltmp1, $4  }
0x1dc: {  	[tilespmem:s2+$0x6020] =	vst.add.f32.msk $0xffff, v4  }
0x1dd: {  	[tilespmem:s2+$0x7020] =	vst.add.f32.msk $0xffff, v4  }
0x1de: {  	[tilespmem:s2+$0x4030] =	vst.add.f32.msk $0xffff, v0  }
0x1df: {  	s4 =	sshra.s32 s3, $0x2;
	s3 =	sadd.s32 $0x100, s3;
	[tilespmem:s2+$0x5030] =	vst.add.f32.msk $0xffff, v0  }
0x1e0: {  	v1 =	vld [tilespmem:s4+$0x11030]  }
0x1e1: {  	v2 =	vld [tilespmem:s4+$0x11000]  }
0x1e2: {  	v3 =	vld [tilespmem:s4+$0x11010]  }
0x1e3: {  	v4 =	vld [tilespmem:s4+$0x11020]  }
0x1e4: {  	[tilespmem:s2+$0x6030] =	vst.add.f32.msk $0xffff, v0  }
0x1e5: {  	[tilespmem:s4+$0x7030] =	vst.add.f32.msk $0xffff, v1  }
0x1e6: {  	[tilespmem:s4+$0x4000] =	vst.add.f32.msk $0xffff, v2  }
0x1e7: {  	[tilespmem:s4+$0x5000] =	vst.add.f32.msk $0xffff, v2  }
0x1e8: {  	[tilespmem:s4+$0x6000] =	vst.add.f32.msk $0xffff, v2  }
0x1e9: {  	[tilespmem:s4+$0x7000] =	vst.add.f32.msk $0xffff, v2  }
0x1ea: {  	[tilespmem:s4+$0x4010] =	vst.add.f32.msk $0xffff, v3  }
0x1eb: {  	[tilespmem:s4+$0x5010] =	vst.add.f32.msk $0xffff, v3  }
0x1ec: {  	[tilespmem:s4+$0x6010] =	vst.add.f32.msk $0xffff, v3  }
0x1ed: {  	[tilespmem:s4+$0x7010] =	vst.add.f32.msk $0xffff, v3  }
0x1ee: {  	[tilespmem:s4+$0x4020] =	vst.add.f32.msk $0xffff, v4  }
0x1ef: {  	[tilespmem:s4+$0x5020] =	vst.add.f32.msk $0xffff, v4  }
0x1f0: {  	[tilespmem:s4+$0x6020] =	vst.add.f32.msk $0xffff, v4  }
0x1f1: {  	[tilespmem:s4+$0x7020] =	vst.add.f32.msk $0xffff, v4  }
0x1f2: {  	s0 =	sld [smem:$0x7F9];
	[tilespmem:s4+$0x4030] =	vst.add.f32.msk $0xffff, v1  }
0x1f3: {  	[tilespmem:s4+$0x5030] =	vst.add.f32.msk $0xffff, v1  }
0x1f4: {  	s30 =	simm.s32 $0x4000;
	s3 =	rddreg [dreg:$0x1c];
	[tilespmem:s4+$0x6030] =	vst.add.f32.msk $0xffff, v1  }
0x1f5: {  	[hbm4b:s0+s15] =	stream.strided.scatter [tilespmem:s30], [sflag:$0x6], $0x400, s16, s15, $0x38;
	[tilespmem:$0x14000] =	vst v63  }
0x1f6: {  	s5 =	sld [smem:$0x784];
	s4 =	simm.s32 $0x5000  }
0x1f7: {  	[hbm4b:s3+s15] =	stream.strided.scatter [tilespmem:s4], [sflag:$0x6], $0x400, s16, s15, $0x38;
	[tilespmem:$0x14000] =	vst v63  }
0x1f8: {  	s6 =	simm.s32 $0x6000;
	s7 =	sld [smem:$0x788]  }
0x1f9: {  	[hbm4b:s5+s15] =	stream.strided.scatter [tilespmem:s6], [sflag:$0x6], $0x400, s16, s15, $0x38;
	[tilespmem:$0x14000] =	vst v63  }
0x1fa: {  	s14 =	simm.s32 $0x7000;
	s23 =	sld [smem:$0x7FA]  }
0x1fb: {  	[hbm4b:s7+s15] =	stream.strided.scatter [tilespmem:s14], [sflag:$0x6], $0x400, s16, s15, $0x38;
	[tilespmem:$0x14000] =	vst v63  }
0x1fc: {  	s25 =	simm.s32 $0x4400;
	s29 =	rddreg [dreg:$0x1d]  }
0x1fd: {  	[hbm4b:s23+s15] =	stream.strided.scatter [tilespmem:s25], [sflag:$0x6], $0x400, s16, s15, $0x38;
	[tilespmem:$0x14000] =	vst v63  }
0x1fe: {  	s30 =	simm.s32 $0x5400;
	s3 =	sld [smem:$0x785]  }
0x1ff: {  	[hbm4b:s29+s15] =	stream.strided.scatter [tilespmem:s30], [sflag:$0x6], $0x400, s16, s15, $0x38;
	[tilespmem:$0x14000] =	vst v63  }
0x200: {  	s4 =	simm.s32 $0x6400;
	s5 =	sld [smem:$0x789]  }
0x201: {  	[hbm4b:s3+s15] =	stream.strided.scatter [tilespmem:s4], [sflag:$0x6], $0x400, s16, s15, $0x38;
	[tilespmem:$0x14000] =	vst v63  }
0x202: {  	s6 =	simm.s32 $0x7400;
	s7 =	sld [smem:$0x7FB]  }
0x203: {  	[hbm4b:s5+s15] =	stream.strided.scatter [tilespmem:s6], [sflag:$0x6], $0x400, s16, s15, $0x38;
	[tilespmem:$0x14000] =	vst v63  }
0x204: {  	s14 =	simm.s32 $0x4800;
	s23 =	rddreg [dreg:$0x1e]  }
0x205: {  	[hbm4b:s7+s15] =	stream.strided.scatter [tilespmem:s14], [sflag:$0x6], $0x400, s16, s15, $0x38;
	[tilespmem:$0x14000] =	vst v63  }
0x206: {  	s25 =	simm.s32 $0x5800;
	s29 =	sld [smem:$0x786]  }
0x207: {  	[hbm4b:s23+s15] =	stream.strided.scatter [tilespmem:s25], [sflag:$0x6], $0x400, s16, s15, $0x38;
	[tilespmem:$0x14000] =	vst v63  }
0x208: {  	s30 =	simm.s32 $0x6800;
	s3 =	sld [smem:$0x78A]  }
0x209: {  	[hbm4b:s29+s15] =	stream.strided.scatter [tilespmem:s30], [sflag:$0x6], $0x400, s16, s15, $0x38;
	[tilespmem:$0x14000] =	vst v63  }
0x20a: {  	s4 =	simm.s32 $0x7800;
	s5 =	sld [smem:$0x7FD]  }
0x20b: {  	[hbm4b:s3+s15] =	stream.strided.scatter [tilespmem:s4], [sflag:$0x6], $0x400, s16, s15, $0x38;
	[tilespmem:$0x14000] =	vst v63  }
0x20c: {  	s6 =	simm.s32 $0x4C00;
	s7 =	rddreg [dreg:$0x1f]  }
0x20d: {  	[hbm4b:s5+s15] =	stream.strided.scatter [tilespmem:s6], [sflag:$0x6], $0x400, s16, s15, $0x38;
	[tilespmem:$0x14000] =	vst v63  }
0x20e: {  	s14 =	simm.s32 $0x5C00;
	s23 =	sld [smem:$0x787]  }
0x20f: {  	[hbm4b:s7+s15] =	stream.strided.scatter [tilespmem:s14], [sflag:$0x6], $0x400, s16, s15, $0x38;
	[tilespmem:$0x14000] =	vst v63  }
0x210: {  	s25 =	simm.s32 $0x6C00;
	s29 =	sld [smem:$0x78B]  }
0x211: {  	[hbm4b:s23+s15] =	stream.strided.scatter [tilespmem:s25], [sflag:$0x6], $0x400, s16, s15, $0x38;
	[tilespmem:$0x14000] =	vst v63  }
0x212: {  	s30 =	simm.s32 $0x7C00;
	s23 =	simm.s32 $0x0  }
0x213: {  	[hbm4b:s29+s15] =	stream.strided.scatter [tilespmem:s30], [sflag:$0x6], $0x400, s16, s15, $0x38;
	[tilespmem:$0x14000] =	vst v63  }
.LBB2_6:
0x214: {  	s0 =	simm.s32 $0xB  }
0x215: {  	_ =	swait.ge [sflag:s0], $0x1000  }
0x216: {  	[sflag:s0] =	ssyncset.done $0x0  }
0x217: {  	s25 =	simm.s32 $0x3;
	[sflag:s0] =	ssyncadd.s32 $0xFFFFF000  }
0x218: {  	_ =	swait.ge [sflag:s25], $0x1000  }
0x219: {  	[sflag:s25] =	ssyncset.done $0x0  }
0x21a: {  	[sflag:s25] =	ssyncadd.s32 $0xFFFFF000  }
0x21b: {  	_ =	swait.ge [sflag:s25], $0x1000  }
0x21c: {  	[sflag:s25] =	ssyncset.done $0x0  }
0x21d: {  	[sflag:s25] =	ssyncadd.s32 $0xFFFFF000  }
0x21e: {  	_ =	swait.ge [sflag:s25], $0x1000  }
0x21f: {  	[sflag:s25] =	ssyncset.done $0x0  }
0x220: {  	[sflag:s25] =	ssyncadd.s32 $0xFFFFF000  }
0x221: {  	_ =	swait.ge [sflag:s25], $0x1000  }
0x222: {  	[sflag:s25] =	ssyncset.done $0x0  }
0x223: {  	s3 =	simm.s32 $0x5;
	[sflag:s25] =	ssyncadd.s32 $0xFFFFF000  }
0x224: {  	_ =	swait.ge [sflag:s3], $0x1000  }
0x225: {  	[sflag:s3] =	ssyncset.done $0x0  }
0x226: {  	[sflag:s3] =	ssyncadd.s32 $0xFFFFF000  }
0x227: {  	_ =	swait.ge [sflag:s3], $0x1000  }
0x228: {  	[sflag:s3] =	ssyncset.done $0x0  }
0x229: {  	[sflag:s3] =	ssyncadd.s32 $0xFFFFF000  }
0x22a: {  	_ =	swait.ge [sflag:s3], $0x1000  }
0x22b: {  	[sflag:s3] =	ssyncset.done $0x0  }
0x22c: {  	[sflag:s3] =	ssyncadd.s32 $0xFFFFF000  }
0x22d: {  	_ =	swait.ge [sflag:s3], $0x1000  }
0x22e: {  	s29 =	sld [smem:$0x7F5];
	_ =	sdelay $0x1  }
0x22f: {  	s25 =	sshll.u32 s23, $0x4  }
0x230: {  	s2 =	sadd.s32 s25, s29  }
0x231: {  	[sflag:s3] =	ssyncset.done $0x0;
	s4 =	sshll.u32 s2, $0x7  }
0x232: {  	s30 =	simm.s32 $0x10000;
	[sflag:s3] =	ssyncadd.s32 $0xFFFFF000;
	s2 =	sadd.s32 s28, s4  }
0x233: {  	[tilespmem:s30], [sflag:$0x9] =	stream.strided.gather [hbm4b:s2+s15], $0x400, s16, s15, $0x38;
	[tilespmem:$0x14000] =	vst v63  }
0x234: {  	s3 =	simm.s32 $0x0;
	s0 =	sadd.s32 s1, s4  }
0x235: {  	[tilespmem:s3], [sflag:$0x1] =	stream.strided.gather [hbm4b:s0+s15], $0x400, s16, s15, $0x38;
	[tilespmem:$0x14000] =	vst v63  }
0x236: {  	s6 =	sld [smem:$0x7EC];
	s3 =	sadd.s32 s4, s31  }
0x237: {  	[tilespmem:s18], [sflag:$0x1] =	stream.strided.gather [hbm4b:s3+s15], $0x400, s16, s15, $0x38;
	[tilespmem:$0x14000] =	vst v63  }
0x238: {  	s5 =	sadd.s32 s4, s8  }
0x239: {  	[tilespmem:s21], [sflag:$0x1] =	stream.strided.gather [hbm4b:s5+s15], $0x400, s16, s15, $0x38;
	[tilespmem:$0x14000] =	vst v63  }
0x23a: {  	s7 =	simm.s32 $0x3000;
	s5 =	sadd.s32 s4, s6;
	s6 =	sor.u32 $0x10, s4  }
0x23b: {  	[tilespmem:s7], [sflag:$0x1] =	stream.strided.gather [hbm4b:s5+s15], $0x400, s16, s15, $0x38;
	[tilespmem:$0x14000] =	vst v63  }
0x23c: {  	s18 =	simm.s32 $0x10400;
	s14 =	sadd.s32 s28, s6  }
0x23d: {  	[tilespmem:s18], [sflag:$0x9] =	stream.strided.gather [hbm4b:s14+s15], $0x400, s16, s15, $0x38;
	[tilespmem:$0x14000] =	vst v63  }
0x23e: {  	s21 =	sadd.s32 s1, s6  }
0x23f: {  	[tilespmem:s16], [sflag:$0x1] =	stream.strided.gather [hbm4b:s21+s15], $0x400, s16, s15, $0x38;
	[tilespmem:$0x14000] =	vst v63  }
0x240: {  	s30 =	simm.s32 $0x1400;
	s29 =	sadd.s32 $0x10, s3  }
0x241: {  	[tilespmem:s30], [sflag:$0x1] =	stream.strided.gather [hbm4b:s29+s15], $0x400, s16, s15, $0x38;
	[tilespmem:$0x14000] =	vst v63  }
0x242: {  	s7 =	sadd.s32 s6, s8;
	s14 =	simm.s32 $0x2400  }
0x243: {  	[tilespmem:s14], [sflag:$0x1] =	stream.strided.gather [hbm4b:s7+s15], $0x400, s16, s15, $0x38;
	[tilespmem:$0x14000] =	vst v63  }
0x244: {  	s18 =	sadd.s32 $0x10, s5;
	s21 =	simm.s32 $0x3400;
	s14 =	sor.u32 $0x20, s4  }
0x245: {  	[tilespmem:s21], [sflag:$0x1] =	stream.strided.gather [hbm4b:s18+s15], $0x400, s16, s15, $0x38;
	[tilespmem:$0x14000] =	vst v63  }
0x246: {  	s30 =	simm.s32 $0x10800;
	s29 =	sadd.s32 s28, s14  }
0x247: {  	[tilespmem:s30], [sflag:$0x9] =	stream.strided.gather [hbm4b:s29+s15], $0x400, s16, s15, $0x38;
	[tilespmem:$0x14000] =	vst v63  }
0x248: {  	s7 =	simm.s32 $0x800;
	s0 =	sadd.s32 s1, s14  }
0x249: {  	[tilespmem:s7], [sflag:$0x1] =	stream.strided.gather [hbm4b:s0+s15], $0x400, s16, s15, $0x38;
	[tilespmem:$0x14000] =	vst v63  }
0x24a: {  	s18 =	sadd.s32 $0x20, s3;
	s21 =	simm.s32 $0x1800  }
0x24b: {  	[tilespmem:s21], [sflag:$0x1] =	stream.strided.gather [hbm4b:s18+s15], $0x400, s16, s15, $0x38;
	[tilespmem:$0x14000] =	vst v63  }
0x24c: {  	s29 =	sadd.s32 s14, s8;
	s30 =	simm.s32 $0x2800  }
0x24d: {  	[tilespmem:s30], [sflag:$0x1] =	stream.strided.gather [hbm4b:s29+s15], $0x400, s16, s15, $0x38;
	[tilespmem:$0x14000] =	vst v63  }
0x24e: {  	s2 =	sor.u32 $0x30, s4;
	s7 =	sadd.s32 $0x20, s5;
	s18 =	simm.s32 $0x3800  }
0x24f: {  	[tilespmem:s18], [sflag:$0x1] =	stream.strided.gather [hbm4b:s7+s15], $0x400, s16, s15, $0x38;
	[tilespmem:$0x14000] =	vst v63  }
0x250: {  	s21 =	simm.s32 $0x10C00;
	s7 =	sadd.s32 s28, s2  }
0x251: {  	[tilespmem:s21], [sflag:$0x9] =	stream.strided.gather [hbm4b:s7+s15], $0x400, s16, s15, $0x38;
	[tilespmem:$0x14000] =	vst v63  }
0x252: {  	s29 =	sadd.s32 s1, s2;
	s30 =	simm.s32 $0xC00  }
0x253: {  	[tilespmem:s30], [sflag:$0x1] =	stream.strided.gather [hbm4b:s29+s15], $0x400, s16, s15, $0x38;
	[tilespmem:$0x14000] =	vst v63  }
0x254: {  	s3 =	sadd.s32 $0x30, s3;
	s7 =	simm.s32 $0x1C00  }
0x255: {  	[tilespmem:s7], [sflag:$0x1] =	stream.strided.gather [hbm4b:s3+s15], $0x400, s16, s15, $0x38;
	[tilespmem:$0x14000] =	vst v63  }
0x256: {  	s18 =	sadd.s32 s2, s8;
	s21 =	simm.s32 $0x2C00  }
0x257: {  	[tilespmem:s21], [sflag:$0x1] =	stream.strided.gather [hbm4b:s18+s15], $0x400, s16, s15, $0x38;
	[tilespmem:$0x14000] =	vst v63  }
0x258: {  	s29 =	sadd.s32 $0x30, s5;
	s30 =	simm.s32 $0x3C00;
	s3 =	simm.s32 $0x0  }
0x259: {  	[tilespmem:s30], [sflag:$0x1] =	stream.strided.gather [hbm4b:s29+s15], $0x400, s16, s15, $0x38;
	[tilespmem:$0x14000] =	vst v63  }
0x25a: {  	v0 =	vld [tilespmem:s3+$0x12030]  }
0x25b: {  	v1 =	vld [tilespmem:s3+$0x12000];
	_ =	sdelay $0x1  }
0x25c: {  	v2 =	vld [tilespmem:s3+$0x12010]  }
0x25d: {  	v3 =	vld [tilespmem:s3+$0x12020]  }
0x25e: {  	[tilespmem:s3+$0xB030] =	vst.add.f32.msk $0xffff, v0  }
0x25f: {  	[tilespmem:s3+$0x8000] =	vst.add.f32.msk $0xffff, v1  }
0x260: {  	[tilespmem:s3+$0x9000] =	vst.add.f32.msk $0xffff, v1  }
0x261: {  	[tilespmem:s3+$0xA000] =	vst.add.f32.msk $0xffff, v1  }
0x262: {  	[tilespmem:s3+$0xB000] =	vst.add.f32.msk $0xffff, v1  }
0x263: {  	[tilespmem:s3+$0x8010] =	vst.add.f32.msk $0xffff, v2  }
0x264: {  	[tilespmem:s3+$0x9010] =	vst.add.f32.msk $0xffff, v2  }
0x265: {  	[tilespmem:s3+$0xA010] =	vst.add.f32.msk $0xffff, v2  }
0x266: {  	[tilespmem:s3+$0xB010] =	vst.add.f32.msk $0xffff, v2  }
0x267: {  	[tilespmem:s3+$0x8020] =	vst.add.f32.msk $0xffff, v3  }
0x268: {  	[tilespmem:s3+$0x9020] =	vst.add.f32.msk $0xffff, v3  }
0x269: {  	[tilespmem:s3+$0xA020] =	vst.add.f32.msk $0xffff, v3  }
0x26a: {  	[tilespmem:s3+$0xB020] =	vst.add.f32.msk $0xffff, v3  }
0x26b: {  	[tilespmem:s3+$0x8030] =	vst.add.f32.msk $0xffff, v0  }
0x26c: {  	s5 =	simm.s32 $0x200;
	s7 =	simm.s32 $0x40;
	[tilespmem:s3+$0x9030] =	vst.add.f32.msk $0xffff, v0  }
.LBB2_7:
0x26d: {  	p0 =	sne.s32 s5, $0x3F00;
	v1 =	vld [tilespmem:s7+$0x12030]  }
0x26e: {  	v2 =	vld [tilespmem:s7+$0x12000]  }
0x26f: {  	v3 =	vld [tilespmem:s7+$0x12010]  }
0x270: {  	v4 =	vld [tilespmem:s7+$0x12020]  }
0x271: {  	[tilespmem:s3+$0xA030] =	vst.add.f32.msk $0xffff, v0;
	s3 =	smov.u32 s7  }
0x272: {  	[tilespmem:s3+$0xB030] =	vst.add.f32.msk $0xffff, v1;
	v0 =	vmov v1  }
0x273: {  	[tilespmem:s3+$0x8000] =	vst.add.f32.msk $0xffff, v2  }
0x274: {  	[tilespmem:s3+$0x9000] =	vst.add.f32.msk $0xffff, v2  }
0x275: {  	[tilespmem:s3+$0xA000] =	vst.add.f32.msk $0xffff, v2  }
0x276: {  	[tilespmem:s3+$0xB000] =	vst.add.f32.msk $0xffff, v2  }
0x277: {  	[tilespmem:s3+$0x8010] =	vst.add.f32.msk $0xffff, v3  }
0x278: {  	[tilespmem:s3+$0x9010] =	vst.add.f32.msk $0xffff, v3  }
0x279: {  	[tilespmem:s3+$0xA010] =	vst.add.f32.msk $0xffff, v3  }
0x27a: {  	[tilespmem:s3+$0xB010] =	vst.add.f32.msk $0xffff, v3  }
0x27b: {  	[tilespmem:s3+$0x8020] =	vst.add.f32.msk $0xffff, v4  }
.Ltmp2:
0x27c: {  	[tilespmem:s3+$0x9020] =	vst.add.f32.msk $0xffff, v4;
	(pc) =	sbr.rel @p0 .LBB2_7-.Ltmp2, $4  }
0x27d: {  	[tilespmem:s3+$0xA020] =	vst.add.f32.msk $0xffff, v4  }
0x27e: {  	[tilespmem:s3+$0xB020] =	vst.add.f32.msk $0xffff, v4  }
0x27f: {  	[tilespmem:s3+$0x8030] =	vst.add.f32.msk $0xffff, v0  }
0x280: {  	s7 =	sshra.s32 s5, $0x2;
	s5 =	sadd.s32 $0x100, s5;
	[tilespmem:s3+$0x9030] =	vst.add.f32.msk $0xffff, v0  }
0x281: {  	v1 =	vld [tilespmem:s7+$0x12030]  }
0x282: {  	v2 =	vld [tilespmem:s7+$0x12000]  }
0x283: {  	v3 =	vld [tilespmem:s7+$0x12010]  }
0x284: {  	v4 =	vld [tilespmem:s7+$0x12020]  }
0x285: {  	[tilespmem:s3+$0xA030] =	vst.add.f32.msk $0xffff, v0  }
0x286: {  	[tilespmem:s7+$0xB030] =	vst.add.f32.msk $0xffff, v1  }
0x287: {  	[tilespmem:s7+$0x8000] =	vst.add.f32.msk $0xffff, v2  }
0x288: {  	[tilespmem:s7+$0x9000] =	vst.add.f32.msk $0xffff, v2  }
0x289: {  	[tilespmem:s7+$0xA000] =	vst.add.f32.msk $0xffff, v2  }
0x28a: {  	[tilespmem:s7+$0xB000] =	vst.add.f32.msk $0xffff, v2  }
0x28b: {  	[tilespmem:s7+$0x8010] =	vst.add.f32.msk $0xffff, v3  }
0x28c: {  	[tilespmem:s7+$0x9010] =	vst.add.f32.msk $0xffff, v3  }
0x28d: {  	[tilespmem:s7+$0xA010] =	vst.add.f32.msk $0xffff, v3  }
0x28e: {  	[tilespmem:s7+$0xB010] =	vst.add.f32.msk $0xffff, v3  }
0x28f: {  	[tilespmem:s7+$0x8020] =	vst.add.f32.msk $0xffff, v4  }
0x290: {  	[tilespmem:s7+$0x9020] =	vst.add.f32.msk $0xffff, v4  }
0x291: {  	[tilespmem:s7+$0xA020] =	vst.add.f32.msk $0xffff, v4  }
0x292: {  	s18 =	sadd.s32 s25, s26;
	[tilespmem:s7+$0xB020] =	vst.add.f32.msk $0xffff, v4  }
0x293: {  	s3 =	sshll.u32 s18, $0x7;
	[tilespmem:s7+$0x8030] =	vst.add.f32.msk $0xffff, v1  }
0x294: {  	s5 =	sadd.s32 $0x400, s3;
	[tilespmem:s7+$0x9030] =	vst.add.f32.msk $0xffff, v1  }
0x295: {  	s0 =	simm.s32 $0x8000;
	s21 =	sadd.s32 s24, s5;
	[tilespmem:s7+$0xA030] =	vst.add.f32.msk $0xffff, v1  }
0x296: {  	[hbm4b:s21+s15] =	stream.strided.scatter [tilespmem:s0], [sflag:$0x7], $0x400, s16, s15, $0x38;
	[tilespmem:$0x14000] =	vst v63  }
0x297: {  	s18 =	sadd.s32 s5, s10;
	s21 =	simm.s32 $0x9000  }
0x298: {  	[hbm4b:s18+s15] =	stream.strided.scatter [tilespmem:s21], [sflag:$0x7], $0x400, s16, s15, $0x38;
	[tilespmem:$0x14000] =	vst v63  }
0x299: {  	s0 =	sadd.s32 s5, s11;
	s18 =	simm.s32 $0xA000  }
0x29a: {  	[hbm4b:s0+s15] =	stream.strided.scatter [tilespmem:s18], [sflag:$0x7], $0x400, s16, s15, $0x38;
	[tilespmem:$0x14000] =	vst v63  }
0x29b: {  	s5 =	sadd.s32 s5, s12;
	s21 =	simm.s32 $0xB000  }
0x29c: {  	[hbm4b:s5+s15] =	stream.strided.scatter [tilespmem:s21], [sflag:$0x7], $0x400, s16, s15, $0x38;
	[tilespmem:$0x14000] =	vst v63  }
0x29d: {  	s5 =	sadd.s32 $0x410, s3  }
0x29e: {  	s0 =	sadd.s32 s24, s5  }
0x29f: {  	[hbm4b:s0+s15] =	stream.strided.scatter [tilespmem:s9], [sflag:$0x7], $0x400, s16, s15, $0x38;
	[tilespmem:$0x14000] =	vst v63  }
0x2a0: {  	s21 =	simm.s32 $0x9400;
	s18 =	sadd.s32 s5, s10  }
0x2a1: {  	[hbm4b:s18+s15] =	stream.strided.scatter [tilespmem:s21], [sflag:$0x7], $0x400, s16, s15, $0x38;
	[tilespmem:$0x14000] =	vst v63  }
0x2a2: {  	s9 =	sadd.s32 s5, s11  }
0x2a3: {  	[hbm4b:s9+s15] =	stream.strided.scatter [tilespmem:s13], [sflag:$0x7], $0x400, s16, s15, $0x38;
	[tilespmem:$0x14000] =	vst v63  }
0x2a4: {  	s5 =	sadd.s32 s5, s12;
	s18 =	simm.s32 $0xB400;
	s21 =	sadd.s32 $0x420, s3  }
0x2a5: {  	[hbm4b:s5+s15] =	stream.strided.scatter [tilespmem:s18], [sflag:$0x7], $0x400, s16, s15, $0x38;
	[tilespmem:$0x14000] =	vst v63  }
0x2a6: {  	s0 =	sadd.s32 s24, s21  }
0x2a7: {  	[hbm4b:s0+s15] =	stream.strided.scatter [tilespmem:s17], [sflag:$0x7], $0x400, s16, s15, $0x38;
	[tilespmem:$0x14000] =	vst v63  }
0x2a8: {  	s9 =	sadd.s32 s21, s10;
	s13 =	simm.s32 $0x9800  }
0x2a9: {  	[hbm4b:s9+s15] =	stream.strided.scatter [tilespmem:s13], [sflag:$0x7], $0x400, s16, s15, $0x38;
	[tilespmem:$0x14000] =	vst v63  }
0x2aa: {  	s17 =	sadd.s32 s21, s11  }
0x2ab: {  	[hbm4b:s17+s15] =	stream.strided.scatter [tilespmem:s19], [sflag:$0x7], $0x400, s16, s15, $0x38;
	[tilespmem:$0x14000] =	vst v63  }
0x2ac: {  	s3 =	sadd.s32 $0x430, s3;
	s5 =	sadd.s32 s21, s12;
	s18 =	simm.s32 $0xB800  }
0x2ad: {  	[hbm4b:s5+s15] =	stream.strided.scatter [tilespmem:s18], [sflag:$0x7], $0x400, s16, s15, $0x38;
	[tilespmem:$0x14000] =	vst v63  }
0x2ae: {  	s21 =	simm.s32 $0x8C00;
	s19 =	sadd.s32 s24, s3  }
0x2af: {  	[hbm4b:s19+s15] =	stream.strided.scatter [tilespmem:s21], [sflag:$0x7], $0x400, s16, s15, $0x38;
	[tilespmem:$0x14000] =	vst v63  }
0x2b0: {  	s7 =	simm.s32 $0x9C00;
	s0 =	sadd.s32 s3, s10  }
0x2b1: {  	[hbm4b:s0+s15] =	stream.strided.scatter [tilespmem:s7], [sflag:$0x7], $0x400, s16, s15, $0x38;
	[tilespmem:$0x14000] =	vst v63  }
0x2b2: {  	s9 =	sadd.s32 s3, s11;
	s13 =	simm.s32 $0xAC00  }
0x2b3: {  	[hbm4b:s9+s15] =	stream.strided.scatter [tilespmem:s13], [sflag:$0x7], $0x400, s16, s15, $0x38;
	[tilespmem:$0x14000] =	vst v63  }
0x2b4: {  	s3 =	sadd.s32 s3, s12;
	s17 =	simm.s32 $0xBC00;
	s18 =	simm.s32 $0xC  }
0x2b5: {  	[hbm4b:s3+s15] =	stream.strided.scatter [tilespmem:s17], [sflag:$0x7], $0x400, s16, s15, $0x38;
	[tilespmem:$0x14000] =	vst v63  }
0x2b6: {  	_ =	swait.ge [sflag:s18], $0x1000  }
0x2b7: {  	[sflag:s18] =	ssyncset.done $0x0  }
0x2b8: {  	s19 =	simm.s32 $0x4;
	[sflag:s18] =	ssyncadd.s32 $0xFFFFF000  }
0x2b9: {  	_ =	swait.ge [sflag:s19], $0x1000  }
0x2ba: {  	[sflag:s19] =	ssyncset.done $0x0  }
0x2bb: {  	[sflag:s19] =	ssyncadd.s32 $0xFFFFF000  }
0x2bc: {  	_ =	swait.ge [sflag:s19], $0x1000  }
0x2bd: {  	[sflag:s19] =	ssyncset.done $0x0  }
0x2be: {  	[sflag:s19] =	ssyncadd.s32 $0xFFFFF000  }
0x2bf: {  	_ =	swait.ge [sflag:s19], $0x1000  }
0x2c0: {  	[sflag:s19] =	ssyncset.done $0x0  }
0x2c1: {  	[sflag:s19] =	ssyncadd.s32 $0xFFFFF000  }
0x2c2: {  	_ =	swait.ge [sflag:s19], $0x1000  }
0x2c3: {  	[sflag:s19] =	ssyncset.done $0x0  }
0x2c4: {  	s21 =	simm.s32 $0x6;
	[sflag:s19] =	ssyncadd.s32 $0xFFFFF000  }
0x2c5: {  	_ =	swait.ge [sflag:s21], $0x1000  }
0x2c6: {  	[sflag:s21] =	ssyncset.done $0x0  }
0x2c7: {  	[sflag:s21] =	ssyncadd.s32 $0xFFFFF000  }
0x2c8: {  	_ =	swait.ge [sflag:s21], $0x1000  }
0x2c9: {  	[sflag:s21] =	ssyncset.done $0x0  }
0x2ca: {  	[sflag:s21] =	ssyncadd.s32 $0xFFFFF000  }
0x2cb: {  	_ =	swait.ge [sflag:s21], $0x1000  }
0x2cc: {  	s5 =	sld [smem:$0x7F6];
	_ =	sdelay $0x1  }
0x2cd: {  	[sflag:s21] =	ssyncset.done $0x0  }
0x2ce: {  	[sflag:s21] =	ssyncadd.s32 $0xFFFFF000;
	s7 =	sadd.s32 s25, s5  }
0x2cf: {  	_ =	swait.ge [sflag:s21], $0x1000;
	s3 =	sshll.u32 s7, $0x7  }
0x2d0: {  	s18 =	simm.s32 $0x11000;
	[sflag:s21] =	ssyncset.done $0x0;
	s7 =	sand.u32 $0xFF800, s3  }
0x2d1: {  	[sflag:s21] =	ssyncadd.s32 $0xFFFFF000;
	s13 =	sadd.s32 $0x80000, s3;
	s29 =	sor.u32 $0x40, s7  }
0x2d2: {  	s21 =	simm.s32 $0x4000;
	s5 =	sand.u32 $0xFFFF800, s13;
	s17 =	sadd.s32 s28, s29  }
0x2d3: {  	[tilespmem:s18], [sflag:$0xA] =	stream.strided.gather [hbm4b:s17+s15], $0x400, s16, s15, $0x38;
	[tilespmem:$0x14000] =	vst v63  }
0x2d4: {  	s3 =	sadd.s32 $0x180000, s3;
	s9 =	sadd.s32 s1, s5;
	s19 =	sadd.s32 s1, s29  }
0x2d5: {  	[tilespmem:s21], [sflag:$0x2] =	stream.strided.gather [hbm4b:s19+s15], $0x400, s16, s15, $0x38;
	[tilespmem:$0x14000] =	vst v63  }
0x2d6: {  	s13 =	simm.s32 $0x5000;
	s17 =	sand.u32 $0xFFFF800, s3;
	s0 =	sadd.s32 $0x40, s9  }
0x2d7: {  	[tilespmem:s13], [sflag:$0x2] =	stream.strided.gather [hbm4b:s0+s15], $0x400, s16, s15, $0x38;
	[tilespmem:$0x14000] =	vst v63  }
0x2d8: {  	s18 =	sadd.s32 s29, s8;
	s21 =	sadd.s32 s1, s17;
	s19 =	simm.s32 $0x6000  }
0x2d9: {  	[tilespmem:s19], [sflag:$0x2] =	stream.strided.gather [hbm4b:s18+s15], $0x400, s16, s15, $0x38;
	[tilespmem:$0x14000] =	vst v63  }
0x2da: {  	s0 =	sadd.s32 $0x40, s21;
	s13 =	simm.s32 $0x7000  }
0x2db: {  	[tilespmem:s13], [sflag:$0x2] =	stream.strided.gather [hbm4b:s0+s15], $0x400, s16, s15, $0x38;
	[tilespmem:$0x14000] =	vst v63  }
0x2dc: {  	s13 =	sor.u32 $0x50, s7  }
0x2dd: {  	s19 =	simm.s32 $0x11400;
	s18 =	sadd.s32 s28, s13  }
0x2de: {  	[tilespmem:s19], [sflag:$0xA] =	stream.strided.gather [hbm4b:s18+s15], $0x400, s16, s15, $0x38;
	[tilespmem:$0x14000] =	vst v63  }
0x2df: {  	s18 =	sadd.s32 s1, s13;
	s19 =	simm.s32 $0x4400  }
0x2e0: {  	[tilespmem:s19], [sflag:$0x2] =	stream.strided.gather [hbm4b:s18+s15], $0x400, s16, s15, $0x38;
	[tilespmem:$0x14000] =	vst v63  }
0x2e1: {  	s18 =	sadd.s32 $0x50, s9;
	s19 =	simm.s32 $0x5400  }
0x2e2: {  	[tilespmem:s19], [sflag:$0x2] =	stream.strided.gather [hbm4b:s18+s15], $0x400, s16, s15, $0x38;
	[tilespmem:$0x14000] =	vst v63  }
0x2e3: {  	s18 =	sadd.s32 s13, s8;
	s19 =	simm.s32 $0x6400  }
0x2e4: {  	[tilespmem:s19], [sflag:$0x2] =	stream.strided.gather [hbm4b:s18+s15], $0x400, s16, s15, $0x38;
	[tilespmem:$0x14000] =	vst v63  }
0x2e5: {  	s30 =	sor.u32 $0x60, s7;
	s18 =	sadd.s32 $0x50, s21;
	s19 =	simm.s32 $0x7400  }
0x2e6: {  	[tilespmem:s19], [sflag:$0x2] =	stream.strided.gather [hbm4b:s18+s15], $0x400, s16, s15, $0x38;
	[tilespmem:$0x14000] =	vst v63  }
0x2e7: {  	s18 =	sadd.s32 s28, s30;
	s19 =	simm.s32 $0x11800  }
0x2e8: {  	[tilespmem:s19], [sflag:$0xA] =	stream.strided.gather [hbm4b:s18+s15], $0x400, s16, s15, $0x38;
	[tilespmem:$0x14000] =	vst v63  }
0x2e9: {  	s18 =	sadd.s32 s1, s30;
	s19 =	simm.s32 $0x4800  }
0x2ea: {  	[tilespmem:s19], [sflag:$0x2] =	stream.strided.gather [hbm4b:s18+s15], $0x400, s16, s15, $0x38;
	[tilespmem:$0x14000] =	vst v63  }
0x2eb: {  	s18 =	sadd.s32 $0x60, s9;
	s19 =	simm.s32 $0x5800  }
0x2ec: {  	[tilespmem:s19], [sflag:$0x2] =	stream.strided.gather [hbm4b:s18+s15], $0x400, s16, s15, $0x38;
	[tilespmem:$0x14000] =	vst v63  }
0x2ed: {  	s18 =	sadd.s32 s30, s8;
	s19 =	simm.s32 $0x6800  }
0x2ee: {  	[tilespmem:s19], [sflag:$0x2] =	stream.strided.gather [hbm4b:s18+s15], $0x400, s16, s15, $0x38;
	[tilespmem:$0x14000] =	vst v63  }
0x2ef: {  	s3 =	sor.u32 $0x70, s7;
	s0 =	sadd.s32 $0x60, s21;
	s18 =	simm.s32 $0x7800  }
0x2f0: {  	[tilespmem:s18], [sflag:$0x2] =	stream.strided.gather [hbm4b:s0+s15], $0x400, s16, s15, $0x38;
	[tilespmem:$0x14000] =	vst v63  }
0x2f1: {  	s7 =	sadd.s32 s28, s3;
	s19 =	simm.s32 $0x11C00  }
0x2f2: {  	[tilespmem:s19], [sflag:$0xA] =	stream.strided.gather [hbm4b:s7+s15], $0x400, s16, s15, $0x38;
	[tilespmem:$0x14000] =	vst v63  }
0x2f3: {  	s18 =	sadd.s32 s1, s3;
	s19 =	simm.s32 $0x4C00  }
0x2f4: {  	[tilespmem:s19], [sflag:$0x2] =	stream.strided.gather [hbm4b:s18+s15], $0x400, s16, s15, $0x38;
	[tilespmem:$0x14000] =	vst v63  }
0x2f5: {  	s18 =	sadd.s32 $0x70, s9;
	s19 =	simm.s32 $0x5C00  }
0x2f6: {  	[tilespmem:s19], [sflag:$0x2] =	stream.strided.gather [hbm4b:s18+s15], $0x400, s16, s15, $0x38;
	[tilespmem:$0x14000] =	vst v63  }
0x2f7: {  	s9 =	sadd.s32 s3, s8;
	s18 =	simm.s32 $0x6C00  }
0x2f8: {  	[tilespmem:s18], [sflag:$0x2] =	stream.strided.gather [hbm4b:s9+s15], $0x400, s16, s15, $0x38;
	[tilespmem:$0x14000] =	vst v63  }
0x2f9: {  	s7 =	simm.s32 $0x0;
	s19 =	sadd.s32 $0x70, s21;
	s21 =	simm.s32 $0x7C00  }
0x2fa: {  	[tilespmem:s21], [sflag:$0x2] =	stream.strided.gather [hbm4b:s19+s15], $0x400, s16, s15, $0x38;
	[tilespmem:$0x14000] =	vst v63  }
0x2fb: {  	v0 =	vld [tilespmem:s7+$0x13030]  }
0x2fc: {  	v1 =	vld [tilespmem:s7+$0x13000];
	_ =	sdelay $0x1  }
0x2fd: {  	v2 =	vld [tilespmem:s7+$0x13010]  }
0x2fe: {  	v3 =	vld [tilespmem:s7+$0x13020]  }
0x2ff: {  	[tilespmem:s7+$0xF030] =	vst.add.f32.msk $0xffff, v0  }
0x300: {  	[tilespmem:s7+$0xC000] =	vst.add.f32.msk $0xffff, v1  }
0x301: {  	[tilespmem:s7+$0xD000] =	vst.add.f32.msk $0xffff, v1  }
0x302: {  	[tilespmem:s7+$0xE000] =	vst.add.f32.msk $0xffff, v1  }
0x303: {  	[tilespmem:s7+$0xF000] =	vst.add.f32.msk $0xffff, v1  }
0x304: {  	[tilespmem:s7+$0xC010] =	vst.add.f32.msk $0xffff, v2  }
0x305: {  	[tilespmem:s7+$0xD010] =	vst.add.f32.msk $0xffff, v2  }
0x306: {  	[tilespmem:s7+$0xE010] =	vst.add.f32.msk $0xffff, v2  }
0x307: {  	[tilespmem:s7+$0xF010] =	vst.add.f32.msk $0xffff, v2  }
0x308: {  	[tilespmem:s7+$0xC020] =	vst.add.f32.msk $0xffff, v3  }
0x309: {  	[tilespmem:s7+$0xD020] =	vst.add.f32.msk $0xffff, v3  }
0x30a: {  	[tilespmem:s7+$0xE020] =	vst.add.f32.msk $0xffff, v3  }
0x30b: {  	[tilespmem:s7+$0xF020] =	vst.add.f32.msk $0xffff, v3  }
0x30c: {  	[tilespmem:s7+$0xC030] =	vst.add.f32.msk $0xffff, v0  }
0x30d: {  	s9 =	simm.s32 $0x200;
	s21 =	simm.s32 $0x40;
	[tilespmem:s7+$0xD030] =	vst.add.f32.msk $0xffff, v0  }
.LBB2_9:
0x30e: {  	p0 =	sne.s32 s9, $0x3F00;
	v1 =	vld [tilespmem:s21+$0x13030]  }
0x30f: {  	v2 =	vld [tilespmem:s21+$0x13000]  }
0x310: {  	v3 =	vld [tilespmem:s21+$0x13010]  }
0x311: {  	v4 =	vld [tilespmem:s21+$0x13020]  }
0x312: {  	[tilespmem:s7+$0xE030] =	vst.add.f32.msk $0xffff, v0;
	s7 =	smov.u32 s21  }
0x313: {  	[tilespmem:s7+$0xF030] =	vst.add.f32.msk $0xffff, v1;
	v0 =	vmov v1  }
0x314: {  	[tilespmem:s7+$0xC000] =	vst.add.f32.msk $0xffff, v2  }
0x315: {  	[tilespmem:s7+$0xD000] =	vst.add.f32.msk $0xffff, v2  }
0x316: {  	[tilespmem:s7+$0xE000] =	vst.add.f32.msk $0xffff, v2  }
0x317: {  	[tilespmem:s7+$0xF000] =	vst.add.f32.msk $0xffff, v2  }
0x318: {  	[tilespmem:s7+$0xC010] =	vst.add.f32.msk $0xffff, v3  }
0x319: {  	[tilespmem:s7+$0xD010] =	vst.add.f32.msk $0xffff, v3  }
0x31a: {  	[tilespmem:s7+$0xE010] =	vst.add.f32.msk $0xffff, v3  }
0x31b: {  	[tilespmem:s7+$0xF010] =	vst.add.f32.msk $0xffff, v3  }
0x31c: {  	[tilespmem:s7+$0xC020] =	vst.add.f32.msk $0xffff, v4  }
.Ltmp3:
0x31d: {  	[tilespmem:s7+$0xD020] =	vst.add.f32.msk $0xffff, v4;
	(pc) =	sbr.rel @p0 .LBB2_9-.Ltmp3, $4  }
0x31e: {  	[tilespmem:s7+$0xE020] =	vst.add.f32.msk $0xffff, v4  }
0x31f: {  	[tilespmem:s7+$0xF020] =	vst.add.f32.msk $0xffff, v4  }
0x320: {  	[tilespmem:s7+$0xC030] =	vst.add.f32.msk $0xffff, v0  }
0x321: {  	s21 =	sshra.s32 s9, $0x2;
	s9 =	sadd.s32 $0x100, s9;
	[tilespmem:s7+$0xD030] =	vst.add.f32.msk $0xffff, v0  }
0x322: {  	v1 =	vld [tilespmem:s21+$0x13030]  }
0x323: {  	v2 =	vld [tilespmem:s21+$0x13000]  }
0x324: {  	v3 =	vld [tilespmem:s21+$0x13010]  }
0x325: {  	v4 =	vld [tilespmem:s21+$0x13020]  }
0x326: {  	[tilespmem:s7+$0xE030] =	vst.add.f32.msk $0xffff, v0  }
0x327: {  	[tilespmem:s21+$0xF030] =	vst.add.f32.msk $0xffff, v1  }
0x328: {  	[tilespmem:s21+$0xC000] =	vst.add.f32.msk $0xffff, v2  }
0x329: {  	[tilespmem:s21+$0xD000] =	vst.add.f32.msk $0xffff, v2  }
0x32a: {  	[tilespmem:s21+$0xE000] =	vst.add.f32.msk $0xffff, v2  }
0x32b: {  	[tilespmem:s21+$0xF000] =	vst.add.f32.msk $0xffff, v2  }
0x32c: {  	[tilespmem:s21+$0xC010] =	vst.add.f32.msk $0xffff, v3  }
0x32d: {  	[tilespmem:s21+$0xD010] =	vst.add.f32.msk $0xffff, v3  }
0x32e: {  	[tilespmem:s21+$0xE010] =	vst.add.f32.msk $0xffff, v3  }
0x32f: {  	[tilespmem:s21+$0xF010] =	vst.add.f32.msk $0xffff, v3  }
0x330: {  	[tilespmem:s21+$0xC020] =	vst.add.f32.msk $0xffff, v4  }
0x331: {  	[tilespmem:s21+$0xD020] =	vst.add.f32.msk $0xffff, v4  }
0x332: {  	s19 =	sor.u32 s25, s26;
	[tilespmem:s21+$0xE020] =	vst.add.f32.msk $0xffff, v4  }
0x333: {  	s7 =	sshll.u32 s19, $0x7;
	[tilespmem:s21+$0xF020] =	vst.add.f32.msk $0xffff, v4  }
0x334: {  	s7 =	sand.u32 $0x7F800, s7;
	[tilespmem:s21+$0xC030] =	vst.add.f32.msk $0xffff, v1  }
0x335: {  	s9 =	sor.u32 $0x440, s7;
	[tilespmem:s21+$0xD030] =	vst.add.f32.msk $0xffff, v1  }
0x336: {  	s0 =	smov.u32 s26;
	s18 =	simm.s32 $0xC000;
	s26 =	sadd.s32 s24, s9;
	[tilespmem:s21+$0xE030] =	vst.add.f32.msk $0xffff, v1  }
0x337: {  	[hbm4b:s26+s15] =	stream.strided.scatter [tilespmem:s18], [sflag:$0x8], $0x400, s16, s15, $0x38;
	[tilespmem:$0x14000] =	vst v63  }
0x338: {  	s19 =	sadd.s32 s9, s10;
	s26 =	simm.s32 $0xD000  }
0x339: {  	[hbm4b:s19+s15] =	stream.strided.scatter [tilespmem:s26], [sflag:$0x8], $0x400, s16, s15, $0x38;
	[tilespmem:$0x14000] =	vst v63  }
0x33a: {  	s18 =	sadd.s32 s9, s11;
	s19 =	simm.s32 $0xE000  }
0x33b: {  	[hbm4b:s18+s15] =	stream.strided.scatter [tilespmem:s19], [sflag:$0x8], $0x400, s16, s15, $0x38;
	[tilespmem:$0x14000] =	vst v63  }
0x33c: {  	s9 =	sadd.s32 s9, s12;
	s26 =	simm.s32 $0xF000  }
0x33d: {  	[hbm4b:s9+s15] =	stream.strided.scatter [tilespmem:s26], [sflag:$0x8], $0x400, s16, s15, $0x38;
	[tilespmem:$0x14000] =	vst v63  }
0x33e: {  	s9 =	sor.u32 $0x450, s7  }
0x33f: {  	s26 =	simm.s32 $0xC400;
	s19 =	sadd.s32 s24, s9  }
0x340: {  	[hbm4b:s19+s15] =	stream.strided.scatter [tilespmem:s26], [sflag:$0x8], $0x400, s16, s15, $0x38;
	[tilespmem:$0x14000] =	vst v63  }
0x341: {  	s19 =	sadd.s32 s9, s10;
	s26 =	simm.s32 $0xD400  }
0x342: {  	[hbm4b:s19+s15] =	stream.strided.scatter [tilespmem:s26], [sflag:$0x8], $0x400, s16, s15, $0x38;
	[tilespmem:$0x14000] =	vst v63  }
0x343: {  	s18 =	sadd.s32 s9, s11;
	s19 =	simm.s32 $0xE400  }
0x344: {  	[hbm4b:s18+s15] =	stream.strided.scatter [tilespmem:s19], [sflag:$0x8], $0x400, s16, s15, $0x38;
	[tilespmem:$0x14000] =	vst v63  }
0x345: {  	s9 =	sadd.s32 s9, s12;
	s26 =	simm.s32 $0xF400  }
0x346: {  	[hbm4b:s9+s15] =	stream.strided.scatter [tilespmem:s26], [sflag:$0x8], $0x400, s16, s15, $0x38;
	[tilespmem:$0x14000] =	vst v63  }
0x347: {  	s9 =	sor.u32 $0x460, s7  }
0x348: {  	s26 =	simm.s32 $0xC800;
	s19 =	sadd.s32 s24, s9  }
0x349: {  	[hbm4b:s19+s15] =	stream.strided.scatter [tilespmem:s26], [sflag:$0x8], $0x400, s16, s15, $0x38;
	[tilespmem:$0x14000] =	vst v63  }
0x34a: {  	s19 =	sadd.s32 s9, s10;
	s26 =	simm.s32 $0xD800  }
0x34b: {  	[hbm4b:s19+s15] =	stream.strided.scatter [tilespmem:s26], [sflag:$0x8], $0x400, s16, s15, $0x38;
	[tilespmem:$0x14000] =	vst v63  }
0x34c: {  	s18 =	sadd.s32 s9, s11;
	s19 =	simm.s32 $0xE800  }
0x34d: {  	[hbm4b:s18+s15] =	stream.strided.scatter [tilespmem:s19], [sflag:$0x8], $0x400, s16, s15, $0x38;
	[tilespmem:$0x14000] =	vst v63  }
0x34e: {  	s7 =	sor.u32 $0x470, s7;
	s9 =	sadd.s32 s9, s12;
	s26 =	simm.s32 $0xF800  }
0x34f: {  	[hbm4b:s9+s15] =	stream.strided.scatter [tilespmem:s26], [sflag:$0x8], $0x400, s16, s15, $0x38;
	[tilespmem:$0x14000] =	vst v63  }
0x350: {  	s18 =	sadd.s32 s24, s7;
	s19 =	simm.s32 $0xCC00  }
0x351: {  	[hbm4b:s18+s15] =	stream.strided.scatter [tilespmem:s19], [sflag:$0x8], $0x400, s16, s15, $0x38;
	[tilespmem:$0x14000] =	vst v63  }
0x352: {  	s21 =	sadd.s32 s7, s10;
	s26 =	simm.s32 $0xDC00  }
0x353: {  	[hbm4b:s21+s15] =	stream.strided.scatter [tilespmem:s26], [sflag:$0x8], $0x400, s16, s15, $0x38;
	[tilespmem:$0x14000] =	vst v63  }
0x354: {  	s19 =	sadd.s32 s7, s11;
	s21 =	simm.s32 $0xEC00  }
0x355: {  	[hbm4b:s19+s15] =	stream.strided.scatter [tilespmem:s21], [sflag:$0x8], $0x400, s16, s15, $0x38;
	[tilespmem:$0x14000] =	vst v63  }
0x356: {  	s9 =	simm.s32 $0x9;
	s7 =	sadd.s32 s7, s12;
	s26 =	simm.s32 $0xFC00  }
0x357: {  	[hbm4b:s7+s15] =	stream.strided.scatter [tilespmem:s26], [sflag:$0x8], $0x400, s16, s15, $0x38;
	[tilespmem:$0x14000] =	vst v63  }
0x358: {  	_ =	swait.ge [sflag:s9], $0x1000  }
0x359: {  	[sflag:s9] =	ssyncset.done $0x0  }
0x35a: {  	s18 =	simm.s32 $0x1;
	[sflag:s9] =	ssyncadd.s32 $0xFFFFF000  }
0x35b: {  	_ =	swait.ge [sflag:s18], $0x1000  }
0x35c: {  	[sflag:s18] =	ssyncset.done $0x0  }
0x35d: {  	[sflag:s18] =	ssyncadd.s32 $0xFFFFF000  }
0x35e: {  	_ =	swait.ge [sflag:s18], $0x1000  }
0x35f: {  	[sflag:s18] =	ssyncset.done $0x0  }
0x360: {  	[sflag:s18] =	ssyncadd.s32 $0xFFFFF000  }
0x361: {  	_ =	swait.ge [sflag:s18], $0x1000  }
0x362: {  	[sflag:s18] =	ssyncset.done $0x0  }
0x363: {  	[sflag:s18] =	ssyncadd.s32 $0xFFFFF000  }
0x364: {  	_ =	swait.ge [sflag:s18], $0x1000  }
0x365: {  	[sflag:s18] =	ssyncset.done $0x0  }
0x366: {  	[sflag:s18] =	ssyncadd.s32 $0xFFFFF000  }
0x367: {  	_ =	swait.ge [sflag:s20], $0x1000  }
0x368: {  	[sflag:s20] =	ssyncset.done $0x0  }
0x369: {  	[sflag:s20] =	ssyncadd.s32 $0xFFFFF000  }
0x36a: {  	_ =	swait.ge [sflag:s20], $0x1000  }
0x36b: {  	[sflag:s20] =	ssyncset.done $0x0  }
0x36c: {  	[sflag:s20] =	ssyncadd.s32 $0xFFFFF000  }
0x36d: {  	_ =	swait.ge [sflag:s20], $0x1000  }
0x36e: {  	[sflag:s20] =	ssyncset.done $0x0  }
0x36f: {  	[sflag:s20] =	ssyncadd.s32 $0xFFFFF000  }
0x370: {  	_ =	swait.ge [sflag:s20], $0x1000  }
0x371: {  	s19 =	sld [smem:$0x7F7];
	_ =	sdelay $0x2  }
0x372: {  	s7 =	sadd.s32 s25, s19  }
0x373: {  	[sflag:s20] =	ssyncset.done $0x0;
	s7 =	sshll.u32 s7, $0x7  }
0x374: {  	s26 =	simm.s32 $0x12000;
	[sflag:s20] =	ssyncadd.s32 $0xFFFFF000;
	s21 =	sadd.s32 s28, s7  }
0x375: {  	[tilespmem:s26], [sflag:$0xB] =	stream.strided.gather [hbm4b:s21+s15], $0x400, s16, s15, $0x38;
	[tilespmem:$0x14000] =	vst v63  }
0x376: {  	s19 =	sadd.s32 s1, s7;
	s21 =	simm.s32 $0x8000  }
0x377: {  	[tilespmem:s21], [sflag:$0x3] =	stream.strided.gather [hbm4b:s19+s15], $0x400, s16, s15, $0x38;
	[tilespmem:$0x14000] =	vst v63  }
0x378: {  	s9 =	sadd.s32 s7, s31;
	s26 =	simm.s32 $0x9000  }
0x379: {  	[tilespmem:s26], [sflag:$0x3] =	stream.strided.gather [hbm4b:s9+s15], $0x400, s16, s15, $0x38;
	[tilespmem:$0x14000] =	vst v63  }
0x37a: {  	s18 =	smov.u32 s31;
	s31 =	sadd.s32 s7, s8;
	s19 =	simm.s32 $0xA000  }
0x37b: {  	[tilespmem:s19], [sflag:$0x3] =	stream.strided.gather [hbm4b:s31+s15], $0x400, s16, s15, $0x38;
	[tilespmem:$0x14000] =	vst v63  }
0x37c: {  	s31 =	sld [smem:$0x7EC];
	_ =	sdelay $0x2  }
0x37d: {  	s26 =	sor.u32 $0x10, s7;
	s19 =	simm.s32 $0xB000;
	s21 =	sadd.s32 s7, s31  }
0x37e: {  	[tilespmem:s19], [sflag:$0x3] =	stream.strided.gather [hbm4b:s21+s15], $0x400, s16, s15, $0x38;
	[tilespmem:$0x14000] =	vst v63  }
0x37f: {  	s31 =	sadd.s32 s28, s26;
	s19 =	simm.s32 $0x12400  }
0x380: {  	[tilespmem:s19], [sflag:$0xB] =	stream.strided.gather [hbm4b:s31+s15], $0x400, s16, s15, $0x38;
	[tilespmem:$0x14000] =	vst v63  }
0x381: {  	s31 =	sadd.s32 s1, s26;
	s19 =	simm.s32 $0x8400  }
0x382: {  	[tilespmem:s19], [sflag:$0x3] =	stream.strided.gather [hbm4b:s31+s15], $0x400, s16, s15, $0x38;
	[tilespmem:$0x14000] =	vst v63  }
0x383: {  	s31 =	sadd.s32 $0x10, s9;
	s19 =	simm.s32 $0x9400  }
0x384: {  	[tilespmem:s19], [sflag:$0x3] =	stream.strided.gather [hbm4b:s31+s15], $0x400, s16, s15, $0x38;
	[tilespmem:$0x14000] =	vst v63  }
0x385: {  	s26 =	sadd.s32 s26, s8;
	s31 =	simm.s32 $0xA400  }
0x386: {  	[tilespmem:s31], [sflag:$0x3] =	stream.strided.gather [hbm4b:s26+s15], $0x400, s16, s15, $0x38;
	[tilespmem:$0x14000] =	vst v63  }
0x387: {  	s19 =	simm.s32 $0xB400;
	s26 =	sadd.s32 $0x10, s21  }
0x388: {  	[tilespmem:s19], [sflag:$0x3] =	stream.strided.gather [hbm4b:s26+s15], $0x400, s16, s15, $0x38;
	[tilespmem:$0x14000] =	vst v63  }
0x389: {  	s26 =	sor.u32 $0x20, s7  }
0x38a: {  	s19 =	simm.s32 $0x12800;
	s31 =	sadd.s32 s28, s26  }
0x38b: {  	[tilespmem:s19], [sflag:$0xB] =	stream.strided.gather [hbm4b:s31+s15], $0x400, s16, s15, $0x38;
	[tilespmem:$0x14000] =	vst v63  }
0x38c: {  	s31 =	sadd.s32 s1, s26;
	s19 =	simm.s32 $0x8800  }
0x38d: {  	[tilespmem:s19], [sflag:$0x3] =	stream.strided.gather [hbm4b:s31+s15], $0x400, s16, s15, $0x38;
	[tilespmem:$0x14000] =	vst v63  }
0x38e: {  	s31 =	sadd.s32 $0x20, s9;
	s19 =	simm.s32 $0x9800  }
0x38f: {  	[tilespmem:s19], [sflag:$0x3] =	stream.strided.gather [hbm4b:s31+s15], $0x400, s16, s15, $0x38;
	[tilespmem:$0x14000] =	vst v63  }
0x390: {  	s26 =	sadd.s32 s26, s8;
	s19 =	simm.s32 $0xA800  }
0x391: {  	[tilespmem:s19], [sflag:$0x3] =	stream.strided.gather [hbm4b:s26+s15], $0x400, s16, s15, $0x38;
	[tilespmem:$0x14000] =	vst v63  }
0x392: {  	s7 =	sor.u32 $0x30, s7;
	s31 =	simm.s32 $0xB800;
	s26 =	sadd.s32 $0x20, s21  }
0x393: {  	[tilespmem:s31], [sflag:$0x3] =	stream.strided.gather [hbm4b:s26+s15], $0x400, s16, s15, $0x38;
	[tilespmem:$0x14000] =	vst v63  }
0x394: {  	s26 =	sadd.s32 s28, s7;
	s31 =	simm.s32 $0x12C00  }
0x395: {  	[tilespmem:s31], [sflag:$0xB] =	stream.strided.gather [hbm4b:s26+s15], $0x400, s16, s15, $0x38;
	[tilespmem:$0x14000] =	vst v63  }
0x396: {  	s26 =	sadd.s32 s1, s7;
	s31 =	simm.s32 $0x8C00  }
0x397: {  	[tilespmem:s31], [sflag:$0x3] =	stream.strided.gather [hbm4b:s26+s15], $0x400, s16, s15, $0x38;
	[tilespmem:$0x14000] =	vst v63  }
0x398: {  	s9 =	sadd.s32 $0x30, s9;
	s31 =	simm.s32 $0x9C00  }
0x399: {  	[tilespmem:s31], [sflag:$0x3] =	stream.strided.gather [hbm4b:s9+s15], $0x400, s16, s15, $0x38;
	[tilespmem:$0x14000] =	vst v63  }
0x39a: {  	s7 =	sadd.s32 s7, s8;
	s31 =	simm.s32 $0xAC00  }
0x39b: {  	[tilespmem:s31], [sflag:$0x3] =	stream.strided.gather [hbm4b:s7+s15], $0x400, s16, s15, $0x38;
	[tilespmem:$0x14000] =	vst v63  }
0x39c: {  	s26 =	sadd.s32 $0x30, s21;
	s31 =	simm.s32 $0xBC00;
	s7 =	simm.s32 $0x0  }
0x39d: {  	[tilespmem:s31], [sflag:$0x3] =	stream.strided.gather [hbm4b:s26+s15], $0x400, s16, s15, $0x38;
	[tilespmem:$0x14000] =	vst v63  }
0x39e: {  	v0 =	vld [tilespmem:s7+$0x10030]  }
0x39f: {  	v1 =	vld [tilespmem:s7+$0x10000];
	_ =	sdelay $0x1  }
0x3a0: {  	v2 =	vld [tilespmem:s7+$0x10010]  }
0x3a1: {  	v3 =	vld [tilespmem:s7+$0x10020]  }
0x3a2: {  	[tilespmem:s7+$0x3030] =	vst.add.f32.msk $0xffff, v0  }
0x3a3: {  	[tilespmem:s7+$0x0] =	vst.add.f32.msk $0xffff, v1  }
0x3a4: {  	[tilespmem:s7+$0x1000] =	vst.add.f32.msk $0xffff, v1  }
0x3a5: {  	[tilespmem:s7+$0x2000] =	vst.add.f32.msk $0xffff, v1  }
0x3a6: {  	[tilespmem:s7+$0x3000] =	vst.add.f32.msk $0xffff, v1  }
0x3a7: {  	[tilespmem:s7+$0x10] =	vst.add.f32.msk $0xffff, v2  }
0x3a8: {  	[tilespmem:s7+$0x1010] =	vst.add.f32.msk $0xffff, v2  }
0x3a9: {  	[tilespmem:s7+$0x2010] =	vst.add.f32.msk $0xffff, v2  }
0x3aa: {  	[tilespmem:s7+$0x3010] =	vst.add.f32.msk $0xffff, v2  }
0x3ab: {  	[tilespmem:s7+$0x20] =	vst.add.f32.msk $0xffff, v3  }
0x3ac: {  	[tilespmem:s7+$0x1020] =	vst.add.f32.msk $0xffff, v3  }
0x3ad: {  	[tilespmem:s7+$0x2020] =	vst.add.f32.msk $0xffff, v3  }
0x3ae: {  	[tilespmem:s7+$0x3020] =	vst.add.f32.msk $0xffff, v3  }
0x3af: {  	[tilespmem:s7+$0x30] =	vst.add.f32.msk $0xffff, v0  }
0x3b0: {  	s21 =	simm.s32 $0x40;
	s9 =	simm.s32 $0x200;
	[tilespmem:s7+$0x1030] =	vst.add.f32.msk $0xffff, v0  }
.LBB2_11:
0x3b1: {  	p0 =	seq.s32 s9, $0x3F00;
	v1 =	vld [tilespmem:s21+$0x10030]  }
0x3b2: {  	v2 =	vld [tilespmem:s21+$0x10000]  }
0x3b3: {  	v3 =	vld [tilespmem:s21+$0x10010]  }
0x3b4: {  	v4 =	vld [tilespmem:s21+$0x10020]  }
0x3b5: {  	[tilespmem:s7+$0x2030] =	vst.add.f32.msk $0xffff, v0;
	s7 =	smov.u32 s21  }
0x3b6: {  	[tilespmem:s7+$0x3030] =	vst.add.f32.msk $0xffff, v1;
	v0 =	vmov v1  }
0x3b7: {  	[tilespmem:s7+$0x0] =	vst.add.f32.msk $0xffff, v2  }
0x3b8: {  	[tilespmem:s7+$0x1000] =	vst.add.f32.msk $0xffff, v2  }
0x3b9: {  	[tilespmem:s7+$0x2000] =	vst.add.f32.msk $0xffff, v2  }
0x3ba: {  	[tilespmem:s7+$0x3000] =	vst.add.f32.msk $0xffff, v2  }
0x3bb: {  	[tilespmem:s7+$0x10] =	vst.add.f32.msk $0xffff, v3  }
0x3bc: {  	[tilespmem:s7+$0x1010] =	vst.add.f32.msk $0xffff, v3  }
0x3bd: {  	[tilespmem:s7+$0x2010] =	vst.add.f32.msk $0xffff, v3  }
0x3be: {  	[tilespmem:s7+$0x3010] =	vst.add.f32.msk $0xffff, v3  }
0x3bf: {  	[tilespmem:s7+$0x20] =	vst.add.f32.msk $0xffff, v4  }
.Ltmp4:
0x3c0: {  	[tilespmem:s7+$0x1020] =	vst.add.f32.msk $0xffff, v4;
	(pc) =	sbr.rel @!p0 .LBB2_11-.Ltmp4, $4  }
0x3c1: {  	[tilespmem:s7+$0x2020] =	vst.add.f32.msk $0xffff, v4  }
0x3c2: {  	[tilespmem:s7+$0x3020] =	vst.add.f32.msk $0xffff, v4  }
0x3c3: {  	[tilespmem:s7+$0x30] =	vst.add.f32.msk $0xffff, v0  }
0x3c4: {  	s21 =	sshra.s32 s9, $0x2;
	s9 =	sadd.s32 $0x100, s9;
	[tilespmem:s7+$0x1030] =	vst.add.f32.msk $0xffff, v0  }
0x3c5: {  	v1 =	vld [tilespmem:s21+$0x10030]  }
0x3c6: {  	v2 =	vld [tilespmem:s21+$0x10000]  }
0x3c7: {  	v3 =	vld [tilespmem:s21+$0x10010]  }
0x3c8: {  	v4 =	vld [tilespmem:s21+$0x10020]  }
0x3c9: {  	[tilespmem:s7+$0x2030] =	vst.add.f32.msk $0xffff, v0  }
0x3ca: {  	[tilespmem:s21+$0x3030] =	vst.add.f32.msk $0xffff, v1  }
0x3cb: {  	[tilespmem:s21+$0x0] =	vst.add.f32.msk $0xffff, v2  }
0x3cc: {  	[tilespmem:s21+$0x1000] =	vst.add.f32.msk $0xffff, v2  }
0x3cd: {  	[tilespmem:s21+$0x2000] =	vst.add.f32.msk $0xffff, v2  }
0x3ce: {  	[tilespmem:s21+$0x3000] =	vst.add.f32.msk $0xffff, v2  }
0x3cf: {  	[tilespmem:s21+$0x10] =	vst.add.f32.msk $0xffff, v3  }
0x3d0: {  	[tilespmem:s21+$0x1010] =	vst.add.f32.msk $0xffff, v3  }
0x3d1: {  	[tilespmem:s21+$0x2010] =	vst.add.f32.msk $0xffff, v3  }
0x3d2: {  	[tilespmem:s21+$0x3010] =	vst.add.f32.msk $0xffff, v3  }
0x3d3: {  	[tilespmem:s21+$0x20] =	vst.add.f32.msk $0xffff, v4  }
0x3d4: {  	[tilespmem:s21+$0x1020] =	vst.add.f32.msk $0xffff, v4  }
0x3d5: {  	[tilespmem:s21+$0x2020] =	vst.add.f32.msk $0xffff, v4  }
0x3d6: {  	[tilespmem:s21+$0x3020] =	vst.add.f32.msk $0xffff, v4  }
0x3d7: {  	[tilespmem:s21+$0x30] =	vst.add.f32.msk $0xffff, v1  }
0x3d8: {  	[tilespmem:s21+$0x1030] =	vst.add.f32.msk $0xffff, v1  }
0x3d9: {  	s9 =	simm.s32 $0x0;
	[tilespmem:s21+$0x2030] =	vst.add.f32.msk $0xffff, v1;
	s21 =	sadd.s32 s24, s4  }
0x3da: {  	[hbm4b:s21+s15] =	stream.strided.scatter [tilespmem:s9], [sflag:$0x5], $0x400, s16, s15, $0x38;
	[tilespmem:$0x14000] =	vst v63  }
0x3db: {  	s31 =	smov.u32 s18;
	s7 =	sadd.s32 s4, s10;
	s18 =	simm.s32 $0x1000  }
0x3dc: {  	[hbm4b:s7+s15] =	stream.strided.scatter [tilespmem:s18], [sflag:$0x5], $0x400, s16, s15, $0x38;
	[tilespmem:$0x14000] =	vst v63  }
0x3dd: {  	s26 =	smov.u32 s0;
	s0 =	sadd.s32 s4, s11;
	s21 =	simm.s32 $0x2000  }
0x3de: {  	[hbm4b:s0+s15] =	stream.strided.scatter [tilespmem:s21], [sflag:$0x5], $0x400, s16, s15, $0x38;
	[tilespmem:$0x14000] =	vst v63  }
0x3df: {  	s4 =	sadd.s32 s4, s12;
	s9 =	simm.s32 $0x3000  }
0x3e0: {  	[hbm4b:s4+s15] =	stream.strided.scatter [tilespmem:s9], [sflag:$0x5], $0x400, s16, s15, $0x38;
	[tilespmem:$0x14000] =	vst v63  }
0x3e1: {  	s0 =	sadd.s32 s24, s6  }
0x3e2: {  	[hbm4b:s0+s15] =	stream.strided.scatter [tilespmem:s16], [sflag:$0x5], $0x400, s16, s15, $0x38;
	[tilespmem:$0x14000] =	vst v63  }
0x3e3: {  	s9 =	sadd.s32 $0x10, s7;
	s0 =	simm.s32 $0x1400  }
0x3e4: {  	[hbm4b:s9+s15] =	stream.strided.scatter [tilespmem:s0], [sflag:$0x5], $0x400, s16, s15, $0x38;
	[tilespmem:$0x14000] =	vst v63  }
0x3e5: {  	s0 =	sadd.s32 s6, s11;
	s9 =	simm.s32 $0x2400  }
0x3e6: {  	[hbm4b:s0+s15] =	stream.strided.scatter [tilespmem:s9], [sflag:$0x5], $0x400, s16, s15, $0x38;
	[tilespmem:$0x14000] =	vst v63  }
0x3e7: {  	s0 =	sadd.s32 $0x10, s4;
	s9 =	simm.s32 $0x3400  }
0x3e8: {  	[hbm4b:s0+s15] =	stream.strided.scatter [tilespmem:s9], [sflag:$0x5], $0x400, s16, s15, $0x38;
	[tilespmem:$0x14000] =	vst v63  }
0x3e9: {  	s0 =	sadd.s32 s24, s14;
	s9 =	simm.s32 $0x800  }
0x3ea: {  	[hbm4b:s0+s15] =	stream.strided.scatter [tilespmem:s9], [sflag:$0x5], $0x400, s16, s15, $0x38;
	[tilespmem:$0x14000] =	vst v63  }
0x3eb: {  	s0 =	sadd.s32 $0x20, s7;
	s9 =	simm.s32 $0x1800  }
0x3ec: {  	[hbm4b:s0+s15] =	stream.strided.scatter [tilespmem:s9], [sflag:$0x5], $0x400, s16, s15, $0x38;
	[tilespmem:$0x14000] =	vst v63  }
0x3ed: {  	s9 =	sadd.s32 s14, s11;
	s14 =	simm.s32 $0x2800  }
0x3ee: {  	[hbm4b:s9+s15] =	stream.strided.scatter [tilespmem:s14], [sflag:$0x5], $0x400, s16, s15, $0x38;
	[tilespmem:$0x14000] =	vst v63  }
0x3ef: {  	s9 =	sadd.s32 $0x20, s4;
	s14 =	simm.s32 $0x3800  }
0x3f0: {  	[hbm4b:s9+s15] =	stream.strided.scatter [tilespmem:s14], [sflag:$0x5], $0x400, s16, s15, $0x38;
	[tilespmem:$0x14000] =	vst v63  }
0x3f1: {  	s9 =	sadd.s32 s24, s2;
	s14 =	simm.s32 $0xC00  }
0x3f2: {  	[hbm4b:s9+s15] =	stream.strided.scatter [tilespmem:s14], [sflag:$0x5], $0x400, s16, s15, $0x38;
	[tilespmem:$0x14000] =	vst v63  }
0x3f3: {  	s9 =	sadd.s32 $0x30, s7;
	s14 =	simm.s32 $0x1C00  }
0x3f4: {  	[hbm4b:s9+s15] =	stream.strided.scatter [tilespmem:s14], [sflag:$0x5], $0x400, s16, s15, $0x38;
	[tilespmem:$0x14000] =	vst v63  }
0x3f5: {  	s6 =	sadd.s32 s2, s11;
	s7 =	simm.s32 $0x2C00  }
0x3f6: {  	[hbm4b:s6+s15] =	stream.strided.scatter [tilespmem:s7], [sflag:$0x5], $0x400, s16, s15, $0x38;
	[tilespmem:$0x14000] =	vst v63  }
0x3f7: {  	s2 =	simm.s32 $0xA;
	s9 =	sadd.s32 $0x30, s4;
	s14 =	simm.s32 $0x3C00  }
0x3f8: {  	[hbm4b:s9+s15] =	stream.strided.scatter [tilespmem:s14], [sflag:$0x5], $0x400, s16, s15, $0x38;
	[tilespmem:$0x14000] =	vst v63  }
0x3f9: {  	_ =	swait.ge [sflag:s2], $0x1000  }
0x3fa: {  	[sflag:s2] =	ssyncset.done $0x0  }
0x3fb: {  	s4 =	simm.s32 $0x2;
	[sflag:s2] =	ssyncadd.s32 $0xFFFFF000  }
0x3fc: {  	_ =	swait.ge [sflag:s4], $0x1000  }
0x3fd: {  	[sflag:s4] =	ssyncset.done $0x0  }
0x3fe: {  	[sflag:s4] =	ssyncadd.s32 $0xFFFFF000  }
0x3ff: {  	_ =	swait.ge [sflag:s4], $0x1000  }
0x400: {  	[sflag:s4] =	ssyncset.done $0x0  }
0x401: {  	[sflag:s4] =	ssyncadd.s32 $0xFFFFF000  }
0x402: {  	_ =	swait.ge [sflag:s4], $0x1000  }
0x403: {  	[sflag:s4] =	ssyncset.done $0x0  }
0x404: {  	[sflag:s4] =	ssyncadd.s32 $0xFFFFF000  }
0x405: {  	_ =	swait.ge [sflag:s4], $0x1000  }
0x406: {  	[sflag:s4] =	ssyncset.done $0x0  }
0x407: {  	[sflag:s4] =	ssyncadd.s32 $0xFFFFF000  }
0x408: {  	_ =	swait.ge [sflag:s22], $0x1000  }
0x409: {  	[sflag:s22] =	ssyncset.done $0x0  }
0x40a: {  	[sflag:s22] =	ssyncadd.s32 $0xFFFFF000  }
0x40b: {  	_ =	swait.ge [sflag:s22], $0x1000  }
0x40c: {  	[sflag:s22] =	ssyncset.done $0x0  }
0x40d: {  	[sflag:s22] =	ssyncadd.s32 $0xFFFFF000  }
0x40e: {  	_ =	swait.ge [sflag:s22], $0x1000  }
0x40f: {  	s6 =	sld [smem:$0x7F8];
	_ =	sdelay $0x1  }
0x410: {  	[sflag:s22] =	ssyncset.done $0x0  }
0x411: {  	[sflag:s22] =	ssyncadd.s32 $0xFFFFF000;
	s7 =	sadd.s32 s25, s6  }
0x412: {  	_ =	swait.ge [sflag:s22], $0x1000;
	s2 =	sshll.u32 s7, $0x7  }
0x413: {  	[sflag:s22] =	ssyncset.done $0x0;
	s25 =	simm.s32 $0x13000;
	s4 =	sand.u32 $0xFFC00, s2  }
0x414: {  	[sflag:s22] =	ssyncadd.s32 $0xFFFFF000;
	s9 =	sadd.s32 $0x80000, s2;
	s7 =	sor.u32 $0x40, s4  }
0x415: {  	s2 =	sadd.s32 $0x180000, s2;
	s6 =	sand.u32 $0xFFFFC00, s9;
	s14 =	sadd.s32 s28, s7  }
0x416: {  	[tilespmem:s25], [sflag:$0xC] =	stream.strided.gather [hbm4b:s14+s15], $0x400, s16, s15, $0x38;
	[tilespmem:$0x14000] =	vst v63  }
0x417: {  	s6 =	sadd.s32 s1, s6;
	s14 =	sadd.s32 s1, s7;
	s25 =	simm.s32 $0xC000  }
0x418: {  	[tilespmem:s25], [sflag:$0x4] =	stream.strided.gather [hbm4b:s14+s15], $0x400, s16, s15, $0x38;
	[tilespmem:$0x14000] =	vst v63  }
0x419: {  	s2 =	sand.u32 $0xFFFFC00, s2;
	s0 =	sadd.s32 $0x40, s6;
	s14 =	simm.s32 $0xD000  }
0x41a: {  	[tilespmem:s14], [sflag:$0x4] =	stream.strided.gather [hbm4b:s0+s15], $0x400, s16, s15, $0x38;
	[tilespmem:$0x14000] =	vst v63  }
0x41b: {  	s2 =	sadd.s32 s1, s2;
	s7 =	sadd.s32 s7, s8;
	s25 =	simm.s32 $0xE000  }
0x41c: {  	[tilespmem:s25], [sflag:$0x4] =	stream.strided.gather [hbm4b:s7+s15], $0x400, s16, s15, $0x38;
	[tilespmem:$0x14000] =	vst v63  }
0x41d: {  	s9 =	simm.s32 $0xF000;
	s0 =	sadd.s32 $0x40, s2;
	s7 =	sor.u32 $0x50, s4  }
0x41e: {  	[tilespmem:s9], [sflag:$0x4] =	stream.strided.gather [hbm4b:s0+s15], $0x400, s16, s15, $0x38;
	[tilespmem:$0x14000] =	vst v63  }
0x41f: {  	s25 =	simm.s32 $0x13400;
	s14 =	sadd.s32 s28, s7  }
0x420: {  	[tilespmem:s25], [sflag:$0xC] =	stream.strided.gather [hbm4b:s14+s15], $0x400, s16, s15, $0x38;
	[tilespmem:$0x14000] =	vst v63  }
0x421: {  	s14 =	sadd.s32 s1, s7;
	s25 =	simm.s32 $0xC400  }
0x422: {  	[tilespmem:s25], [sflag:$0x4] =	stream.strided.gather [hbm4b:s14+s15], $0x400, s16, s15, $0x38;
	[tilespmem:$0x14000] =	vst v63  }
0x423: {  	s0 =	sadd.s32 $0x50, s6;
	s14 =	simm.s32 $0xD400  }
0x424: {  	[tilespmem:s14], [sflag:$0x4] =	stream.strided.gather [hbm4b:s0+s15], $0x400, s16, s15, $0x38;
	[tilespmem:$0x14000] =	vst v63  }
0x425: {  	s7 =	sadd.s32 s7, s8;
	s25 =	simm.s32 $0xE400  }
0x426: {  	[tilespmem:s25], [sflag:$0x4] =	stream.strided.gather [hbm4b:s7+s15], $0x400, s16, s15, $0x38;
	[tilespmem:$0x14000] =	vst v63  }
0x427: {  	s9 =	simm.s32 $0xF400;
	s0 =	sadd.s32 $0x50, s2;
	s7 =	sor.u32 $0x60, s4  }
0x428: {  	[tilespmem:s9], [sflag:$0x4] =	stream.strided.gather [hbm4b:s0+s15], $0x400, s16, s15, $0x38;
	[tilespmem:$0x14000] =	vst v63  }
0x429: {  	s25 =	simm.s32 $0x13800;
	s14 =	sadd.s32 s28, s7  }
0x42a: {  	[tilespmem:s25], [sflag:$0xC] =	stream.strided.gather [hbm4b:s14+s15], $0x400, s16, s15, $0x38;
	[tilespmem:$0x14000] =	vst v63  }
0x42b: {  	s14 =	sadd.s32 s1, s7;
	s25 =	simm.s32 $0xC800  }
0x42c: {  	[tilespmem:s25], [sflag:$0x4] =	stream.strided.gather [hbm4b:s14+s15], $0x400, s16, s15, $0x38;
	[tilespmem:$0x14000] =	vst v63  }
0x42d: {  	s14 =	sadd.s32 $0x60, s6;
	s25 =	simm.s32 $0xD800  }
0x42e: {  	[tilespmem:s25], [sflag:$0x4] =	stream.strided.gather [hbm4b:s14+s15], $0x400, s16, s15, $0x38;
	[tilespmem:$0x14000] =	vst v63  }
0x42f: {  	s9 =	simm.s32 $0xE800;
	s7 =	sadd.s32 s7, s8  }
0x430: {  	[tilespmem:s9], [sflag:$0x4] =	stream.strided.gather [hbm4b:s7+s15], $0x400, s16, s15, $0x38;
	[tilespmem:$0x14000] =	vst v63  }
0x431: {  	s4 =	sor.u32 $0x70, s4;
	s14 =	sadd.s32 $0x60, s2;
	s25 =	simm.s32 $0xF800  }
0x432: {  	[tilespmem:s25], [sflag:$0x4] =	stream.strided.gather [hbm4b:s14+s15], $0x400, s16, s15, $0x38;
	[tilespmem:$0x14000] =	vst v63  }
0x433: {  	s0 =	sadd.s32 s28, s4;
	s9 =	simm.s32 $0x13C00  }
0x434: {  	[tilespmem:s9], [sflag:$0xC] =	stream.strided.gather [hbm4b:s0+s15], $0x400, s16, s15, $0x38;
	[tilespmem:$0x14000] =	vst v63  }
0x435: {  	s14 =	sadd.s32 s1, s4;
	s25 =	simm.s32 $0xCC00  }
0x436: {  	[tilespmem:s25], [sflag:$0x4] =	stream.strided.gather [hbm4b:s14+s15], $0x400, s16, s15, $0x38;
	[tilespmem:$0x14000] =	vst v63  }
0x437: {  	s6 =	sadd.s32 $0x70, s6;
	s9 =	simm.s32 $0xDC00  }
0x438: {  	[tilespmem:s9], [sflag:$0x4] =	stream.strided.gather [hbm4b:s6+s15], $0x400, s16, s15, $0x38;
	[tilespmem:$0x14000] =	vst v63  }
0x439: {  	s4 =	sadd.s32 s4, s8;
	s14 =	simm.s32 $0xEC00  }
0x43a: {  	[tilespmem:s14], [sflag:$0x4] =	stream.strided.gather [hbm4b:s4+s15], $0x400, s16, s15, $0x38;
	[tilespmem:$0x14000] =	vst v63  }
0x43b: {  	s2 =	sadd.s32 $0x70, s2;
	s25 =	simm.s32 $0xFC00  }
0x43c: {  	[tilespmem:s25], [sflag:$0x4] =	stream.strided.gather [hbm4b:s2+s15], $0x400, s16, s15, $0x38;
	[tilespmem:$0x14000] =	vst v63  }
0x43d: {  	s2 =	simm.s32 $0x0  }
0x43e: {  	v0 =	vld [tilespmem:s2+$0x11030]  }
0x43f: {  	v1 =	vld [tilespmem:s2+$0x11000];
	_ =	sdelay $0x1  }
0x440: {  	v2 =	vld [tilespmem:s2+$0x11010]  }
0x441: {  	v3 =	vld [tilespmem:s2+$0x11020]  }
0x442: {  	[tilespmem:s2+$0x7030] =	vst.add.f32.msk $0xffff, v0  }
0x443: {  	[tilespmem:s2+$0x4000] =	vst.add.f32.msk $0xffff, v1  }
0x444: {  	[tilespmem:s2+$0x5000] =	vst.add.f32.msk $0xffff, v1  }
0x445: {  	[tilespmem:s2+$0x6000] =	vst.add.f32.msk $0xffff, v1  }
0x446: {  	[tilespmem:s2+$0x7000] =	vst.add.f32.msk $0xffff, v1  }
0x447: {  	[tilespmem:s2+$0x4010] =	vst.add.f32.msk $0xffff, v2  }
0x448: {  	[tilespmem:s2+$0x5010] =	vst.add.f32.msk $0xffff, v2  }
0x449: {  	[tilespmem:s2+$0x6010] =	vst.add.f32.msk $0xffff, v2  }
0x44a: {  	[tilespmem:s2+$0x7010] =	vst.add.f32.msk $0xffff, v2  }
0x44b: {  	[tilespmem:s2+$0x4020] =	vst.add.f32.msk $0xffff, v3  }
0x44c: {  	[tilespmem:s2+$0x5020] =	vst.add.f32.msk $0xffff, v3  }
0x44d: {  	[tilespmem:s2+$0x6020] =	vst.add.f32.msk $0xffff, v3  }
0x44e: {  	[tilespmem:s2+$0x7020] =	vst.add.f32.msk $0xffff, v3  }
0x44f: {  	[tilespmem:s2+$0x4030] =	vst.add.f32.msk $0xffff, v0  }
0x450: {  	s6 =	simm.s32 $0x40;
	s9 =	simm.s32 $0x8400;
	s4 =	simm.s32 $0x200;
	[tilespmem:s2+$0x5030] =	vst.add.f32.msk $0xffff, v0  }
.LBB2_13:
0x451: {  	p0 =	seq.s32 s4, $0x3F00;
	v1 =	vld [tilespmem:s6+$0x11030]  }
0x452: {  	v2 =	vld [tilespmem:s6+$0x11000]  }
0x453: {  	v3 =	vld [tilespmem:s6+$0x11010]  }
0x454: {  	v4 =	vld [tilespmem:s6+$0x11020]  }
0x455: {  	[tilespmem:s2+$0x6030] =	vst.add.f32.msk $0xffff, v0;
	s2 =	smov.u32 s6  }
0x456: {  	[tilespmem:s2+$0x7030] =	vst.add.f32.msk $0xffff, v1;
	v0 =	vmov v1  }
0x457: {  	[tilespmem:s2+$0x4000] =	vst.add.f32.msk $0xffff, v2  }
0x458: {  	[tilespmem:s2+$0x5000] =	vst.add.f32.msk $0xffff, v2  }
0x459: {  	[tilespmem:s2+$0x6000] =	vst.add.f32.msk $0xffff, v2  }
0x45a: {  	[tilespmem:s2+$0x7000] =	vst.add.f32.msk $0xffff, v2  }
0x45b: {  	[tilespmem:s2+$0x4010] =	vst.add.f32.msk $0xffff, v3  }
0x45c: {  	[tilespmem:s2+$0x5010] =	vst.add.f32.msk $0xffff, v3  }
0x45d: {  	[tilespmem:s2+$0x6010] =	vst.add.f32.msk $0xffff, v3  }
0x45e: {  	[tilespmem:s2+$0x7010] =	vst.add.f32.msk $0xffff, v3  }
0x45f: {  	[tilespmem:s2+$0x4020] =	vst.add.f32.msk $0xffff, v4  }
.Ltmp5:
0x460: {  	[tilespmem:s2+$0x5020] =	vst.add.f32.msk $0xffff, v4;
	(pc) =	sbr.rel @!p0 .LBB2_13-.Ltmp5, $4  }
0x461: {  	[tilespmem:s2+$0x6020] =	vst.add.f32.msk $0xffff, v4  }
0x462: {  	[tilespmem:s2+$0x7020] =	vst.add.f32.msk $0xffff, v4  }
0x463: {  	[tilespmem:s2+$0x4030] =	vst.add.f32.msk $0xffff, v0  }
0x464: {  	s6 =	sshra.s32 s4, $0x2;
	s4 =	sadd.s32 $0x100, s4;
	[tilespmem:s2+$0x5030] =	vst.add.f32.msk $0xffff, v0  }
0x465: {  	v1 =	vld [tilespmem:s6+$0x11030]  }
0x466: {  	v2 =	vld [tilespmem:s6+$0x11000]  }
0x467: {  	v3 =	vld [tilespmem:s6+$0x11010]  }
0x468: {  	v4 =	vld [tilespmem:s6+$0x11020]  }
0x469: {  	[tilespmem:s2+$0x6030] =	vst.add.f32.msk $0xffff, v0  }
0x46a: {  	[tilespmem:s6+$0x7030] =	vst.add.f32.msk $0xffff, v1  }
0x46b: {  	[tilespmem:s6+$0x4000] =	vst.add.f32.msk $0xffff, v2  }
0x46c: {  	[tilespmem:s6+$0x5000] =	vst.add.f32.msk $0xffff, v2  }
0x46d: {  	[tilespmem:s6+$0x6000] =	vst.add.f32.msk $0xffff, v2  }
0x46e: {  	[tilespmem:s6+$0x7000] =	vst.add.f32.msk $0xffff, v2  }
0x46f: {  	[tilespmem:s6+$0x4010] =	vst.add.f32.msk $0xffff, v3  }
0x470: {  	[tilespmem:s6+$0x5010] =	vst.add.f32.msk $0xffff, v3  }
0x471: {  	[tilespmem:s6+$0x6010] =	vst.add.f32.msk $0xffff, v3  }
0x472: {  	[tilespmem:s6+$0x7010] =	vst.add.f32.msk $0xffff, v3  }
0x473: {  	[tilespmem:s6+$0x4020] =	vst.add.f32.msk $0xffff, v4  }
0x474: {  	[tilespmem:s6+$0x5020] =	vst.add.f32.msk $0xffff, v4  }
0x475: {  	[tilespmem:s6+$0x6020] =	vst.add.f32.msk $0xffff, v4  }
0x476: {  	[tilespmem:s6+$0x7020] =	vst.add.f32.msk $0xffff, v4  }
0x477: {  	[tilespmem:s6+$0x4030] =	vst.add.f32.msk $0xffff, v1  }
0x478: {  	[tilespmem:s6+$0x5030] =	vst.add.f32.msk $0xffff, v1  }
0x479: {  	s2 =	sadd.s32 s24, s5;
	s4 =	sadd.s32 s24, s29;
	s0 =	simm.s32 $0x4000;
	[tilespmem:s6+$0x6030] =	vst.add.f32.msk $0xffff, v1  }
0x47a: {  	[hbm4b:s4+s15] =	stream.strided.scatter [tilespmem:s0], [sflag:$0x6], $0x400, s16, s15, $0x38;
	[tilespmem:$0x14000] =	vst v63  }
0x47b: {  	s7 =	simm.s32 $0x5000;
	s6 =	sadd.s32 $0x40, s2  }
0x47c: {  	[hbm4b:s6+s15] =	stream.strided.scatter [tilespmem:s7], [sflag:$0x6], $0x400, s16, s15, $0x38;
	[tilespmem:$0x14000] =	vst v63  }
0x47d: {  	s14 =	sadd.s32 s29, s11;
	s4 =	sadd.s32 s24, s17;
	s17 =	simm.s32 $0x6000  }
0x47e: {  	[hbm4b:s14+s15] =	stream.strided.scatter [tilespmem:s17], [sflag:$0x6], $0x400, s16, s15, $0x38;
	[tilespmem:$0x14000] =	vst v63  }
0x47f: {  	s29 =	simm.s32 $0x7000;
	s25 =	sadd.s32 $0x40, s4  }
0x480: {  	[hbm4b:s25+s15] =	stream.strided.scatter [tilespmem:s29], [sflag:$0x6], $0x400, s16, s15, $0x38;
	[tilespmem:$0x14000] =	vst v63  }
0x481: {  	s6 =	sadd.s32 s24, s13;
	s7 =	simm.s32 $0x4400  }
0x482: {  	[hbm4b:s6+s15] =	stream.strided.scatter [tilespmem:s7], [sflag:$0x6], $0x400, s16, s15, $0x38;
	[tilespmem:$0x14000] =	vst v63  }
0x483: {  	s14 =	sadd.s32 $0x50, s2;
	s17 =	simm.s32 $0x5400  }
0x484: {  	[hbm4b:s14+s15] =	stream.strided.scatter [tilespmem:s17], [sflag:$0x6], $0x400, s16, s15, $0x38;
	[tilespmem:$0x14000] =	vst v63  }
0x485: {  	s25 =	sadd.s32 s13, s11;
	s29 =	simm.s32 $0x6400  }
0x486: {  	[hbm4b:s25+s15] =	stream.strided.scatter [tilespmem:s29], [sflag:$0x6], $0x400, s16, s15, $0x38;
	[tilespmem:$0x14000] =	vst v63  }
0x487: {  	s6 =	sadd.s32 $0x50, s4;
	s7 =	simm.s32 $0x7400  }
0x488: {  	[hbm4b:s6+s15] =	stream.strided.scatter [tilespmem:s7], [sflag:$0x6], $0x400, s16, s15, $0x38;
	[tilespmem:$0x14000] =	vst v63  }
0x489: {  	s13 =	sadd.s32 s24, s30;
	s14 =	simm.s32 $0x4800  }
0x48a: {  	[hbm4b:s13+s15] =	stream.strided.scatter [tilespmem:s14], [sflag:$0x6], $0x400, s16, s15, $0x38;
	[tilespmem:$0x14000] =	vst v63  }
0x48b: {  	s17 =	sadd.s32 $0x60, s2;
	s25 =	simm.s32 $0x5800  }
0x48c: {  	[hbm4b:s17+s15] =	stream.strided.scatter [tilespmem:s25], [sflag:$0x6], $0x400, s16, s15, $0x38;
	[tilespmem:$0x14000] =	vst v63  }
0x48d: {  	s29 =	sadd.s32 s30, s11;
	s30 =	simm.s32 $0x6800  }
0x48e: {  	[hbm4b:s29+s15] =	stream.strided.scatter [tilespmem:s30], [sflag:$0x6], $0x400, s16, s15, $0x38;
	[tilespmem:$0x14000] =	vst v63  }
0x48f: {  	s0 =	sadd.s32 $0x60, s4;
	s6 =	simm.s32 $0x7800  }
0x490: {  	[hbm4b:s0+s15] =	stream.strided.scatter [tilespmem:s6], [sflag:$0x6], $0x400, s16, s15, $0x38;
	[tilespmem:$0x14000] =	vst v63  }
0x491: {  	s23 =	sadd.s32 $0x1, s23;
	s7 =	sadd.s32 s24, s3;
	s13 =	simm.s32 $0x4C00  }
0x492: {  	[hbm4b:s7+s15] =	stream.strided.scatter [tilespmem:s13], [sflag:$0x6], $0x400, s16, s15, $0x38;
	[tilespmem:$0x14000] =	vst v63  }
0x493: {  	p0 =	seq.s32 s23, $0x7;
	s2 =	sadd.s32 $0x70, s2;
	s14 =	simm.s32 $0x5C00  }
0x494: {  	[hbm4b:s2+s15] =	stream.strided.scatter [tilespmem:s14], [sflag:$0x6], $0x400, s16, s15, $0x38;
	[tilespmem:$0x14000] =	vst v63  }
.Ltmp6:
0x495: {  	_ = 	snop;
	(pc) =	sbr.rel @!p0 .LBB2_6-.Ltmp6, $4  }
0x496: {  	s17 =	sadd.s32 s3, s11;
	s25 =	simm.s32 $0x6C00;
	s29 =	sadd.s32 $0x70, s4  }
0x497: {  	[hbm4b:s17+s15] =	stream.strided.scatter [tilespmem:s25], [sflag:$0x6], $0x400, s16, s15, $0x38;
	[tilespmem:$0x14000] =	vst v63  }
0x498: {  	s30 =	simm.s32 $0x7C00;
	s13 =	simm.s32 $0xA400;
	s17 =	simm.s32 $0x8800  }
0x499: {  	[hbm4b:s29+s15] =	stream.strided.scatter [tilespmem:s30], [sflag:$0x6], $0x400, s16, s15, $0x38;
	[tilespmem:$0x14000] =	vst v63  }
0x49a: {  	s0 =	simm.s32 $0xB  }
0x49b: {  	_ =	swait.ge [sflag:s0], $0x1000  }
0x49c: {  	[sflag:s0] =	ssyncset.done $0x0  }
0x49d: {  	s30 =	simm.s32 $0x3;
	[sflag:s0] =	ssyncadd.s32 $0xFFFFF000  }
0x49e: {  	_ =	swait.ge [sflag:s30], $0x1000  }
0x49f: {  	[sflag:s30] =	ssyncset.done $0x0  }
0x4a0: {  	[sflag:s30] =	ssyncadd.s32 $0xFFFFF000  }
0x4a1: {  	_ =	swait.ge [sflag:s30], $0x1000  }
0x4a2: {  	[sflag:s30] =	ssyncset.done $0x0  }
0x4a3: {  	[sflag:s30] =	ssyncadd.s32 $0xFFFFF000  }
0x4a4: {  	_ =	swait.ge [sflag:s30], $0x1000  }
0x4a5: {  	[sflag:s30] =	ssyncset.done $0x0  }
0x4a6: {  	[sflag:s30] =	ssyncadd.s32 $0xFFFFF000  }
0x4a7: {  	_ =	swait.ge [sflag:s30], $0x1000  }
0x4a8: {  	[sflag:s30] =	ssyncset.done $0x0  }
0x4a9: {  	s2 =	simm.s32 $0x0;
	[sflag:s30] =	ssyncadd.s32 $0xFFFFF000  }
0x4aa: {  	v0 =	vld [tilespmem:s2+$0x12030]  }
0x4ab: {  	v1 =	vld [tilespmem:s2+$0x12000];
	_ =	sdelay $0x1  }
0x4ac: {  	v2 =	vld [tilespmem:s2+$0x12010]  }
0x4ad: {  	v3 =	vld [tilespmem:s2+$0x12020]  }
0x4ae: {  	[tilespmem:s2+$0xB030] =	vst.add.f32.msk $0xffff, v0  }
0x4af: {  	[tilespmem:s2+$0x8000] =	vst.add.f32.msk $0xffff, v1  }
0x4b0: {  	[tilespmem:s2+$0x9000] =	vst.add.f32.msk $0xffff, v1  }
0x4b1: {  	[tilespmem:s2+$0xA000] =	vst.add.f32.msk $0xffff, v1  }
0x4b2: {  	[tilespmem:s2+$0xB000] =	vst.add.f32.msk $0xffff, v1  }
0x4b3: {  	[tilespmem:s2+$0x8010] =	vst.add.f32.msk $0xffff, v2  }
0x4b4: {  	[tilespmem:s2+$0x9010] =	vst.add.f32.msk $0xffff, v2  }
0x4b5: {  	[tilespmem:s2+$0xA010] =	vst.add.f32.msk $0xffff, v2  }
0x4b6: {  	[tilespmem:s2+$0xB010] =	vst.add.f32.msk $0xffff, v2  }
0x4b7: {  	[tilespmem:s2+$0x8020] =	vst.add.f32.msk $0xffff, v3  }
0x4b8: {  	[tilespmem:s2+$0x9020] =	vst.add.f32.msk $0xffff, v3  }
0x4b9: {  	[tilespmem:s2+$0xA020] =	vst.add.f32.msk $0xffff, v3  }
0x4ba: {  	[tilespmem:s2+$0xB020] =	vst.add.f32.msk $0xffff, v3  }
0x4bb: {  	[tilespmem:s2+$0x8030] =	vst.add.f32.msk $0xffff, v0  }
0x4bc: {  	s4 =	simm.s32 $0x40;
	s3 =	simm.s32 $0x200;
	[tilespmem:s2+$0x9030] =	vst.add.f32.msk $0xffff, v0  }
.LBB2_16:
0x4bd: {  	p0 =	sne.s32 s3, $0x3F00;
	v1 =	vld [tilespmem:s4+$0x12030]  }
0x4be: {  	v2 =	vld [tilespmem:s4+$0x12000]  }
0x4bf: {  	v3 =	vld [tilespmem:s4+$0x12010]  }
0x4c0: {  	v4 =	vld [tilespmem:s4+$0x12020]  }
0x4c1: {  	[tilespmem:s2+$0xA030] =	vst.add.f32.msk $0xffff, v0;
	s2 =	smov.u32 s4  }
0x4c2: {  	[tilespmem:s2+$0xB030] =	vst.add.f32.msk $0xffff, v1;
	v0 =	vmov v1  }
0x4c3: {  	[tilespmem:s2+$0x8000] =	vst.add.f32.msk $0xffff, v2  }
0x4c4: {  	[tilespmem:s2+$0x9000] =	vst.add.f32.msk $0xffff, v2  }
0x4c5: {  	[tilespmem:s2+$0xA000] =	vst.add.f32.msk $0xffff, v2  }
0x4c6: {  	[tilespmem:s2+$0xB000] =	vst.add.f32.msk $0xffff, v2  }
0x4c7: {  	[tilespmem:s2+$0x8010] =	vst.add.f32.msk $0xffff, v3  }
0x4c8: {  	[tilespmem:s2+$0x9010] =	vst.add.f32.msk $0xffff, v3  }
0x4c9: {  	[tilespmem:s2+$0xA010] =	vst.add.f32.msk $0xffff, v3  }
0x4ca: {  	[tilespmem:s2+$0xB010] =	vst.add.f32.msk $0xffff, v3  }
0x4cb: {  	[tilespmem:s2+$0x8020] =	vst.add.f32.msk $0xffff, v4  }
.Ltmp7:
0x4cc: {  	[tilespmem:s2+$0x9020] =	vst.add.f32.msk $0xffff, v4;
	(pc) =	sbr.rel @p0 .LBB2_16-.Ltmp7, $4  }
0x4cd: {  	[tilespmem:s2+$0xA020] =	vst.add.f32.msk $0xffff, v4  }
0x4ce: {  	[tilespmem:s2+$0xB020] =	vst.add.f32.msk $0xffff, v4  }
0x4cf: {  	[tilespmem:s2+$0x8030] =	vst.add.f32.msk $0xffff, v0  }
0x4d0: {  	s4 =	sshra.s32 s3, $0x2;
	s3 =	sadd.s32 $0x100, s3;
	[tilespmem:s2+$0x9030] =	vst.add.f32.msk $0xffff, v0  }
0x4d1: {  	v1 =	vld [tilespmem:s4+$0x12030]  }
0x4d2: {  	v2 =	vld [tilespmem:s4+$0x12000]  }
0x4d3: {  	v3 =	vld [tilespmem:s4+$0x12010]  }
0x4d4: {  	v4 =	vld [tilespmem:s4+$0x12020]  }
0x4d5: {  	[tilespmem:s2+$0xA030] =	vst.add.f32.msk $0xffff, v0  }
0x4d6: {  	[tilespmem:s4+$0xB030] =	vst.add.f32.msk $0xffff, v1  }
0x4d7: {  	[tilespmem:s4+$0x8000] =	vst.add.f32.msk $0xffff, v2  }
0x4d8: {  	[tilespmem:s4+$0x9000] =	vst.add.f32.msk $0xffff, v2  }
0x4d9: {  	[tilespmem:s4+$0xA000] =	vst.add.f32.msk $0xffff, v2  }
0x4da: {  	[tilespmem:s4+$0xB000] =	vst.add.f32.msk $0xffff, v2  }
0x4db: {  	[tilespmem:s4+$0x8010] =	vst.add.f32.msk $0xffff, v3  }
0x4dc: {  	[tilespmem:s4+$0x9010] =	vst.add.f32.msk $0xffff, v3  }
0x4dd: {  	[tilespmem:s4+$0xA010] =	vst.add.f32.msk $0xffff, v3  }
0x4de: {  	[tilespmem:s4+$0xB010] =	vst.add.f32.msk $0xffff, v3  }
0x4df: {  	[tilespmem:s4+$0x8020] =	vst.add.f32.msk $0xffff, v4  }
0x4e0: {  	[tilespmem:s4+$0x9020] =	vst.add.f32.msk $0xffff, v4  }
0x4e1: {  	[tilespmem:s4+$0xA020] =	vst.add.f32.msk $0xffff, v4  }
0x4e2: {  	[tilespmem:s4+$0xB020] =	vst.add.f32.msk $0xffff, v4  }
0x4e3: {  	s0 =	sld [smem:$0x7D7];
	[tilespmem:s4+$0x8030] =	vst.add.f32.msk $0xffff, v1  }
0x4e4: {  	[tilespmem:s4+$0x9030] =	vst.add.f32.msk $0xffff, v1  }
0x4e5: {  	s5 =	simm.s32 $0x8000;
	s6 =	sld [smem:$0x7D9];
	[tilespmem:s4+$0xA030] =	vst.add.f32.msk $0xffff, v1  }
0x4e6: {  	[hbm4b:s0+s15] =	stream.strided.scatter [tilespmem:s5], [sflag:$0x7], $0x400, s16, s15, $0x38;
	[tilespmem:$0x14000] =	vst v63  }
0x4e7: {  	s7 =	simm.s32 $0x9000;
	s14 =	sld [smem:$0x7DB]  }
0x4e8: {  	[hbm4b:s6+s15] =	stream.strided.scatter [tilespmem:s7], [sflag:$0x7], $0x400, s16, s15, $0x38;
	[tilespmem:$0x14000] =	vst v63  }
0x4e9: {  	s23 =	simm.s32 $0xA000;
	s25 =	sld [smem:$0x7E7]  }
0x4ea: {  	[hbm4b:s14+s15] =	stream.strided.scatter [tilespmem:s23], [sflag:$0x7], $0x400, s16, s15, $0x38;
	[tilespmem:$0x14000] =	vst v63  }
0x4eb: {  	s29 =	simm.s32 $0xB000;
	s30 =	sld [smem:$0x7C6]  }
0x4ec: {  	[hbm4b:s25+s15] =	stream.strided.scatter [tilespmem:s29], [sflag:$0x7], $0x400, s16, s15, $0x38;
	[tilespmem:$0x14000] =	vst v63  }
0x4ed: {  	s2 =	sld [smem:$0x7C7]  }
0x4ee: {  	[hbm4b:s30+s15] =	stream.strided.scatter [tilespmem:s9], [sflag:$0x7], $0x400, s16, s15, $0x38;
	[tilespmem:$0x14000] =	vst v63  }
0x4ef: {  	s3 =	simm.s32 $0x9400;
	s4 =	sld [smem:$0x7C8]  }
0x4f0: {  	[hbm4b:s2+s15] =	stream.strided.scatter [tilespmem:s3], [sflag:$0x7], $0x400, s16, s15, $0x38;
	[tilespmem:$0x14000] =	vst v63  }
0x4f1: {  	s5 =	sld [smem:$0x7C9]  }
0x4f2: {  	[hbm4b:s4+s15] =	stream.strided.scatter [tilespmem:s13], [sflag:$0x7], $0x400, s16, s15, $0x38;
	[tilespmem:$0x14000] =	vst v63  }
0x4f3: {  	s6 =	simm.s32 $0xB400;
	s7 =	sld [smem:$0x7D3]  }
0x4f4: {  	[hbm4b:s5+s15] =	stream.strided.scatter [tilespmem:s6], [sflag:$0x7], $0x400, s16, s15, $0x38;
	[tilespmem:$0x14000] =	vst v63  }
0x4f5: {  	s14 =	sld [smem:$0x7D4]  }
0x4f6: {  	[hbm4b:s7+s15] =	stream.strided.scatter [tilespmem:s17], [sflag:$0x7], $0x400, s16, s15, $0x38;
	[tilespmem:$0x14000] =	vst v63  }
0x4f7: {  	s23 =	simm.s32 $0x9800;
	s25 =	sld [smem:$0x7D5]  }
0x4f8: {  	[hbm4b:s14+s15] =	stream.strided.scatter [tilespmem:s23], [sflag:$0x7], $0x400, s16, s15, $0x38;
	[tilespmem:$0x14000] =	vst v63  }
0x4f9: {  	s29 =	sld [smem:$0x7D6]  }
0x4fa: {  	[hbm4b:s25+s15] =	stream.strided.scatter [tilespmem:s19], [sflag:$0x7], $0x400, s16, s15, $0x38;
	[tilespmem:$0x14000] =	vst v63  }
0x4fb: {  	s30 =	simm.s32 $0xB800;
	s3 =	sld [smem:$0x7D8]  }
0x4fc: {  	[hbm4b:s29+s15] =	stream.strided.scatter [tilespmem:s30], [sflag:$0x7], $0x400, s16, s15, $0x38;
	[tilespmem:$0x14000] =	vst v63  }
0x4fd: {  	s4 =	simm.s32 $0x8C00;
	s5 =	sld [smem:$0x7DA]  }
0x4fe: {  	[hbm4b:s3+s15] =	stream.strided.scatter [tilespmem:s4], [sflag:$0x7], $0x400, s16, s15, $0x38;
	[tilespmem:$0x14000] =	vst v63  }
0x4ff: {  	s6 =	simm.s32 $0x9C00;
	s7 =	sld [smem:$0x7DC]  }
0x500: {  	[hbm4b:s5+s15] =	stream.strided.scatter [tilespmem:s6], [sflag:$0x7], $0x400, s16, s15, $0x38;
	[tilespmem:$0x14000] =	vst v63  }
0x501: {  	s14 =	simm.s32 $0xAC00;
	s23 =	sld [smem:$0x7E6]  }
0x502: {  	[hbm4b:s7+s15] =	stream.strided.scatter [tilespmem:s14], [sflag:$0x7], $0x400, s16, s15, $0x38;
	[tilespmem:$0x14000] =	vst v63  }
0x503: {  	s25 =	simm.s32 $0xBC00;
	s29 =	simm.s32 $0xC  }
0x504: {  	[hbm4b:s23+s15] =	stream.strided.scatter [tilespmem:s25], [sflag:$0x7], $0x400, s16, s15, $0x38;
	[tilespmem:$0x14000] =	vst v63  }
0x505: {  	_ =	swait.ge [sflag:s29], $0x1000  }
0x506: {  	[sflag:s29] =	ssyncset.done $0x0  }
0x507: {  	s30 =	simm.s32 $0x4;
	[sflag:s29] =	ssyncadd.s32 $0xFFFFF000  }
0x508: {  	_ =	swait.ge [sflag:s30], $0x1000  }
0x509: {  	[sflag:s30] =	ssyncset.done $0x0  }
0x50a: {  	[sflag:s30] =	ssyncadd.s32 $0xFFFFF000  }
0x50b: {  	_ =	swait.ge [sflag:s30], $0x1000  }
0x50c: {  	[sflag:s30] =	ssyncset.done $0x0  }
0x50d: {  	[sflag:s30] =	ssyncadd.s32 $0xFFFFF000  }
0x50e: {  	_ =	swait.ge [sflag:s30], $0x1000  }
0x50f: {  	[sflag:s30] =	ssyncset.done $0x0  }
0x510: {  	[sflag:s30] =	ssyncadd.s32 $0xFFFFF000  }
0x511: {  	_ =	swait.ge [sflag:s30], $0x1000  }
0x512: {  	[sflag:s30] =	ssyncset.done $0x0  }
0x513: {  	s2 =	simm.s32 $0x0;
	[sflag:s30] =	ssyncadd.s32 $0xFFFFF000  }
0x514: {  	v0 =	vld [tilespmem:s2+$0x13030]  }
0x515: {  	v1 =	vld [tilespmem:s2+$0x13000];
	_ =	sdelay $0x1  }
0x516: {  	v2 =	vld [tilespmem:s2+$0x13010]  }
0x517: {  	v3 =	vld [tilespmem:s2+$0x13020]  }
0x518: {  	[tilespmem:s2+$0xF030] =	vst.add.f32.msk $0xffff, v0  }
0x519: {  	[tilespmem:s2+$0xC000] =	vst.add.f32.msk $0xffff, v1  }
0x51a: {  	[tilespmem:s2+$0xD000] =	vst.add.f32.msk $0xffff, v1  }
0x51b: {  	[tilespmem:s2+$0xE000] =	vst.add.f32.msk $0xffff, v1  }
0x51c: {  	[tilespmem:s2+$0xF000] =	vst.add.f32.msk $0xffff, v1  }
0x51d: {  	[tilespmem:s2+$0xC010] =	vst.add.f32.msk $0xffff, v2  }
0x51e: {  	[tilespmem:s2+$0xD010] =	vst.add.f32.msk $0xffff, v2  }
0x51f: {  	[tilespmem:s2+$0xE010] =	vst.add.f32.msk $0xffff, v2  }
0x520: {  	[tilespmem:s2+$0xF010] =	vst.add.f32.msk $0xffff, v2  }
0x521: {  	[tilespmem:s2+$0xC020] =	vst.add.f32.msk $0xffff, v3  }
0x522: {  	[tilespmem:s2+$0xD020] =	vst.add.f32.msk $0xffff, v3  }
0x523: {  	[tilespmem:s2+$0xE020] =	vst.add.f32.msk $0xffff, v3  }
0x524: {  	[tilespmem:s2+$0xF020] =	vst.add.f32.msk $0xffff, v3  }
0x525: {  	[tilespmem:s2+$0xC030] =	vst.add.f32.msk $0xffff, v0  }
0x526: {  	s4 =	simm.s32 $0x40;
	s3 =	simm.s32 $0x200;
	[tilespmem:s2+$0xD030] =	vst.add.f32.msk $0xffff, v0  }
.LBB2_18:
0x527: {  	p0 =	sne.s32 s3, $0x3F00;
	v1 =	vld [tilespmem:s4+$0x13030]  }
0x528: {  	v2 =	vld [tilespmem:s4+$0x13000]  }
0x529: {  	v3 =	vld [tilespmem:s4+$0x13010]  }
0x52a: {  	v4 =	vld [tilespmem:s4+$0x13020]  }
0x52b: {  	[tilespmem:s2+$0xE030] =	vst.add.f32.msk $0xffff, v0;
	s2 =	smov.u32 s4  }
0x52c: {  	[tilespmem:s2+$0xF030] =	vst.add.f32.msk $0xffff, v1;
	v0 =	vmov v1  }
0x52d: {  	[tilespmem:s2+$0xC000] =	vst.add.f32.msk $0xffff, v2  }
0x52e: {  	[tilespmem:s2+$0xD000] =	vst.add.f32.msk $0xffff, v2  }
0x52f: {  	[tilespmem:s2+$0xE000] =	vst.add.f32.msk $0xffff, v2  }
0x530: {  	[tilespmem:s2+$0xF000] =	vst.add.f32.msk $0xffff, v2  }
0x531: {  	[tilespmem:s2+$0xC010] =	vst.add.f32.msk $0xffff, v3  }
0x532: {  	[tilespmem:s2+$0xD010] =	vst.add.f32.msk $0xffff, v3  }
0x533: {  	[tilespmem:s2+$0xE010] =	vst.add.f32.msk $0xffff, v3  }
0x534: {  	[tilespmem:s2+$0xF010] =	vst.add.f32.msk $0xffff, v3  }
0x535: {  	[tilespmem:s2+$0xC020] =	vst.add.f32.msk $0xffff, v4  }
.Ltmp8:
0x536: {  	[tilespmem:s2+$0xD020] =	vst.add.f32.msk $0xffff, v4;
	(pc) =	sbr.rel @p0 .LBB2_18-.Ltmp8, $4  }
0x537: {  	[tilespmem:s2+$0xE020] =	vst.add.f32.msk $0xffff, v4  }
0x538: {  	[tilespmem:s2+$0xF020] =	vst.add.f32.msk $0xffff, v4  }
0x539: {  	[tilespmem:s2+$0xC030] =	vst.add.f32.msk $0xffff, v0  }
0x53a: {  	s4 =	sshra.s32 s3, $0x2;
	s3 =	sadd.s32 $0x100, s3;
	[tilespmem:s2+$0xD030] =	vst.add.f32.msk $0xffff, v0  }
0x53b: {  	v1 =	vld [tilespmem:s4+$0x13030]  }
0x53c: {  	v2 =	vld [tilespmem:s4+$0x13000]  }
0x53d: {  	v3 =	vld [tilespmem:s4+$0x13010]  }
0x53e: {  	v4 =	vld [tilespmem:s4+$0x13020]  }
0x53f: {  	[tilespmem:s2+$0xE030] =	vst.add.f32.msk $0xffff, v0  }
0x540: {  	[tilespmem:s4+$0xF030] =	vst.add.f32.msk $0xffff, v1  }
0x541: {  	[tilespmem:s4+$0xC000] =	vst.add.f32.msk $0xffff, v2  }
0x542: {  	[tilespmem:s4+$0xD000] =	vst.add.f32.msk $0xffff, v2  }
0x543: {  	[tilespmem:s4+$0xE000] =	vst.add.f32.msk $0xffff, v2  }
0x544: {  	[tilespmem:s4+$0xF000] =	vst.add.f32.msk $0xffff, v2  }
0x545: {  	[tilespmem:s4+$0xC010] =	vst.add.f32.msk $0xffff, v3  }
0x546: {  	[tilespmem:s4+$0xD010] =	vst.add.f32.msk $0xffff, v3  }
0x547: {  	[tilespmem:s4+$0xE010] =	vst.add.f32.msk $0xffff, v3  }
0x548: {  	[tilespmem:s4+$0xF010] =	vst.add.f32.msk $0xffff, v3  }
0x549: {  	[tilespmem:s4+$0xC020] =	vst.add.f32.msk $0xffff, v4  }
0x54a: {  	[tilespmem:s4+$0xD020] =	vst.add.f32.msk $0xffff, v4  }
0x54b: {  	[tilespmem:s4+$0xE020] =	vst.add.f32.msk $0xffff, v4  }
0x54c: {  	[tilespmem:s4+$0xF020] =	vst.add.f32.msk $0xffff, v4  }
0x54d: {  	s0 =	sld [smem:$0x78C];
	[tilespmem:s4+$0xC030] =	vst.add.f32.msk $0xffff, v1  }
0x54e: {  	[tilespmem:s4+$0xD030] =	vst.add.f32.msk $0xffff, v1  }
0x54f: {  	s14 =	simm.s32 $0xC000;
	s23 =	sld [smem:$0x78D];
	[tilespmem:s4+$0xE030] =	vst.add.f32.msk $0xffff, v1  }
0x550: {  	[hbm4b:s0+s15] =	stream.strided.scatter [tilespmem:s14], [sflag:$0x8], $0x400, s16, s15, $0x38;
	[tilespmem:$0x14000] =	vst v63  }
0x551: {  	s25 =	simm.s32 $0xD000;
	s29 =	sld [smem:$0x78E]  }
0x552: {  	[hbm4b:s23+s15] =	stream.strided.scatter [tilespmem:s25], [sflag:$0x8], $0x400, s16, s15, $0x38;
	[tilespmem:$0x14000] =	vst v63  }
0x553: {  	s30 =	simm.s32 $0xE000;
	s3 =	sld [smem:$0x78F]  }
0x554: {  	[hbm4b:s29+s15] =	stream.strided.scatter [tilespmem:s30], [sflag:$0x8], $0x400, s16, s15, $0x38;
	[tilespmem:$0x14000] =	vst v63  }
0x555: {  	s5 =	sld [smem:$0x790];
	s4 =	simm.s32 $0xF000  }
0x556: {  	[hbm4b:s3+s15] =	stream.strided.scatter [tilespmem:s4], [sflag:$0x8], $0x400, s16, s15, $0x38;
	[tilespmem:$0x14000] =	vst v63  }
0x557: {  	s6 =	simm.s32 $0xC400;
	s7 =	sld [smem:$0x791]  }
0x558: {  	[hbm4b:s5+s15] =	stream.strided.scatter [tilespmem:s6], [sflag:$0x8], $0x400, s16, s15, $0x38;
	[tilespmem:$0x14000] =	vst v63  }
0x559: {  	s14 =	simm.s32 $0xD400;
	s23 =	sld [smem:$0x792]  }
0x55a: {  	[hbm4b:s7+s15] =	stream.strided.scatter [tilespmem:s14], [sflag:$0x8], $0x400, s16, s15, $0x38;
	[tilespmem:$0x14000] =	vst v63  }
0x55b: {  	s25 =	simm.s32 $0xE400;
	s29 =	sld [smem:$0x793]  }
0x55c: {  	[hbm4b:s23+s15] =	stream.strided.scatter [tilespmem:s25], [sflag:$0x8], $0x400, s16, s15, $0x38;
	[tilespmem:$0x14000] =	vst v63  }
0x55d: {  	s30 =	simm.s32 $0xF400;
	s3 =	sld [smem:$0x794]  }
0x55e: {  	[hbm4b:s29+s15] =	stream.strided.scatter [tilespmem:s30], [sflag:$0x8], $0x400, s16, s15, $0x38;
	[tilespmem:$0x14000] =	vst v63  }
0x55f: {  	s4 =	simm.s32 $0xC800;
	s5 =	sld [smem:$0x795]  }
0x560: {  	[hbm4b:s3+s15] =	stream.strided.scatter [tilespmem:s4], [sflag:$0x8], $0x400, s16, s15, $0x38;
	[tilespmem:$0x14000] =	vst v63  }
0x561: {  	s6 =	simm.s32 $0xD800;
	s7 =	sld [smem:$0x796]  }
0x562: {  	[hbm4b:s5+s15] =	stream.strided.scatter [tilespmem:s6], [sflag:$0x8], $0x400, s16, s15, $0x38;
	[tilespmem:$0x14000] =	vst v63  }
0x563: {  	s14 =	simm.s32 $0xE800;
	s23 =	sld [smem:$0x797]  }
0x564: {  	[hbm4b:s7+s15] =	stream.strided.scatter [tilespmem:s14], [sflag:$0x8], $0x400, s16, s15, $0x38;
	[tilespmem:$0x14000] =	vst v63  }
0x565: {  	s25 =	simm.s32 $0xF800;
	s29 =	sld [smem:$0x798]  }
0x566: {  	[hbm4b:s23+s15] =	stream.strided.scatter [tilespmem:s25], [sflag:$0x8], $0x400, s16, s15, $0x38;
	[tilespmem:$0x14000] =	vst v63  }
0x567: {  	s30 =	simm.s32 $0xCC00;
	s3 =	sld [smem:$0x799]  }
0x568: {  	[hbm4b:s29+s15] =	stream.strided.scatter [tilespmem:s30], [sflag:$0x8], $0x400, s16, s15, $0x38;
	[tilespmem:$0x14000] =	vst v63  }
0x569: {  	s4 =	simm.s32 $0xDC00;
	s5 =	sld [smem:$0x79A]  }
0x56a: {  	[hbm4b:s3+s15] =	stream.strided.scatter [tilespmem:s4], [sflag:$0x8], $0x400, s16, s15, $0x38;
	[tilespmem:$0x14000] =	vst v63  }
0x56b: {  	s6 =	simm.s32 $0xEC00;
	s7 =	sld [smem:$0x79B]  }
0x56c: {  	[hbm4b:s5+s15] =	stream.strided.scatter [tilespmem:s6], [sflag:$0x8], $0x400, s16, s15, $0x38;
	[tilespmem:$0x14000] =	vst v63  }
0x56d: {  	s14 =	simm.s32 $0xFC00;
	s23 =	simm.s32 $0x5  }
0x56e: {  	[hbm4b:s7+s15] =	stream.strided.scatter [tilespmem:s14], [sflag:$0x8], $0x400, s16, s15, $0x38;
	[tilespmem:$0x14000] =	vst v63  }
0x56f: {  	_ =	swait.ge [sflag:s23], $0x1000  }
0x570: {  	[sflag:s23] =	ssyncset.done $0x0  }
0x571: {  	[sflag:s23] =	ssyncadd.s32 $0xFFFFF000  }
0x572: {  	_ =	swait.ge [sflag:s23], $0x1000  }
0x573: {  	[sflag:s23] =	ssyncset.done $0x0  }
0x574: {  	[sflag:s23] =	ssyncadd.s32 $0xFFFFF000  }
0x575: {  	_ =	swait.ge [sflag:s23], $0x1000  }
0x576: {  	[sflag:s23] =	ssyncset.done $0x0  }
0x577: {  	[sflag:s23] =	ssyncadd.s32 $0xFFFFF000  }
0x578: {  	_ =	swait.ge [sflag:s23], $0x1000  }
0x579: {  	[sflag:s23] =	ssyncset.done $0x0  }
0x57a: {  	s25 =	simm.s32 $0x6;
	[sflag:s23] =	ssyncadd.s32 $0xFFFFF000  }
0x57b: {  	_ =	swait.ge [sflag:s25], $0x1000  }
0x57c: {  	[sflag:s25] =	ssyncset.done $0x0  }
0x57d: {  	[sflag:s25] =	ssyncadd.s32 $0xFFFFF000  }
0x57e: {  	_ =	swait.ge [sflag:s25], $0x1000  }
0x57f: {  	[sflag:s25] =	ssyncset.done $0x0  }
0x580: {  	[sflag:s25] =	ssyncadd.s32 $0xFFFFF000  }
0x581: {  	_ =	swait.ge [sflag:s25], $0x1000  }
0x582: {  	[sflag:s25] =	ssyncset.done $0x0  }
0x583: {  	[sflag:s25] =	ssyncadd.s32 $0xFFFFF000  }
0x584: {  	_ =	swait.ge [sflag:s25], $0x1000  }
0x585: {  	[sflag:s25] =	ssyncset.done $0x0  }
0x586: {  	[sflag:s25] =	ssyncadd.s32 $0xFFFFF000  }
0x587: {  	_ =	swait.ge [sflag:s20], $0x1000  }
0x588: {  	[sflag:s20] =	ssyncset.done $0x0  }
0x589: {  	[sflag:s20] =	ssyncadd.s32 $0xFFFFF000  }
0x58a: {  	_ =	swait.ge [sflag:s20], $0x1000  }
0x58b: {  	[sflag:s20] =	ssyncset.done $0x0  }
0x58c: {  	[sflag:s20] =	ssyncadd.s32 $0xFFFFF000  }
0x58d: {  	_ =	swait.ge [sflag:s20], $0x1000  }
0x58e: {  	[sflag:s20] =	ssyncset.done $0x0  }
0x58f: {  	[sflag:s20] =	ssyncadd.s32 $0xFFFFF000  }
0x590: {  	_ =	swait.ge [sflag:s20], $0x1000  }
0x591: {  	[sflag:s20] =	ssyncset.done $0x0  }
0x592: {  	[sflag:s20] =	ssyncadd.s32 $0xFFFFF000  }
0x593: {  	_ =	swait.ge [sflag:s22], $0x1000  }
0x594: {  	[sflag:s22] =	ssyncset.done $0x0  }
0x595: {  	[sflag:s22] =	ssyncadd.s32 $0xFFFFF000  }
0x596: {  	_ =	swait.ge [sflag:s22], $0x1000  }
0x597: {  	[sflag:s22] =	ssyncset.done $0x0  }
0x598: {  	[sflag:s22] =	ssyncadd.s32 $0xFFFFF000  }
0x599: {  	_ =	swait.ge [sflag:s22], $0x1000  }
0x59a: {  	[sflag:s22] =	ssyncset.done $0x0  }
0x59b: {  	[sflag:s22] =	ssyncadd.s32 $0xFFFFF000  }
0x59c: {  	_ =	swait.ge [sflag:s22], $0x1000  }
0x59d: {  	s29 =	sld [smem:$0x783]  }
0x59e: {  	s30 =	sld [smem:$0x79C];
	_ =	sdelay $0x1  }
0x59f: {  	s2 =	sadd.s32 $0x1, s29  }
0x5a0: {  	p0 =	sne.s32 s2, s30  }
.Ltmp9:
0x5a1: {  	_ = 	snop;
	(pc) =	sbr.rel @p0 .LBB2_1-.Ltmp9, $3  }
0x5a2: {  	_ =	sdelay $0x1  }
0x5a3: {  	[sflag:s22] =	ssyncset.done $0x0  }
0x5a4: {  	[sflag:s22] =	ssyncadd.s32 $0xFFFFF000  }
0x5a5: {  	_ =	sfence.sel $0x180000  }
0x5a6: {  	[bflag:$0x0] =	sbarrier.arrive $0xFFFF  }
0x5a7: {  	_ =	strace $0x90000047  }
0x5a8: {  	s0 =	stileid.u32;
	[bflag:$0x2] =	sbarrier.arrive $0xFFFF  }
0x5a9: {  	p0 =	sne.s32 s0, $0x0;
	s0 =	rddreg [dreg:$0x3]  }
0x5aa: {  	s0 =	sadd.s32 @!p0 $0x100000, s0  }
0x5ab: {  	[sflag:s0] =	ssyncadd.tile.s32 @!p0 $0x1;
	_ =	shalt  }
.Lfunc_end2:
_tile_overlayer_lowered:
.L_overlay_start_2:
0x5ac: {  	(tag) =	ssettag $0x2  }
0x5ad: {  	s0 =	rddreg [dreg:$0x0];
	s2 =	stileid.u32  }
0x5ae: {  	s1 =	rddreg [dreg:$0x1];
	p0 =	sne.s32 s2, $0x0  }
0x5af: {  	s3 =	rddreg [dreg:$0x2];
	[bflag:$0x3] =	sbarrier.arrive $0xFFFF;
	s2 =	simm.s32 @!p0 $0x1C0D  }
0x5b0: {  	[timem:s3], [sflag:s2] =	dma.local @!p0 [hbm:s0], s1  }
0x5b1: {  	s0 =	simm.s32 @!p0 $0xD  }
0x5b2: {  	_ =	swait.ge @!p0 [sflag:s0], s1  }
0x5b3: {  	s1 =	ssub.s32 @!p0 $0x0, s1;
	[sflag:s0] =	ssyncset.done @!p0 $0x0  }
0x5b4: {  	[sflag:s0] =	ssyncadd.s32 @!p0 s1  }
0x5b5: {  	[bflag:$0x3] =	sbarrier.arrive $0xFFFF  }
0x5b6: {  	_ =	shalt  }

</sc_bundles>
